<compile_context>
chip_gen: v7x
topology: tpu7x:2x2x1
jax: 0.10.2.dev20260603
libtpu: 0.0.44.dev20260713+nightly
codegen_flags: <defaults>
</compile_context>

<pallas_src>
import functools

import jax
import jax.numpy as jnp
from jax import lax
from jax.experimental import pallas as pl
from jax.experimental.pallas import tpu as pltpu
from jax.experimental.pallas import tpu_sc as plsc

N = 10000
NP = 10240
E = 320000
D_IN = 128
D_H = 256
D_OUT = 128
NSUB = 16
CHUNK = 128
K = 159
EP = NSUB * K * CHUNK
ROWS_PER_TILE = NP // NSUB
R = 512
GRID = NP // R
SCHEDULE = (0.5, 0.5, 0.5, 0.5)
DEG_W = 16

_mesh = plsc.VectorSubcoreMesh(core_axis_name="c", subcore_axis_name="s")




@functools.partial(
    pl.kernel,
    mesh=_mesh,
    out_type=jax.ShapeDtypeStruct((NP, DEG_W), jnp.float32),
    scratch_types=[
        pltpu.VMEM((K, CHUNK), jnp.int32),
        pltpu.VMEM((CHUNK, DEG_W), jnp.float32),
        pltpu.VMEM((ROWS_PER_TILE, DEG_W), jnp.float32),
        pltpu.VMEM_SHARED((NP, DEG_W), jnp.float32),
    ],
    compiler_params=pltpu.CompilerParams(use_tc_tiling_on_sc=False),
)
def _deg_kernel(dst_hbm, out_hbm, dst_v, ones_v, zero_v, hist):
    c = lax.axis_index("c")
    s = lax.axis_index("s")
    pltpu.sync_copy(dst_hbm.at[s, :, :], dst_v)

    def fill_ones(i, carry):
        ones_v[i] = jnp.ones((DEG_W,), jnp.float32)
        return carry

    lax.fori_loop(0, CHUNK, fill_ones, 0)

    def fill_zero(i, carry):
        zero_v[i] = jnp.zeros((DEG_W,), jnp.float32)
        return carry

    lax.fori_loop(0, ROWS_PER_TILE, fill_zero, 0)
    pltpu.sync_copy(zero_v, hist.at[pl.ds(s * ROWS_PER_TILE, ROWS_PER_TILE)])
    plsc.subcore_barrier()

    def step(j, carry):
        pltpu.sync_copy(ones_v, hist.at[dst_v.at[j]], add=True)
        return carry

    lax.fori_loop(0, K, step, 0)
    plsc.subcore_barrier()
    half = NP // 2
    per = half // NSUB
    wb = c * half + s * per
    pltpu.sync_copy(hist.at[pl.ds(wb, per)], out_hbm.at[pl.ds(wb, per)])


QW = 64


NBUF = 3


@functools.partial(
    pl.kernel,
    mesh=_mesh,
    out_type=jax.ShapeDtypeStruct((4, NP, QW), jnp.float32),
    scratch_types=[
        pltpu.VMEM((K, CHUNK), jnp.int32),
        pltpu.VMEM((K, CHUNK), jnp.int32),
        [pltpu.VMEM((CHUNK, QW), jnp.float32) for _ in range(NBUF)],
        pltpu.VMEM_SHARED((NP, QW), jnp.float32),
        [pltpu.SemaphoreType.DMA for _ in range(NBUF)],
        [pltpu.SemaphoreType.DMA for _ in range(NBUF)],
    ],
    compiler_params=pltpu.CompilerParams(use_tc_tiling_on_sc=False),
)
def _agg_kernel(y_hbm, src_hbm, dst_hbm, out_hbm, src_v, dst_v,
                rows, acc, gsem, ssem):
    c = lax.axis_index("c")
    s = lax.axis_index("s")
    pltpu.sync_copy(src_hbm.at[s, :, :], src_v)
    pltpu.sync_copy(dst_hbm.at[s, :, :], dst_v)
    base = s * ROWS_PER_TILE

    for p in (0, 1):
        q = 2 * c + p
        yq = y_hbm.at[q, :, :]
        pltpu.sync_copy(y_hbm.at[q, pl.ds(base, ROWS_PER_TILE), :],
                        acc.at[pl.ds(base, ROWS_PER_TILE)])
        plsc.subcore_barrier()

        def gather_start(j, l):
            pltpu.async_copy(yq.at[src_v.at[j]], rows[l], gsem[l])

        def gather_wait(j, l):
            pltpu.make_async_copy(yq.at[src_v.at[j]], rows[l], gsem[l]).wait()

        def scatter_start(j, l):
            pltpu.async_copy(rows[l], acc.at[dst_v.at[j]], ssem[l], add=True)

        def scatter_wait(j, l):
            pltpu.make_async_copy(rows[l], acc.at[dst_v.at[j]], ssem[l]).wait()

        for l in range(NBUF - 1):
            gather_start(l, l)

        def group(g, carry):
            for l in range(NBUF):
                j = NBUF * g + l
                gather_wait(j, l)
                scatter_start(j, l)
                nl = (l + NBUF - 1) % NBUF
                if l == 0:
                    @pl.when(g > 0)
                    def _():
                        scatter_wait(j - 1, nl)
                    @pl.when(j + NBUF - 1 < K)
                    def _():
                        gather_start(j + NBUF - 1, nl)
                else:
                    scatter_wait(j - 1, nl)
                    @pl.when(j + NBUF - 1 < K)
                    def _():
                        gather_start(j + NBUF - 1, nl)
            return carry

        lax.fori_loop(0, K // NBUF, group, 0)
        scatter_wait(K - 1, NBUF - 1)
        plsc.subcore_barrier()
        pltpu.sync_copy(acc.at[pl.ds(base, ROWS_PER_TILE)],
                        out_hbm.at[q, pl.ds(base, ROWS_PER_TILE), :])




def _dis_block(deg_blk, block_id):
    cnt = jnp.sum(deg_blk, axis=1, keepdims=True) * (1.0 / DEG_W) + 1.0
    rows = lax.broadcasted_iota(jnp.int32, (R, 1), 0) + block_id * R
    return jnp.where(rows < N, lax.rsqrt(cnt), 0.0)


def _tc_enc_body(t_first, x_ref, we_ref, be_ref, wm_ref, wt_ref, deg_ref,
                 h_ref, y_ref):
    b = pl.program_id(0)
    h = jnp.maximum(
        jnp.dot(x_ref[...], we_ref[...], preferred_element_type=jnp.float32)
        + be_ref[...], 0.0)
    h_ref[...] = h
    dis = _dis_block(deg_ref[...], b)
    y = (jnp.dot(h, wm_ref[...], preferred_element_type=jnp.float32)
         + t_first * wt_ref[...]) * dis
    for q in range(4):
        y_ref[q] = y[:, q * QW:(q + 1) * QW]


def _tc_mid_body(t_next, h_ref, agg_ref, deg_ref, bg_ref, wm_ref, wt_ref,
                 ho_ref, yo_ref):
    b = pl.program_id(0)
    dis = _dis_block(deg_ref[...], b)
    aggcat = jnp.concatenate([agg_ref[q] for q in range(4)], axis=1)
    conv = dis * aggcat + bg_ref[...]
    hn = 0.5 * h_ref[...] + 0.5 * jnp.maximum(conv, 0.0)
    ho_ref[...] = hn
    y = (jnp.dot(hn, wm_ref[...], preferred_element_type=jnp.float32)
         + t_next * wt_ref[...]) * dis
    for q in range(4):
        yo_ref[q] = y[:, q * QW:(q + 1) * QW]


def _tc_last_body(h_ref, agg_ref, deg_ref, bg_ref, wd_ref, bd_ref, o_ref):
    b = pl.program_id(0)
    dis = _dis_block(deg_ref[...], b)
    aggcat = jnp.concatenate([agg_ref[q] for q in range(4)], axis=1)
    conv = dis * aggcat + bg_ref[...]
    hn = 0.5 * h_ref[...] + 0.5 * jnp.maximum(conv, 0.0)
    o_ref[...] = (jnp.dot(hn, wd_ref[...], preferred_element_type=jnp.float32)
                  + bd_ref[...])


_ROWB = pl.BlockSpec((R, D_H), lambda b: (b, 0))
_ROWB128 = pl.BlockSpec((R, 128), lambda b: (b, 0))
_Y_B = pl.BlockSpec((4, R, QW), lambda b: (0, b, 0))
_DEG_B = pl.BlockSpec((R, DEG_W), lambda b: (b, 0))
_FULL = lambda shape: pl.BlockSpec(shape, lambda b: tuple(0 for _ in shape))


def _tc_enc(t_first):
    return pl.pallas_call(
        functools.partial(_tc_enc_body, t_first),
        grid=(GRID,),
        in_specs=[_ROWB128, _FULL((D_IN, D_H)), _FULL((1, D_H)),
                  _FULL((D_H, D_H)), _FULL((1, D_H)), _DEG_B],
        out_specs=[_ROWB, _Y_B],
        out_shape=[jax.ShapeDtypeStruct((N, D_H), jnp.float32),
                   jax.ShapeDtypeStruct((4, NP, QW), jnp.float32)],
    )


def _tc_mid(t_next):
    return pl.pallas_call(
        functools.partial(_tc_mid_body, t_next),
        grid=(GRID,),
        in_specs=[_ROWB, _Y_B, _DEG_B, _FULL((1, D_H)),
                  _FULL((D_H, D_H)), _FULL((1, D_H))],
        out_specs=[_ROWB, _Y_B],
        out_shape=[jax.ShapeDtypeStruct((N, D_H), jnp.float32),
                   jax.ShapeDtypeStruct((4, NP, QW), jnp.float32)],
    )


_tc_last = pl.pallas_call(
    _tc_last_body,
    grid=(GRID,),
    in_specs=[_ROWB, _Y_B, _DEG_B, _FULL((1, D_H)),
              _FULL((D_H, D_OUT)), _FULL((1, D_OUT))],
    out_specs=_ROWB128,
    out_shape=jax.ShapeDtypeStruct((N, D_OUT), jnp.float32),
)




def kernel(x, edge_index, W_enc, b_enc, W_gc, b_gc, W_dec, b_dec):
    src = edge_index[0].astype(jnp.int32)
    dst = edge_index[1].astype(jnp.int32)
    pad = N + (jnp.arange(EP - E, dtype=jnp.int32) % (NP - N))
    src_p = jnp.concatenate([src, pad])
    dst_p = jnp.concatenate([dst, pad]).reshape(NSUB, K, CHUNK)
    src_p = src_p.reshape(NSUB, K, CHUNK)

    deg16 = _deg_kernel(dst_p)

    Wm = W_gc[:D_H]
    wt = W_gc[D_H:D_H + 1]
    be = b_enc.reshape(1, D_H)
    bg = b_gc.reshape(1, D_H)
    bd = b_dec.reshape(1, D_OUT)

    num_iter = len(SCHEDULE)
    h, y = _tc_enc(1.0 / num_iter)(x, W_enc, be, Wm, wt, deg16)
    for it in range(1, num_iter):
        agg = _agg_kernel(y, src_p, dst_p)
        h, y = _tc_mid((it + 1.0) / num_iter)(h, agg, deg16, bg, Wm, wt)
    agg = _agg_kernel(y, src_p, dst_p)
    return _tc_last(h, agg, deg16, bg, W_dec, bd)

# --- scband reference (transcript-rebuilt; emitter-appended) ---
"""Pipeline reference for scband-explicit-time-i-gcn-4269197492789 (READ-ONLY COPY).

The authoritative reference and input builder live on the scoring server;
editing this copy changes nothing except your own understanding.
"""

import jax, jax.numpy as jnp
import numpy as np

N = 10000
E = 320000
D_IN = 128
D_H = 256
D_OUT = 128
SCHEDULE = [0.5, 0.5, 0.5, 0.5]


def setup_inputs(seed: int = 0) -> dict:
    key = jax.random.key(seed)
    ks = jax.random.split(key, 8)
    x = jax.random.normal(ks[0], (N, D_IN), dtype=jnp.float32)
    edge_index = jax.random.randint(ks[1], (2, E), 0, N)
    # encoder Linear(D_IN -> D_H)
    W_enc = jax.random.normal(ks[2], (D_IN, D_H), dtype=jnp.float32) * 0.05
    b_enc = jnp.zeros((D_H,), dtype=jnp.float32)
    # GCNConv(D_H + 1 -> D_H)
    W_gc = jax.random.normal(ks[3], (D_H + 1, D_H), dtype=jnp.float32) * 0.05
    b_gc = jnp.zeros((D_H,), dtype=jnp.float32)
    # decoder Linear(D_H -> D_OUT)
    W_dec = jax.random.normal(ks[4], (D_H, D_OUT), dtype=jnp.float32) * 0.05
    b_dec = jnp.zeros((D_OUT,), dtype=jnp.float32)
    return {"x": x, "edge_index": edge_index, "W_enc": W_enc, "b_enc": b_enc,
            "W_gc": W_gc, "b_gc": b_gc, "W_dec": W_dec, "b_dec": b_dec}


def gcn_conv(x, edge_index, W, b, num_nodes):
    # PyG GCNConv (eval): add self-loops, symmetric normalization, linear, scatter-add
    src = edge_index[0]
    dst = edge_index[1]
    loop = jnp.arange(num_nodes, dtype=src.dtype)
    src = jnp.concatenate([src, loop])
    dst = jnp.concatenate([dst, loop])
    deg = jnp.zeros((num_nodes,), dtype=x.dtype).at[dst].add(1.0)
    deg_inv_sqrt = jnp.where(deg > 0, 1.0 / jnp.sqrt(deg), 0.0)
    norm = deg_inv_sqrt[src] * deg_inv_sqrt[dst]
    xw = x @ W
    msg = jnp.take(xw, src, axis=0) * norm[:, None]
    out = jnp.zeros((num_nodes, W.shape[1]), dtype=x.dtype).at[dst].add(msg)
    return out + b


def reference(x, edge_index, W_enc, b_enc, W_gc, b_gc, W_dec, b_dec):
    # eval mode: dropout is identity
    num_nodes = x.shape[0]
    h = jax.nn.relu(x @ W_enc + b_enc)
    num_iter = len(SCHEDULE)
    current_iter = 1
    for smooth_fac in SCHEDULE:
        old_h = h
        time_stamps = jnp.full((num_nodes, 1), current_iter / num_iter, dtype=h.dtype)
        input_h = jnp.concatenate((h, time_stamps), axis=1)
        h = jax.nn.relu(gcn_conv(input_h, edge_index, W_gc, b_gc, num_nodes))
        new_h = h
        h = smooth_fac * old_h + (1.0 - smooth_fac) * new_h
        current_iter += 1
    return h @ W_dec + b_dec

if __name__ == "__main__":
    import jax
    _d = setup_inputs()
    print(jax.jit(kernel)(*tuple(_d.values())))

</pallas_src>

<mosaic_0001>
#map = affine_map<(d0, d1) -> (0, 0, 0)>
#map1 = affine_map<(d0, d1) -> (0, 0)>
module attributes {stable_mosaic.version = 14 : i64} {
  func.func @_deg_kernel(%arg0: i32, %arg1: i32, %arg2: memref<16x159x128xi32, #tpu.memory_space<hbm>>, %arg3: memref<10240x16xf32, #tpu.memory_space<hbm>>, %arg4: memref<159x128xi32, #tpu.memory_space<vmem>>, %arg5: memref<128x16xf32, #tpu.memory_space<vmem>>, %arg6: memref<640x16xf32, #tpu.memory_space<vmem>>, %arg7: memref<10240x16xf32, #tpu.memory_space<vmem_shared>>) attributes {dimension_semantics = [#tpu.dimension_semantics<core_parallel>, #tpu.dimension_semantics<subcore_parallel>], iteration_bounds = array<i64: 2, 16>, scalar_prefetch = 0 : i64, scratch_operands = 4 : i64, tpu.core_type = #tpu.core_type<sc_vector_subcore>, window_params = [{transform_indices = #map}, {transform_indices = #map1}]} {
    "tpu.region"() ({
      %run_scoped3A = tpu.sem_alloc : memref<!tpu.dma_semaphore, #tpu.memory_space<semaphore_mem>>
      %dma_start3A = arith.constant 0 : i32
      %dma_start3A_23 = arith.constant 0 : i32
      %dma_start3A_24 = tpu.memref_slice %arg2[%arg1, %dma_start3A, %dma_start3A_23] : memref<16x159x128xi32, #tpu.memory_space<hbm>> -> memref<1x159x128xi32, #tpu.memory_space<hbm>>
      %dma_start3A_25 = tpu.memref_squeeze %dma_start3A_24 : memref<1x159x128xi32, #tpu.memory_space<hbm>> -> memref<159x128xi32, #tpu.memory_space<hbm>>
      %dma_start3A_26 = arith.constant 0 : i32
      %dma_start3A_27 = arith.constant 0 : i32
      %dma_start3A_28 = tpu.memref_slice %arg2[%arg1, %dma_start3A_26, %dma_start3A_27] : memref<16x159x128xi32, #tpu.memory_space<hbm>> -> memref<1x159x128xi32, #tpu.memory_space<hbm>>
      %dma_start3A_29 = tpu.memref_squeeze %dma_start3A_28 : memref<1x159x128xi32, #tpu.memory_space<hbm>> -> memref<159x128xi32, #tpu.memory_space<hbm>>
      tpu.enqueue_dma source(%dma_start3A_29 : memref<159x128xi32, #tpu.memory_space<hbm>>) target(%arg4 : memref<159x128xi32, #tpu.memory_space<vmem>>) target_semaphore(%run_scoped3A : memref<!tpu.dma_semaphore, #tpu.memory_space<semaphore_mem>>)
      %dma_wait3A = arith.constant 0 : i32
      %dma_wait3A_30 = arith.constant 0 : i32
      %dma_wait3A_31 = tpu.memref_slice %arg2[%arg1, %dma_wait3A, %dma_wait3A_30] : memref<16x159x128xi32, #tpu.memory_space<hbm>> -> memref<1x159x128xi32, #tpu.memory_space<hbm>>
      %dma_wait3A_32 = tpu.memref_squeeze %dma_wait3A_31 : memref<1x159x128xi32, #tpu.memory_space<hbm>> -> memref<159x128xi32, #tpu.memory_space<hbm>>
      %dma_wait3A_33 = arith.constant 0 : i32
      %dma_wait3A_34 = arith.constant 0 : i32
      %dma_wait3A_35 = tpu.memref_slice %arg2[%arg1, %dma_wait3A_33, %dma_wait3A_34] : memref<16x159x128xi32, #tpu.memory_space<hbm>> -> memref<1x159x128xi32, #tpu.memory_space<hbm>>
      %dma_wait3A_36 = tpu.memref_squeeze %dma_wait3A_35 : memref<1x159x128xi32, #tpu.memory_space<hbm>> -> memref<159x128xi32, #tpu.memory_space<hbm>>
      tpu.wait_dma2 semaphore(%run_scoped3A : memref<!tpu.dma_semaphore, #tpu.memory_space<semaphore_mem>>) src(%dma_wait3A_36 : memref<159x128xi32, #tpu.memory_space<hbm>>) dst(%arg4 : memref<159x128xi32, #tpu.memory_space<vmem>>)
      tpu.yield
    }) : () -> ()
    %scan3A = arith.constant 0 : i32
    %scan3A_0 = arith.constant 0 : i32
    %scan3A_1 = arith.constant 128 : i32
    %scan3A_2 = arith.addi %scan3A_0, %scan3A_1 : i32
    %scan3A_3 = arith.constant 1 : i32
    scf.for %scan3A_23 = %scan3A_0 to %scan3A_2 step %scan3A_3  : i32 {
      %broadcast_in_dim3A = arith.constant 1.000000e+00 : f32
      %broadcast_in_dim3A_24 = vector.broadcast %broadcast_in_dim3A : f32 to vector<16xf32>
      %swap3A = arith.index_cast %scan3A_23 : i32 to index
      %swap3A_25 = arith.constant 0 : index
      %swap3A_26 = tpu.vector_load %arg5[%swap3A, %swap3A_25] {strides = array<i32>} : memref<128x16xf32, #tpu.memory_space<vmem>>, vector<1x16xf32>,
      %swap3A_27 = vector.shape_cast %swap3A_26 : vector<1x16xf32> to vector<16xf32>
      %swap3A_28 = vector.shape_cast %broadcast_in_dim3A_24 : vector<16xf32> to vector<1x16xf32>
      tpu.vector_store %arg5[%swap3A, %swap3A_25], %swap3A_28 {strides = array<i32>} : memref<128x16xf32, #tpu.memory_space<vmem>>, vector<1x16xf32>,
    }
    %scan3A_4 = arith.constant 128 : i32
    %scan3A_5 = arith.constant 0 : i32
    %scan3A_6 = arith.constant 0 : i32
    %scan3A_7 = arith.constant 640 : i32
    %scan3A_8 = arith.addi %scan3A_6, %scan3A_7 : i32
    %scan3A_9 = arith.constant 1 : i32
    scf.for %scan3A_23 = %scan3A_6 to %scan3A_8 step %scan3A_9  : i32 {
      %broadcast_in_dim3A = arith.constant 0.000000e+00 : f32
      %broadcast_in_dim3A_24 = vector.broadcast %broadcast_in_dim3A : f32 to vector<16xf32>
      %swap3A = arith.index_cast %scan3A_23 : i32 to index
      %swap3A_25 = arith.constant 0 : index
      %swap3A_26 = tpu.vector_load %arg6[%swap3A, %swap3A_25] {strides = array<i32>} : memref<640x16xf32, #tpu.memory_space<vmem>>, vector<1x16xf32>,
      %swap3A_27 = vector.shape_cast %swap3A_26 : vector<1x16xf32> to vector<16xf32>
      %swap3A_28 = vector.shape_cast %broadcast_in_dim3A_24 : vector<16xf32> to vector<1x16xf32>
      tpu.vector_store %arg6[%swap3A, %swap3A_25], %swap3A_28 {strides = array<i32>} : memref<640x16xf32, #tpu.memory_space<vmem>>, vector<1x16xf32>,
    }
    %scan3A_10 = arith.constant 640 : i32
    %mul3A = arith.constant 640 : i32
    %mul3A_11 = arith.muli %arg1, %mul3A : i32
    "tpu.region"() ({
      %run_scoped3A = tpu.sem_alloc : memref<!tpu.dma_semaphore, #tpu.memory_space<semaphore_mem>>
      %dma_start3A = arith.constant 0 : i32
      %dma_start3A_23 = tpu.memref_slice %arg7[%mul3A_11, %dma_start3A] : memref<10240x16xf32, #tpu.memory_space<vmem_shared>> -> memref<640x16xf32, #tpu.memory_space<vmem_shared>>
      %dma_start3A_24 = arith.constant 0 : i32
      %dma_start3A_25 = tpu.memref_slice %arg7[%mul3A_11, %dma_start3A_24] : memref<10240x16xf32, #tpu.memory_space<vmem_shared>> -> memref<640x16xf32, #tpu.memory_space<vmem_shared>>
      tpu.enqueue_dma source(%arg6 : memref<640x16xf32, #tpu.memory_space<vmem>>) target(%dma_start3A_25 : memref<640x16xf32, #tpu.memory_space<vmem_shared>>) target_semaphore(%run_scoped3A : memref<!tpu.dma_semaphore, #tpu.memory_space<semaphore_mem>>)
      %dma_wait3A = arith.constant 0 : i32
      %dma_wait3A_26 = tpu.memref_slice %arg7[%mul3A_11, %dma_wait3A] : memref<10240x16xf32, #tpu.memory_space<vmem_shared>> -> memref<640x16xf32, #tpu.memory_space<vmem_shared>>
      %dma_wait3A_27 = arith.constant 0 : i32
      %dma_wait3A_28 = tpu.memref_slice %arg7[%mul3A_11, %dma_wait3A_27] : memref<10240x16xf32, #tpu.memory_space<vmem_shared>> -> memref<640x16xf32, #tpu.memory_space<vmem_shared>>
      tpu.wait_dma2 semaphore(%run_scoped3A : memref<!tpu.dma_semaphore, #tpu.memory_space<semaphore_mem>>) src(%arg6 : memref<640x16xf32, #tpu.memory_space<vmem>>) dst(%dma_wait3A_28 : memref<640x16xf32, #tpu.memory_space<vmem_shared>>)
      tpu.yield
    }) : () -> ()
    %barrier3A = arith.constant 0 : index
    tpu.barrier barrier_id(%barrier3A)
    %scan3A_12 = arith.constant 0 : i32
    %scan3A_13 = arith.constant 0 : i32
    %scan3A_14 = arith.constant 159 : i32
    %scan3A_15 = arith.addi %scan3A_13, %scan3A_14 : i32
    %scan3A_16 = arith.constant 1 : i32
    scf.for %scan3A_23 = %scan3A_13 to %scan3A_15 step %scan3A_16  : i32 {
      "tpu.region"() ({
        %run_scoped3A = tpu.sem_alloc : memref<!tpu.dma_semaphore, #tpu.memory_space<semaphore_mem>>
        %dma_start3A = arith.constant 0 : i32
        %dma_start3A_24 = tpu.memref_slice %arg4[%scan3A_23, %dma_start3A] : memref<159x128xi32, #tpu.memory_space<vmem>> -> memref<1x128xi32, #tpu.memory_space<vmem>>
        %dma_start3A_25 = tpu.memref_squeeze %dma_start3A_24 : memref<1x128xi32, #tpu.memory_space<vmem>> -> memref<128xi32, #tpu.memory_space<vmem>>
        %dma_start3A_26 = arith.constant 0 : i32
        %dma_start3A_27 = arith.constant 0 : i32
        %dma_start3A_28 = tpu.memref_slice %arg7[%dma_start3A_26, %dma_start3A_27] : memref<10240x16xf32, #tpu.memory_space<vmem_shared>> -> memref<10240x16xf32, #tpu.memory_space<vmem_shared>>
        tpu.enqueue_indirect_dma source(%arg5 : memref<128x16xf32, #tpu.memory_space<vmem>>) target(%dma_start3A_28 : memref<10240x16xf32, #tpu.memory_space<vmem_shared>>) offsets(%dma_start3A_25 : memref<128xi32, #tpu.memory_space<vmem>>) semaphore(%run_scoped3A : memref<!tpu.dma_semaphore, #tpu.memory_space<semaphore_mem>>) {add = true}
        %dma_wait3A = arith.constant 0 : i32
        %dma_wait3A_29 = tpu.memref_slice %arg4[%scan3A_23, %dma_wait3A] : memref<159x128xi32, #tpu.memory_space<vmem>> -> memref<1x128xi32, #tpu.memory_space<vmem>>
        %dma_wait3A_30 = tpu.memref_squeeze %dma_wait3A_29 : memref<1x128xi32, #tpu.memory_space<vmem>> -> memref<128xi32, #tpu.memory_space<vmem>>
        %dma_wait3A_31 = arith.constant 0 : i32
        %dma_wait3A_32 = arith.constant 0 : i32
        %dma_wait3A_33 = tpu.memref_slice %arg7[%dma_wait3A_31, %dma_wait3A_32] : memref<10240x16xf32, #tpu.memory_space<vmem_shared>> -> memref<10240x16xf32, #tpu.memory_space<vmem_shared>>
        tpu.wait_indirect_dma semaphore(%run_scoped3A : memref<!tpu.dma_semaphore, #tpu.memory_space<semaphore_mem>>) src(%arg5 : memref<128x16xf32, #tpu.memory_space<vmem>>) dst(%dma_wait3A_33 : memref<10240x16xf32, #tpu.memory_space<vmem_shared>>)
        tpu.yield
      }) : () -> ()
    }
    %scan3A_17 = arith.constant 159 : i32
    %barrier3A_18 = arith.constant 0 : index
    tpu.barrier barrier_id(%barrier3A_18)
    %mul3A_19 = arith.constant 5120 : i32
    %mul3A_20 = arith.muli %arg0, %mul3A_19 : i32
    %mul3A_21 = arith.constant 320 : i32
    %mul3A_22 = arith.muli %arg1, %mul3A_21 : i32
    %add3A = arith.addi %mul3A_20, %mul3A_22 : i32
    "tpu.region"() ({
      %run_scoped3A = tpu.sem_alloc : memref<!tpu.dma_semaphore, #tpu.memory_space<semaphore_mem>>
      %dma_start3A = arith.constant 0 : i32
      %dma_start3A_23 = tpu.memref_slice %arg3[%add3A, %dma_start3A] : memref<10240x16xf32, #tpu.memory_space<hbm>> -> memref<320x16xf32, #tpu.memory_space<hbm>>
      %dma_start3A_24 = arith.constant 0 : i32
      %dma_start3A_25 = tpu.memref_slice %arg7[%add3A, %dma_start3A_24] : memref<10240x16xf32, #tpu.memory_space<vmem_shared>> -> memref<320x16xf32, #tpu.memory_space<vmem_shared>>
      tpu.enqueue_dma source(%dma_start3A_25 : memref<320x16xf32, #tpu.memory_space<vmem_shared>>) target(%dma_start3A_23 : memref<320x16xf32, #tpu.memory_space<hbm>>) target_semaphore(%run_scoped3A : memref<!tpu.dma_semaphore, #tpu.memory_space<semaphore_mem>>)
      %dma_wait3A = arith.constant 0 : i32
      %dma_wait3A_26 = tpu.memref_slice %arg3[%add3A, %dma_wait3A] : memref<10240x16xf32, #tpu.memory_space<hbm>> -> memref<320x16xf32, #tpu.memory_space<hbm>>
      %dma_wait3A_27 = arith.constant 0 : i32
      %dma_wait3A_28 = tpu.memref_slice %arg7[%add3A, %dma_wait3A_27] : memref<10240x16xf32, #tpu.memory_space<vmem_shared>> -> memref<320x16xf32, #tpu.memory_space<vmem_shared>>
      tpu.wait_dma2 semaphore(%run_scoped3A : memref<!tpu.dma_semaphore, #tpu.memory_space<semaphore_mem>>) src(%dma_wait3A_28 : memref<320x16xf32, #tpu.memory_space<vmem_shared>>) dst(%dma_wait3A_26 : memref<320x16xf32, #tpu.memory_space<hbm>>)
      tpu.yield
    }) : () -> ()
    return
  }
}

#map = affine_map<(d0, d1) -> (0, 0, 0)>
module attributes {stable_mosaic.version = 14 : i64} {
  func.func @_agg_kernel(%arg0: i32, %arg1: i32, %arg2: memref<4x10240x64xf32, #tpu.memory_space<hbm>>, %arg3: memref<16x159x128xi32, #tpu.memory_space<hbm>>, %arg4: memref<16x159x128xi32, #tpu.memory_space<hbm>>, %arg5: memref<4x10240x64xf32, #tpu.memory_space<hbm>>, %arg6: memref<159x128xi32, #tpu.memory_space<vmem>>, %arg7: memref<159x128xi32, #tpu.memory_space<vmem>>, %arg8: memref<128x64xf32, #tpu.memory_space<vmem>>, %arg9: memref<128x64xf32, #tpu.memory_space<vmem>>, %arg10: memref<128x64xf32, #tpu.memory_space<vmem>>, %arg11: memref<10240x64xf32, #tpu.memory_space<vmem_shared>>, %arg12: memref<!tpu.dma_semaphore, #tpu.memory_space<semaphore_mem>>, %arg13: memref<!tpu.dma_semaphore, #tpu.memory_space<semaphore_mem>>, %arg14: memref<!tpu.dma_semaphore, #tpu.memory_space<semaphore_mem>>, %arg15: memref<!tpu.dma_semaphore, #tpu.memory_space<semaphore_mem>>, %arg16: memref<!tpu.dma_semaphore, #tpu.memory_space<semaphore_mem>>, %arg17: memref<!tpu.dma_semaphore, #tpu.memory_space<semaphore_mem>>) attributes {dimension_semantics = [#tpu.dimension_semantics<core_parallel>, #tpu.dimension_semantics<subcore_parallel>], iteration_bounds = array<i64: 2, 16>, scalar_prefetch = 0 : i64, scratch_operands = 12 : i64, tpu.core_type = #tpu.core_type<sc_vector_subcore>, window_params = [{transform_indices = #map}, {transform_indices = #map}, {transform_indices = #map}, {transform_indices = #map}]} {
    "tpu.region"() ({
      %run_scoped3A = tpu.sem_alloc : memref<!tpu.dma_semaphore, #tpu.memory_space<semaphore_mem>>
      %dma_start3A_78 = arith.constant 0 : i32
      %dma_start3A_79 = arith.constant 0 : i32
      %dma_start3A_80 = tpu.memref_slice %arg3[%arg1, %dma_start3A_78, %dma_start3A_79] : memref<16x159x128xi32, #tpu.memory_space<hbm>> -> memref<1x159x128xi32, #tpu.memory_space<hbm>>
      %dma_start3A_81 = tpu.memref_squeeze %dma_start3A_80 : memref<1x159x128xi32, #tpu.memory_space<hbm>> -> memref<159x128xi32, #tpu.memory_space<hbm>>
      %dma_start3A_82 = arith.constant 0 : i32
      %dma_start3A_83 = arith.constant 0 : i32
      %dma_start3A_84 = tpu.memref_slice %arg3[%arg1, %dma_start3A_82, %dma_start3A_83] : memref<16x159x128xi32, #tpu.memory_space<hbm>> -> memref<1x159x128xi32, #tpu.memory_space<hbm>>
      %dma_start3A_85 = tpu.memref_squeeze %dma_start3A_84 : memref<1x159x128xi32, #tpu.memory_space<hbm>> -> memref<159x128xi32, #tpu.memory_space<hbm>>
      tpu.enqueue_dma source(%dma_start3A_85 : memref<159x128xi32, #tpu.memory_space<hbm>>) target(%arg6 : memref<159x128xi32, #tpu.memory_space<vmem>>) target_semaphore(%run_scoped3A : memref<!tpu.dma_semaphore, #tpu.memory_space<semaphore_mem>>)
      %dma_wait3A_86 = arith.constant 0 : i32
      %dma_wait3A_87 = arith.constant 0 : i32
      %dma_wait3A_88 = tpu.memref_slice %arg3[%arg1, %dma_wait3A_86, %dma_wait3A_87] : memref<16x159x128xi32, #tpu.memory_space<hbm>> -> memref<1x159x128xi32, #tpu.memory_space<hbm>>
      %dma_wait3A_89 = tpu.memref_squeeze %dma_wait3A_88 : memref<1x159x128xi32, #tpu.memory_space<hbm>> -> memref<159x128xi32, #tpu.memory_space<hbm>>
      %dma_wait3A_90 = arith.constant 0 : i32
      %dma_wait3A_91 = arith.constant 0 : i32
      %dma_wait3A_92 = tpu.memref_slice %arg3[%arg1, %dma_wait3A_90, %dma_wait3A_91] : memref<16x159x128xi32, #tpu.memory_space<hbm>> -> memref<1x159x128xi32, #tpu.memory_space<hbm>>
      %dma_wait3A_93 = tpu.memref_squeeze %dma_wait3A_92 : memref<1x159x128xi32, #tpu.memory_space<hbm>> -> memref<159x128xi32, #tpu.memory_space<hbm>>
      tpu.wait_dma2 semaphore(%run_scoped3A : memref<!tpu.dma_semaphore, #tpu.memory_space<semaphore_mem>>) src(%dma_wait3A_93 : memref<159x128xi32, #tpu.memory_space<hbm>>) dst(%arg6 : memref<159x128xi32, #tpu.memory_space<vmem>>)
      tpu.yield
    }) : () -> ()
    "tpu.region"() ({
      %run_scoped3A = tpu.sem_alloc : memref<!tpu.dma_semaphore, #tpu.memory_space<semaphore_mem>>
      %dma_start3A_78 = arith.constant 0 : i32
      %dma_start3A_79 = arith.constant 0 : i32
      %dma_start3A_80 = tpu.memref_slice %arg4[%arg1, %dma_start3A_78, %dma_start3A_79] : memref<16x159x128xi32, #tpu.memory_space<hbm>> -> memref<1x159x128xi32, #tpu.memory_space<hbm>>
      %dma_start3A_81 = tpu.memref_squeeze %dma_start3A_80 : memref<1x159x128xi32, #tpu.memory_space<hbm>> -> memref<159x128xi32, #tpu.memory_space<hbm>>
      %dma_start3A_82 = arith.constant 0 : i32
      %dma_start3A_83 = arith.constant 0 : i32
      %dma_start3A_84 = tpu.memref_slice %arg4[%arg1, %dma_start3A_82, %dma_start3A_83] : memref<16x159x128xi32, #tpu.memory_space<hbm>> -> memref<1x159x128xi32, #tpu.memory_space<hbm>>
      %dma_start3A_85 = tpu.memref_squeeze %dma_start3A_84 : memref<1x159x128xi32, #tpu.memory_space<hbm>> -> memref<159x128xi32, #tpu.memory_space<hbm>>
      tpu.enqueue_dma source(%dma_start3A_85 : memref<159x128xi32, #tpu.memory_space<hbm>>) target(%arg7 : memref<159x128xi32, #tpu.memory_space<vmem>>) target_semaphore(%run_scoped3A : memref<!tpu.dma_semaphore, #tpu.memory_space<semaphore_mem>>)
      %dma_wait3A_86 = arith.constant 0 : i32
      %dma_wait3A_87 = arith.constant 0 : i32
      %dma_wait3A_88 = tpu.memref_slice %arg4[%arg1, %dma_wait3A_86, %dma_wait3A_87] : memref<16x159x128xi32, #tpu.memory_space<hbm>> -> memref<1x159x128xi32, #tpu.memory_space<hbm>>
      %dma_wait3A_89 = tpu.memref_squeeze %dma_wait3A_88 : memref<1x159x128xi32, #tpu.memory_space<hbm>> -> memref<159x128xi32, #tpu.memory_space<hbm>>
      %dma_wait3A_90 = arith.constant 0 : i32
      %dma_wait3A_91 = arith.constant 0 : i32
      %dma_wait3A_92 = tpu.memref_slice %arg4[%arg1, %dma_wait3A_90, %dma_wait3A_91] : memref<16x159x128xi32, #tpu.memory_space<hbm>> -> memref<1x159x128xi32, #tpu.memory_space<hbm>>
      %dma_wait3A_93 = tpu.memref_squeeze %dma_wait3A_92 : memref<1x159x128xi32, #tpu.memory_space<hbm>> -> memref<159x128xi32, #tpu.memory_space<hbm>>
      tpu.wait_dma2 semaphore(%run_scoped3A : memref<!tpu.dma_semaphore, #tpu.memory_space<semaphore_mem>>) src(%dma_wait3A_93 : memref<159x128xi32, #tpu.memory_space<hbm>>) dst(%arg7 : memref<159x128xi32, #tpu.memory_space<vmem>>)
      tpu.yield
    }) : () -> ()
    %mul3A = arith.constant 640 : i32
    %mul3A_0 = arith.muli %arg1, %mul3A : i32
    %mul3A_1 = arith.constant 2 : i32
    %mul3A_2 = arith.muli %mul3A_1, %arg0 : i32
    %add3A = arith.constant 0 : i32
    %add3A_3 = arith.addi %mul3A_2, %add3A : i32
    "tpu.region"() ({
      %run_scoped3A = tpu.sem_alloc : memref<!tpu.dma_semaphore, #tpu.memory_space<semaphore_mem>>
      %dma_start3A_78 = arith.constant 0 : i32
      %dma_start3A_79 = tpu.memref_slice %arg11[%mul3A_0, %dma_start3A_78] : memref<10240x64xf32, #tpu.memory_space<vmem_shared>> -> memref<640x64xf32, #tpu.memory_space<vmem_shared>>
      %dma_start3A_80 = arith.constant 0 : i32
      %dma_start3A_81 = tpu.memref_slice %arg2[%add3A_3, %mul3A_0, %dma_start3A_80] : memref<4x10240x64xf32, #tpu.memory_space<hbm>> -> memref<1x640x64xf32, #tpu.memory_space<hbm>>
      %dma_start3A_82 = tpu.memref_squeeze %dma_start3A_81 : memref<1x640x64xf32, #tpu.memory_space<hbm>> -> memref<640x64xf32, #tpu.memory_space<hbm>>
      tpu.enqueue_dma source(%dma_start3A_82 : memref<640x64xf32, #tpu.memory_space<hbm>>) target(%dma_start3A_79 : memref<640x64xf32, #tpu.memory_space<vmem_shared>>) target_semaphore(%run_scoped3A : memref<!tpu.dma_semaphore, #tpu.memory_space<semaphore_mem>>)
      %dma_wait3A_83 = arith.constant 0 : i32
      %dma_wait3A_84 = tpu.memref_slice %arg11[%mul3A_0, %dma_wait3A_83] : memref<10240x64xf32, #tpu.memory_space<vmem_shared>> -> memref<640x64xf32, #tpu.memory_space<vmem_shared>>
      %dma_wait3A_85 = arith.constant 0 : i32
      %dma_wait3A_86 = tpu.memref_slice %arg2[%add3A_3, %mul3A_0, %dma_wait3A_85] : memref<4x10240x64xf32, #tpu.memory_space<hbm>> -> memref<1x640x64xf32, #tpu.memory_space<hbm>>
      %dma_wait3A_87 = tpu.memref_squeeze %dma_wait3A_86 : memref<1x640x64xf32, #tpu.memory_space<hbm>> -> memref<640x64xf32, #tpu.memory_space<hbm>>
      tpu.wait_dma2 semaphore(%run_scoped3A : memref<!tpu.dma_semaphore, #tpu.memory_space<semaphore_mem>>) src(%dma_wait3A_87 : memref<640x64xf32, #tpu.memory_space<hbm>>) dst(%dma_wait3A_84 : memref<640x64xf32, #tpu.memory_space<vmem_shared>>)
      tpu.yield
    }) : () -> ()
    %barrier3A = arith.constant 0 : index
    tpu.barrier barrier_id(%barrier3A)
    %dma_start3A = arith.constant 0 : i32
    %dma_start3A_4 = arith.constant 0 : i32
    %dma_start3A_5 = tpu.memref_slice %arg6[%dma_start3A, %dma_start3A_4] : memref<159x128xi32, #tpu.memory_space<vmem>> -> memref<1x128xi32, #tpu.memory_space<vmem>>
    %dma_start3A_6 = tpu.memref_squeeze %dma_start3A_5 : memref<1x128xi32, #tpu.memory_space<vmem>> -> memref<128xi32, #tpu.memory_space<vmem>>
    %dma_start3A_7 = arith.constant 0 : i32
    %dma_start3A_8 = arith.constant 0 : i32
    %dma_start3A_9 = tpu.memref_slice %arg2[%add3A_3, %dma_start3A_7, %dma_start3A_8] : memref<4x10240x64xf32, #tpu.memory_space<hbm>> -> memref<1x10240x64xf32, #tpu.memory_space<hbm>>
    %dma_start3A_10 = tpu.memref_squeeze %dma_start3A_9 : memref<1x10240x64xf32, #tpu.memory_space<hbm>> -> memref<10240x64xf32, #tpu.memory_space<hbm>>
    %dma_start3A_11 = arith.constant 0 : i32
    %dma_start3A_12 = arith.constant 0 : i32
    %dma_start3A_13 = tpu.memref_slice %dma_start3A_10[%dma_start3A_11, %dma_start3A_12] : memref<10240x64xf32, #tpu.memory_space<hbm>> -> memref<10240x64xf32, #tpu.memory_space<hbm>>
    tpu.enqueue_indirect_dma source(%dma_start3A_13 : memref<10240x64xf32, #tpu.memory_space<hbm>>) target(%arg8 : memref<128x64xf32, #tpu.memory_space<vmem>>) offsets(%dma_start3A_6 : memref<128xi32, #tpu.memory_space<vmem>>) semaphore(%arg12 : memref<!tpu.dma_semaphore, #tpu.memory_space<semaphore_mem>>)
    %dma_start3A_14 = arith.constant 1 : i32
    %dma_start3A_15 = arith.constant 0 : i32
    %dma_start3A_16 = tpu.memref_slice %arg6[%dma_start3A_14, %dma_start3A_15] : memref<159x128xi32, #tpu.memory_space<vmem>> -> memref<1x128xi32, #tpu.memory_space<vmem>>
    %dma_start3A_17 = tpu.memref_squeeze %dma_start3A_16 : memref<1x128xi32, #tpu.memory_space<vmem>> -> memref<128xi32, #tpu.memory_space<vmem>>
    %dma_start3A_18 = arith.constant 0 : i32
    %dma_start3A_19 = arith.constant 0 : i32
    %dma_start3A_20 = tpu.memref_slice %arg2[%add3A_3, %dma_start3A_18, %dma_start3A_19] : memref<4x10240x64xf32, #tpu.memory_space<hbm>> -> memref<1x10240x64xf32, #tpu.memory_space<hbm>>
    %dma_start3A_21 = tpu.memref_squeeze %dma_start3A_20 : memref<1x10240x64xf32, #tpu.memory_space<hbm>> -> memref<10240x64xf32, #tpu.memory_space<hbm>>
    %dma_start3A_22 = arith.constant 0 : i32
    %dma_start3A_23 = arith.constant 0 : i32
    %dma_start3A_24 = tpu.memref_slice %dma_start3A_21[%dma_start3A_22, %dma_start3A_23] : memref<10240x64xf32, #tpu.memory_space<hbm>> -> memref<10240x64xf32, #tpu.memory_space<hbm>>
    tpu.enqueue_indirect_dma source(%dma_start3A_24 : memref<10240x64xf32, #tpu.memory_space<hbm>>) target(%arg9 : memref<128x64xf32, #tpu.memory_space<vmem>>) offsets(%dma_start3A_17 : memref<128xi32, #tpu.memory_space<vmem>>) semaphore(%arg13 : memref<!tpu.dma_semaphore, #tpu.memory_space<semaphore_mem>>)
    %scan3A = arith.constant 0 : i32
    %scan3A_25 = arith.constant 0 : i32
    %scan3A_26 = arith.constant 53 : i32
    %scan3A_27 = arith.addi %scan3A_25, %scan3A_26 : i32
    %scan3A_28 = arith.constant 1 : i32
    scf.for %scan3A_78 = %scan3A_25 to %scan3A_27 step %scan3A_28  : i32 {
      %mul3A_79 = arith.constant 3 : i32
      %mul3A_80 = arith.muli %mul3A_79, %scan3A_78 : i32
      %add3A_81 = arith.constant 0 : i32
      %add3A_82 = arith.addi %mul3A_80, %add3A_81 : i32
      %dma_wait3A_83 = arith.constant 0 : i32
      %dma_wait3A_84 = tpu.memref_slice %arg6[%add3A_82, %dma_wait3A_83] : memref<159x128xi32, #tpu.memory_space<vmem>> -> memref<1x128xi32, #tpu.memory_space<vmem>>
      %dma_wait3A_85 = tpu.memref_squeeze %dma_wait3A_84 : memref<1x128xi32, #tpu.memory_space<vmem>> -> memref<128xi32, #tpu.memory_space<vmem>>
      %dma_wait3A_86 = arith.constant 0 : i32
      %dma_wait3A_87 = arith.constant 0 : i32
      %dma_wait3A_88 = tpu.memref_slice %arg2[%add3A_3, %dma_wait3A_86, %dma_wait3A_87] : memref<4x10240x64xf32, #tpu.memory_space<hbm>> -> memref<1x10240x64xf32, #tpu.memory_space<hbm>>
      %dma_wait3A_89 = tpu.memref_squeeze %dma_wait3A_88 : memref<1x10240x64xf32, #tpu.memory_space<hbm>> -> memref<10240x64xf32, #tpu.memory_space<hbm>>
      %dma_wait3A_90 = arith.constant 0 : i32
      %dma_wait3A_91 = arith.constant 0 : i32
      %dma_wait3A_92 = tpu.memref_slice %dma_wait3A_89[%dma_wait3A_90, %dma_wait3A_91] : memref<10240x64xf32, #tpu.memory_space<hbm>> -> memref<10240x64xf32, #tpu.memory_space<hbm>>
      tpu.wait_indirect_dma semaphore(%arg12 : memref<!tpu.dma_semaphore, #tpu.memory_space<semaphore_mem>>) src(%dma_wait3A_92 : memref<10240x64xf32, #tpu.memory_space<hbm>>) dst(%arg8 : memref<128x64xf32, #tpu.memory_space<vmem>>)
      %dma_start3A_93 = arith.constant 0 : i32
      %dma_start3A_94 = tpu.memref_slice %arg7[%add3A_82, %dma_start3A_93] : memref<159x128xi32, #tpu.memory_space<vmem>> -> memref<1x128xi32, #tpu.memory_space<vmem>>
      %dma_start3A_95 = tpu.memref_squeeze %dma_start3A_94 : memref<1x128xi32, #tpu.memory_space<vmem>> -> memref<128xi32, #tpu.memory_space<vmem>>
      %dma_start3A_96 = arith.constant 0 : i32
      %dma_start3A_97 = arith.constant 0 : i32
      %dma_start3A_98 = tpu.memref_slice %arg11[%dma_start3A_96, %dma_start3A_97] : memref<10240x64xf32, #tpu.memory_space<vmem_shared>> -> memref<10240x64xf32, #tpu.memory_space<vmem_shared>>
      tpu.enqueue_indirect_dma source(%arg8 : memref<128x64xf32, #tpu.memory_space<vmem>>) target(%dma_start3A_98 : memref<10240x64xf32, #tpu.memory_space<vmem_shared>>) offsets(%dma_start3A_95 : memref<128xi32, #tpu.memory_space<vmem>>) semaphore(%arg15 : memref<!tpu.dma_semaphore, #tpu.memory_space<semaphore_mem>>) {add = true}
      %gt3A = arith.constant 0 : i32
      %gt3A_99 = arith.cmpi sgt, %scan3A_78, %gt3A : i32
      %convert_element_type3A = arith.extui %gt3A_99 : i1 to i32
      %cond3A = arith.constant 0 : i32
      %cond3A_100 = arith.cmpi ne, %convert_element_type3A, %cond3A : i32
      scf.if %cond3A_100 {
        %sub3A_182 = arith.constant 1 : i32
        %sub3A_183 = arith.subi %add3A_82, %sub3A_182 : i32
        %dma_wait3A_184 = arith.constant 0 : i32
        %dma_wait3A_185 = tpu.memref_slice %arg7[%sub3A_183, %dma_wait3A_184] : memref<159x128xi32, #tpu.memory_space<vmem>> -> memref<1x128xi32, #tpu.memory_space<vmem>>
        %dma_wait3A_186 = tpu.memref_squeeze %dma_wait3A_185 : memref<1x128xi32, #tpu.memory_space<vmem>> -> memref<128xi32, #tpu.memory_space<vmem>>
        %dma_wait3A_187 = arith.constant 0 : i32
        %dma_wait3A_188 = arith.constant 0 : i32
        %dma_wait3A_189 = tpu.memref_slice %arg11[%dma_wait3A_187, %dma_wait3A_188] : memref<10240x64xf32, #tpu.memory_space<vmem_shared>> -> memref<10240x64xf32, #tpu.memory_space<vmem_shared>>
        tpu.wait_indirect_dma semaphore(%arg17 : memref<!tpu.dma_semaphore, #tpu.memory_space<semaphore_mem>>) src(%arg10 : memref<128x64xf32, #tpu.memory_space<vmem>>) dst(%dma_wait3A_189 : memref<10240x64xf32, #tpu.memory_space<vmem_shared>>)
      } else {
      }
      %add3A_101 = arith.constant 3 : i32
      %add3A_102 = arith.addi %add3A_82, %add3A_101 : i32
      %sub3A = arith.constant 1 : i32
      %sub3A_103 = arith.subi %add3A_102, %sub3A : i32
      %lt3A = arith.constant 159 : i32
      %lt3A_104 = arith.cmpi slt, %sub3A_103, %lt3A : i32
      %convert_element_type3A_105 = arith.extui %lt3A_104 : i1 to i32
      %cond3A_106 = arith.constant 0 : i32
      %cond3A_107 = arith.cmpi ne, %convert_element_type3A_105, %cond3A_106 : i32
      scf.if %cond3A_107 {
        %add3A_182 = arith.constant 3 : i32
        %add3A_183 = arith.addi %add3A_82, %add3A_182 : i32
        %sub3A_184 = arith.constant 1 : i32
        %sub3A_185 = arith.subi %add3A_183, %sub3A_184 : i32
        %dma_start3A_186 = arith.constant 0 : i32
        %dma_start3A_187 = tpu.memref_slice %arg6[%sub3A_185, %dma_start3A_186] : memref<159x128xi32, #tpu.memory_space<vmem>> -> memref<1x128xi32, #tpu.memory_space<vmem>>
        %dma_start3A_188 = tpu.memref_squeeze %dma_start3A_187 : memref<1x128xi32, #tpu.memory_space<vmem>> -> memref<128xi32, #tpu.memory_space<vmem>>
        %dma_start3A_189 = arith.constant 0 : i32
        %dma_start3A_190 = arith.constant 0 : i32
        %dma_start3A_191 = tpu.memref_slice %arg2[%add3A_3, %dma_start3A_189, %dma_start3A_190] : memref<4x10240x64xf32, #tpu.memory_space<hbm>> -> memref<1x10240x64xf32, #tpu.memory_space<hbm>>
        %dma_start3A_192 = tpu.memref_squeeze %dma_start3A_191 : memref<1x10240x64xf32, #tpu.memory_space<hbm>> -> memref<10240x64xf32, #tpu.memory_space<hbm>>
        %dma_start3A_193 = arith.constant 0 : i32
        %dma_start3A_194 = arith.constant 0 : i32
        %dma_start3A_195 = tpu.memref_slice %dma_start3A_192[%dma_start3A_193, %dma_start3A_194] : memref<10240x64xf32, #tpu.memory_space<hbm>> -> memref<10240x64xf32, #tpu.memory_space<hbm>>
        tpu.enqueue_indirect_dma source(%dma_start3A_195 : memref<10240x64xf32, #tpu.memory_space<hbm>>) target(%arg10 : memref<128x64xf32, #tpu.memory_space<vmem>>) offsets(%dma_start3A_188 : memref<128xi32, #tpu.memory_space<vmem>>) semaphore(%arg14 : memref<!tpu.dma_semaphore, #tpu.memory_space<semaphore_mem>>)
      } else {
      }
      %mul3A_108 = arith.constant 3 : i32
      %mul3A_109 = arith.muli %mul3A_108, %scan3A_78 : i32
      %add3A_110 = arith.constant 1 : i32
      %add3A_111 = arith.addi %mul3A_109, %add3A_110 : i32
      %dma_wait3A_112 = arith.constant 0 : i32
      %dma_wait3A_113 = tpu.memref_slice %arg6[%add3A_111, %dma_wait3A_112] : memref<159x128xi32, #tpu.memory_space<vmem>> -> memref<1x128xi32, #tpu.memory_space<vmem>>
      %dma_wait3A_114 = tpu.memref_squeeze %dma_wait3A_113 : memref<1x128xi32, #tpu.memory_space<vmem>> -> memref<128xi32, #tpu.memory_space<vmem>>
      %dma_wait3A_115 = arith.constant 0 : i32
      %dma_wait3A_116 = arith.constant 0 : i32
      %dma_wait3A_117 = tpu.memref_slice %arg2[%add3A_3, %dma_wait3A_115, %dma_wait3A_116] : memref<4x10240x64xf32, #tpu.memory_space<hbm>> -> memref<1x10240x64xf32, #tpu.memory_space<hbm>>
      %dma_wait3A_118 = tpu.memref_squeeze %dma_wait3A_117 : memref<1x10240x64xf32, #tpu.memory_space<hbm>> -> memref<10240x64xf32, #tpu.memory_space<hbm>>
      %dma_wait3A_119 = arith.constant 0 : i32
      %dma_wait3A_120 = arith.constant 0 : i32
      %dma_wait3A_121 = tpu.memref_slice %dma_wait3A_118[%dma_wait3A_119, %dma_wait3A_120] : memref<10240x64xf32, #tpu.memory_space<hbm>> -> memref<10240x64xf32, #tpu.memory_space<hbm>>
      tpu.wait_indirect_dma semaphore(%arg13 : memref<!tpu.dma_semaphore, #tpu.memory_space<semaphore_mem>>) src(%dma_wait3A_121 : memref<10240x64xf32, #tpu.memory_space<hbm>>) dst(%arg9 : memref<128x64xf32, #tpu.memory_space<vmem>>)
      %dma_start3A_122 = arith.constant 0 : i32
      %dma_start3A_123 = tpu.memref_slice %arg7[%add3A_111, %dma_start3A_122] : memref<159x128xi32, #tpu.memory_space<vmem>> -> memref<1x128xi32, #tpu.memory_space<vmem>>
      %dma_start3A_124 = tpu.memref_squeeze %dma_start3A_123 : memref<1x128xi32, #tpu.memory_space<vmem>> -> memref<128xi32, #tpu.memory_space<vmem>>
      %dma_start3A_125 = arith.constant 0 : i32
      %dma_start3A_126 = arith.constant 0 : i32
      %dma_start3A_127 = tpu.memref_slice %arg11[%dma_start3A_125, %dma_start3A_126] : memref<10240x64xf32, #tpu.memory_space<vmem_shared>> -> memref<10240x64xf32, #tpu.memory_space<vmem_shared>>
      tpu.enqueue_indirect_dma source(%arg9 : memref<128x64xf32, #tpu.memory_space<vmem>>) target(%dma_start3A_127 : memref<10240x64xf32, #tpu.memory_space<vmem_shared>>) offsets(%dma_start3A_124 : memref<128xi32, #tpu.memory_space<vmem>>) semaphore(%arg16 : memref<!tpu.dma_semaphore, #tpu.memory_space<semaphore_mem>>) {add = true}
      %sub3A_128 = arith.constant 1 : i32
      %sub3A_129 = arith.subi %add3A_111, %sub3A_128 : i32
      %dma_wait3A_130 = arith.constant 0 : i32
      %dma_wait3A_131 = tpu.memref_slice %arg7[%sub3A_129, %dma_wait3A_130] : memref<159x128xi32, #tpu.memory_space<vmem>> -> memref<1x128xi32, #tpu.memory_space<vmem>>
      %dma_wait3A_132 = tpu.memref_squeeze %dma_wait3A_131 : memref<1x128xi32, #tpu.memory_space<vmem>> -> memref<128xi32, #tpu.memory_space<vmem>>
      %dma_wait3A_133 = arith.constant 0 : i32
      %dma_wait3A_134 = arith.constant 0 : i32
      %dma_wait3A_135 = tpu.memref_slice %arg11[%dma_wait3A_133, %dma_wait3A_134] : memref<10240x64xf32, #tpu.memory_space<vmem_shared>> -> memref<10240x64xf32, #tpu.memory_space<vmem_shared>>
      tpu.wait_indirect_dma semaphore(%arg15 : memref<!tpu.dma_semaphore, #tpu.memory_space<semaphore_mem>>) src(%arg8 : memref<128x64xf32, #tpu.memory_space<vmem>>) dst(%dma_wait3A_135 : memref<10240x64xf32, #tpu.memory_space<vmem_shared>>)
      %add3A_136 = arith.constant 3 : i32
      %add3A_137 = arith.addi %add3A_111, %add3A_136 : i32
      %sub3A_138 = arith.constant 1 : i32
      %sub3A_139 = arith.subi %add3A_137, %sub3A_138 : i32
      %lt3A_140 = arith.constant 159 : i32
      %lt3A_141 = arith.cmpi slt, %sub3A_139, %lt3A_140 : i32
      %convert_element_type3A_142 = arith.extui %lt3A_141 : i1 to i32
      %cond3A_143 = arith.constant 0 : i32
      %cond3A_144 = arith.cmpi ne, %convert_element_type3A_142, %cond3A_143 : i32
      scf.if %cond3A_144 {
        %add3A_182 = arith.constant 3 : i32
        %add3A_183 = arith.addi %add3A_111, %add3A_182 : i32
        %sub3A_184 = arith.constant 1 : i32
        %sub3A_185 = arith.subi %add3A_183, %sub3A_184 : i32
        %dma_start3A_186 = arith.constant 0 : i32
        %dma_start3A_187 = tpu.memref_slice %arg6[%sub3A_185, %dma_start3A_186] : memref<159x128xi32, #tpu.memory_space<vmem>> -> memref<1x128xi32, #tpu.memory_space<vmem>>
        %dma_start3A_188 = tpu.memref_squeeze %dma_start3A_187 : memref<1x128xi32, #tpu.memory_space<vmem>> -> memref<128xi32, #tpu.memory_space<vmem>>
        %dma_start3A_189 = arith.constant 0 : i32
        %dma_start3A_190 = arith.constant 0 : i32
        %dma_start3A_191 = tpu.memref_slice %arg2[%add3A_3, %dma_start3A_189, %dma_start3A_190] : memref<4x10240x64xf32, #tpu.memory_space<hbm>> -> memref<1x10240x64xf32, #tpu.memory_space<hbm>>
        %dma_start3A_192 = tpu.memref_squeeze %dma_start3A_191 : memref<1x10240x64xf32, #tpu.memory_space<hbm>> -> memref<10240x64xf32, #tpu.memory_space<hbm>>
        %dma_start3A_193 = arith.constant 0 : i32
        %dma_start3A_194 = arith.constant 0 : i32
        %dma_start3A_195 = tpu.memref_slice %dma_start3A_192[%dma_start3A_193, %dma_start3A_194] : memref<10240x64xf32, #tpu.memory_space<hbm>> -> memref<10240x64xf32, #tpu.memory_space<hbm>>
        tpu.enqueue_indirect_dma source(%dma_start3A_195 : memref<10240x64xf32, #tpu.memory_space<hbm>>) target(%arg8 : memref<128x64xf32, #tpu.memory_space<vmem>>) offsets(%dma_start3A_188 : memref<128xi32, #tpu.memory_space<vmem>>) semaphore(%arg12 : memref<!tpu.dma_semaphore, #tpu.memory_space<semaphore_mem>>)
      } else {
      }
      %mul3A_145 = arith.constant 3 : i32
      %mul3A_146 = arith.muli %mul3A_145, %scan3A_78 : i32
      %add3A_147 = arith.constant 2 : i32
      %add3A_148 = arith.addi %mul3A_146, %add3A_147 : i32
      %dma_wait3A_149 = arith.constant 0 : i32
      %dma_wait3A_150 = tpu.memref_slice %arg6[%add3A_148, %dma_wait3A_149] : memref<159x128xi32, #tpu.memory_space<vmem>> -> memref<1x128xi32, #tpu.memory_space<vmem>>
      %dma_wait3A_151 = tpu.memref_squeeze %dma_wait3A_150 : memref<1x128xi32, #tpu.memory_space<vmem>> -> memref<128xi32, #tpu.memory_space<vmem>>
      %dma_wait3A_152 = arith.constant 0 : i32
      %dma_wait3A_153 = arith.constant 0 : i32
      %dma_wait3A_154 = tpu.memref_slice %arg2[%add3A_3, %dma_wait3A_152, %dma_wait3A_153] : memref<4x10240x64xf32, #tpu.memory_space<hbm>> -> memref<1x10240x64xf32, #tpu.memory_space<hbm>>
      %dma_wait3A_155 = tpu.memref_squeeze %dma_wait3A_154 : memref<1x10240x64xf32, #tpu.memory_space<hbm>> -> memref<10240x64xf32, #tpu.memory_space<hbm>>
      %dma_wait3A_156 = arith.constant 0 : i32
      %dma_wait3A_157 = arith.constant 0 : i32
      %dma_wait3A_158 = tpu.memref_slice %dma_wait3A_155[%dma_wait3A_156, %dma_wait3A_157] : memref<10240x64xf32, #tpu.memory_space<hbm>> -> memref<10240x64xf32, #tpu.memory_space<hbm>>
      tpu.wait_indirect_dma semaphore(%arg14 : memref<!tpu.dma_semaphore, #tpu.memory_space<semaphore_mem>>) src(%dma_wait3A_158 : memref<10240x64xf32, #tpu.memory_space<hbm>>) dst(%arg10 : memref<128x64xf32, #tpu.memory_space<vmem>>)
      %dma_start3A_159 = arith.constant 0 : i32
      %dma_start3A_160 = tpu.memref_slice %arg7[%add3A_148, %dma_start3A_159] : memref<159x128xi32, #tpu.memory_space<vmem>> -> memref<1x128xi32, #tpu.memory_space<vmem>>
      %dma_start3A_161 = tpu.memref_squeeze %dma_start3A_160 : memref<1x128xi32, #tpu.memory_space<vmem>> -> memref<128xi32, #tpu.memory_space<vmem>>
      %dma_start3A_162 = arith.constant 0 : i32
      %dma_start3A_163 = arith.constant 0 : i32
      %dma_start3A_164 = tpu.memref_slice %arg11[%dma_start3A_162, %dma_start3A_163] : memref<10240x64xf32, #tpu.memory_space<vmem_shared>> -> memref<10240x64xf32, #tpu.memory_space<vmem_shared>>
      tpu.enqueue_indirect_dma source(%arg10 : memref<128x64xf32, #tpu.memory_space<vmem>>) target(%dma_start3A_164 : memref<10240x64xf32, #tpu.memory_space<vmem_shared>>) offsets(%dma_start3A_161 : memref<128xi32, #tpu.memory_space<vmem>>) semaphore(%arg17 : memref<!tpu.dma_semaphore, #tpu.memory_space<semaphore_mem>>) {add = true}
      %sub3A_165 = arith.constant 1 : i32
      %sub3A_166 = arith.subi %add3A_148, %sub3A_165 : i32
      %dma_wait3A_167 = arith.constant 0 : i32
      %dma_wait3A_168 = tpu.memref_slice %arg7[%sub3A_166, %dma_wait3A_167] : memref<159x128xi32, #tpu.memory_space<vmem>> -> memref<1x128xi32, #tpu.memory_space<vmem>>
      %dma_wait3A_169 = tpu.memref_squeeze %dma_wait3A_168 : memref<1x128xi32, #tpu.memory_space<vmem>> -> memref<128xi32, #tpu.memory_space<vmem>>
      %dma_wait3A_170 = arith.constant 0 : i32
      %dma_wait3A_171 = arith.constant 0 : i32
      %dma_wait3A_172 = tpu.memref_slice %arg11[%dma_wait3A_170, %dma_wait3A_171] : memref<10240x64xf32, #tpu.memory_space<vmem_shared>> -> memref<10240x64xf32, #tpu.memory_space<vmem_shared>>
      tpu.wait_indirect_dma semaphore(%arg16 : memref<!tpu.dma_semaphore, #tpu.memory_space<semaphore_mem>>) src(%arg9 : memref<128x64xf32, #tpu.memory_space<vmem>>) dst(%dma_wait3A_172 : memref<10240x64xf32, #tpu.memory_space<vmem_shared>>)
      %add3A_173 = arith.constant 3 : i32
      %add3A_174 = arith.addi %add3A_148, %add3A_173 : i32
      %sub3A_175 = arith.constant 1 : i32
      %sub3A_176 = arith.subi %add3A_174, %sub3A_175 : i32
      %lt3A_177 = arith.constant 159 : i32
      %lt3A_178 = arith.cmpi slt, %sub3A_176, %lt3A_177 : i32
      %convert_element_type3A_179 = arith.extui %lt3A_178 : i1 to i32
      %cond3A_180 = arith.constant 0 : i32
      %cond3A_181 = arith.cmpi ne, %convert_element_type3A_179, %cond3A_180 : i32
      scf.if %cond3A_181 {
        %add3A_182 = arith.constant 3 : i32
        %add3A_183 = arith.addi %add3A_148, %add3A_182 : i32
        %sub3A_184 = arith.constant 1 : i32
        %sub3A_185 = arith.subi %add3A_183, %sub3A_184 : i32
        %dma_start3A_186 = arith.constant 0 : i32
        %dma_start3A_187 = tpu.memref_slice %arg6[%sub3A_185, %dma_start3A_186] : memref<159x128xi32, #tpu.memory_space<vmem>> -> memref<1x128xi32, #tpu.memory_space<vmem>>
        %dma_start3A_188 = tpu.memref_squeeze %dma_start3A_187 : memref<1x128xi32, #tpu.memory_space<vmem>> -> memref<128xi32, #tpu.memory_space<vmem>>
        %dma_start3A_189 = arith.constant 0 : i32
        %dma_start3A_190 = arith.constant 0 : i32
        %dma_start3A_191 = tpu.memref_slice %arg2[%add3A_3, %dma_start3A_189, %dma_start3A_190] : memref<4x10240x64xf32, #tpu.memory_space<hbm>> -> memref<1x10240x64xf32, #tpu.memory_space<hbm>>
        %dma_start3A_192 = tpu.memref_squeeze %dma_start3A_191 : memref<1x10240x64xf32, #tpu.memory_space<hbm>> -> memref<10240x64xf32, #tpu.memory_space<hbm>>
        %dma_start3A_193 = arith.constant 0 : i32
        %dma_start3A_194 = arith.constant 0 : i32
        %dma_start3A_195 = tpu.memref_slice %dma_start3A_192[%dma_start3A_193, %dma_start3A_194] : memref<10240x64xf32, #tpu.memory_space<hbm>> -> memref<10240x64xf32, #tpu.memory_space<hbm>>
        tpu.enqueue_indirect_dma source(%dma_start3A_195 : memref<10240x64xf32, #tpu.memory_space<hbm>>) target(%arg9 : memref<128x64xf32, #tpu.memory_space<vmem>>) offsets(%dma_start3A_188 : memref<128xi32, #tpu.memory_space<vmem>>) semaphore(%arg13 : memref<!tpu.dma_semaphore, #tpu.memory_space<semaphore_mem>>)
      } else {
      }
    }
    %scan3A_29 = arith.constant 53 : i32
    %dma_wait3A = arith.constant 158 : i32
    %dma_wait3A_30 = arith.constant 0 : i32
    %dma_wait3A_31 = tpu.memref_slice %arg7[%dma_wait3A, %dma_wait3A_30] : memref<159x128xi32, #tpu.memory_space<vmem>> -> memref<1x128xi32, #tpu.memory_space<vmem>>
    %dma_wait3A_32 = tpu.memref_squeeze %dma_wait3A_31 : memref<1x128xi32, #tpu.memory_space<vmem>> -> memref<128xi32, #tpu.memory_space<vmem>>
    %dma_wait3A_33 = arith.constant 0 : i32
    %dma_wait3A_34 = arith.constant 0 : i32
    %dma_wait3A_35 = tpu.memref_slice %arg11[%dma_wait3A_33, %dma_wait3A_34] : memref<10240x64xf32, #tpu.memory_space<vmem_shared>> -> memref<10240x64xf32, #tpu.memory_space<vmem_shared>>
    tpu.wait_indirect_dma semaphore(%arg17 : memref<!tpu.dma_semaphore, #tpu.memory_space<semaphore_mem>>) src(%arg10 : memref<128x64xf32, #tpu.memory_space<vmem>>) dst(%dma_wait3A_35 : memref<10240x64xf32, #tpu.memory_space<vmem_shared>>)
    %barrier3A_36 = arith.constant 0 : index
    tpu.barrier barrier_id(%barrier3A_36)
    "tpu.region"() ({
      %run_scoped3A = tpu.sem_alloc : memref<!tpu.dma_semaphore, #tpu.memory_space<semaphore_mem>>
      %dma_start3A_78 = arith.constant 0 : i32
      %dma_start3A_79 = tpu.memref_slice %arg5[%add3A_3, %mul3A_0, %dma_start3A_78] : memref<4x10240x64xf32, #tpu.memory_space<hbm>> -> memref<1x640x64xf32, #tpu.memory_space<hbm>>
      %dma_start3A_80 = tpu.memref_squeeze %dma_start3A_79 : memref<1x640x64xf32, #tpu.memory_space<hbm>> -> memref<640x64xf32, #tpu.memory_space<hbm>>
      %dma_start3A_81 = arith.constant 0 : i32
      %dma_start3A_82 = tpu.memref_slice %arg11[%mul3A_0, %dma_start3A_81] : memref<10240x64xf32, #tpu.memory_space<vmem_shared>> -> memref<640x64xf32, #tpu.memory_space<vmem_shared>>
      tpu.enqueue_dma source(%dma_start3A_82 : memref<640x64xf32, #tpu.memory_space<vmem_shared>>) target(%dma_start3A_80 : memref<640x64xf32, #tpu.memory_space<hbm>>) target_semaphore(%run_scoped3A : memref<!tpu.dma_semaphore, #tpu.memory_space<semaphore_mem>>)
      %dma_wait3A_83 = arith.constant 0 : i32
      %dma_wait3A_84 = tpu.memref_slice %arg5[%add3A_3, %mul3A_0, %dma_wait3A_83] : memref<4x10240x64xf32, #tpu.memory_space<hbm>> -> memref<1x640x64xf32, #tpu.memory_space<hbm>>
      %dma_wait3A_85 = tpu.memref_squeeze %dma_wait3A_84 : memref<1x640x64xf32, #tpu.memory_space<hbm>> -> memref<640x64xf32, #tpu.memory_space<hbm>>
      %dma_wait3A_86 = arith.constant 0 : i32
      %dma_wait3A_87 = tpu.memref_slice %arg11[%mul3A_0, %dma_wait3A_86] : memref<10240x64xf32, #tpu.memory_space<vmem_shared>> -> memref<640x64xf32, #tpu.memory_space<vmem_shared>>
      tpu.wait_dma2 semaphore(%run_scoped3A : memref<!tpu.dma_semaphore, #tpu.memory_space<semaphore_mem>>) src(%dma_wait3A_87 : memref<640x64xf32, #tpu.memory_space<vmem_shared>>) dst(%dma_wait3A_85 : memref<640x64xf32, #tpu.memory_space<hbm>>)
      tpu.yield
    }) : () -> ()
    %mul3A_37 = arith.constant 2 : i32
    %mul3A_38 = arith.muli %mul3A_37, %arg0 : i32
    %add3A_39 = arith.constant 1 : i32
    %add3A_40 = arith.addi %mul3A_38, %add3A_39 : i32
    "tpu.region"() ({
      %run_scoped3A = tpu.sem_alloc : memref<!tpu.dma_semaphore, #tpu.memory_space<semaphore_mem>>
      %dma_start3A_78 = arith.constant 0 : i32
      %dma_start3A_79 = tpu.memref_slice %arg11[%mul3A_0, %dma_start3A_78] : memref<10240x64xf32, #tpu.memory_space<vmem_shared>> -> memref<640x64xf32, #tpu.memory_space<vmem_shared>>
      %dma_start3A_80 = arith.constant 0 : i32
      %dma_start3A_81 = tpu.memref_slice %arg2[%add3A_40, %mul3A_0, %dma_start3A_80] : memref<4x10240x64xf32, #tpu.memory_space<hbm>> -> memref<1x640x64xf32, #tpu.memory_space<hbm>>
      %dma_start3A_82 = tpu.memref_squeeze %dma_start3A_81 : memref<1x640x64xf32, #tpu.memory_space<hbm>> -> memref<640x64xf32, #tpu.memory_space<hbm>>
      tpu.enqueue_dma source(%dma_start3A_82 : memref<640x64xf32, #tpu.memory_space<hbm>>) target(%dma_start3A_79 : memref<640x64xf32, #tpu.memory_space<vmem_shared>>) target_semaphore(%run_scoped3A : memref<!tpu.dma_semaphore, #tpu.memory_space<semaphore_mem>>)
      %dma_wait3A_83 = arith.constant 0 : i32
      %dma_wait3A_84 = tpu.memref_slice %arg11[%mul3A_0, %dma_wait3A_83] : memref<10240x64xf32, #tpu.memory_space<vmem_shared>> -> memref<640x64xf32, #tpu.memory_space<vmem_shared>>
      %dma_wait3A_85 = arith.constant 0 : i32
      %dma_wait3A_86 = tpu.memref_slice %arg2[%add3A_40, %mul3A_0, %dma_wait3A_85] : memref<4x10240x64xf32, #tpu.memory_space<hbm>> -> memref<1x640x64xf32, #tpu.memory_space<hbm>>
      %dma_wait3A_87 = tpu.memref_squeeze %dma_wait3A_86 : memref<1x640x64xf32, #tpu.memory_space<hbm>> -> memref<640x64xf32, #tpu.memory_space<hbm>>
      tpu.wait_dma2 semaphore(%run_scoped3A : memref<!tpu.dma_semaphore, #tpu.memory_space<semaphore_mem>>) src(%dma_wait3A_87 : memref<640x64xf32, #tpu.memory_space<hbm>>) dst(%dma_wait3A_84 : memref<640x64xf32, #tpu.memory_space<vmem_shared>>)
      tpu.yield
    }) : () -> ()
    %barrier3A_41 = arith.constant 0 : index
    tpu.barrier barrier_id(%barrier3A_41)
    %dma_start3A_42 = arith.constant 0 : i32
    %dma_start3A_43 = arith.constant 0 : i32
    %dma_start3A_44 = tpu.memref_slice %arg6[%dma_start3A_42, %dma_start3A_43] : memref<159x128xi32, #tpu.memory_space<vmem>> -> memref<1x128xi32, #tpu.memory_space<vmem>>
    %dma_start3A_45 = tpu.memref_squeeze %dma_start3A_44 : memref<1x128xi32, #tpu.memory_space<vmem>> -> memref<128xi32, #tpu.memory_space<vmem>>
    %dma_start3A_46 = arith.constant 0 : i32
    %dma_start3A_47 = arith.constant 0 : i32
    %dma_start3A_48 = tpu.memref_slice %arg2[%add3A_40, %dma_start3A_46, %dma_start3A_47] : memref<4x10240x64xf32, #tpu.memory_space<hbm>> -> memref<1x10240x64xf32, #tpu.memory_space<hbm>>
    %dma_start3A_49 = tpu.memref_squeeze %dma_start3A_48 : memref<1x10240x64xf32, #tpu.memory_space<hbm>> -> memref<10240x64xf32, #tpu.memory_space<hbm>>
    %dma_start3A_50 = arith.constant 0 : i32
    %dma_start3A_51 = arith.constant 0 : i32
    %dma_start3A_52 = tpu.memref_slice %dma_start3A_49[%dma_start3A_50, %dma_start3A_51] : memref<10240x64xf32, #tpu.memory_space<hbm>> -> memref<10240x64xf32, #tpu.memory_space<hbm>>
    tpu.enqueue_indirect_dma source(%dma_start3A_52 : memref<10240x64xf32, #tpu.memory_space<hbm>>) target(%arg8 : memref<128x64xf32, #tpu.memory_space<vmem>>) offsets(%dma_start3A_45 : memref<128xi32, #tpu.memory_space<vmem>>) semaphore(%arg12 : memref<!tpu.dma_semaphore, #tpu.memory_space<semaphore_mem>>)
    %dma_start3A_53 = arith.constant 1 : i32
    %dma_start3A_54 = arith.constant 0 : i32
    %dma_start3A_55 = tpu.memref_slice %arg6[%dma_start3A_53, %dma_start3A_54] : memref<159x128xi32, #tpu.memory_space<vmem>> -> memref<1x128xi32, #tpu.memory_space<vmem>>
    %dma_start3A_56 = tpu.memref_squeeze %dma_start3A_55 : memref<1x128xi32, #tpu.memory_space<vmem>> -> memref<128xi32, #tpu.memory_space<vmem>>
    %dma_start3A_57 = arith.constant 0 : i32
    %dma_start3A_58 = arith.constant 0 : i32
    %dma_start3A_59 = tpu.memref_slice %arg2[%add3A_40, %dma_start3A_57, %dma_start3A_58] : memref<4x10240x64xf32, #tpu.memory_space<hbm>> -> memref<1x10240x64xf32, #tpu.memory_space<hbm>>
    %dma_start3A_60 = tpu.memref_squeeze %dma_start3A_59 : memref<1x10240x64xf32, #tpu.memory_space<hbm>> -> memref<10240x64xf32, #tpu.memory_space<hbm>>
    %dma_start3A_61 = arith.constant 0 : i32
    %dma_start3A_62 = arith.constant 0 : i32
    %dma_start3A_63 = tpu.memref_slice %dma_start3A_60[%dma_start3A_61, %dma_start3A_62] : memref<10240x64xf32, #tpu.memory_space<hbm>> -> memref<10240x64xf32, #tpu.memory_space<hbm>>
    tpu.enqueue_indirect_dma source(%dma_start3A_63 : memref<10240x64xf32, #tpu.memory_space<hbm>>) target(%arg9 : memref<128x64xf32, #tpu.memory_space<vmem>>) offsets(%dma_start3A_56 : memref<128xi32, #tpu.memory_space<vmem>>) semaphore(%arg13 : memref<!tpu.dma_semaphore, #tpu.memory_space<semaphore_mem>>)
    %scan3A_64 = arith.constant 0 : i32
    %scan3A_65 = arith.constant 0 : i32
    %scan3A_66 = arith.constant 53 : i32
    %scan3A_67 = arith.addi %scan3A_65, %scan3A_66 : i32
    %scan3A_68 = arith.constant 1 : i32
    scf.for %scan3A_78 = %scan3A_65 to %scan3A_67 step %scan3A_68  : i32 {
      %mul3A_79 = arith.constant 3 : i32
      %mul3A_80 = arith.muli %mul3A_79, %scan3A_78 : i32
      %add3A_81 = arith.constant 0 : i32
      %add3A_82 = arith.addi %mul3A_80, %add3A_81 : i32
      %dma_wait3A_83 = arith.constant 0 : i32
      %dma_wait3A_84 = tpu.memref_slice %arg6[%add3A_82, %dma_wait3A_83] : memref<159x128xi32, #tpu.memory_space<vmem>> -> memref<1x128xi32, #tpu.memory_space<vmem>>
      %dma_wait3A_85 = tpu.memref_squeeze %dma_wait3A_84 : memref<1x128xi32, #tpu.memory_space<vmem>> -> memref<128xi32, #tpu.memory_space<vmem>>
      %dma_wait3A_86 = arith.constant 0 : i32
      %dma_wait3A_87 = arith.constant 0 : i32
      %dma_wait3A_88 = tpu.memref_slice %arg2[%add3A_40, %dma_wait3A_86, %dma_wait3A_87] : memref<4x10240x64xf32, #tpu.memory_space<hbm>> -> memref<1x10240x64xf32, #tpu.memory_space<hbm>>
      %dma_wait3A_89 = tpu.memref_squeeze %dma_wait3A_88 : memref<1x10240x64xf32, #tpu.memory_space<hbm>> -> memref<10240x64xf32, #tpu.memory_space<hbm>>
      %dma_wait3A_90 = arith.constant 0 : i32
      %dma_wait3A_91 = arith.constant 0 : i32
      %dma_wait3A_92 = tpu.memref_slice %dma_wait3A_89[%dma_wait3A_90, %dma_wait3A_91] : memref<10240x64xf32, #tpu.memory_space<hbm>> -> memref<10240x64xf32, #tpu.memory_space<hbm>>
      tpu.wait_indirect_dma semaphore(%arg12 : memref<!tpu.dma_semaphore, #tpu.memory_space<semaphore_mem>>) src(%dma_wait3A_92 : memref<10240x64xf32, #tpu.memory_space<hbm>>) dst(%arg8 : memref<128x64xf32, #tpu.memory_space<vmem>>)
      %dma_start3A_93 = arith.constant 0 : i32
      %dma_start3A_94 = tpu.memref_slice %arg7[%add3A_82, %dma_start3A_93] : memref<159x128xi32, #tpu.memory_space<vmem>> -> memref<1x128xi32, #tpu.memory_space<vmem>>
      %dma_start3A_95 = tpu.memref_squeeze %dma_start3A_94 : memref<1x128xi32, #tpu.memory_space<vmem>> -> memref<128xi32, #tpu.memory_space<vmem>>
      %dma_start3A_96 = arith.constant 0 : i32
      %dma_start3A_97 = arith.constant 0 : i32
      %dma_start3A_98 = tpu.memref_slice %arg11[%dma_start3A_96, %dma_start3A_97] : memref<10240x64xf32, #tpu.memory_space<vmem_shared>> -> memref<10240x64xf32, #tpu.memory_space<vmem_shared>>
      tpu.enqueue_indirect_dma source(%arg8 : memref<128x64xf32, #tpu.memory_space<vmem>>) target(%dma_start3A_98 : memref<10240x64xf32, #tpu.memory_space<vmem_shared>>) offsets(%dma_start3A_95 : memref<128xi32, #tpu.memory_space<vmem>>) semaphore(%arg15 : memref<!tpu.dma_semaphore, #tpu.memory_space<semaphore_mem>>) {add = true}
      %gt3A = arith.constant 0 : i32
      %gt3A_99 = arith.cmpi sgt, %scan3A_78, %gt3A : i32
      %convert_element_type3A = arith.extui %gt3A_99 : i1 to i32
      %cond3A = arith.constant 0 : i32
      %cond3A_100 = arith.cmpi ne, %convert_element_type3A, %cond3A : i32
      scf.if %cond3A_100 {
        %sub3A_182 = arith.constant 1 : i32
        %sub3A_183 = arith.subi %add3A_82, %sub3A_182 : i32
        %dma_wait3A_184 = arith.constant 0 : i32
        %dma_wait3A_185 = tpu.memref_slice %arg7[%sub3A_183, %dma_wait3A_184] : memref<159x128xi32, #tpu.memory_space<vmem>> -> memref<1x128xi32, #tpu.memory_space<vmem>>
        %dma_wait3A_186 = tpu.memref_squeeze %dma_wait3A_185 : memref<1x128xi32, #tpu.memory_space<vmem>> -> memref<128xi32, #tpu.memory_space<vmem>>
        %dma_wait3A_187 = arith.constant 0 : i32
        %dma_wait3A_188 = arith.constant 0 : i32
        %dma_wait3A_189 = tpu.memref_slice %arg11[%dma_wait3A_187, %dma_wait3A_188] : memref<10240x64xf32, #tpu.memory_space<vmem_shared>> -> memref<10240x64xf32, #tpu.memory_space<vmem_shared>>
        tpu.wait_indirect_dma semaphore(%arg17 : memref<!tpu.dma_semaphore, #tpu.memory_space<semaphore_mem>>) src(%arg10 : memref<128x64xf32, #tpu.memory_space<vmem>>) dst(%dma_wait3A_189 : memref<10240x64xf32, #tpu.memory_space<vmem_shared>>)
      } else {
      }
      %add3A_101 = arith.constant 3 : i32
      %add3A_102 = arith.addi %add3A_82, %add3A_101 : i32
      %sub3A = arith.constant 1 : i32
      %sub3A_103 = arith.subi %add3A_102, %sub3A : i32
      %lt3A = arith.constant 159 : i32
      %lt3A_104 = arith.cmpi slt, %sub3A_103, %lt3A : i32
      %convert_element_type3A_105 = arith.extui %lt3A_104 : i1 to i32
      %cond3A_106 = arith.constant 0 : i32
      %cond3A_107 = arith.cmpi ne, %convert_element_type3A_105, %cond3A_106 : i32
      scf.if %cond3A_107 {
        %add3A_182 = arith.constant 3 : i32
        %add3A_183 = arith.addi %add3A_82, %add3A_182 : i32
        %sub3A_184 = arith.constant 1 : i32
        %sub3A_185 = arith.subi %add3A_183, %sub3A_184 : i32
        %dma_start3A_186 = arith.constant 0 : i32
        %dma_start3A_187 = tpu.memref_slice %arg6[%sub3A_185, %dma_start3A_186] : memref<159x128xi32, #tpu.memory_space<vmem>> -> memref<1x128xi32, #tpu.memory_space<vmem>>
        %dma_start3A_188 = tpu.memref_squeeze %dma_start3A_187 : memref<1x128xi32, #tpu.memory_space<vmem>> -> memref<128xi32, #tpu.memory_space<vmem>>
        %dma_start3A_189 = arith.constant 0 : i32
        %dma_start3A_190 = arith.constant 0 : i32
        %dma_start3A_191 = tpu.memref_slice %arg2[%add3A_40, %dma_start3A_189, %dma_start3A_190] : memref<4x10240x64xf32, #tpu.memory_space<hbm>> -> memref<1x10240x64xf32, #tpu.memory_space<hbm>>
        %dma_start3A_192 = tpu.memref_squeeze %dma_start3A_191 : memref<1x10240x64xf32, #tpu.memory_space<hbm>> -> memref<10240x64xf32, #tpu.memory_space<hbm>>
        %dma_start3A_193 = arith.constant 0 : i32
        %dma_start3A_194 = arith.constant 0 : i32
        %dma_start3A_195 = tpu.memref_slice %dma_start3A_192[%dma_start3A_193, %dma_start3A_194] : memref<10240x64xf32, #tpu.memory_space<hbm>> -> memref<10240x64xf32, #tpu.memory_space<hbm>>
        tpu.enqueue_indirect_dma source(%dma_start3A_195 : memref<10240x64xf32, #tpu.memory_space<hbm>>) target(%arg10 : memref<128x64xf32, #tpu.memory_space<vmem>>) offsets(%dma_start3A_188 : memref<128xi32, #tpu.memory_space<vmem>>) semaphore(%arg14 : memref<!tpu.dma_semaphore, #tpu.memory_space<semaphore_mem>>)
      } else {
      }
      %mul3A_108 = arith.constant 3 : i32
      %mul3A_109 = arith.muli %mul3A_108, %scan3A_78 : i32
      %add3A_110 = arith.constant 1 : i32
      %add3A_111 = arith.addi %mul3A_109, %add3A_110 : i32
      %dma_wait3A_112 = arith.constant 0 : i32
      %dma_wait3A_113 = tpu.memref_slice %arg6[%add3A_111, %dma_wait3A_112] : memref<159x128xi32, #tpu.memory_space<vmem>> -> memref<1x128xi32, #tpu.memory_space<vmem>>
      %dma_wait3A_114 = tpu.memref_squeeze %dma_wait3A_113 : memref<1x128xi32, #tpu.memory_space<vmem>> -> memref<128xi32, #tpu.memory_space<vmem>>
      %dma_wait3A_115 = arith.constant 0 : i32
      %dma_wait3A_116 = arith.constant 0 : i32
      %dma_wait3A_117 = tpu.memref_slice %arg2[%add3A_40, %dma_wait3A_115, %dma_wait3A_116] : memref<4x10240x64xf32, #tpu.memory_space<hbm>> -> memref<1x10240x64xf32, #tpu.memory_space<hbm>>
      %dma_wait3A_118 = tpu.memref_squeeze %dma_wait3A_117 : memref<1x10240x64xf32, #tpu.memory_space<hbm>> -> memref<10240x64xf32, #tpu.memory_space<hbm>>
      %dma_wait3A_119 = arith.constant 0 : i32
      %dma_wait3A_120 = arith.constant 0 : i32
      %dma_wait3A_121 = tpu.memref_slice %dma_wait3A_118[%dma_wait3A_119, %dma_wait3A_120] : memref<10240x64xf32, #tpu.memory_space<hbm>> -> memref<10240x64xf32, #tpu.memory_space<hbm>>
      tpu.wait_indirect_dma semaphore(%arg13 : memref<!tpu.dma_semaphore, #tpu.memory_space<semaphore_mem>>) src(%dma_wait3A_121 : memref<10240x64xf32, #tpu.memory_space<hbm>>) dst(%arg9 : memref<128x64xf32, #tpu.memory_space<vmem>>)
      %dma_start3A_122 = arith.constant 0 : i32
      %dma_start3A_123 = tpu.memref_slice %arg7[%add3A_111, %dma_start3A_122] : memref<159x128xi32, #tpu.memory_space<vmem>> -> memref<1x128xi32, #tpu.memory_space<vmem>>
      %dma_start3A_124 = tpu.memref_squeeze %dma_start3A_123 : memref<1x128xi32, #tpu.memory_space<vmem>> -> memref<128xi32, #tpu.memory_space<vmem>>
      %dma_start3A_125 = arith.constant 0 : i32
      %dma_start3A_126 = arith.constant 0 : i32
      %dma_start3A_127 = tpu.memref_slice %arg11[%dma_start3A_125, %dma_start3A_126] : memref<10240x64xf32, #tpu.memory_space<vmem_shared>> -> memref<10240x64xf32, #tpu.memory_space<vmem_shared>>
      tpu.enqueue_indirect_dma source(%arg9 : memref<128x64xf32, #tpu.memory_space<vmem>>) target(%dma_start3A_127 : memref<10240x64xf32, #tpu.memory_space<vmem_shared>>) offsets(%dma_start3A_124 : memref<128xi32, #tpu.memory_space<vmem>>) semaphore(%arg16 : memref<!tpu.dma_semaphore, #tpu.memory_space<semaphore_mem>>) {add = true}
      %sub3A_128 = arith.constant 1 : i32
      %sub3A_129 = arith.subi %add3A_111, %sub3A_128 : i32
      %dma_wait3A_130 = arith.constant 0 : i32
      %dma_wait3A_131 = tpu.memref_slice %arg7[%sub3A_129, %dma_wait3A_130] : memref<159x128xi32, #tpu.memory_space<vmem>> -> memref<1x128xi32, #tpu.memory_space<vmem>>
      %dma_wait3A_132 = tpu.memref_squeeze %dma_wait3A_131 : memref<1x128xi32, #tpu.memory_space<vmem>> -> memref<128xi32, #tpu.memory_space<vmem>>
      %dma_wait3A_133 = arith.constant 0 : i32
      %dma_wait3A_134 = arith.constant 0 : i32
      %dma_wait3A_135 = tpu.memref_slice %arg11[%dma_wait3A_133, %dma_wait3A_134] : memref<10240x64xf32, #tpu.memory_space<vmem_shared>> -> memref<10240x64xf32, #tpu.memory_space<vmem_shared>>
      tpu.wait_indirect_dma semaphore(%arg15 : memref<!tpu.dma_semaphore, #tpu.memory_space<semaphore_mem>>) src(%arg8 : memref<128x64xf32, #tpu.memory_space<vmem>>) dst(%dma_wait3A_135 : memref<10240x64xf32, #tpu.memory_space<vmem_shared>>)
      %add3A_136 = arith.constant 3 : i32
      %add3A_137 = arith.addi %add3A_111, %add3A_136 : i32
      %sub3A_138 = arith.constant 1 : i32
      %sub3A_139 = arith.subi %add3A_137, %sub3A_138 : i32
      %lt3A_140 = arith.constant 159 : i32
      %lt3A_141 = arith.cmpi slt, %sub3A_139, %lt3A_140 : i32
      %convert_element_type3A_142 = arith.extui %lt3A_141 : i1 to i32
      %cond3A_143 = arith.constant 0 : i32
      %cond3A_144 = arith.cmpi ne, %convert_element_type3A_142, %cond3A_143 : i32
      scf.if %cond3A_144 {
        %add3A_182 = arith.constant 3 : i32
        %add3A_183 = arith.addi %add3A_111, %add3A_182 : i32
        %sub3A_184 = arith.constant 1 : i32
        %sub3A_185 = arith.subi %add3A_183, %sub3A_184 : i32
        %dma_start3A_186 = arith.constant 0 : i32
        %dma_start3A_187 = tpu.memref_slice %arg6[%sub3A_185, %dma_start3A_186] : memref<159x128xi32, #tpu.memory_space<vmem>> -> memref<1x128xi32, #tpu.memory_space<vmem>>
        %dma_start3A_188 = tpu.memref_squeeze %dma_start3A_187 : memref<1x128xi32, #tpu.memory_space<vmem>> -> memref<128xi32, #tpu.memory_space<vmem>>
        %dma_start3A_189 = arith.constant 0 : i32
        %dma_start3A_190 = arith.constant 0 : i32
        %dma_start3A_191 = tpu.memref_slice %arg2[%add3A_40, %dma_start3A_189, %dma_start3A_190] : memref<4x10240x64xf32, #tpu.memory_space<hbm>> -> memref<1x10240x64xf32, #tpu.memory_space<hbm>>
        %dma_start3A_192 = tpu.memref_squeeze %dma_start3A_191 : memref<1x10240x64xf32, #tpu.memory_space<hbm>> -> memref<10240x64xf32, #tpu.memory_space<hbm>>
        %dma_start3A_193 = arith.constant 0 : i32
        %dma_start3A_194 = arith.constant 0 : i32
        %dma_start3A_195 = tpu.memref_slice %dma_start3A_192[%dma_start3A_193, %dma_start3A_194] : memref<10240x64xf32, #tpu.memory_space<hbm>> -> memref<10240x64xf32, #tpu.memory_space<hbm>>
        tpu.enqueue_indirect_dma source(%dma_start3A_195 : memref<10240x64xf32, #tpu.memory_space<hbm>>) target(%arg8 : memref<128x64xf32, #tpu.memory_space<vmem>>) offsets(%dma_start3A_188 : memref<128xi32, #tpu.memory_space<vmem>>) semaphore(%arg12 : memref<!tpu.dma_semaphore, #tpu.memory_space<semaphore_mem>>)
      } else {
      }
      %mul3A_145 = arith.constant 3 : i32
      %mul3A_146 = arith.muli %mul3A_145, %scan3A_78 : i32
      %add3A_147 = arith.constant 2 : i32
      %add3A_148 = arith.addi %mul3A_146, %add3A_147 : i32
      %dma_wait3A_149 = arith.constant 0 : i32
      %dma_wait3A_150 = tpu.memref_slice %arg6[%add3A_148, %dma_wait3A_149] : memref<159x128xi32, #tpu.memory_space<vmem>> -> memref<1x128xi32, #tpu.memory_space<vmem>>
      %dma_wait3A_151 = tpu.memref_squeeze %dma_wait3A_150 : memref<1x128xi32, #tpu.memory_space<vmem>> -> memref<128xi32, #tpu.memory_space<vmem>>
      %dma_wait3A_152 = arith.constant 0 : i32
      %dma_wait3A_153 = arith.constant 0 : i32
      %dma_wait3A_154 = tpu.memref_slice %arg2[%add3A_40, %dma_wait3A_152, %dma_wait3A_153] : memref<4x10240x64xf32, #tpu.memory_space<hbm>> -> memref<1x10240x64xf32, #tpu.memory_space<hbm>>
      %dma_wait3A_155 = tpu.memref_squeeze %dma_wait3A_154 : memref<1x10240x64xf32, #tpu.memory_space<hbm>> -> memref<10240x64xf32, #tpu.memory_space<hbm>>
      %dma_wait3A_156 = arith.constant 0 : i32
      %dma_wait3A_157 = arith.constant 0 : i32
      %dma_wait3A_158 = tpu.memref_slice %dma_wait3A_155[%dma_wait3A_156, %dma_wait3A_157] : memref<10240x64xf32, #tpu.memory_space<hbm>> -> memref<10240x64xf32, #tpu.memory_space<hbm>>
      tpu.wait_indirect_dma semaphore(%arg14 : memref<!tpu.dma_semaphore, #tpu.memory_space<semaphore_mem>>) src(%dma_wait3A_158 : memref<10240x64xf32, #tpu.memory_space<hbm>>) dst(%arg10 : memref<128x64xf32, #tpu.memory_space<vmem>>)
      %dma_start3A_159 = arith.constant 0 : i32
      %dma_start3A_160 = tpu.memref_slice %arg7[%add3A_148, %dma_start3A_159] : memref<159x128xi32, #tpu.memory_space<vmem>> -> memref<1x128xi32, #tpu.memory_space<vmem>>
      %dma_start3A_161 = tpu.memref_squeeze %dma_start3A_160 : memref<1x128xi32, #tpu.memory_space<vmem>> -> memref<128xi32, #tpu.memory_space<vmem>>
      %dma_start3A_162 = arith.constant 0 : i32
      %dma_start3A_163 = arith.constant 0 : i32
      %dma_start3A_164 = tpu.memref_slice %arg11[%dma_start3A_162, %dma_start3A_163] : memref<10240x64xf32, #tpu.memory_space<vmem_shared>> -> memref<10240x64xf32, #tpu.memory_space<vmem_shared>>
      tpu.enqueue_indirect_dma source(%arg10 : memref<128x64xf32, #tpu.memory_space<vmem>>) target(%dma_start3A_164 : memref<10240x64xf32, #tpu.memory_space<vmem_shared>>) offsets(%dma_start3A_161 : memref<128xi32, #tpu.memory_space<vmem>>) semaphore(%arg17 : memref<!tpu.dma_semaphore, #tpu.memory_space<semaphore_mem>>) {add = true}
      %sub3A_165 = arith.constant 1 : i32
      %sub3A_166 = arith.subi %add3A_148, %sub3A_165 : i32
      %dma_wait3A_167 = arith.constant 0 : i32
      %dma_wait3A_168 = tpu.memref_slice %arg7[%sub3A_166, %dma_wait3A_167] : memref<159x128xi32, #tpu.memory_space<vmem>> -> memref<1x128xi32, #tpu.memory_space<vmem>>
      %dma_wait3A_169 = tpu.memref_squeeze %dma_wait3A_168 : memref<1x128xi32, #tpu.memory_space<vmem>> -> memref<128xi32, #tpu.memory_space<vmem>>
      %dma_wait3A_170 = arith.constant 0 : i32
      %dma_wait3A_171 = arith.constant 0 : i32
      %dma_wait3A_172 = tpu.memref_slice %arg11[%dma_wait3A_170, %dma_wait3A_171] : memref<10240x64xf32, #tpu.memory_space<vmem_shared>> -> memref<10240x64xf32, #tpu.memory_space<vmem_shared>>
      tpu.wait_indirect_dma semaphore(%arg16 : memref<!tpu.dma_semaphore, #tpu.memory_space<semaphore_mem>>) src(%arg9 : memref<128x64xf32, #tpu.memory_space<vmem>>) dst(%dma_wait3A_172 : memref<10240x64xf32, #tpu.memory_space<vmem_shared>>)
      %add3A_173 = arith.constant 3 : i32
      %add3A_174 = arith.addi %add3A_148, %add3A_173 : i32
      %sub3A_175 = arith.constant 1 : i32
      %sub3A_176 = arith.subi %add3A_174, %sub3A_175 : i32
      %lt3A_177 = arith.constant 159 : i32
      %lt3A_178 = arith.cmpi slt, %sub3A_176, %lt3A_177 : i32
      %convert_element_type3A_179 = arith.extui %lt3A_178 : i1 to i32
      %cond3A_180 = arith.constant 0 : i32
      %cond3A_181 = arith.cmpi ne, %convert_element_type3A_179, %cond3A_180 : i32
      scf.if %cond3A_181 {
        %add3A_182 = arith.constant 3 : i32
        %add3A_183 = arith.addi %add3A_148, %add3A_182 : i32
        %sub3A_184 = arith.constant 1 : i32
        %sub3A_185 = arith.subi %add3A_183, %sub3A_184 : i32
        %dma_start3A_186 = arith.constant 0 : i32
        %dma_start3A_187 = tpu.memref_slice %arg6[%sub3A_185, %dma_start3A_186] : memref<159x128xi32, #tpu.memory_space<vmem>> -> memref<1x128xi32, #tpu.memory_space<vmem>>
        %dma_start3A_188 = tpu.memref_squeeze %dma_start3A_187 : memref<1x128xi32, #tpu.memory_space<vmem>> -> memref<128xi32, #tpu.memory_space<vmem>>
        %dma_start3A_189 = arith.constant 0 : i32
        %dma_start3A_190 = arith.constant 0 : i32
        %dma_start3A_191 = tpu.memref_slice %arg2[%add3A_40, %dma_start3A_189, %dma_start3A_190] : memref<4x10240x64xf32, #tpu.memory_space<hbm>> -> memref<1x10240x64xf32, #tpu.memory_space<hbm>>
        %dma_start3A_192 = tpu.memref_squeeze %dma_start3A_191 : memref<1x10240x64xf32, #tpu.memory_space<hbm>> -> memref<10240x64xf32, #tpu.memory_space<hbm>>
        %dma_start3A_193 = arith.constant 0 : i32
        %dma_start3A_194 = arith.constant 0 : i32
        %dma_start3A_195 = tpu.memref_slice %dma_start3A_192[%dma_start3A_193, %dma_start3A_194] : memref<10240x64xf32, #tpu.memory_space<hbm>> -> memref<10240x64xf32, #tpu.memory_space<hbm>>
        tpu.enqueue_indirect_dma source(%dma_start3A_195 : memref<10240x64xf32, #tpu.memory_space<hbm>>) target(%arg9 : memref<128x64xf32, #tpu.memory_space<vmem>>) offsets(%dma_start3A_188 : memref<128xi32, #tpu.memory_space<vmem>>) semaphore(%arg13 : memref<!tpu.dma_semaphore, #tpu.memory_space<semaphore_mem>>)
      } else {
      }
    }
    %scan3A_69 = arith.constant 53 : i32
    %dma_wait3A_70 = arith.constant 158 : i32
    %dma_wait3A_71 = arith.constant 0 : i32
    %dma_wait3A_72 = tpu.memref_slice %arg7[%dma_wait3A_70, %dma_wait3A_71] : memref<159x128xi32, #tpu.memory_space<vmem>> -> memref<1x128xi32, #tpu.memory_space<vmem>>
    %dma_wait3A_73 = tpu.memref_squeeze %dma_wait3A_72 : memref<1x128xi32, #tpu.memory_space<vmem>> -> memref<128xi32, #tpu.memory_space<vmem>>
    %dma_wait3A_74 = arith.constant 0 : i32
    %dma_wait3A_75 = arith.constant 0 : i32
    %dma_wait3A_76 = tpu.memref_slice %arg11[%dma_wait3A_74, %dma_wait3A_75] : memref<10240x64xf32, #tpu.memory_space<vmem_shared>> -> memref<10240x64xf32, #tpu.memory_space<vmem_shared>>
    tpu.wait_indirect_dma semaphore(%arg17 : memref<!tpu.dma_semaphore, #tpu.memory_space<semaphore_mem>>) src(%arg10 : memref<128x64xf32, #tpu.memory_space<vmem>>) dst(%dma_wait3A_76 : memref<10240x64xf32, #tpu.memory_space<vmem_shared>>)
    %barrier3A_77 = arith.constant 0 : index
    tpu.barrier barrier_id(%barrier3A_77)
    "tpu.region"() ({
      %run_scoped3A = tpu.sem_alloc : memref<!tpu.dma_semaphore, #tpu.memory_space<semaphore_mem>>
      %dma_start3A_78 = arith.constant 0 : i32
      %dma_start3A_79 = tpu.memref_slice %arg5[%add3A_40, %mul3A_0, %dma_start3A_78] : memref<4x10240x64xf32, #tpu.memory_space<hbm>> -> memref<1x640x64xf32, #tpu.memory_space<hbm>>
      %dma_start3A_80 = tpu.memref_squeeze %dma_start3A_79 : memref<1x640x64xf32, #tpu.memory_space<hbm>> -> memref<640x64xf32, #tpu.memory_space<hbm>>
      %dma_start3A_81 = arith.constant 0 : i32
      %dma_start3A_82 = tpu.memref_slice %arg11[%mul3A_0, %dma_start3A_81] : memref<10240x64xf32, #tpu.memory_space<vmem_shared>> -> memref<640x64xf32, #tpu.memory_space<vmem_shared>>
      tpu.enqueue_dma source(%dma_start3A_82 : memref<640x64xf32, #tpu.memory_space<vmem_shared>>) target(%dma_start3A_80 : memref<640x64xf32, #tpu.memory_space<hbm>>) target_semaphore(%run_scoped3A : memref<!tpu.dma_semaphore, #tpu.memory_space<semaphore_mem>>)
      %dma_wait3A_83 = arith.constant 0 : i32
      %dma_wait3A_84 = tpu.memref_slice %arg5[%add3A_40, %mul3A_0, %dma_wait3A_83] : memref<4x10240x64xf32, #tpu.memory_space<hbm>> -> memref<1x640x64xf32, #tpu.memory_space<hbm>>
      %dma_wait3A_85 = tpu.memref_squeeze %dma_wait3A_84 : memref<1x640x64xf32, #tpu.memory_space<hbm>> -> memref<640x64xf32, #tpu.memory_space<hbm>>
      %dma_wait3A_86 = arith.constant 0 : i32
      %dma_wait3A_87 = tpu.memref_slice %arg11[%mul3A_0, %dma_wait3A_86] : memref<10240x64xf32, #tpu.memory_space<vmem_shared>> -> memref<640x64xf32, #tpu.memory_space<vmem_shared>>
      tpu.wait_dma2 semaphore(%run_scoped3A : memref<!tpu.dma_semaphore, #tpu.memory_space<semaphore_mem>>) src(%dma_wait3A_87 : memref<640x64xf32, #tpu.memory_space<vmem_shared>>) dst(%dma_wait3A_85 : memref<640x64xf32, #tpu.memory_space<hbm>>)
      tpu.yield
    }) : () -> ()
    return
  }
}

#map = affine_map<(d0, d1) -> (0, 0, 0)>
module attributes {stable_mosaic.version = 14 : i64} {
  func.func @_agg_kernel(%arg0: i32, %arg1: i32, %arg2: memref<4x10240x64xf32, #tpu.memory_space<hbm>>, %arg3: memref<16x159x128xi32, #tpu.memory_space<hbm>>, %arg4: memref<16x159x128xi32, #tpu.memory_space<hbm>>, %arg5: memref<4x10240x64xf32, #tpu.memory_space<hbm>>, %arg6: memref<159x128xi32, #tpu.memory_space<vmem>>, %arg7: memref<159x128xi32, #tpu.memory_space<vmem>>, %arg8: memref<128x64xf32, #tpu.memory_space<vmem>>, %arg9: memref<128x64xf32, #tpu.memory_space<vmem>>, %arg10: memref<128x64xf32, #tpu.memory_space<vmem>>, %arg11: memref<10240x64xf32, #tpu.memory_space<vmem_shared>>, %arg12: memref<!tpu.dma_semaphore, #tpu.memory_space<semaphore_mem>>, %arg13: memref<!tpu.dma_semaphore, #tpu.memory_space<semaphore_mem>>, %arg14: memref<!tpu.dma_semaphore, #tpu.memory_space<semaphore_mem>>, %arg15: memref<!tpu.dma_semaphore, #tpu.memory_space<semaphore_mem>>, %arg16: memref<!tpu.dma_semaphore, #tpu.memory_space<semaphore_mem>>, %arg17: memref<!tpu.dma_semaphore, #tpu.memory_space<semaphore_mem>>) attributes {dimension_semantics = [#tpu.dimension_semantics<core_parallel>, #tpu.dimension_semantics<subcore_parallel>], iteration_bounds = array<i64: 2, 16>, scalar_prefetch = 0 : i64, scratch_operands = 12 : i64, tpu.core_type = #tpu.core_type<sc_vector_subcore>, window_params = [{transform_indices = #map}, {transform_indices = #map}, {transform_indices = #map}, {transform_indices = #map}]} {
    "tpu.region"() ({
      %run_scoped3A = tpu.sem_alloc : memref<!tpu.dma_semaphore, #tpu.memory_space<semaphore_mem>>
      %dma_start3A_78 = arith.constant 0 : i32
      %dma_start3A_79 = arith.constant 0 : i32
      %dma_start3A_80 = tpu.memref_slice %arg3[%arg1, %dma_start3A_78, %dma_start3A_79] : memref<16x159x128xi32, #tpu.memory_space<hbm>> -> memref<1x159x128xi32, #tpu.memory_space<hbm>>
      %dma_start3A_81 = tpu.memref_squeeze %dma_start3A_80 : memref<1x159x128xi32, #tpu.memory_space<hbm>> -> memref<159x128xi32, #tpu.memory_space<hbm>>
      %dma_start3A_82 = arith.constant 0 : i32
      %dma_start3A_83 = arith.constant 0 : i32
      %dma_start3A_84 = tpu.memref_slice %arg3[%arg1, %dma_start3A_82, %dma_start3A_83] : memref<16x159x128xi32, #tpu.memory_space<hbm>> -> memref<1x159x128xi32, #tpu.memory_space<hbm>>
      %dma_start3A_85 = tpu.memref_squeeze %dma_start3A_84 : memref<1x159x128xi32, #tpu.memory_space<hbm>> -> memref<159x128xi32, #tpu.memory_space<hbm>>
      tpu.enqueue_dma source(%dma_start3A_85 : memref<159x128xi32, #tpu.memory_space<hbm>>) target(%arg6 : memref<159x128xi32, #tpu.memory_space<vmem>>) target_semaphore(%run_scoped3A : memref<!tpu.dma_semaphore, #tpu.memory_space<semaphore_mem>>)
      %dma_wait3A_86 = arith.constant 0 : i32
      %dma_wait3A_87 = arith.constant 0 : i32
      %dma_wait3A_88 = tpu.memref_slice %arg3[%arg1, %dma_wait3A_86, %dma_wait3A_87] : memref<16x159x128xi32, #tpu.memory_space<hbm>> -> memref<1x159x128xi32, #tpu.memory_space<hbm>>
      %dma_wait3A_89 = tpu.memref_squeeze %dma_wait3A_88 : memref<1x159x128xi32, #tpu.memory_space<hbm>> -> memref<159x128xi32, #tpu.memory_space<hbm>>
      %dma_wait3A_90 = arith.constant 0 : i32
      %dma_wait3A_91 = arith.constant 0 : i32
      %dma_wait3A_92 = tpu.memref_slice %arg3[%arg1, %dma_wait3A_90, %dma_wait3A_91] : memref<16x159x128xi32, #tpu.memory_space<hbm>> -> memref<1x159x128xi32, #tpu.memory_space<hbm>>
      %dma_wait3A_93 = tpu.memref_squeeze %dma_wait3A_92 : memref<1x159x128xi32, #tpu.memory_space<hbm>> -> memref<159x128xi32, #tpu.memory_space<hbm>>
      tpu.wait_dma2 semaphore(%run_scoped3A : memref<!tpu.dma_semaphore, #tpu.memory_space<semaphore_mem>>) src(%dma_wait3A_93 : memref<159x128xi32, #tpu.memory_space<hbm>>) dst(%arg6 : memref<159x128xi32, #tpu.memory_space<vmem>>)
      tpu.yield
    }) : () -> ()
    "tpu.region"() ({
      %run_scoped3A = tpu.sem_alloc : memref<!tpu.dma_semaphore, #tpu.memory_space<semaphore_mem>>
      %dma_start3A_78 = arith.constant 0 : i32
      %dma_start3A_79 = arith.constant 0 : i32
      %dma_start3A_80 = tpu.memref_slice %arg4[%arg1, %dma_start3A_78, %dma_start3A_79] : memref<16x159x128xi32, #tpu.memory_space<hbm>> -> memref<1x159x128xi32, #tpu.memory_space<hbm>>
      %dma_start3A_81 = tpu.memref_squeeze %dma_start3A_80 : memref<1x159x128xi32, #tpu.memory_space<hbm>> -> memref<159x128xi32, #tpu.memory_space<hbm>>
      %dma_start3A_82 = arith.constant 0 : i32
      %dma_start3A_83 = arith.constant 0 : i32
      %dma_start3A_84 = tpu.memref_slice %arg4[%arg1, %dma_start3A_82, %dma_start3A_83] : memref<16x159x128xi32, #tpu.memory_space<hbm>> -> memref<1x159x128xi32, #tpu.memory_space<hbm>>
      %dma_start3A_85 = tpu.memref_squeeze %dma_start3A_84 : memref<1x159x128xi32, #tpu.memory_space<hbm>> -> memref<159x128xi32, #tpu.memory_space<hbm>>
      tpu.enqueue_dma source(%dma_start3A_85 : memref<159x128xi32, #tpu.memory_space<hbm>>) target(%arg7 : memref<159x128xi32, #tpu.memory_space<vmem>>) target_semaphore(%run_scoped3A : memref<!tpu.dma_semaphore, #tpu.memory_space<semaphore_mem>>)
      %dma_wait3A_86 = arith.constant 0 : i32
      %dma_wait3A_87 = arith.constant 0 : i32
      %dma_wait3A_88 = tpu.memref_slice %arg4[%arg1, %dma_wait3A_86, %dma_wait3A_87] : memref<16x159x128xi32, #tpu.memory_space<hbm>> -> memref<1x159x128xi32, #tpu.memory_space<hbm>>
      %dma_wait3A_89 = tpu.memref_squeeze %dma_wait3A_88 : memref<1x159x128xi32, #tpu.memory_space<hbm>> -> memref<159x128xi32, #tpu.memory_space<hbm>>
      %dma_wait3A_90 = arith.constant 0 : i32
      %dma_wait3A_91 = arith.constant 0 : i32
      %dma_wait3A_92 = tpu.memref_slice %arg4[%arg1, %dma_wait3A_90, %dma_wait3A_91] : memref<16x159x128xi32, #tpu.memory_space<hbm>> -> memref<1x159x128xi32, #tpu.memory_space<hbm>>
      %dma_wait3A_93 = tpu.memref_squeeze %dma_wait3A_92 : memref<1x159x128xi32, #tpu.memory_space<hbm>> -> memref<159x128xi32, #tpu.memory_space<hbm>>
      tpu.wait_dma2 semaphore(%run_scoped3A : memref<!tpu.dma_semaphore, #tpu.memory_space<semaphore_mem>>) src(%dma_wait3A_93 : memref<159x128xi32, #tpu.memory_space<hbm>>) dst(%arg7 : memref<159x128xi32, #tpu.memory_space<vmem>>)
      tpu.yield
    }) : () -> ()
    %mul3A = arith.constant 640 : i32
    %mul3A_0 = arith.muli %arg1, %mul3A : i32
    %mul3A_1 = arith.constant 2 : i32
    %mul3A_2 = arith.muli %mul3A_1, %arg0 : i32
    %add3A = arith.constant 0 : i32
    %add3A_3 = arith.addi %mul3A_2, %add3A : i32
    "tpu.region"() ({
      %run_scoped3A = tpu.sem_alloc : memref<!tpu.dma_semaphore, #tpu.memory_space<semaphore_mem>>
      %dma_start3A_78 = arith.constant 0 : i32
      %dma_start3A_79 = tpu.memref_slice %arg11[%mul3A_0, %dma_start3A_78] : memref<10240x64xf32, #tpu.memory_space<vmem_shared>> -> memref<640x64xf32, #tpu.memory_space<vmem_shared>>
      %dma_start3A_80 = arith.constant 0 : i32
      %dma_start3A_81 = tpu.memref_slice %arg2[%add3A_3, %mul3A_0, %dma_start3A_80] : memref<4x10240x64xf32, #tpu.memory_space<hbm>> -> memref<1x640x64xf32, #tpu.memory_space<hbm>>
      %dma_start3A_82 = tpu.memref_squeeze %dma_start3A_81 : memref<1x640x64xf32, #tpu.memory_space<hbm>> -> memref<640x64xf32, #tpu.memory_space<hbm>>
      tpu.enqueue_dma source(%dma_start3A_82 : memref<640x64xf32, #tpu.memory_space<hbm>>) target(%dma_start3A_79 : memref<640x64xf32, #tpu.memory_space<vmem_shared>>) target_semaphore(%run_scoped3A : memref<!tpu.dma_semaphore, #tpu.memory_space<semaphore_mem>>)
      %dma_wait3A_83 = arith.constant 0 : i32
      %dma_wait3A_84 = tpu.memref_slice %arg11[%mul3A_0, %dma_wait3A_83] : memref<10240x64xf32, #tpu.memory_space<vmem_shared>> -> memref<640x64xf32, #tpu.memory_space<vmem_shared>>
      %dma_wait3A_85 = arith.constant 0 : i32
      %dma_wait3A_86 = tpu.memref_slice %arg2[%add3A_3, %mul3A_0, %dma_wait3A_85] : memref<4x10240x64xf32, #tpu.memory_space<hbm>> -> memref<1x640x64xf32, #tpu.memory_space<hbm>>
      %dma_wait3A_87 = tpu.memref_squeeze %dma_wait3A_86 : memref<1x640x64xf32, #tpu.memory_space<hbm>> -> memref<640x64xf32, #tpu.memory_space<hbm>>
      tpu.wait_dma2 semaphore(%run_scoped3A : memref<!tpu.dma_semaphore, #tpu.memory_space<semaphore_mem>>) src(%dma_wait3A_87 : memref<640x64xf32, #tpu.memory_space<hbm>>) dst(%dma_wait3A_84 : memref<640x64xf32, #tpu.memory_space<vmem_shared>>)
      tpu.yield
    }) : () -> ()
    %barrier3A = arith.constant 0 : index
    tpu.barrier barrier_id(%barrier3A)
    %dma_start3A = arith.constant 0 : i32
    %dma_start3A_4 = arith.constant 0 : i32
    %dma_start3A_5 = tpu.memref_slice %arg6[%dma_start3A, %dma_start3A_4] : memref<159x128xi32, #tpu.memory_space<vmem>> -> memref<1x128xi32, #tpu.memory_space<vmem>>
    %dma_start3A_6 = tpu.memref_squeeze %dma_start3A_5 : memref<1x128xi32, #tpu.memory_space<vmem>> -> memref<128xi32, #tpu.memory_space<vmem>>
    %dma_start3A_7 = arith.constant 0 : i32
    %dma_start3A_8 = arith.constant 0 : i32
    %dma_start3A_9 = tpu.memref_slice %arg2[%add3A_3, %dma_start3A_7, %dma_start3A_8] : memref<4x10240x64xf32, #tpu.memory_space<hbm>> -> memref<1x10240x64xf32, #tpu.memory_space<hbm>>
    %dma_start3A_10 = tpu.memref_squeeze %dma_start3A_9 : memref<1x10240x64xf32, #tpu.memory_space<hbm>> -> memref<10240x64xf32, #tpu.memory_space<hbm>>
    %dma_start3A_11 = arith.constant 0 : i32
    %dma_start3A_12 = arith.constant 0 : i32
    %dma_start3A_13 = tpu.memref_slice %dma_start3A_10[%dma_start3A_11, %dma_start3A_12] : memref<10240x64xf32, #tpu.memory_space<hbm>> -> memref<10240x64xf32, #tpu.memory_space<hbm>>
    tpu.enqueue_indirect_dma source(%dma_start3A_13 : memref<10240x64xf32, #tpu.memory_space<hbm>>) target(%arg8 : memref<128x64xf32, #tpu.memory_space<vmem>>) offsets(%dma_start3A_6 : memref<128xi32, #tpu.memory_space<vmem>>) semaphore(%arg12 : memref<!tpu.dma_semaphore, #tpu.memory_space<semaphore_mem>>)
    %dma_start3A_14 = arith.constant 1 : i32
    %dma_start3A_15 = arith.constant 0 : i32
    %dma_start3A_16 = tpu.memref_slice %arg6[%dma_start3A_14, %dma_start3A_15] : memref<159x128xi32, #tpu.memory_space<vmem>> -> memref<1x128xi32, #tpu.memory_space<vmem>>
    %dma_start3A_17 = tpu.memref_squeeze %dma_start3A_16 : memref<1x128xi32, #tpu.memory_space<vmem>> -> memref<128xi32, #tpu.memory_space<vmem>>
    %dma_start3A_18 = arith.constant 0 : i32
    %dma_start3A_19 = arith.constant 0 : i32
    %dma_start3A_20 = tpu.memref_slice %arg2[%add3A_3, %dma_start3A_18, %dma_start3A_19] : memref<4x10240x64xf32, #tpu.memory_space<hbm>> -> memref<1x10240x64xf32, #tpu.memory_space<hbm>>
    %dma_start3A_21 = tpu.memref_squeeze %dma_start3A_20 : memref<1x10240x64xf32, #tpu.memory_space<hbm>> -> memref<10240x64xf32, #tpu.memory_space<hbm>>
    %dma_start3A_22 = arith.constant 0 : i32
    %dma_start3A_23 = arith.constant 0 : i32
    %dma_start3A_24 = tpu.memref_slice %dma_start3A_21[%dma_start3A_22, %dma_start3A_23] : memref<10240x64xf32, #tpu.memory_space<hbm>> -> memref<10240x64xf32, #tpu.memory_space<hbm>>
    tpu.enqueue_indirect_dma source(%dma_start3A_24 : memref<10240x64xf32, #tpu.memory_space<hbm>>) target(%arg9 : memref<128x64xf32, #tpu.memory_space<vmem>>) offsets(%dma_start3A_17 : memref<128xi32, #tpu.memory_space<vmem>>) semaphore(%arg13 : memref<!tpu.dma_semaphore, #tpu.memory_space<semaphore_mem>>)
    %scan3A = arith.constant 0 : i32
    %scan3A_25 = arith.constant 0 : i32
    %scan3A_26 = arith.constant 53 : i32
    %scan3A_27 = arith.addi %scan3A_25, %scan3A_26 : i32
    %scan3A_28 = arith.constant 1 : i32
    scf.for %scan3A_78 = %scan3A_25 to %scan3A_27 step %scan3A_28  : i32 {
      %mul3A_79 = arith.constant 3 : i32
      %mul3A_80 = arith.muli %mul3A_79, %scan3A_78 : i32
      %add3A_81 = arith.constant 0 : i32
      %add3A_82 = arith.addi %mul3A_80, %add3A_81 : i32
      %dma_wait3A_83 = arith.constant 0 : i32
      %dma_wait3A_84 = tpu.memref_slice %arg6[%add3A_82, %dma_wait3A_83] : memref<159x128xi32, #tpu.memory_space<vmem>> -> memref<1x128xi32, #tpu.memory_space<vmem>>
      %dma_wait3A_85 = tpu.memref_squeeze %dma_wait3A_84 : memref<1x128xi32, #tpu.memory_space<vmem>> -> memref<128xi32, #tpu.memory_space<vmem>>
      %dma_wait3A_86 = arith.constant 0 : i32
      %dma_wait3A_87 = arith.constant 0 : i32
      %dma_wait3A_88 = tpu.memref_slice %arg2[%add3A_3, %dma_wait3A_86, %dma_wait3A_87] : memref<4x10240x64xf32, #tpu.memory_space<hbm>> -> memref<1x10240x64xf32, #tpu.memory_space<hbm>>
      %dma_wait3A_89 = tpu.memref_squeeze %dma_wait3A_88 : memref<1x10240x64xf32, #tpu.memory_space<hbm>> -> memref<10240x64xf32, #tpu.memory_space<hbm>>
      %dma_wait3A_90 = arith.constant 0 : i32
      %dma_wait3A_91 = arith.constant 0 : i32
      %dma_wait3A_92 = tpu.memref_slice %dma_wait3A_89[%dma_wait3A_90, %dma_wait3A_91] : memref<10240x64xf32, #tpu.memory_space<hbm>> -> memref<10240x64xf32, #tpu.memory_space<hbm>>
      tpu.wait_indirect_dma semaphore(%arg12 : memref<!tpu.dma_semaphore, #tpu.memory_space<semaphore_mem>>) src(%dma_wait3A_92 : memref<10240x64xf32, #tpu.memory_space<hbm>>) dst(%arg8 : memref<128x64xf32, #tpu.memory_space<vmem>>)
      %dma_start3A_93 = arith.constant 0 : i32
      %dma_start3A_94 = tpu.memref_slice %arg7[%add3A_82, %dma_start3A_93] : memref<159x128xi32, #tpu.memory_space<vmem>> -> memref<1x128xi32, #tpu.memory_space<vmem>>
      %dma_start3A_95 = tpu.memref_squeeze %dma_start3A_94 : memref<1x128xi32, #tpu.memory_space<vmem>> -> memref<128xi32, #tpu.memory_space<vmem>>
      %dma_start3A_96 = arith.constant 0 : i32
      %dma_start3A_97 = arith.constant 0 : i32
      %dma_start3A_98 = tpu.memref_slice %arg11[%dma_start3A_96, %dma_start3A_97] : memref<10240x64xf32, #tpu.memory_space<vmem_shared>> -> memref<10240x64xf32, #tpu.memory_space<vmem_shared>>
      tpu.enqueue_indirect_dma source(%arg8 : memref<128x64xf32, #tpu.memory_space<vmem>>) target(%dma_start3A_98 : memref<10240x64xf32, #tpu.memory_space<vmem_shared>>) offsets(%dma_start3A_95 : memref<128xi32, #tpu.memory_space<vmem>>) semaphore(%arg15 : memref<!tpu.dma_semaphore, #tpu.memory_space<semaphore_mem>>) {add = true}
      %gt3A = arith.constant 0 : i32
      %gt3A_99 = arith.cmpi sgt, %scan3A_78, %gt3A : i32
      %convert_element_type3A = arith.extui %gt3A_99 : i1 to i32
      %cond3A = arith.constant 0 : i32
      %cond3A_100 = arith.cmpi ne, %convert_element_type3A, %cond3A : i32
      scf.if %cond3A_100 {
        %sub3A_182 = arith.constant 1 : i32
        %sub3A_183 = arith.subi %add3A_82, %sub3A_182 : i32
        %dma_wait3A_184 = arith.constant 0 : i32
        %dma_wait3A_185 = tpu.memref_slice %arg7[%sub3A_183, %dma_wait3A_184] : memref<159x128xi32, #tpu.memory_space<vmem>> -> memref<1x128xi32, #tpu.memory_space<vmem>>
        %dma_wait3A_186 = tpu.memref_squeeze %dma_wait3A_185 : memref<1x128xi32, #tpu.memory_space<vmem>> -> memref<128xi32, #tpu.memory_space<vmem>>
        %dma_wait3A_187 = arith.constant 0 : i32
        %dma_wait3A_188 = arith.constant 0 : i32
        %dma_wait3A_189 = tpu.memref_slice %arg11[%dma_wait3A_187, %dma_wait3A_188] : memref<10240x64xf32, #tpu.memory_space<vmem_shared>> -> memref<10240x64xf32, #tpu.memory_space<vmem_shared>>
        tpu.wait_indirect_dma semaphore(%arg17 : memref<!tpu.dma_semaphore, #tpu.memory_space<semaphore_mem>>) src(%arg10 : memref<128x64xf32, #tpu.memory_space<vmem>>) dst(%dma_wait3A_189 : memref<10240x64xf32, #tpu.memory_space<vmem_shared>>)
      } else {
      }
      %add3A_101 = arith.constant 3 : i32
      %add3A_102 = arith.addi %add3A_82, %add3A_101 : i32
      %sub3A = arith.constant 1 : i32
      %sub3A_103 = arith.subi %add3A_102, %sub3A : i32
      %lt3A = arith.constant 159 : i32
      %lt3A_104 = arith.cmpi slt, %sub3A_103, %lt3A : i32
      %convert_element_type3A_105 = arith.extui %lt3A_104 : i1 to i32
      %cond3A_106 = arith.constant 0 : i32
      %cond3A_107 = arith.cmpi ne, %convert_element_type3A_105, %cond3A_106 : i32
      scf.if %cond3A_107 {
        %add3A_182 = arith.constant 3 : i32
        %add3A_183 = arith.addi %add3A_82, %add3A_182 : i32
        %sub3A_184 = arith.constant 1 : i32
        %sub3A_185 = arith.subi %add3A_183, %sub3A_184 : i32
        %dma_start3A_186 = arith.constant 0 : i32
        %dma_start3A_187 = tpu.memref_slice %arg6[%sub3A_185, %dma_start3A_186] : memref<159x128xi32, #tpu.memory_space<vmem>> -> memref<1x128xi32, #tpu.memory_space<vmem>>
        %dma_start3A_188 = tpu.memref_squeeze %dma_start3A_187 : memref<1x128xi32, #tpu.memory_space<vmem>> -> memref<128xi32, #tpu.memory_space<vmem>>
        %dma_start3A_189 = arith.constant 0 : i32
        %dma_start3A_190 = arith.constant 0 : i32
        %dma_start3A_191 = tpu.memref_slice %arg2[%add3A_3, %dma_start3A_189, %dma_start3A_190] : memref<4x10240x64xf32, #tpu.memory_space<hbm>> -> memref<1x10240x64xf32, #tpu.memory_space<hbm>>
        %dma_start3A_192 = tpu.memref_squeeze %dma_start3A_191 : memref<1x10240x64xf32, #tpu.memory_space<hbm>> -> memref<10240x64xf32, #tpu.memory_space<hbm>>
        %dma_start3A_193 = arith.constant 0 : i32
        %dma_start3A_194 = arith.constant 0 : i32
        %dma_start3A_195 = tpu.memref_slice %dma_start3A_192[%dma_start3A_193, %dma_start3A_194] : memref<10240x64xf32, #tpu.memory_space<hbm>> -> memref<10240x64xf32, #tpu.memory_space<hbm>>
        tpu.enqueue_indirect_dma source(%dma_start3A_195 : memref<10240x64xf32, #tpu.memory_space<hbm>>) target(%arg10 : memref<128x64xf32, #tpu.memory_space<vmem>>) offsets(%dma_start3A_188 : memref<128xi32, #tpu.memory_space<vmem>>) semaphore(%arg14 : memref<!tpu.dma_semaphore, #tpu.memory_space<semaphore_mem>>)
      } else {
      }
      %mul3A_108 = arith.constant 3 : i32
      %mul3A_109 = arith.muli %mul3A_108, %scan3A_78 : i32
      %add3A_110 = arith.constant 1 : i32
      %add3A_111 = arith.addi %mul3A_109, %add3A_110 : i32
      %dma_wait3A_112 = arith.constant 0 : i32
      %dma_wait3A_113 = tpu.memref_slice %arg6[%add3A_111, %dma_wait3A_112] : memref<159x128xi32, #tpu.memory_space<vmem>> -> memref<1x128xi32, #tpu.memory_space<vmem>>
      %dma_wait3A_114 = tpu.memref_squeeze %dma_wait3A_113 : memref<1x128xi32, #tpu.memory_space<vmem>> -> memref<128xi32, #tpu.memory_space<vmem>>
      %dma_wait3A_115 = arith.constant 0 : i32
      %dma_wait3A_116 = arith.constant 0 : i32
      %dma_wait3A_117 = tpu.memref_slice %arg2[%add3A_3, %dma_wait3A_115, %dma_wait3A_116] : memref<4x10240x64xf32, #tpu.memory_space<hbm>> -> memref<1x10240x64xf32, #tpu.memory_space<hbm>>
      %dma_wait3A_118 = tpu.memref_squeeze %dma_wait3A_117 : memref<1x10240x64xf32, #tpu.memory_space<hbm>> -> memref<10240x64xf32, #tpu.memory_space<hbm>>
      %dma_wait3A_119 = arith.constant 0 : i32
      %dma_wait3A_120 = arith.constant 0 : i32
      %dma_wait3A_121 = tpu.memref_slice %dma_wait3A_118[%dma_wait3A_119, %dma_wait3A_120] : memref<10240x64xf32, #tpu.memory_space<hbm>> -> memref<10240x64xf32, #tpu.memory_space<hbm>>
      tpu.wait_indirect_dma semaphore(%arg13 : memref<!tpu.dma_semaphore, #tpu.memory_space<semaphore_mem>>) src(%dma_wait3A_121 : memref<10240x64xf32, #tpu.memory_space<hbm>>) dst(%arg9 : memref<128x64xf32, #tpu.memory_space<vmem>>)
      %dma_start3A_122 = arith.constant 0 : i32
      %dma_start3A_123 = tpu.memref_slice %arg7[%add3A_111, %dma_start3A_122] : memref<159x128xi32, #tpu.memory_space<vmem>> -> memref<1x128xi32, #tpu.memory_space<vmem>>
      %dma_start3A_124 = tpu.memref_squeeze %dma_start3A_123 : memref<1x128xi32, #tpu.memory_space<vmem>> -> memref<128xi32, #tpu.memory_space<vmem>>
      %dma_start3A_125 = arith.constant 0 : i32
      %dma_start3A_126 = arith.constant 0 : i32
      %dma_start3A_127 = tpu.memref_slice %arg11[%dma_start3A_125, %dma_start3A_126] : memref<10240x64xf32, #tpu.memory_space<vmem_shared>> -> memref<10240x64xf32, #tpu.memory_space<vmem_shared>>
      tpu.enqueue_indirect_dma source(%arg9 : memref<128x64xf32, #tpu.memory_space<vmem>>) target(%dma_start3A_127 : memref<10240x64xf32, #tpu.memory_space<vmem_shared>>) offsets(%dma_start3A_124 : memref<128xi32, #tpu.memory_space<vmem>>) semaphore(%arg16 : memref<!tpu.dma_semaphore, #tpu.memory_space<semaphore_mem>>) {add = true}
      %sub3A_128 = arith.constant 1 : i32
      %sub3A_129 = arith.subi %add3A_111, %sub3A_128 : i32
      %dma_wait3A_130 = arith.constant 0 : i32
      %dma_wait3A_131 = tpu.memref_slice %arg7[%sub3A_129, %dma_wait3A_130] : memref<159x128xi32, #tpu.memory_space<vmem>> -> memref<1x128xi32, #tpu.memory_space<vmem>>
      %dma_wait3A_132 = tpu.memref_squeeze %dma_wait3A_131 : memref<1x128xi32, #tpu.memory_space<vmem>> -> memref<128xi32, #tpu.memory_space<vmem>>
      %dma_wait3A_133 = arith.constant 0 : i32
      %dma_wait3A_134 = arith.constant 0 : i32
      %dma_wait3A_135 = tpu.memref_slice %arg11[%dma_wait3A_133, %dma_wait3A_134] : memref<10240x64xf32, #tpu.memory_space<vmem_shared>> -> memref<10240x64xf32, #tpu.memory_space<vmem_shared>>
      tpu.wait_indirect_dma semaphore(%arg15 : memref<!tpu.dma_semaphore, #tpu.memory_space<semaphore_mem>>) src(%arg8 : memref<128x64xf32, #tpu.memory_space<vmem>>) dst(%dma_wait3A_135 : memref<10240x64xf32, #tpu.memory_space<vmem_shared>>)
      %add3A_136 = arith.constant 3 : i32
      %add3A_137 = arith.addi %add3A_111, %add3A_136 : i32
      %sub3A_138 = arith.constant 1 : i32
      %sub3A_139 = arith.subi %add3A_137, %sub3A_138 : i32
      %lt3A_140 = arith.constant 159 : i32
      %lt3A_141 = arith.cmpi slt, %sub3A_139, %lt3A_140 : i32
      %convert_element_type3A_142 = arith.extui %lt3A_141 : i1 to i32
      %cond3A_143 = arith.constant 0 : i32
      %cond3A_144 = arith.cmpi ne, %convert_element_type3A_142, %cond3A_143 : i32
      scf.if %cond3A_144 {
        %add3A_182 = arith.constant 3 : i32
        %add3A_183 = arith.addi %add3A_111, %add3A_182 : i32
        %sub3A_184 = arith.constant 1 : i32
        %sub3A_185 = arith.subi %add3A_183, %sub3A_184 : i32
        %dma_start3A_186 = arith.constant 0 : i32
        %dma_start3A_187 = tpu.memref_slice %arg6[%sub3A_185, %dma_start3A_186] : memref<159x128xi32, #tpu.memory_space<vmem>> -> memref<1x128xi32, #tpu.memory_space<vmem>>
        %dma_start3A_188 = tpu.memref_squeeze %dma_start3A_187 : memref<1x128xi32, #tpu.memory_space<vmem>> -> memref<128xi32, #tpu.memory_space<vmem>>
        %dma_start3A_189 = arith.constant 0 : i32
        %dma_start3A_190 = arith.constant 0 : i32
        %dma_start3A_191 = tpu.memref_slice %arg2[%add3A_3, %dma_start3A_189, %dma_start3A_190] : memref<4x10240x64xf32, #tpu.memory_space<hbm>> -> memref<1x10240x64xf32, #tpu.memory_space<hbm>>
        %dma_start3A_192 = tpu.memref_squeeze %dma_start3A_191 : memref<1x10240x64xf32, #tpu.memory_space<hbm>> -> memref<10240x64xf32, #tpu.memory_space<hbm>>
        %dma_start3A_193 = arith.constant 0 : i32
        %dma_start3A_194 = arith.constant 0 : i32
        %dma_start3A_195 = tpu.memref_slice %dma_start3A_192[%dma_start3A_193, %dma_start3A_194] : memref<10240x64xf32, #tpu.memory_space<hbm>> -> memref<10240x64xf32, #tpu.memory_space<hbm>>
        tpu.enqueue_indirect_dma source(%dma_start3A_195 : memref<10240x64xf32, #tpu.memory_space<hbm>>) target(%arg8 : memref<128x64xf32, #tpu.memory_space<vmem>>) offsets(%dma_start3A_188 : memref<128xi32, #tpu.memory_space<vmem>>) semaphore(%arg12 : memref<!tpu.dma_semaphore, #tpu.memory_space<semaphore_mem>>)
      } else {
      }
      %mul3A_145 = arith.constant 3 : i32
      %mul3A_146 = arith.muli %mul3A_145, %scan3A_78 : i32
      %add3A_147 = arith.constant 2 : i32
      %add3A_148 = arith.addi %mul3A_146, %add3A_147 : i32
      %dma_wait3A_149 = arith.constant 0 : i32
      %dma_wait3A_150 = tpu.memref_slice %arg6[%add3A_148, %dma_wait3A_149] : memref<159x128xi32, #tpu.memory_space<vmem>> -> memref<1x128xi32, #tpu.memory_space<vmem>>
      %dma_wait3A_151 = tpu.memref_squeeze %dma_wait3A_150 : memref<1x128xi32, #tpu.memory_space<vmem>> -> memref<128xi32, #tpu.memory_space<vmem>>
      %dma_wait3A_152 = arith.constant 0 : i32
      %dma_wait3A_153 = arith.constant 0 : i32
      %dma_wait3A_154 = tpu.memref_slice %arg2[%add3A_3, %dma_wait3A_152, %dma_wait3A_153] : memref<4x10240x64xf32, #tpu.memory_space<hbm>> -> memref<1x10240x64xf32, #tpu.memory_space<hbm>>
      %dma_wait3A_155 = tpu.memref_squeeze %dma_wait3A_154 : memref<1x10240x64xf32, #tpu.memory_space<hbm>> -> memref<10240x64xf32, #tpu.memory_space<hbm>>
      %dma_wait3A_156 = arith.constant 0 : i32
      %dma_wait3A_157 = arith.constant 0 : i32
      %dma_wait3A_158 = tpu.memref_slice %dma_wait3A_155[%dma_wait3A_156, %dma_wait3A_157] : memref<10240x64xf32, #tpu.memory_space<hbm>> -> memref<10240x64xf32, #tpu.memory_space<hbm>>
      tpu.wait_indirect_dma semaphore(%arg14 : memref<!tpu.dma_semaphore, #tpu.memory_space<semaphore_mem>>) src(%dma_wait3A_158 : memref<10240x64xf32, #tpu.memory_space<hbm>>) dst(%arg10 : memref<128x64xf32, #tpu.memory_space<vmem>>)
      %dma_start3A_159 = arith.constant 0 : i32
      %dma_start3A_160 = tpu.memref_slice %arg7[%add3A_148, %dma_start3A_159] : memref<159x128xi32, #tpu.memory_space<vmem>> -> memref<1x128xi32, #tpu.memory_space<vmem>>
      %dma_start3A_161 = tpu.memref_squeeze %dma_start3A_160 : memref<1x128xi32, #tpu.memory_space<vmem>> -> memref<128xi32, #tpu.memory_space<vmem>>
      %dma_start3A_162 = arith.constant 0 : i32
      %dma_start3A_163 = arith.constant 0 : i32
      %dma_start3A_164 = tpu.memref_slice %arg11[%dma_start3A_162, %dma_start3A_163] : memref<10240x64xf32, #tpu.memory_space<vmem_shared>> -> memref<10240x64xf32, #tpu.memory_space<vmem_shared>>
      tpu.enqueue_indirect_dma source(%arg10 : memref<128x64xf32, #tpu.memory_space<vmem>>) target(%dma_start3A_164 : memref<10240x64xf32, #tpu.memory_space<vmem_shared>>) offsets(%dma_start3A_161 : memref<128xi32, #tpu.memory_space<vmem>>) semaphore(%arg17 : memref<!tpu.dma_semaphore, #tpu.memory_space<semaphore_mem>>) {add = true}
      %sub3A_165 = arith.constant 1 : i32
      %sub3A_166 = arith.subi %add3A_148, %sub3A_165 : i32
      %dma_wait3A_167 = arith.constant 0 : i32
      %dma_wait3A_168 = tpu.memref_slice %arg7[%sub3A_166, %dma_wait3A_167] : memref<159x128xi32, #tpu.memory_space<vmem>> -> memref<1x128xi32, #tpu.memory_space<vmem>>
      %dma_wait3A_169 = tpu.memref_squeeze %dma_wait3A_168 : memref<1x128xi32, #tpu.memory_space<vmem>> -> memref<128xi32, #tpu.memory_space<vmem>>
      %dma_wait3A_170 = arith.constant 0 : i32
      %dma_wait3A_171 = arith.constant 0 : i32
      %dma_wait3A_172 = tpu.memref_slice %arg11[%dma_wait3A_170, %dma_wait3A_171] : memref<10240x64xf32, #tpu.memory_space<vmem_shared>> -> memref<10240x64xf32, #tpu.memory_space<vmem_shared>>
      tpu.wait_indirect_dma semaphore(%arg16 : memref<!tpu.dma_semaphore, #tpu.memory_space<semaphore_mem>>) src(%arg9 : memref<128x64xf32, #tpu.memory_space<vmem>>) dst(%dma_wait3A_172 : memref<10240x64xf32, #tpu.memory_space<vmem_shared>>)
      %add3A_173 = arith.constant 3 : i32
      %add3A_174 = arith.addi %add3A_148, %add3A_173 : i32
      %sub3A_175 = arith.constant 1 : i32
      %sub3A_176 = arith.subi %add3A_174, %sub3A_175 : i32
      %lt3A_177 = arith.constant 159 : i32
      %lt3A_178 = arith.cmpi slt, %sub3A_176, %lt3A_177 : i32
      %convert_element_type3A_179 = arith.extui %lt3A_178 : i1 to i32
      %cond3A_180 = arith.constant 0 : i32
      %cond3A_181 = arith.cmpi ne, %convert_element_type3A_179, %cond3A_180 : i32
      scf.if %cond3A_181 {
        %add3A_182 = arith.constant 3 : i32
        %add3A_183 = arith.addi %add3A_148, %add3A_182 : i32
        %sub3A_184 = arith.constant 1 : i32
        %sub3A_185 = arith.subi %add3A_183, %sub3A_184 : i32
        %dma_start3A_186 = arith.constant 0 : i32
        %dma_start3A_187 = tpu.memref_slice %arg6[%sub3A_185, %dma_start3A_186] : memref<159x128xi32, #tpu.memory_space<vmem>> -> memref<1x128xi32, #tpu.memory_space<vmem>>
        %dma_start3A_188 = tpu.memref_squeeze %dma_start3A_187 : memref<1x128xi32, #tpu.memory_space<vmem>> -> memref<128xi32, #tpu.memory_space<vmem>>
        %dma_start3A_189 = arith.constant 0 : i32
        %dma_start3A_190 = arith.constant 0 : i32
        %dma_start3A_191 = tpu.memref_slice %arg2[%add3A_3, %dma_start3A_189, %dma_start3A_190] : memref<4x10240x64xf32, #tpu.memory_space<hbm>> -> memref<1x10240x64xf32, #tpu.memory_space<hbm>>
        %dma_start3A_192 = tpu.memref_squeeze %dma_start3A_191 : memref<1x10240x64xf32, #tpu.memory_space<hbm>> -> memref<10240x64xf32, #tpu.memory_space<hbm>>
        %dma_start3A_193 = arith.constant 0 : i32
        %dma_start3A_194 = arith.constant 0 : i32
        %dma_start3A_195 = tpu.memref_slice %dma_start3A_192[%dma_start3A_193, %dma_start3A_194] : memref<10240x64xf32, #tpu.memory_space<hbm>> -> memref<10240x64xf32, #tpu.memory_space<hbm>>
        tpu.enqueue_indirect_dma source(%dma_start3A_195 : memref<10240x64xf32, #tpu.memory_space<hbm>>) target(%arg9 : memref<128x64xf32, #tpu.memory_space<vmem>>) offsets(%dma_start3A_188 : memref<128xi32, #tpu.memory_space<vmem>>) semaphore(%arg13 : memref<!tpu.dma_semaphore, #tpu.memory_space<semaphore_mem>>)
      } else {
      }
    }
    %scan3A_29 = arith.constant 53 : i32
    %dma_wait3A = arith.constant 158 : i32
    %dma_wait3A_30 = arith.constant 0 : i32
    %dma_wait3A_31 = tpu.memref_slice %arg7[%dma_wait3A, %dma_wait3A_30] : memref<159x128xi32, #tpu.memory_space<vmem>> -> memref<1x128xi32, #tpu.memory_space<vmem>>
    %dma_wait3A_32 = tpu.memref_squeeze %dma_wait3A_31 : memref<1x128xi32, #tpu.memory_space<vmem>> -> memref<128xi32, #tpu.memory_space<vmem>>
    %dma_wait3A_33 = arith.constant 0 : i32
    %dma_wait3A_34 = arith.constant 0 : i32
    %dma_wait3A_35 = tpu.memref_slice %arg11[%dma_wait3A_33, %dma_wait3A_34] : memref<10240x64xf32, #tpu.memory_space<vmem_shared>> -> memref<10240x64xf32, #tpu.memory_space<vmem_shared>>
    tpu.wait_indirect_dma semaphore(%arg17 : memref<!tpu.dma_semaphore, #tpu.memory_space<semaphore_mem>>) src(%arg10 : memref<128x64xf32, #tpu.memory_space<vmem>>) dst(%dma_wait3A_35 : memref<10240x64xf32, #tpu.memory_space<vmem_shared>>)
    %barrier3A_36 = arith.constant 0 : index
    tpu.barrier barrier_id(%barrier3A_36)
    "tpu.region"() ({
      %run_scoped3A = tpu.sem_alloc : memref<!tpu.dma_semaphore, #tpu.memory_space<semaphore_mem>>
      %dma_start3A_78 = arith.constant 0 : i32
      %dma_start3A_79 = tpu.memref_slice %arg5[%add3A_3, %mul3A_0, %dma_start3A_78] : memref<4x10240x64xf32, #tpu.memory_space<hbm>> -> memref<1x640x64xf32, #tpu.memory_space<hbm>>
      %dma_start3A_80 = tpu.memref_squeeze %dma_start3A_79 : memref<1x640x64xf32, #tpu.memory_space<hbm>> -> memref<640x64xf32, #tpu.memory_space<hbm>>
      %dma_start3A_81 = arith.constant 0 : i32
      %dma_start3A_82 = tpu.memref_slice %arg11[%mul3A_0, %dma_start3A_81] : memref<10240x64xf32, #tpu.memory_space<vmem_shared>> -> memref<640x64xf32, #tpu.memory_space<vmem_shared>>
      tpu.enqueue_dma source(%dma_start3A_82 : memref<640x64xf32, #tpu.memory_space<vmem_shared>>) target(%dma_start3A_80 : memref<640x64xf32, #tpu.memory_space<hbm>>) target_semaphore(%run_scoped3A : memref<!tpu.dma_semaphore, #tpu.memory_space<semaphore_mem>>)
      %dma_wait3A_83 = arith.constant 0 : i32
      %dma_wait3A_84 = tpu.memref_slice %arg5[%add3A_3, %mul3A_0, %dma_wait3A_83] : memref<4x10240x64xf32, #tpu.memory_space<hbm>> -> memref<1x640x64xf32, #tpu.memory_space<hbm>>
      %dma_wait3A_85 = tpu.memref_squeeze %dma_wait3A_84 : memref<1x640x64xf32, #tpu.memory_space<hbm>> -> memref<640x64xf32, #tpu.memory_space<hbm>>
      %dma_wait3A_86 = arith.constant 0 : i32
      %dma_wait3A_87 = tpu.memref_slice %arg11[%mul3A_0, %dma_wait3A_86] : memref<10240x64xf32, #tpu.memory_space<vmem_shared>> -> memref<640x64xf32, #tpu.memory_space<vmem_shared>>
      tpu.wait_dma2 semaphore(%run_scoped3A : memref<!tpu.dma_semaphore, #tpu.memory_space<semaphore_mem>>) src(%dma_wait3A_87 : memref<640x64xf32, #tpu.memory_space<vmem_shared>>) dst(%dma_wait3A_85 : memref<640x64xf32, #tpu.memory_space<hbm>>)
      tpu.yield
    }) : () -> ()
    %mul3A_37 = arith.constant 2 : i32
    %mul3A_38 = arith.muli %mul3A_37, %arg0 : i32
    %add3A_39 = arith.constant 1 : i32
    %add3A_40 = arith.addi %mul3A_38, %add3A_39 : i32
    "tpu.region"() ({
      %run_scoped3A = tpu.sem_alloc : memref<!tpu.dma_semaphore, #tpu.memory_space<semaphore_mem>>
      %dma_start3A_78 = arith.constant 0 : i32
      %dma_start3A_79 = tpu.memref_slice %arg11[%mul3A_0, %dma_start3A_78] : memref<10240x64xf32, #tpu.memory_space<vmem_shared>> -> memref<640x64xf32, #tpu.memory_space<vmem_shared>>
      %dma_start3A_80 = arith.constant 0 : i32
      %dma_start3A_81 = tpu.memref_slice %arg2[%add3A_40, %mul3A_0, %dma_start3A_80] : memref<4x10240x64xf32, #tpu.memory_space<hbm>> -> memref<1x640x64xf32, #tpu.memory_space<hbm>>
      %dma_start3A_82 = tpu.memref_squeeze %dma_start3A_81 : memref<1x640x64xf32, #tpu.memory_space<hbm>> -> memref<640x64xf32, #tpu.memory_space<hbm>>
      tpu.enqueue_dma source(%dma_start3A_82 : memref<640x64xf32, #tpu.memory_space<hbm>>) target(%dma_start3A_79 : memref<640x64xf32, #tpu.memory_space<vmem_shared>>) target_semaphore(%run_scoped3A : memref<!tpu.dma_semaphore, #tpu.memory_space<semaphore_mem>>)
      %dma_wait3A_83 = arith.constant 0 : i32
      %dma_wait3A_84 = tpu.memref_slice %arg11[%mul3A_0, %dma_wait3A_83] : memref<10240x64xf32, #tpu.memory_space<vmem_shared>> -> memref<640x64xf32, #tpu.memory_space<vmem_shared>>
      %dma_wait3A_85 = arith.constant 0 : i32
      %dma_wait3A_86 = tpu.memref_slice %arg2[%add3A_40, %mul3A_0, %dma_wait3A_85] : memref<4x10240x64xf32, #tpu.memory_space<hbm>> -> memref<1x640x64xf32, #tpu.memory_space<hbm>>
      %dma_wait3A_87 = tpu.memref_squeeze %dma_wait3A_86 : memref<1x640x64xf32, #tpu.memory_space<hbm>> -> memref<640x64xf32, #tpu.memory_space<hbm>>
      tpu.wait_dma2 semaphore(%run_scoped3A : memref<!tpu.dma_semaphore, #tpu.memory_space<semaphore_mem>>) src(%dma_wait3A_87 : memref<640x64xf32, #tpu.memory_space<hbm>>) dst(%dma_wait3A_84 : memref<640x64xf32, #tpu.memory_space<vmem_shared>>)
      tpu.yield
    }) : () -> ()
    %barrier3A_41 = arith.constant 0 : index
    tpu.barrier barrier_id(%barrier3A_41)
    %dma_start3A_42 = arith.constant 0 : i32
    %dma_start3A_43 = arith.constant 0 : i32
    %dma_start3A_44 = tpu.memref_slice %arg6[%dma_start3A_42, %dma_start3A_43] : memref<159x128xi32, #tpu.memory_space<vmem>> -> memref<1x128xi32, #tpu.memory_space<vmem>>
    %dma_start3A_45 = tpu.memref_squeeze %dma_start3A_44 : memref<1x128xi32, #tpu.memory_space<vmem>> -> memref<128xi32, #tpu.memory_space<vmem>>
    %dma_start3A_46 = arith.constant 0 : i32
    %dma_start3A_47 = arith.constant 0 : i32
    %dma_start3A_48 = tpu.memref_slice %arg2[%add3A_40, %dma_start3A_46, %dma_start3A_47] : memref<4x10240x64xf32, #tpu.memory_space<hbm>> -> memref<1x10240x64xf32, #tpu.memory_space<hbm>>
    %dma_start3A_49 = tpu.memref_squeeze %dma_start3A_48 : memref<1x10240x64xf32, #tpu.memory_space<hbm>> -> memref<10240x64xf32, #tpu.memory_space<hbm>>
    %dma_start3A_50 = arith.constant 0 : i32
    %dma_start3A_51 = arith.constant 0 : i32
    %dma_start3A_52 = tpu.memref_slice %dma_start3A_49[%dma_start3A_50, %dma_start3A_51] : memref<10240x64xf32, #tpu.memory_space<hbm>> -> memref<10240x64xf32, #tpu.memory_space<hbm>>
    tpu.enqueue_indirect_dma source(%dma_start3A_52 : memref<10240x64xf32, #tpu.memory_space<hbm>>) target(%arg8 : memref<128x64xf32, #tpu.memory_space<vmem>>) offsets(%dma_start3A_45 : memref<128xi32, #tpu.memory_space<vmem>>) semaphore(%arg12 : memref<!tpu.dma_semaphore, #tpu.memory_space<semaphore_mem>>)
    %dma_start3A_53 = arith.constant 1 : i32
    %dma_start3A_54 = arith.constant 0 : i32
    %dma_start3A_55 = tpu.memref_slice %arg6[%dma_start3A_53, %dma_start3A_54] : memref<159x128xi32, #tpu.memory_space<vmem>> -> memref<1x128xi32, #tpu.memory_space<vmem>>
    %dma_start3A_56 = tpu.memref_squeeze %dma_start3A_55 : memref<1x128xi32, #tpu.memory_space<vmem>> -> memref<128xi32, #tpu.memory_space<vmem>>
    %dma_start3A_57 = arith.constant 0 : i32
    %dma_start3A_58 = arith.constant 0 : i32
    %dma_start3A_59 = tpu.memref_slice %arg2[%add3A_40, %dma_start3A_57, %dma_start3A_58] : memref<4x10240x64xf32, #tpu.memory_space<hbm>> -> memref<1x10240x64xf32, #tpu.memory_space<hbm>>
    %dma_start3A_60 = tpu.memref_squeeze %dma_start3A_59 : memref<1x10240x64xf32, #tpu.memory_space<hbm>> -> memref<10240x64xf32, #tpu.memory_space<hbm>>
    %dma_start3A_61 = arith.constant 0 : i32
    %dma_start3A_62 = arith.constant 0 : i32
    %dma_start3A_63 = tpu.memref_slice %dma_start3A_60[%dma_start3A_61, %dma_start3A_62] : memref<10240x64xf32, #tpu.memory_space<hbm>> -> memref<10240x64xf32, #tpu.memory_space<hbm>>
    tpu.enqueue_indirect_dma source(%dma_start3A_63 : memref<10240x64xf32, #tpu.memory_space<hbm>>) target(%arg9 : memref<128x64xf32, #tpu.memory_space<vmem>>) offsets(%dma_start3A_56 : memref<128xi32, #tpu.memory_space<vmem>>) semaphore(%arg13 : memref<!tpu.dma_semaphore, #tpu.memory_space<semaphore_mem>>)
    %scan3A_64 = arith.constant 0 : i32
    %scan3A_65 = arith.constant 0 : i32
    %scan3A_66 = arith.constant 53 : i32
    %scan3A_67 = arith.addi %scan3A_65, %scan3A_66 : i32
    %scan3A_68 = arith.constant 1 : i32
    scf.for %scan3A_78 = %scan3A_65 to %scan3A_67 step %scan3A_68  : i32 {
      %mul3A_79 = arith.constant 3 : i32
      %mul3A_80 = arith.muli %mul3A_79, %scan3A_78 : i32
      %add3A_81 = arith.constant 0 : i32
      %add3A_82 = arith.addi %mul3A_80, %add3A_81 : i32
      %dma_wait3A_83 = arith.constant 0 : i32
      %dma_wait3A_84 = tpu.memref_slice %arg6[%add3A_82, %dma_wait3A_83] : memref<159x128xi32, #tpu.memory_space<vmem>> -> memref<1x128xi32, #tpu.memory_space<vmem>>
      %dma_wait3A_85 = tpu.memref_squeeze %dma_wait3A_84 : memref<1x128xi32, #tpu.memory_space<vmem>> -> memref<128xi32, #tpu.memory_space<vmem>>
      %dma_wait3A_86 = arith.constant 0 : i32
      %dma_wait3A_87 = arith.constant 0 : i32
      %dma_wait3A_88 = tpu.memref_slice %arg2[%add3A_40, %dma_wait3A_86, %dma_wait3A_87] : memref<4x10240x64xf32, #tpu.memory_space<hbm>> -> memref<1x10240x64xf32, #tpu.memory_space<hbm>>
      %dma_wait3A_89 = tpu.memref_squeeze %dma_wait3A_88 : memref<1x10240x64xf32, #tpu.memory_space<hbm>> -> memref<10240x64xf32, #tpu.memory_space<hbm>>
      %dma_wait3A_90 = arith.constant 0 : i32
      %dma_wait3A_91 = arith.constant 0 : i32
      %dma_wait3A_92 = tpu.memref_slice %dma_wait3A_89[%dma_wait3A_90, %dma_wait3A_91] : memref<10240x64xf32, #tpu.memory_space<hbm>> -> memref<10240x64xf32, #tpu.memory_space<hbm>>
      tpu.wait_indirect_dma semaphore(%arg12 : memref<!tpu.dma_semaphore, #tpu.memory_space<semaphore_mem>>) src(%dma_wait3A_92 : memref<10240x64xf32, #tpu.memory_space<hbm>>) dst(%arg8 : memref<128x64xf32, #tpu.memory_space<vmem>>)
      %dma_start3A_93 = arith.constant 0 : i32
      %dma_start3A_94 = tpu.memref_slice %arg7[%add3A_82, %dma_start3A_93] : memref<159x128xi32, #tpu.memory_space<vmem>> -> memref<1x128xi32, #tpu.memory_space<vmem>>
      %dma_start3A_95 = tpu.memref_squeeze %dma_start3A_94 : memref<1x128xi32, #tpu.memory_space<vmem>> -> memref<128xi32, #tpu.memory_space<vmem>>
      %dma_start3A_96 = arith.constant 0 : i32
      %dma_start3A_97 = arith.constant 0 : i32
      %dma_start3A_98 = tpu.memref_slice %arg11[%dma_start3A_96, %dma_start3A_97] : memref<10240x64xf32, #tpu.memory_space<vmem_shared>> -> memref<10240x64xf32, #tpu.memory_space<vmem_shared>>
      tpu.enqueue_indirect_dma source(%arg8 : memref<128x64xf32, #tpu.memory_space<vmem>>) target(%dma_start3A_98 : memref<10240x64xf32, #tpu.memory_space<vmem_shared>>) offsets(%dma_start3A_95 : memref<128xi32, #tpu.memory_space<vmem>>) semaphore(%arg15 : memref<!tpu.dma_semaphore, #tpu.memory_space<semaphore_mem>>) {add = true}
      %gt3A = arith.constant 0 : i32
      %gt3A_99 = arith.cmpi sgt, %scan3A_78, %gt3A : i32
      %convert_element_type3A = arith.extui %gt3A_99 : i1 to i32
      %cond3A = arith.constant 0 : i32
      %cond3A_100 = arith.cmpi ne, %convert_element_type3A, %cond3A : i32
      scf.if %cond3A_100 {
        %sub3A_182 = arith.constant 1 : i32
        %sub3A_183 = arith.subi %add3A_82, %sub3A_182 : i32
        %dma_wait3A_184 = arith.constant 0 : i32
        %dma_wait3A_185 = tpu.memref_slice %arg7[%sub3A_183, %dma_wait3A_184] : memref<159x128xi32, #tpu.memory_space<vmem>> -> memref<1x128xi32, #tpu.memory_space<vmem>>
        %dma_wait3A_186 = tpu.memref_squeeze %dma_wait3A_185 : memref<1x128xi32, #tpu.memory_space<vmem>> -> memref<128xi32, #tpu.memory_space<vmem>>
        %dma_wait3A_187 = arith.constant 0 : i32
        %dma_wait3A_188 = arith.constant 0 : i32
        %dma_wait3A_189 = tpu.memref_slice %arg11[%dma_wait3A_187, %dma_wait3A_188] : memref<10240x64xf32, #tpu.memory_space<vmem_shared>> -> memref<10240x64xf32, #tpu.memory_space<vmem_shared>>
        tpu.wait_indirect_dma semaphore(%arg17 : memref<!tpu.dma_semaphore, #tpu.memory_space<semaphore_mem>>) src(%arg10 : memref<128x64xf32, #tpu.memory_space<vmem>>) dst(%dma_wait3A_189 : memref<10240x64xf32, #tpu.memory_space<vmem_shared>>)
      } else {
      }
      %add3A_101 = arith.constant 3 : i32
      %add3A_102 = arith.addi %add3A_82, %add3A_101 : i32
      %sub3A = arith.constant 1 : i32
      %sub3A_103 = arith.subi %add3A_102, %sub3A : i32
      %lt3A = arith.constant 159 : i32
      %lt3A_104 = arith.cmpi slt, %sub3A_103, %lt3A : i32
      %convert_element_type3A_105 = arith.extui %lt3A_104 : i1 to i32
      %cond3A_106 = arith.constant 0 : i32
      %cond3A_107 = arith.cmpi ne, %convert_element_type3A_105, %cond3A_106 : i32
      scf.if %cond3A_107 {
        %add3A_182 = arith.constant 3 : i32
        %add3A_183 = arith.addi %add3A_82, %add3A_182 : i32
        %sub3A_184 = arith.constant 1 : i32
        %sub3A_185 = arith.subi %add3A_183, %sub3A_184 : i32
        %dma_start3A_186 = arith.constant 0 : i32
        %dma_start3A_187 = tpu.memref_slice %arg6[%sub3A_185, %dma_start3A_186] : memref<159x128xi32, #tpu.memory_space<vmem>> -> memref<1x128xi32, #tpu.memory_space<vmem>>
        %dma_start3A_188 = tpu.memref_squeeze %dma_start3A_187 : memref<1x128xi32, #tpu.memory_space<vmem>> -> memref<128xi32, #tpu.memory_space<vmem>>
        %dma_start3A_189 = arith.constant 0 : i32
        %dma_start3A_190 = arith.constant 0 : i32
        %dma_start3A_191 = tpu.memref_slice %arg2[%add3A_40, %dma_start3A_189, %dma_start3A_190] : memref<4x10240x64xf32, #tpu.memory_space<hbm>> -> memref<1x10240x64xf32, #tpu.memory_space<hbm>>
        %dma_start3A_192 = tpu.memref_squeeze %dma_start3A_191 : memref<1x10240x64xf32, #tpu.memory_space<hbm>> -> memref<10240x64xf32, #tpu.memory_space<hbm>>
        %dma_start3A_193 = arith.constant 0 : i32
        %dma_start3A_194 = arith.constant 0 : i32
        %dma_start3A_195 = tpu.memref_slice %dma_start3A_192[%dma_start3A_193, %dma_start3A_194] : memref<10240x64xf32, #tpu.memory_space<hbm>> -> memref<10240x64xf32, #tpu.memory_space<hbm>>
        tpu.enqueue_indirect_dma source(%dma_start3A_195 : memref<10240x64xf32, #tpu.memory_space<hbm>>) target(%arg10 : memref<128x64xf32, #tpu.memory_space<vmem>>) offsets(%dma_start3A_188 : memref<128xi32, #tpu.memory_space<vmem>>) semaphore(%arg14 : memref<!tpu.dma_semaphore, #tpu.memory_space<semaphore_mem>>)
      } else {
      }
      %mul3A_108 = arith.constant 3 : i32
      %mul3A_109 = arith.muli %mul3A_108, %scan3A_78 : i32
      %add3A_110 = arith.constant 1 : i32
      %add3A_111 = arith.addi %mul3A_109, %add3A_110 : i32
      %dma_wait3A_112 = arith.constant 0 : i32
      %dma_wait3A_113 = tpu.memref_slice %arg6[%add3A_111, %dma_wait3A_112] : memref<159x128xi32, #tpu.memory_space<vmem>> -> memref<1x128xi32, #tpu.memory_space<vmem>>
      %dma_wait3A_114 = tpu.memref_squeeze %dma_wait3A_113 : memref<1x128xi32, #tpu.memory_space<vmem>> -> memref<128xi32, #tpu.memory_space<vmem>>
      %dma_wait3A_115 = arith.constant 0 : i32
      %dma_wait3A_116 = arith.constant 0 : i32
      %dma_wait3A_117 = tpu.memref_slice %arg2[%add3A_40, %dma_wait3A_115, %dma_wait3A_116] : memref<4x10240x64xf32, #tpu.memory_space<hbm>> -> memref<1x10240x64xf32, #tpu.memory_space<hbm>>
      %dma_wait3A_118 = tpu.memref_squeeze %dma_wait3A_117 : memref<1x10240x64xf32, #tpu.memory_space<hbm>> -> memref<10240x64xf32, #tpu.memory_space<hbm>>
      %dma_wait3A_119 = arith.constant 0 : i32
      %dma_wait3A_120 = arith.constant 0 : i32
      %dma_wait3A_121 = tpu.memref_slice %dma_wait3A_118[%dma_wait3A_119, %dma_wait3A_120] : memref<10240x64xf32, #tpu.memory_space<hbm>> -> memref<10240x64xf32, #tpu.memory_space<hbm>>
      tpu.wait_indirect_dma semaphore(%arg13 : memref<!tpu.dma_semaphore, #tpu.memory_space<semaphore_mem>>) src(%dma_wait3A_121 : memref<10240x64xf32, #tpu.memory_space<hbm>>) dst(%arg9 : memref<128x64xf32, #tpu.memory_space<vmem>>)
      %dma_start3A_122 = arith.constant 0 : i32
      %dma_start3A_123 = tpu.memref_slice %arg7[%add3A_111, %dma_start3A_122] : memref<159x128xi32, #tpu.memory_space<vmem>> -> memref<1x128xi32, #tpu.memory_space<vmem>>
      %dma_start3A_124 = tpu.memref_squeeze %dma_start3A_123 : memref<1x128xi32, #tpu.memory_space<vmem>> -> memref<128xi32, #tpu.memory_space<vmem>>
      %dma_start3A_125 = arith.constant 0 : i32
      %dma_start3A_126 = arith.constant 0 : i32
      %dma_start3A_127 = tpu.memref_slice %arg11[%dma_start3A_125, %dma_start3A_126] : memref<10240x64xf32, #tpu.memory_space<vmem_shared>> -> memref<10240x64xf32, #tpu.memory_space<vmem_shared>>
      tpu.enqueue_indirect_dma source(%arg9 : memref<128x64xf32, #tpu.memory_space<vmem>>) target(%dma_start3A_127 : memref<10240x64xf32, #tpu.memory_space<vmem_shared>>) offsets(%dma_start3A_124 : memref<128xi32, #tpu.memory_space<vmem>>) semaphore(%arg16 : memref<!tpu.dma_semaphore, #tpu.memory_space<semaphore_mem>>) {add = true}
      %sub3A_128 = arith.constant 1 : i32
      %sub3A_129 = arith.subi %add3A_111, %sub3A_128 : i32
      %dma_wait3A_130 = arith.constant 0 : i32
      %dma_wait3A_131 = tpu.memref_slice %arg7[%sub3A_129, %dma_wait3A_130] : memref<159x128xi32, #tpu.memory_space<vmem>> -> memref<1x128xi32, #tpu.memory_space<vmem>>
      %dma_wait3A_132 = tpu.memref_squeeze %dma_wait3A_131 : memref<1x128xi32, #tpu.memory_space<vmem>> -> memref<128xi32, #tpu.memory_space<vmem>>
      %dma_wait3A_133 = arith.constant 0 : i32
      %dma_wait3A_134 = arith.constant 0 : i32
      %dma_wait3A_135 = tpu.memref_slice %arg11[%dma_wait3A_133, %dma_wait3A_134] : memref<10240x64xf32, #tpu.memory_space<vmem_shared>> -> memref<10240x64xf32, #tpu.memory_space<vmem_shared>>
      tpu.wait_indirect_dma semaphore(%arg15 : memref<!tpu.dma_semaphore, #tpu.memory_space<semaphore_mem>>) src(%arg8 : memref<128x64xf32, #tpu.memory_space<vmem>>) dst(%dma_wait3A_135 : memref<10240x64xf32, #tpu.memory_space<vmem_shared>>)
      %add3A_136 = arith.constant 3 : i32
      %add3A_137 = arith.addi %add3A_111, %add3A_136 : i32
      %sub3A_138 = arith.constant 1 : i32
      %sub3A_139 = arith.subi %add3A_137, %sub3A_138 : i32
      %lt3A_140 = arith.constant 159 : i32
      %lt3A_141 = arith.cmpi slt, %sub3A_139, %lt3A_140 : i32
      %convert_element_type3A_142 = arith.extui %lt3A_141 : i1 to i32
      %cond3A_143 = arith.constant 0 : i32
      %cond3A_144 = arith.cmpi ne, %convert_element_type3A_142, %cond3A_143 : i32
      scf.if %cond3A_144 {
        %add3A_182 = arith.constant 3 : i32
        %add3A_183 = arith.addi %add3A_111, %add3A_182 : i32
        %sub3A_184 = arith.constant 1 : i32
        %sub3A_185 = arith.subi %add3A_183, %sub3A_184 : i32
        %dma_start3A_186 = arith.constant 0 : i32
        %dma_start3A_187 = tpu.memref_slice %arg6[%sub3A_185, %dma_start3A_186] : memref<159x128xi32, #tpu.memory_space<vmem>> -> memref<1x128xi32, #tpu.memory_space<vmem>>
        %dma_start3A_188 = tpu.memref_squeeze %dma_start3A_187 : memref<1x128xi32, #tpu.memory_space<vmem>> -> memref<128xi32, #tpu.memory_space<vmem>>
        %dma_start3A_189 = arith.constant 0 : i32
        %dma_start3A_190 = arith.constant 0 : i32
        %dma_start3A_191 = tpu.memref_slice %arg2[%add3A_40, %dma_start3A_189, %dma_start3A_190] : memref<4x10240x64xf32, #tpu.memory_space<hbm>> -> memref<1x10240x64xf32, #tpu.memory_space<hbm>>
        %dma_start3A_192 = tpu.memref_squeeze %dma_start3A_191 : memref<1x10240x64xf32, #tpu.memory_space<hbm>> -> memref<10240x64xf32, #tpu.memory_space<hbm>>
        %dma_start3A_193 = arith.constant 0 : i32
        %dma_start3A_194 = arith.constant 0 : i32
        %dma_start3A_195 = tpu.memref_slice %dma_start3A_192[%dma_start3A_193, %dma_start3A_194] : memref<10240x64xf32, #tpu.memory_space<hbm>> -> memref<10240x64xf32, #tpu.memory_space<hbm>>
        tpu.enqueue_indirect_dma source(%dma_start3A_195 : memref<10240x64xf32, #tpu.memory_space<hbm>>) target(%arg8 : memref<128x64xf32, #tpu.memory_space<vmem>>) offsets(%dma_start3A_188 : memref<128xi32, #tpu.memory_space<vmem>>) semaphore(%arg12 : memref<!tpu.dma_semaphore, #tpu.memory_space<semaphore_mem>>)
      } else {
      }
      %mul3A_145 = arith.constant 3 : i32
      %mul3A_146 = arith.muli %mul3A_145, %scan3A_78 : i32
      %add3A_147 = arith.constant 2 : i32
      %add3A_148 = arith.addi %mul3A_146, %add3A_147 : i32
      %dma_wait3A_149 = arith.constant 0 : i32
      %dma_wait3A_150 = tpu.memref_slice %arg6[%add3A_148, %dma_wait3A_149] : memref<159x128xi32, #tpu.memory_space<vmem>> -> memref<1x128xi32, #tpu.memory_space<vmem>>
      %dma_wait3A_151 = tpu.memref_squeeze %dma_wait3A_150 : memref<1x128xi32, #tpu.memory_space<vmem>> -> memref<128xi32, #tpu.memory_space<vmem>>
      %dma_wait3A_152 = arith.constant 0 : i32
      %dma_wait3A_153 = arith.constant 0 : i32
      %dma_wait3A_154 = tpu.memref_slice %arg2[%add3A_40, %dma_wait3A_152, %dma_wait3A_153] : memref<4x10240x64xf32, #tpu.memory_space<hbm>> -> memref<1x10240x64xf32, #tpu.memory_space<hbm>>
      %dma_wait3A_155 = tpu.memref_squeeze %dma_wait3A_154 : memref<1x10240x64xf32, #tpu.memory_space<hbm>> -> memref<10240x64xf32, #tpu.memory_space<hbm>>
      %dma_wait3A_156 = arith.constant 0 : i32
      %dma_wait3A_157 = arith.constant 0 : i32
      %dma_wait3A_158 = tpu.memref_slice %dma_wait3A_155[%dma_wait3A_156, %dma_wait3A_157] : memref<10240x64xf32, #tpu.memory_space<hbm>> -> memref<10240x64xf32, #tpu.memory_space<hbm>>
      tpu.wait_indirect_dma semaphore(%arg14 : memref<!tpu.dma_semaphore, #tpu.memory_space<semaphore_mem>>) src(%dma_wait3A_158 : memref<10240x64xf32, #tpu.memory_space<hbm>>) dst(%arg10 : memref<128x64xf32, #tpu.memory_space<vmem>>)
      %dma_start3A_159 = arith.constant 0 : i32
      %dma_start3A_160 = tpu.memref_slice %arg7[%add3A_148, %dma_start3A_159] : memref<159x128xi32, #tpu.memory_space<vmem>> -> memref<1x128xi32, #tpu.memory_space<vmem>>
      %dma_start3A_161 = tpu.memref_squeeze %dma_start3A_160 : memref<1x128xi32, #tpu.memory_space<vmem>> -> memref<128xi32, #tpu.memory_space<vmem>>
      %dma_start3A_162 = arith.constant 0 : i32
      %dma_start3A_163 = arith.constant 0 : i32
      %dma_start3A_164 = tpu.memref_slice %arg11[%dma_start3A_162, %dma_start3A_163] : memref<10240x64xf32, #tpu.memory_space<vmem_shared>> -> memref<10240x64xf32, #tpu.memory_space<vmem_shared>>
      tpu.enqueue_indirect_dma source(%arg10 : memref<128x64xf32, #tpu.memory_space<vmem>>) target(%dma_start3A_164 : memref<10240x64xf32, #tpu.memory_space<vmem_shared>>) offsets(%dma_start3A_161 : memref<128xi32, #tpu.memory_space<vmem>>) semaphore(%arg17 : memref<!tpu.dma_semaphore, #tpu.memory_space<semaphore_mem>>) {add = true}
      %sub3A_165 = arith.constant 1 : i32
      %sub3A_166 = arith.subi %add3A_148, %sub3A_165 : i32
      %dma_wait3A_167 = arith.constant 0 : i32
      %dma_wait3A_168 = tpu.memref_slice %arg7[%sub3A_166, %dma_wait3A_167] : memref<159x128xi32, #tpu.memory_space<vmem>> -> memref<1x128xi32, #tpu.memory_space<vmem>>
      %dma_wait3A_169 = tpu.memref_squeeze %dma_wait3A_168 : memref<1x128xi32, #tpu.memory_space<vmem>> -> memref<128xi32, #tpu.memory_space<vmem>>
      %dma_wait3A_170 = arith.constant 0 : i32
      %dma_wait3A_171 = arith.constant 0 : i32
      %dma_wait3A_172 = tpu.memref_slice %arg11[%dma_wait3A_170, %dma_wait3A_171] : memref<10240x64xf32, #tpu.memory_space<vmem_shared>> -> memref<10240x64xf32, #tpu.memory_space<vmem_shared>>
      tpu.wait_indirect_dma semaphore(%arg16 : memref<!tpu.dma_semaphore, #tpu.memory_space<semaphore_mem>>) src(%arg9 : memref<128x64xf32, #tpu.memory_space<vmem>>) dst(%dma_wait3A_172 : memref<10240x64xf32, #tpu.memory_space<vmem_shared>>)
      %add3A_173 = arith.constant 3 : i32
      %add3A_174 = arith.addi %add3A_148, %add3A_173 : i32
      %sub3A_175 = arith.constant 1 : i32
      %sub3A_176 = arith.subi %add3A_174, %sub3A_175 : i32
      %lt3A_177 = arith.constant 159 : i32
      %lt3A_178 = arith.cmpi slt, %sub3A_176, %lt3A_177 : i32
      %convert_element_type3A_179 = arith.extui %lt3A_178 : i1 to i32
      %cond3A_180 = arith.constant 0 : i32
      %cond3A_181 = arith.cmpi ne, %convert_element_type3A_179, %cond3A_180 : i32
      scf.if %cond3A_181 {
        %add3A_182 = arith.constant 3 : i32
        %add3A_183 = arith.addi %add3A_148, %add3A_182 : i32
        %sub3A_184 = arith.constant 1 : i32
        %sub3A_185 = arith.subi %add3A_183, %sub3A_184 : i32
        %dma_start3A_186 = arith.constant 0 : i32
        %dma_start3A_187 = tpu.memref_slice %arg6[%sub3A_185, %dma_start3A_186] : memref<159x128xi32, #tpu.memory_space<vmem>> -> memref<1x128xi32, #tpu.memory_space<vmem>>
        %dma_start3A_188 = tpu.memref_squeeze %dma_start3A_187 : memref<1x128xi32, #tpu.memory_space<vmem>> -> memref<128xi32, #tpu.memory_space<vmem>>
        %dma_start3A_189 = arith.constant 0 : i32
        %dma_start3A_190 = arith.constant 0 : i32
        %dma_start3A_191 = tpu.memref_slice %arg2[%add3A_40, %dma_start3A_189, %dma_start3A_190] : memref<4x10240x64xf32, #tpu.memory_space<hbm>> -> memref<1x10240x64xf32, #tpu.memory_space<hbm>>
        %dma_start3A_192 = tpu.memref_squeeze %dma_start3A_191 : memref<1x10240x64xf32, #tpu.memory_space<hbm>> -> memref<10240x64xf32, #tpu.memory_space<hbm>>
        %dma_start3A_193 = arith.constant 0 : i32
        %dma_start3A_194 = arith.constant 0 : i32
        %dma_start3A_195 = tpu.memref_slice %dma_start3A_192[%dma_start3A_193, %dma_start3A_194] : memref<10240x64xf32, #tpu.memory_space<hbm>> -> memref<10240x64xf32, #tpu.memory_space<hbm>>
        tpu.enqueue_indirect_dma source(%dma_start3A_195 : memref<10240x64xf32, #tpu.memory_space<hbm>>) target(%arg9 : memref<128x64xf32, #tpu.memory_space<vmem>>) offsets(%dma_start3A_188 : memref<128xi32, #tpu.memory_space<vmem>>) semaphore(%arg13 : memref<!tpu.dma_semaphore, #tpu.memory_space<semaphore_mem>>)
      } else {
      }
    }
    %scan3A_69 = arith.constant 53 : i32
    %dma_wait3A_70 = arith.constant 158 : i32
    %dma_wait3A_71 = arith.constant 0 : i32
    %dma_wait3A_72 = tpu.memref_slice %arg7[%dma_wait3A_70, %dma_wait3A_71] : memref<159x128xi32, #tpu.memory_space<vmem>> -> memref<1x128xi32, #tpu.memory_space<vmem>>
    %dma_wait3A_73 = tpu.memref_squeeze %dma_wait3A_72 : memref<1x128xi32, #tpu.memory_space<vmem>> -> memref<128xi32, #tpu.memory_space<vmem>>
    %dma_wait3A_74 = arith.constant 0 : i32
    %dma_wait3A_75 = arith.constant 0 : i32
    %dma_wait3A_76 = tpu.memref_slice %arg11[%dma_wait3A_74, %dma_wait3A_75] : memref<10240x64xf32, #tpu.memory_space<vmem_shared>> -> memref<10240x64xf32, #tpu.memory_space<vmem_shared>>
    tpu.wait_indirect_dma semaphore(%arg17 : memref<!tpu.dma_semaphore, #tpu.memory_space<semaphore_mem>>) src(%arg10 : memref<128x64xf32, #tpu.memory_space<vmem>>) dst(%dma_wait3A_76 : memref<10240x64xf32, #tpu.memory_space<vmem_shared>>)
    %barrier3A_77 = arith.constant 0 : index
    tpu.barrier barrier_id(%barrier3A_77)
    "tpu.region"() ({
      %run_scoped3A = tpu.sem_alloc : memref<!tpu.dma_semaphore, #tpu.memory_space<semaphore_mem>>
      %dma_start3A_78 = arith.constant 0 : i32
      %dma_start3A_79 = tpu.memref_slice %arg5[%add3A_40, %mul3A_0, %dma_start3A_78] : memref<4x10240x64xf32, #tpu.memory_space<hbm>> -> memref<1x640x64xf32, #tpu.memory_space<hbm>>
      %dma_start3A_80 = tpu.memref_squeeze %dma_start3A_79 : memref<1x640x64xf32, #tpu.memory_space<hbm>> -> memref<640x64xf32, #tpu.memory_space<hbm>>
      %dma_start3A_81 = arith.constant 0 : i32
      %dma_start3A_82 = tpu.memref_slice %arg11[%mul3A_0, %dma_start3A_81] : memref<10240x64xf32, #tpu.memory_space<vmem_shared>> -> memref<640x64xf32, #tpu.memory_space<vmem_shared>>
      tpu.enqueue_dma source(%dma_start3A_82 : memref<640x64xf32, #tpu.memory_space<vmem_shared>>) target(%dma_start3A_80 : memref<640x64xf32, #tpu.memory_space<hbm>>) target_semaphore(%run_scoped3A : memref<!tpu.dma_semaphore, #tpu.memory_space<semaphore_mem>>)
      %dma_wait3A_83 = arith.constant 0 : i32
      %dma_wait3A_84 = tpu.memref_slice %arg5[%add3A_40, %mul3A_0, %dma_wait3A_83] : memref<4x10240x64xf32, #tpu.memory_space<hbm>> -> memref<1x640x64xf32, #tpu.memory_space<hbm>>
      %dma_wait3A_85 = tpu.memref_squeeze %dma_wait3A_84 : memref<1x640x64xf32, #tpu.memory_space<hbm>> -> memref<640x64xf32, #tpu.memory_space<hbm>>
      %dma_wait3A_86 = arith.constant 0 : i32
      %dma_wait3A_87 = tpu.memref_slice %arg11[%mul3A_0, %dma_wait3A_86] : memref<10240x64xf32, #tpu.memory_space<vmem_shared>> -> memref<640x64xf32, #tpu.memory_space<vmem_shared>>
      tpu.wait_dma2 semaphore(%run_scoped3A : memref<!tpu.dma_semaphore, #tpu.memory_space<semaphore_mem>>) src(%dma_wait3A_87 : memref<640x64xf32, #tpu.memory_space<vmem_shared>>) dst(%dma_wait3A_85 : memref<640x64xf32, #tpu.memory_space<hbm>>)
      tpu.yield
    }) : () -> ()
    return
  }
}

#map = affine_map<(d0, d1) -> (0, 0, 0)>
module attributes {stable_mosaic.version = 14 : i64} {
  func.func @_agg_kernel(%arg0: i32, %arg1: i32, %arg2: memref<4x10240x64xf32, #tpu.memory_space<hbm>>, %arg3: memref<16x159x128xi32, #tpu.memory_space<hbm>>, %arg4: memref<16x159x128xi32, #tpu.memory_space<hbm>>, %arg5: memref<4x10240x64xf32, #tpu.memory_space<hbm>>, %arg6: memref<159x128xi32, #tpu.memory_space<vmem>>, %arg7: memref<159x128xi32, #tpu.memory_space<vmem>>, %arg8: memref<128x64xf32, #tpu.memory_space<vmem>>, %arg9: memref<128x64xf32, #tpu.memory_space<vmem>>, %arg10: memref<128x64xf32, #tpu.memory_space<vmem>>, %arg11: memref<10240x64xf32, #tpu.memory_space<vmem_shared>>, %arg12: memref<!tpu.dma_semaphore, #tpu.memory_space<semaphore_mem>>, %arg13: memref<!tpu.dma_semaphore, #tpu.memory_space<semaphore_mem>>, %arg14: memref<!tpu.dma_semaphore, #tpu.memory_space<semaphore_mem>>, %arg15: memref<!tpu.dma_semaphore, #tpu.memory_space<semaphore_mem>>, %arg16: memref<!tpu.dma_semaphore, #tpu.memory_space<semaphore_mem>>, %arg17: memref<!tpu.dma_semaphore, #tpu.memory_space<semaphore_mem>>) attributes {dimension_semantics = [#tpu.dimension_semantics<core_parallel>, #tpu.dimension_semantics<subcore_parallel>], iteration_bounds = array<i64: 2, 16>, scalar_prefetch = 0 : i64, scratch_operands = 12 : i64, tpu.core_type = #tpu.core_type<sc_vector_subcore>, window_params = [{transform_indices = #map}, {transform_indices = #map}, {transform_indices = #map}, {transform_indices = #map}]} {
    "tpu.region"() ({
      %run_scoped3A = tpu.sem_alloc : memref<!tpu.dma_semaphore, #tpu.memory_space<semaphore_mem>>
      %dma_start3A_78 = arith.constant 0 : i32
      %dma_start3A_79 = arith.constant 0 : i32
      %dma_start3A_80 = tpu.memref_slice %arg3[%arg1, %dma_start3A_78, %dma_start3A_79] : memref<16x159x128xi32, #tpu.memory_space<hbm>> -> memref<1x159x128xi32, #tpu.memory_space<hbm>>
      %dma_start3A_81 = tpu.memref_squeeze %dma_start3A_80 : memref<1x159x128xi32, #tpu.memory_space<hbm>> -> memref<159x128xi32, #tpu.memory_space<hbm>>
      %dma_start3A_82 = arith.constant 0 : i32
      %dma_start3A_83 = arith.constant 0 : i32
      %dma_start3A_84 = tpu.memref_slice %arg3[%arg1, %dma_start3A_82, %dma_start3A_83] : memref<16x159x128xi32, #tpu.memory_space<hbm>> -> memref<1x159x128xi32, #tpu.memory_space<hbm>>
      %dma_start3A_85 = tpu.memref_squeeze %dma_start3A_84 : memref<1x159x128xi32, #tpu.memory_space<hbm>> -> memref<159x128xi32, #tpu.memory_space<hbm>>
      tpu.enqueue_dma source(%dma_start3A_85 : memref<159x128xi32, #tpu.memory_space<hbm>>) target(%arg6 : memref<159x128xi32, #tpu.memory_space<vmem>>) target_semaphore(%run_scoped3A : memref<!tpu.dma_semaphore, #tpu.memory_space<semaphore_mem>>)
      %dma_wait3A_86 = arith.constant 0 : i32
      %dma_wait3A_87 = arith.constant 0 : i32
      %dma_wait3A_88 = tpu.memref_slice %arg3[%arg1, %dma_wait3A_86, %dma_wait3A_87] : memref<16x159x128xi32, #tpu.memory_space<hbm>> -> memref<1x159x128xi32, #tpu.memory_space<hbm>>
      %dma_wait3A_89 = tpu.memref_squeeze %dma_wait3A_88 : memref<1x159x128xi32, #tpu.memory_space<hbm>> -> memref<159x128xi32, #tpu.memory_space<hbm>>
      %dma_wait3A_90 = arith.constant 0 : i32
      %dma_wait3A_91 = arith.constant 0 : i32
      %dma_wait3A_92 = tpu.memref_slice %arg3[%arg1, %dma_wait3A_90, %dma_wait3A_91] : memref<16x159x128xi32, #tpu.memory_space<hbm>> -> memref<1x159x128xi32, #tpu.memory_space<hbm>>
      %dma_wait3A_93 = tpu.memref_squeeze %dma_wait3A_92 : memref<1x159x128xi32, #tpu.memory_space<hbm>> -> memref<159x128xi32, #tpu.memory_space<hbm>>
      tpu.wait_dma2 semaphore(%run_scoped3A : memref<!tpu.dma_semaphore, #tpu.memory_space<semaphore_mem>>) src(%dma_wait3A_93 : memref<159x128xi32, #tpu.memory_space<hbm>>) dst(%arg6 : memref<159x128xi32, #tpu.memory_space<vmem>>)
      tpu.yield
    }) : () -> ()
    "tpu.region"() ({
      %run_scoped3A = tpu.sem_alloc : memref<!tpu.dma_semaphore, #tpu.memory_space<semaphore_mem>>
      %dma_start3A_78 = arith.constant 0 : i32
      %dma_start3A_79 = arith.constant 0 : i32
      %dma_start3A_80 = tpu.memref_slice %arg4[%arg1, %dma_start3A_78, %dma_start3A_79] : memref<16x159x128xi32, #tpu.memory_space<hbm>> -> memref<1x159x128xi32, #tpu.memory_space<hbm>>
      %dma_start3A_81 = tpu.memref_squeeze %dma_start3A_80 : memref<1x159x128xi32, #tpu.memory_space<hbm>> -> memref<159x128xi32, #tpu.memory_space<hbm>>
      %dma_start3A_82 = arith.constant 0 : i32
      %dma_start3A_83 = arith.constant 0 : i32
      %dma_start3A_84 = tpu.memref_slice %arg4[%arg1, %dma_start3A_82, %dma_start3A_83] : memref<16x159x128xi32, #tpu.memory_space<hbm>> -> memref<1x159x128xi32, #tpu.memory_space<hbm>>
      %dma_start3A_85 = tpu.memref_squeeze %dma_start3A_84 : memref<1x159x128xi32, #tpu.memory_space<hbm>> -> memref<159x128xi32, #tpu.memory_space<hbm>>
      tpu.enqueue_dma source(%dma_start3A_85 : memref<159x128xi32, #tpu.memory_space<hbm>>) target(%arg7 : memref<159x128xi32, #tpu.memory_space<vmem>>) target_semaphore(%run_scoped3A : memref<!tpu.dma_semaphore, #tpu.memory_space<semaphore_mem>>)
      %dma_wait3A_86 = arith.constant 0 : i32
      %dma_wait3A_87 = arith.constant 0 : i32
      %dma_wait3A_88 = tpu.memref_slice %arg4[%arg1, %dma_wait3A_86, %dma_wait3A_87] : memref<16x159x128xi32, #tpu.memory_space<hbm>> -> memref<1x159x128xi32, #tpu.memory_space<hbm>>
      %dma_wait3A_89 = tpu.memref_squeeze %dma_wait3A_88 : memref<1x159x128xi32, #tpu.memory_space<hbm>> -> memref<159x128xi32, #tpu.memory_space<hbm>>
      %dma_wait3A_90 = arith.constant 0 : i32
      %dma_wait3A_91 = arith.constant 0 : i32
      %dma_wait3A_92 = tpu.memref_slice %arg4[%arg1, %dma_wait3A_90, %dma_wait3A_91] : memref<16x159x128xi32, #tpu.memory_space<hbm>> -> memref<1x159x128xi32, #tpu.memory_space<hbm>>
      %dma_wait3A_93 = tpu.memref_squeeze %dma_wait3A_92 : memref<1x159x128xi32, #tpu.memory_space<hbm>> -> memref<159x128xi32, #tpu.memory_space<hbm>>
      tpu.wait_dma2 semaphore(%run_scoped3A : memref<!tpu.dma_semaphore, #tpu.memory_space<semaphore_mem>>) src(%dma_wait3A_93 : memref<159x128xi32, #tpu.memory_space<hbm>>) dst(%arg7 : memref<159x128xi32, #tpu.memory_space<vmem>>)
      tpu.yield
    }) : () -> ()
    %mul3A = arith.constant 640 : i32
    %mul3A_0 = arith.muli %arg1, %mul3A : i32
    %mul3A_1 = arith.constant 2 : i32
    %mul3A_2 = arith.muli %mul3A_1, %arg0 : i32
    %add3A = arith.constant 0 : i32
    %add3A_3 = arith.addi %mul3A_2, %add3A : i32
    "tpu.region"() ({
      %run_scoped3A = tpu.sem_alloc : memref<!tpu.dma_semaphore, #tpu.memory_space<semaphore_mem>>
      %dma_start3A_78 = arith.constant 0 : i32
      %dma_start3A_79 = tpu.memref_slice %arg11[%mul3A_0, %dma_start3A_78] : memref<10240x64xf32, #tpu.memory_space<vmem_shared>> -> memref<640x64xf32, #tpu.memory_space<vmem_shared>>
      %dma_start3A_80 = arith.constant 0 : i32
      %dma_start3A_81 = tpu.memref_slice %arg2[%add3A_3, %mul3A_0, %dma_start3A_80] : memref<4x10240x64xf32, #tpu.memory_space<hbm>> -> memref<1x640x64xf32, #tpu.memory_space<hbm>>
      %dma_start3A_82 = tpu.memref_squeeze %dma_start3A_81 : memref<1x640x64xf32, #tpu.memory_space<hbm>> -> memref<640x64xf32, #tpu.memory_space<hbm>>
      tpu.enqueue_dma source(%dma_start3A_82 : memref<640x64xf32, #tpu.memory_space<hbm>>) target(%dma_start3A_79 : memref<640x64xf32, #tpu.memory_space<vmem_shared>>) target_semaphore(%run_scoped3A : memref<!tpu.dma_semaphore, #tpu.memory_space<semaphore_mem>>)
      %dma_wait3A_83 = arith.constant 0 : i32
      %dma_wait3A_84 = tpu.memref_slice %arg11[%mul3A_0, %dma_wait3A_83] : memref<10240x64xf32, #tpu.memory_space<vmem_shared>> -> memref<640x64xf32, #tpu.memory_space<vmem_shared>>
      %dma_wait3A_85 = arith.constant 0 : i32
      %dma_wait3A_86 = tpu.memref_slice %arg2[%add3A_3, %mul3A_0, %dma_wait3A_85] : memref<4x10240x64xf32, #tpu.memory_space<hbm>> -> memref<1x640x64xf32, #tpu.memory_space<hbm>>
      %dma_wait3A_87 = tpu.memref_squeeze %dma_wait3A_86 : memref<1x640x64xf32, #tpu.memory_space<hbm>> -> memref<640x64xf32, #tpu.memory_space<hbm>>
      tpu.wait_dma2 semaphore(%run_scoped3A : memref<!tpu.dma_semaphore, #tpu.memory_space<semaphore_mem>>) src(%dma_wait3A_87 : memref<640x64xf32, #tpu.memory_space<hbm>>) dst(%dma_wait3A_84 : memref<640x64xf32, #tpu.memory_space<vmem_shared>>)
      tpu.yield
    }) : () -> ()
    %barrier3A = arith.constant 0 : index
    tpu.barrier barrier_id(%barrier3A)
    %dma_start3A = arith.constant 0 : i32
    %dma_start3A_4 = arith.constant 0 : i32
    %dma_start3A_5 = tpu.memref_slice %arg6[%dma_start3A, %dma_start3A_4] : memref<159x128xi32, #tpu.memory_space<vmem>> -> memref<1x128xi32, #tpu.memory_space<vmem>>
    %dma_start3A_6 = tpu.memref_squeeze %dma_start3A_5 : memref<1x128xi32, #tpu.memory_space<vmem>> -> memref<128xi32, #tpu.memory_space<vmem>>
    %dma_start3A_7 = arith.constant 0 : i32
    %dma_start3A_8 = arith.constant 0 : i32
    %dma_start3A_9 = tpu.memref_slice %arg2[%add3A_3, %dma_start3A_7, %dma_start3A_8] : memref<4x10240x64xf32, #tpu.memory_space<hbm>> -> memref<1x10240x64xf32, #tpu.memory_space<hbm>>
    %dma_start3A_10 = tpu.memref_squeeze %dma_start3A_9 : memref<1x10240x64xf32, #tpu.memory_space<hbm>> -> memref<10240x64xf32, #tpu.memory_space<hbm>>
    %dma_start3A_11 = arith.constant 0 : i32
    %dma_start3A_12 = arith.constant 0 : i32
    %dma_start3A_13 = tpu.memref_slice %dma_start3A_10[%dma_start3A_11, %dma_start3A_12] : memref<10240x64xf32, #tpu.memory_space<hbm>> -> memref<10240x64xf32, #tpu.memory_space<hbm>>
    tpu.enqueue_indirect_dma source(%dma_start3A_13 : memref<10240x64xf32, #tpu.memory_space<hbm>>) target(%arg8 : memref<128x64xf32, #tpu.memory_space<vmem>>) offsets(%dma_start3A_6 : memref<128xi32, #tpu.memory_space<vmem>>) semaphore(%arg12 : memref<!tpu.dma_semaphore, #tpu.memory_space<semaphore_mem>>)
    %dma_start3A_14 = arith.constant 1 : i32
    %dma_start3A_15 = arith.constant 0 : i32
    %dma_start3A_16 = tpu.memref_slice %arg6[%dma_start3A_14, %dma_start3A_15] : memref<159x128xi32, #tpu.memory_space<vmem>> -> memref<1x128xi32, #tpu.memory_space<vmem>>
    %dma_start3A_17 = tpu.memref_squeeze %dma_start3A_16 : memref<1x128xi32, #tpu.memory_space<vmem>> -> memref<128xi32, #tpu.memory_space<vmem>>
    %dma_start3A_18 = arith.constant 0 : i32
    %dma_start3A_19 = arith.constant 0 : i32
    %dma_start3A_20 = tpu.memref_slice %arg2[%add3A_3, %dma_start3A_18, %dma_start3A_19] : memref<4x10240x64xf32, #tpu.memory_space<hbm>> -> memref<1x10240x64xf32, #tpu.memory_space<hbm>>
    %dma_start3A_21 = tpu.memref_squeeze %dma_start3A_20 : memref<1x10240x64xf32, #tpu.memory_space<hbm>> -> memref<10240x64xf32, #tpu.memory_space<hbm>>
    %dma_start3A_22 = arith.constant 0 : i32
    %dma_start3A_23 = arith.constant 0 : i32
    %dma_start3A_24 = tpu.memref_slice %dma_start3A_21[%dma_start3A_22, %dma_start3A_23] : memref<10240x64xf32, #tpu.memory_space<hbm>> -> memref<10240x64xf32, #tpu.memory_space<hbm>>
    tpu.enqueue_indirect_dma source(%dma_start3A_24 : memref<10240x64xf32, #tpu.memory_space<hbm>>) target(%arg9 : memref<128x64xf32, #tpu.memory_space<vmem>>) offsets(%dma_start3A_17 : memref<128xi32, #tpu.memory_space<vmem>>) semaphore(%arg13 : memref<!tpu.dma_semaphore, #tpu.memory_space<semaphore_mem>>)
    %scan3A = arith.constant 0 : i32
    %scan3A_25 = arith.constant 0 : i32
    %scan3A_26 = arith.constant 53 : i32
    %scan3A_27 = arith.addi %scan3A_25, %scan3A_26 : i32
    %scan3A_28 = arith.constant 1 : i32
    scf.for %scan3A_78 = %scan3A_25 to %scan3A_27 step %scan3A_28  : i32 {
      %mul3A_79 = arith.constant 3 : i32
      %mul3A_80 = arith.muli %mul3A_79, %scan3A_78 : i32
      %add3A_81 = arith.constant 0 : i32
      %add3A_82 = arith.addi %mul3A_80, %add3A_81 : i32
      %dma_wait3A_83 = arith.constant 0 : i32
      %dma_wait3A_84 = tpu.memref_slice %arg6[%add3A_82, %dma_wait3A_83] : memref<159x128xi32, #tpu.memory_space<vmem>> -> memref<1x128xi32, #tpu.memory_space<vmem>>
      %dma_wait3A_85 = tpu.memref_squeeze %dma_wait3A_84 : memref<1x128xi32, #tpu.memory_space<vmem>> -> memref<128xi32, #tpu.memory_space<vmem>>
      %dma_wait3A_86 = arith.constant 0 : i32
      %dma_wait3A_87 = arith.constant 0 : i32
      %dma_wait3A_88 = tpu.memref_slice %arg2[%add3A_3, %dma_wait3A_86, %dma_wait3A_87] : memref<4x10240x64xf32, #tpu.memory_space<hbm>> -> memref<1x10240x64xf32, #tpu.memory_space<hbm>>
      %dma_wait3A_89 = tpu.memref_squeeze %dma_wait3A_88 : memref<1x10240x64xf32, #tpu.memory_space<hbm>> -> memref<10240x64xf32, #tpu.memory_space<hbm>>
      %dma_wait3A_90 = arith.constant 0 : i32
      %dma_wait3A_91 = arith.constant 0 : i32
      %dma_wait3A_92 = tpu.memref_slice %dma_wait3A_89[%dma_wait3A_90, %dma_wait3A_91] : memref<10240x64xf32, #tpu.memory_space<hbm>> -> memref<10240x64xf32, #tpu.memory_space<hbm>>
      tpu.wait_indirect_dma semaphore(%arg12 : memref<!tpu.dma_semaphore, #tpu.memory_space<semaphore_mem>>) src(%dma_wait3A_92 : memref<10240x64xf32, #tpu.memory_space<hbm>>) dst(%arg8 : memref<128x64xf32, #tpu.memory_space<vmem>>)
      %dma_start3A_93 = arith.constant 0 : i32
      %dma_start3A_94 = tpu.memref_slice %arg7[%add3A_82, %dma_start3A_93] : memref<159x128xi32, #tpu.memory_space<vmem>> -> memref<1x128xi32, #tpu.memory_space<vmem>>
      %dma_start3A_95 = tpu.memref_squeeze %dma_start3A_94 : memref<1x128xi32, #tpu.memory_space<vmem>> -> memref<128xi32, #tpu.memory_space<vmem>>
      %dma_start3A_96 = arith.constant 0 : i32
      %dma_start3A_97 = arith.constant 0 : i32
      %dma_start3A_98 = tpu.memref_slice %arg11[%dma_start3A_96, %dma_start3A_97] : memref<10240x64xf32, #tpu.memory_space<vmem_shared>> -> memref<10240x64xf32, #tpu.memory_space<vmem_shared>>
      tpu.enqueue_indirect_dma source(%arg8 : memref<128x64xf32, #tpu.memory_space<vmem>>) target(%dma_start3A_98 : memref<10240x64xf32, #tpu.memory_space<vmem_shared>>) offsets(%dma_start3A_95 : memref<128xi32, #tpu.memory_space<vmem>>) semaphore(%arg15 : memref<!tpu.dma_semaphore, #tpu.memory_space<semaphore_mem>>) {add = true}
      %gt3A = arith.constant 0 : i32
      %gt3A_99 = arith.cmpi sgt, %scan3A_78, %gt3A : i32
      %convert_element_type3A = arith.extui %gt3A_99 : i1 to i32
      %cond3A = arith.constant 0 : i32
      %cond3A_100 = arith.cmpi ne, %convert_element_type3A, %cond3A : i32
      scf.if %cond3A_100 {
        %sub3A_182 = arith.constant 1 : i32
        %sub3A_183 = arith.subi %add3A_82, %sub3A_182 : i32
        %dma_wait3A_184 = arith.constant 0 : i32
        %dma_wait3A_185 = tpu.memref_slice %arg7[%sub3A_183, %dma_wait3A_184] : memref<159x128xi32, #tpu.memory_space<vmem>> -> memref<1x128xi32, #tpu.memory_space<vmem>>
        %dma_wait3A_186 = tpu.memref_squeeze %dma_wait3A_185 : memref<1x128xi32, #tpu.memory_space<vmem>> -> memref<128xi32, #tpu.memory_space<vmem>>
        %dma_wait3A_187 = arith.constant 0 : i32
        %dma_wait3A_188 = arith.constant 0 : i32
        %dma_wait3A_189 = tpu.memref_slice %arg11[%dma_wait3A_187, %dma_wait3A_188] : memref<10240x64xf32, #tpu.memory_space<vmem_shared>> -> memref<10240x64xf32, #tpu.memory_space<vmem_shared>>
        tpu.wait_indirect_dma semaphore(%arg17 : memref<!tpu.dma_semaphore, #tpu.memory_space<semaphore_mem>>) src(%arg10 : memref<128x64xf32, #tpu.memory_space<vmem>>) dst(%dma_wait3A_189 : memref<10240x64xf32, #tpu.memory_space<vmem_shared>>)
      } else {
      }
      %add3A_101 = arith.constant 3 : i32
      %add3A_102 = arith.addi %add3A_82, %add3A_101 : i32
      %sub3A = arith.constant 1 : i32
      %sub3A_103 = arith.subi %add3A_102, %sub3A : i32
      %lt3A = arith.constant 159 : i32
      %lt3A_104 = arith.cmpi slt, %sub3A_103, %lt3A : i32
      %convert_element_type3A_105 = arith.extui %lt3A_104 : i1 to i32
      %cond3A_106 = arith.constant 0 : i32
      %cond3A_107 = arith.cmpi ne, %convert_element_type3A_105, %cond3A_106 : i32
      scf.if %cond3A_107 {
        %add3A_182 = arith.constant 3 : i32
        %add3A_183 = arith.addi %add3A_82, %add3A_182 : i32
        %sub3A_184 = arith.constant 1 : i32
        %sub3A_185 = arith.subi %add3A_183, %sub3A_184 : i32
        %dma_start3A_186 = arith.constant 0 : i32
        %dma_start3A_187 = tpu.memref_slice %arg6[%sub3A_185, %dma_start3A_186] : memref<159x128xi32, #tpu.memory_space<vmem>> -> memref<1x128xi32, #tpu.memory_space<vmem>>
        %dma_start3A_188 = tpu.memref_squeeze %dma_start3A_187 : memref<1x128xi32, #tpu.memory_space<vmem>> -> memref<128xi32, #tpu.memory_space<vmem>>
        %dma_start3A_189 = arith.constant 0 : i32
        %dma_start3A_190 = arith.constant 0 : i32
        %dma_start3A_191 = tpu.memref_slice %arg2[%add3A_3, %dma_start3A_189, %dma_start3A_190] : memref<4x10240x64xf32, #tpu.memory_space<hbm>> -> memref<1x10240x64xf32, #tpu.memory_space<hbm>>
        %dma_start3A_192 = tpu.memref_squeeze %dma_start3A_191 : memref<1x10240x64xf32, #tpu.memory_space<hbm>> -> memref<10240x64xf32, #tpu.memory_space<hbm>>
        %dma_start3A_193 = arith.constant 0 : i32
        %dma_start3A_194 = arith.constant 0 : i32
        %dma_start3A_195 = tpu.memref_slice %dma_start3A_192[%dma_start3A_193, %dma_start3A_194] : memref<10240x64xf32, #tpu.memory_space<hbm>> -> memref<10240x64xf32, #tpu.memory_space<hbm>>
        tpu.enqueue_indirect_dma source(%dma_start3A_195 : memref<10240x64xf32, #tpu.memory_space<hbm>>) target(%arg10 : memref<128x64xf32, #tpu.memory_space<vmem>>) offsets(%dma_start3A_188 : memref<128xi32, #tpu.memory_space<vmem>>) semaphore(%arg14 : memref<!tpu.dma_semaphore, #tpu.memory_space<semaphore_mem>>)
      } else {
      }
      %mul3A_108 = arith.constant 3 : i32
      %mul3A_109 = arith.muli %mul3A_108, %scan3A_78 : i32
      %add3A_110 = arith.constant 1 : i32
      %add3A_111 = arith.addi %mul3A_109, %add3A_110 : i32
      %dma_wait3A_112 = arith.constant 0 : i32
      %dma_wait3A_113 = tpu.memref_slice %arg6[%add3A_111, %dma_wait3A_112] : memref<159x128xi32, #tpu.memory_space<vmem>> -> memref<1x128xi32, #tpu.memory_space<vmem>>
      %dma_wait3A_114 = tpu.memref_squeeze %dma_wait3A_113 : memref<1x128xi32, #tpu.memory_space<vmem>> -> memref<128xi32, #tpu.memory_space<vmem>>
      %dma_wait3A_115 = arith.constant 0 : i32
      %dma_wait3A_116 = arith.constant 0 : i32
      %dma_wait3A_117 = tpu.memref_slice %arg2[%add3A_3, %dma_wait3A_115, %dma_wait3A_116] : memref<4x10240x64xf32, #tpu.memory_space<hbm>> -> memref<1x10240x64xf32, #tpu.memory_space<hbm>>
      %dma_wait3A_118 = tpu.memref_squeeze %dma_wait3A_117 : memref<1x10240x64xf32, #tpu.memory_space<hbm>> -> memref<10240x64xf32, #tpu.memory_space<hbm>>
      %dma_wait3A_119 = arith.constant 0 : i32
      %dma_wait3A_120 = arith.constant 0 : i32
      %dma_wait3A_121 = tpu.memref_slice %dma_wait3A_118[%dma_wait3A_119, %dma_wait3A_120] : memref<10240x64xf32, #tpu.memory_space<hbm>> -> memref<10240x64xf32, #tpu.memory_space<hbm>>
      tpu.wait_indirect_dma semaphore(%arg13 : memref<!tpu.dma_semaphore, #tpu.memory_space<semaphore_mem>>) src(%dma_wait3A_121 : memref<10240x64xf32, #tpu.memory_space<hbm>>) dst(%arg9 : memref<128x64xf32, #tpu.memory_space<vmem>>)
      %dma_start3A_122 = arith.constant 0 : i32
      %dma_start3A_123 = tpu.memref_slice %arg7[%add3A_111, %dma_start3A_122] : memref<159x128xi32, #tpu.memory_space<vmem>> -> memref<1x128xi32, #tpu.memory_space<vmem>>
      %dma_start3A_124 = tpu.memref_squeeze %dma_start3A_123 : memref<1x128xi32, #tpu.memory_space<vmem>> -> memref<128xi32, #tpu.memory_space<vmem>>
      %dma_start3A_125 = arith.constant 0 : i32
      %dma_start3A_126 = arith.constant 0 : i32
      %dma_start3A_127 = tpu.memref_slice %arg11[%dma_start3A_125, %dma_start3A_126] : memref<10240x64xf32, #tpu.memory_space<vmem_shared>> -> memref<10240x64xf32, #tpu.memory_space<vmem_shared>>
      tpu.enqueue_indirect_dma source(%arg9 : memref<128x64xf32, #tpu.memory_space<vmem>>) target(%dma_start3A_127 : memref<10240x64xf32, #tpu.memory_space<vmem_shared>>) offsets(%dma_start3A_124 : memref<128xi32, #tpu.memory_space<vmem>>) semaphore(%arg16 : memref<!tpu.dma_semaphore, #tpu.memory_space<semaphore_mem>>) {add = true}
      %sub3A_128 = arith.constant 1 : i32
      %sub3A_129 = arith.subi %add3A_111, %sub3A_128 : i32
      %dma_wait3A_130 = arith.constant 0 : i32
      %dma_wait3A_131 = tpu.memref_slice %arg7[%sub3A_129, %dma_wait3A_130] : memref<159x128xi32, #tpu.memory_space<vmem>> -> memref<1x128xi32, #tpu.memory_space<vmem>>
      %dma_wait3A_132 = tpu.memref_squeeze %dma_wait3A_131 : memref<1x128xi32, #tpu.memory_space<vmem>> -> memref<128xi32, #tpu.memory_space<vmem>>
      %dma_wait3A_133 = arith.constant 0 : i32
      %dma_wait3A_134 = arith.constant 0 : i32
      %dma_wait3A_135 = tpu.memref_slice %arg11[%dma_wait3A_133, %dma_wait3A_134] : memref<10240x64xf32, #tpu.memory_space<vmem_shared>> -> memref<10240x64xf32, #tpu.memory_space<vmem_shared>>
      tpu.wait_indirect_dma semaphore(%arg15 : memref<!tpu.dma_semaphore, #tpu.memory_space<semaphore_mem>>) src(%arg8 : memref<128x64xf32, #tpu.memory_space<vmem>>) dst(%dma_wait3A_135 : memref<10240x64xf32, #tpu.memory_space<vmem_shared>>)
      %add3A_136 = arith.constant 3 : i32
      %add3A_137 = arith.addi %add3A_111, %add3A_136 : i32
      %sub3A_138 = arith.constant 1 : i32
      %sub3A_139 = arith.subi %add3A_137, %sub3A_138 : i32
      %lt3A_140 = arith.constant 159 : i32
      %lt3A_141 = arith.cmpi slt, %sub3A_139, %lt3A_140 : i32
      %convert_element_type3A_142 = arith.extui %lt3A_141 : i1 to i32
      %cond3A_143 = arith.constant 0 : i32
      %cond3A_144 = arith.cmpi ne, %convert_element_type3A_142, %cond3A_143 : i32
      scf.if %cond3A_144 {
        %add3A_182 = arith.constant 3 : i32
        %add3A_183 = arith.addi %add3A_111, %add3A_182 : i32
        %sub3A_184 = arith.constant 1 : i32
        %sub3A_185 = arith.subi %add3A_183, %sub3A_184 : i32
        %dma_start3A_186 = arith.constant 0 : i32
        %dma_start3A_187 = tpu.memref_slice %arg6[%sub3A_185, %dma_start3A_186] : memref<159x128xi32, #tpu.memory_space<vmem>> -> memref<1x128xi32, #tpu.memory_space<vmem>>
        %dma_start3A_188 = tpu.memref_squeeze %dma_start3A_187 : memref<1x128xi32, #tpu.memory_space<vmem>> -> memref<128xi32, #tpu.memory_space<vmem>>
        %dma_start3A_189 = arith.constant 0 : i32
        %dma_start3A_190 = arith.constant 0 : i32
        %dma_start3A_191 = tpu.memref_slice %arg2[%add3A_3, %dma_start3A_189, %dma_start3A_190] : memref<4x10240x64xf32, #tpu.memory_space<hbm>> -> memref<1x10240x64xf32, #tpu.memory_space<hbm>>
        %dma_start3A_192 = tpu.memref_squeeze %dma_start3A_191 : memref<1x10240x64xf32, #tpu.memory_space<hbm>> -> memref<10240x64xf32, #tpu.memory_space<hbm>>
        %dma_start3A_193 = arith.constant 0 : i32
        %dma_start3A_194 = arith.constant 0 : i32
        %dma_start3A_195 = tpu.memref_slice %dma_start3A_192[%dma_start3A_193, %dma_start3A_194] : memref<10240x64xf32, #tpu.memory_space<hbm>> -> memref<10240x64xf32, #tpu.memory_space<hbm>>
        tpu.enqueue_indirect_dma source(%dma_start3A_195 : memref<10240x64xf32, #tpu.memory_space<hbm>>) target(%arg8 : memref<128x64xf32, #tpu.memory_space<vmem>>) offsets(%dma_start3A_188 : memref<128xi32, #tpu.memory_space<vmem>>) semaphore(%arg12 : memref<!tpu.dma_semaphore, #tpu.memory_space<semaphore_mem>>)
      } else {
      }
      %mul3A_145 = arith.constant 3 : i32
      %mul3A_146 = arith.muli %mul3A_145, %scan3A_78 : i32
      %add3A_147 = arith.constant 2 : i32
      %add3A_148 = arith.addi %mul3A_146, %add3A_147 : i32
      %dma_wait3A_149 = arith.constant 0 : i32
      %dma_wait3A_150 = tpu.memref_slice %arg6[%add3A_148, %dma_wait3A_149] : memref<159x128xi32, #tpu.memory_space<vmem>> -> memref<1x128xi32, #tpu.memory_space<vmem>>
      %dma_wait3A_151 = tpu.memref_squeeze %dma_wait3A_150 : memref<1x128xi32, #tpu.memory_space<vmem>> -> memref<128xi32, #tpu.memory_space<vmem>>
      %dma_wait3A_152 = arith.constant 0 : i32
      %dma_wait3A_153 = arith.constant 0 : i32
      %dma_wait3A_154 = tpu.memref_slice %arg2[%add3A_3, %dma_wait3A_152, %dma_wait3A_153] : memref<4x10240x64xf32, #tpu.memory_space<hbm>> -> memref<1x10240x64xf32, #tpu.memory_space<hbm>>
      %dma_wait3A_155 = tpu.memref_squeeze %dma_wait3A_154 : memref<1x10240x64xf32, #tpu.memory_space<hbm>> -> memref<10240x64xf32, #tpu.memory_space<hbm>>
      %dma_wait3A_156 = arith.constant 0 : i32
      %dma_wait3A_157 = arith.constant 0 : i32
      %dma_wait3A_158 = tpu.memref_slice %dma_wait3A_155[%dma_wait3A_156, %dma_wait3A_157] : memref<10240x64xf32, #tpu.memory_space<hbm>> -> memref<10240x64xf32, #tpu.memory_space<hbm>>
      tpu.wait_indirect_dma semaphore(%arg14 : memref<!tpu.dma_semaphore, #tpu.memory_space<semaphore_mem>>) src(%dma_wait3A_158 : memref<10240x64xf32, #tpu.memory_space<hbm>>) dst(%arg10 : memref<128x64xf32, #tpu.memory_space<vmem>>)
      %dma_start3A_159 = arith.constant 0 : i32
      %dma_start3A_160 = tpu.memref_slice %arg7[%add3A_148, %dma_start3A_159] : memref<159x128xi32, #tpu.memory_space<vmem>> -> memref<1x128xi32, #tpu.memory_space<vmem>>
      %dma_start3A_161 = tpu.memref_squeeze %dma_start3A_160 : memref<1x128xi32, #tpu.memory_space<vmem>> -> memref<128xi32, #tpu.memory_space<vmem>>
      %dma_start3A_162 = arith.constant 0 : i32
      %dma_start3A_163 = arith.constant 0 : i32
      %dma_start3A_164 = tpu.memref_slice %arg11[%dma_start3A_162, %dma_start3A_163] : memref<10240x64xf32, #tpu.memory_space<vmem_shared>> -> memref<10240x64xf32, #tpu.memory_space<vmem_shared>>
      tpu.enqueue_indirect_dma source(%arg10 : memref<128x64xf32, #tpu.memory_space<vmem>>) target(%dma_start3A_164 : memref<10240x64xf32, #tpu.memory_space<vmem_shared>>) offsets(%dma_start3A_161 : memref<128xi32, #tpu.memory_space<vmem>>) semaphore(%arg17 : memref<!tpu.dma_semaphore, #tpu.memory_space<semaphore_mem>>) {add = true}
      %sub3A_165 = arith.constant 1 : i32
      %sub3A_166 = arith.subi %add3A_148, %sub3A_165 : i32
      %dma_wait3A_167 = arith.constant 0 : i32
      %dma_wait3A_168 = tpu.memref_slice %arg7[%sub3A_166, %dma_wait3A_167] : memref<159x128xi32, #tpu.memory_space<vmem>> -> memref<1x128xi32, #tpu.memory_space<vmem>>
      %dma_wait3A_169 = tpu.memref_squeeze %dma_wait3A_168 : memref<1x128xi32, #tpu.memory_space<vmem>> -> memref<128xi32, #tpu.memory_space<vmem>>
      %dma_wait3A_170 = arith.constant 0 : i32
      %dma_wait3A_171 = arith.constant 0 : i32
      %dma_wait3A_172 = tpu.memref_slice %arg11[%dma_wait3A_170, %dma_wait3A_171] : memref<10240x64xf32, #tpu.memory_space<vmem_shared>> -> memref<10240x64xf32, #tpu.memory_space<vmem_shared>>
      tpu.wait_indirect_dma semaphore(%arg16 : memref<!tpu.dma_semaphore, #tpu.memory_space<semaphore_mem>>) src(%arg9 : memref<128x64xf32, #tpu.memory_space<vmem>>) dst(%dma_wait3A_172 : memref<10240x64xf32, #tpu.memory_space<vmem_shared>>)
      %add3A_173 = arith.constant 3 : i32
      %add3A_174 = arith.addi %add3A_148, %add3A_173 : i32
      %sub3A_175 = arith.constant 1 : i32
      %sub3A_176 = arith.subi %add3A_174, %sub3A_175 : i32
      %lt3A_177 = arith.constant 159 : i32
      %lt3A_178 = arith.cmpi slt, %sub3A_176, %lt3A_177 : i32
      %convert_element_type3A_179 = arith.extui %lt3A_178 : i1 to i32
      %cond3A_180 = arith.constant 0 : i32
      %cond3A_181 = arith.cmpi ne, %convert_element_type3A_179, %cond3A_180 : i32
      scf.if %cond3A_181 {
        %add3A_182 = arith.constant 3 : i32
        %add3A_183 = arith.addi %add3A_148, %add3A_182 : i32
        %sub3A_184 = arith.constant 1 : i32
        %sub3A_185 = arith.subi %add3A_183, %sub3A_184 : i32
        %dma_start3A_186 = arith.constant 0 : i32
        %dma_start3A_187 = tpu.memref_slice %arg6[%sub3A_185, %dma_start3A_186] : memref<159x128xi32, #tpu.memory_space<vmem>> -> memref<1x128xi32, #tpu.memory_space<vmem>>
        %dma_start3A_188 = tpu.memref_squeeze %dma_start3A_187 : memref<1x128xi32, #tpu.memory_space<vmem>> -> memref<128xi32, #tpu.memory_space<vmem>>
        %dma_start3A_189 = arith.constant 0 : i32
        %dma_start3A_190 = arith.constant 0 : i32
        %dma_start3A_191 = tpu.memref_slice %arg2[%add3A_3, %dma_start3A_189, %dma_start3A_190] : memref<4x10240x64xf32, #tpu.memory_space<hbm>> -> memref<1x10240x64xf32, #tpu.memory_space<hbm>>
        %dma_start3A_192 = tpu.memref_squeeze %dma_start3A_191 : memref<1x10240x64xf32, #tpu.memory_space<hbm>> -> memref<10240x64xf32, #tpu.memory_space<hbm>>
        %dma_start3A_193 = arith.constant 0 : i32
        %dma_start3A_194 = arith.constant 0 : i32
        %dma_start3A_195 = tpu.memref_slice %dma_start3A_192[%dma_start3A_193, %dma_start3A_194] : memref<10240x64xf32, #tpu.memory_space<hbm>> -> memref<10240x64xf32, #tpu.memory_space<hbm>>
        tpu.enqueue_indirect_dma source(%dma_start3A_195 : memref<10240x64xf32, #tpu.memory_space<hbm>>) target(%arg9 : memref<128x64xf32, #tpu.memory_space<vmem>>) offsets(%dma_start3A_188 : memref<128xi32, #tpu.memory_space<vmem>>) semaphore(%arg13 : memref<!tpu.dma_semaphore, #tpu.memory_space<semaphore_mem>>)
      } else {
      }
    }
    %scan3A_29 = arith.constant 53 : i32
    %dma_wait3A = arith.constant 158 : i32
    %dma_wait3A_30 = arith.constant 0 : i32
    %dma_wait3A_31 = tpu.memref_slice %arg7[%dma_wait3A, %dma_wait3A_30] : memref<159x128xi32, #tpu.memory_space<vmem>> -> memref<1x128xi32, #tpu.memory_space<vmem>>
    %dma_wait3A_32 = tpu.memref_squeeze %dma_wait3A_31 : memref<1x128xi32, #tpu.memory_space<vmem>> -> memref<128xi32, #tpu.memory_space<vmem>>
    %dma_wait3A_33 = arith.constant 0 : i32
    %dma_wait3A_34 = arith.constant 0 : i32
    %dma_wait3A_35 = tpu.memref_slice %arg11[%dma_wait3A_33, %dma_wait3A_34] : memref<10240x64xf32, #tpu.memory_space<vmem_shared>> -> memref<10240x64xf32, #tpu.memory_space<vmem_shared>>
    tpu.wait_indirect_dma semaphore(%arg17 : memref<!tpu.dma_semaphore, #tpu.memory_space<semaphore_mem>>) src(%arg10 : memref<128x64xf32, #tpu.memory_space<vmem>>) dst(%dma_wait3A_35 : memref<10240x64xf32, #tpu.memory_space<vmem_shared>>)
    %barrier3A_36 = arith.constant 0 : index
    tpu.barrier barrier_id(%barrier3A_36)
    "tpu.region"() ({
      %run_scoped3A = tpu.sem_alloc : memref<!tpu.dma_semaphore, #tpu.memory_space<semaphore_mem>>
      %dma_start3A_78 = arith.constant 0 : i32
      %dma_start3A_79 = tpu.memref_slice %arg5[%add3A_3, %mul3A_0, %dma_start3A_78] : memref<4x10240x64xf32, #tpu.memory_space<hbm>> -> memref<1x640x64xf32, #tpu.memory_space<hbm>>
      %dma_start3A_80 = tpu.memref_squeeze %dma_start3A_79 : memref<1x640x64xf32, #tpu.memory_space<hbm>> -> memref<640x64xf32, #tpu.memory_space<hbm>>
      %dma_start3A_81 = arith.constant 0 : i32
      %dma_start3A_82 = tpu.memref_slice %arg11[%mul3A_0, %dma_start3A_81] : memref<10240x64xf32, #tpu.memory_space<vmem_shared>> -> memref<640x64xf32, #tpu.memory_space<vmem_shared>>
      tpu.enqueue_dma source(%dma_start3A_82 : memref<640x64xf32, #tpu.memory_space<vmem_shared>>) target(%dma_start3A_80 : memref<640x64xf32, #tpu.memory_space<hbm>>) target_semaphore(%run_scoped3A : memref<!tpu.dma_semaphore, #tpu.memory_space<semaphore_mem>>)
      %dma_wait3A_83 = arith.constant 0 : i32
      %dma_wait3A_84 = tpu.memref_slice %arg5[%add3A_3, %mul3A_0, %dma_wait3A_83] : memref<4x10240x64xf32, #tpu.memory_space<hbm>> -> memref<1x640x64xf32, #tpu.memory_space<hbm>>
      %dma_wait3A_85 = tpu.memref_squeeze %dma_wait3A_84 : memref<1x640x64xf32, #tpu.memory_space<hbm>> -> memref<640x64xf32, #tpu.memory_space<hbm>>
      %dma_wait3A_86 = arith.constant 0 : i32
      %dma_wait3A_87 = tpu.memref_slice %arg11[%mul3A_0, %dma_wait3A_86] : memref<10240x64xf32, #tpu.memory_space<vmem_shared>> -> memref<640x64xf32, #tpu.memory_space<vmem_shared>>
      tpu.wait_dma2 semaphore(%run_scoped3A : memref<!tpu.dma_semaphore, #tpu.memory_space<semaphore_mem>>) src(%dma_wait3A_87 : memref<640x64xf32, #tpu.memory_space<vmem_shared>>) dst(%dma_wait3A_85 : memref<640x64xf32, #tpu.memory_space<hbm>>)
      tpu.yield
    }) : () -> ()
    %mul3A_37 = arith.constant 2 : i32
    %mul3A_38 = arith.muli %mul3A_37, %arg0 : i32
    %add3A_39 = arith.constant 1 : i32
    %add3A_40 = arith.addi %mul3A_38, %add3A_39 : i32
    "tpu.region"() ({
      %run_scoped3A = tpu.sem_alloc : memref<!tpu.dma_semaphore, #tpu.memory_space<semaphore_mem>>
      %dma_start3A_78 = arith.constant 0 : i32
      %dma_start3A_79 = tpu.memref_slice %arg11[%mul3A_0, %dma_start3A_78] : memref<10240x64xf32, #tpu.memory_space<vmem_shared>> -> memref<640x64xf32, #tpu.memory_space<vmem_shared>>
      %dma_start3A_80 = arith.constant 0 : i32
      %dma_start3A_81 = tpu.memref_slice %arg2[%add3A_40, %mul3A_0, %dma_start3A_80] : memref<4x10240x64xf32, #tpu.memory_space<hbm>> -> memref<1x640x64xf32, #tpu.memory_space<hbm>>
      %dma_start3A_82 = tpu.memref_squeeze %dma_start3A_81 : memref<1x640x64xf32, #tpu.memory_space<hbm>> -> memref<640x64xf32, #tpu.memory_space<hbm>>
      tpu.enqueue_dma source(%dma_start3A_82 : memref<640x64xf32, #tpu.memory_space<hbm>>) target(%dma_start3A_79 : memref<640x64xf32, #tpu.memory_space<vmem_shared>>) target_semaphore(%run_scoped3A : memref<!tpu.dma_semaphore, #tpu.memory_space<semaphore_mem>>)
      %dma_wait3A_83 = arith.constant 0 : i32
      %dma_wait3A_84 = tpu.memref_slice %arg11[%mul3A_0, %dma_wait3A_83] : memref<10240x64xf32, #tpu.memory_space<vmem_shared>> -> memref<640x64xf32, #tpu.memory_space<vmem_shared>>
      %dma_wait3A_85 = arith.constant 0 : i32
      %dma_wait3A_86 = tpu.memref_slice %arg2[%add3A_40, %mul3A_0, %dma_wait3A_85] : memref<4x10240x64xf32, #tpu.memory_space<hbm>> -> memref<1x640x64xf32, #tpu.memory_space<hbm>>
      %dma_wait3A_87 = tpu.memref_squeeze %dma_wait3A_86 : memref<1x640x64xf32, #tpu.memory_space<hbm>> -> memref<640x64xf32, #tpu.memory_space<hbm>>
      tpu.wait_dma2 semaphore(%run_scoped3A : memref<!tpu.dma_semaphore, #tpu.memory_space<semaphore_mem>>) src(%dma_wait3A_87 : memref<640x64xf32, #tpu.memory_space<hbm>>) dst(%dma_wait3A_84 : memref<640x64xf32, #tpu.memory_space<vmem_shared>>)
      tpu.yield
    }) : () -> ()
    %barrier3A_41 = arith.constant 0 : index
    tpu.barrier barrier_id(%barrier3A_41)
    %dma_start3A_42 = arith.constant 0 : i32
    %dma_start3A_43 = arith.constant 0 : i32
    %dma_start3A_44 = tpu.memref_slice %arg6[%dma_start3A_42, %dma_start3A_43] : memref<159x128xi32, #tpu.memory_space<vmem>> -> memref<1x128xi32, #tpu.memory_space<vmem>>
    %dma_start3A_45 = tpu.memref_squeeze %dma_start3A_44 : memref<1x128xi32, #tpu.memory_space<vmem>> -> memref<128xi32, #tpu.memory_space<vmem>>
    %dma_start3A_46 = arith.constant 0 : i32
    %dma_start3A_47 = arith.constant 0 : i32
    %dma_start3A_48 = tpu.memref_slice %arg2[%add3A_40, %dma_start3A_46, %dma_start3A_47] : memref<4x10240x64xf32, #tpu.memory_space<hbm>> -> memref<1x10240x64xf32, #tpu.memory_space<hbm>>
    %dma_start3A_49 = tpu.memref_squeeze %dma_start3A_48 : memref<1x10240x64xf32, #tpu.memory_space<hbm>> -> memref<10240x64xf32, #tpu.memory_space<hbm>>
    %dma_start3A_50 = arith.constant 0 : i32
    %dma_start3A_51 = arith.constant 0 : i32
    %dma_start3A_52 = tpu.memref_slice %dma_start3A_49[%dma_start3A_50, %dma_start3A_51] : memref<10240x64xf32, #tpu.memory_space<hbm>> -> memref<10240x64xf32, #tpu.memory_space<hbm>>
    tpu.enqueue_indirect_dma source(%dma_start3A_52 : memref<10240x64xf32, #tpu.memory_space<hbm>>) target(%arg8 : memref<128x64xf32, #tpu.memory_space<vmem>>) offsets(%dma_start3A_45 : memref<128xi32, #tpu.memory_space<vmem>>) semaphore(%arg12 : memref<!tpu.dma_semaphore, #tpu.memory_space<semaphore_mem>>)
    %dma_start3A_53 = arith.constant 1 : i32
    %dma_start3A_54 = arith.constant 0 : i32
    %dma_start3A_55 = tpu.memref_slice %arg6[%dma_start3A_53, %dma_start3A_54] : memref<159x128xi32, #tpu.memory_space<vmem>> -> memref<1x128xi32, #tpu.memory_space<vmem>>
    %dma_start3A_56 = tpu.memref_squeeze %dma_start3A_55 : memref<1x128xi32, #tpu.memory_space<vmem>> -> memref<128xi32, #tpu.memory_space<vmem>>
    %dma_start3A_57 = arith.constant 0 : i32
    %dma_start3A_58 = arith.constant 0 : i32
    %dma_start3A_59 = tpu.memref_slice %arg2[%add3A_40, %dma_start3A_57, %dma_start3A_58] : memref<4x10240x64xf32, #tpu.memory_space<hbm>> -> memref<1x10240x64xf32, #tpu.memory_space<hbm>>
    %dma_start3A_60 = tpu.memref_squeeze %dma_start3A_59 : memref<1x10240x64xf32, #tpu.memory_space<hbm>> -> memref<10240x64xf32, #tpu.memory_space<hbm>>
    %dma_start3A_61 = arith.constant 0 : i32
    %dma_start3A_62 = arith.constant 0 : i32
    %dma_start3A_63 = tpu.memref_slice %dma_start3A_60[%dma_start3A_61, %dma_start3A_62] : memref<10240x64xf32, #tpu.memory_space<hbm>> -> memref<10240x64xf32, #tpu.memory_space<hbm>>
    tpu.enqueue_indirect_dma source(%dma_start3A_63 : memref<10240x64xf32, #tpu.memory_space<hbm>>) target(%arg9 : memref<128x64xf32, #tpu.memory_space<vmem>>) offsets(%dma_start3A_56 : memref<128xi32, #tpu.memory_space<vmem>>) semaphore(%arg13 : memref<!tpu.dma_semaphore, #tpu.memory_space<semaphore_mem>>)
    %scan3A_64 = arith.constant 0 : i32
    %scan3A_65 = arith.constant 0 : i32
    %scan3A_66 = arith.constant 53 : i32
    %scan3A_67 = arith.addi %scan3A_65, %scan3A_66 : i32
    %scan3A_68 = arith.constant 1 : i32
    scf.for %scan3A_78 = %scan3A_65 to %scan3A_67 step %scan3A_68  : i32 {
      %mul3A_79 = arith.constant 3 : i32
      %mul3A_80 = arith.muli %mul3A_79, %scan3A_78 : i32
      %add3A_81 = arith.constant 0 : i32
      %add3A_82 = arith.addi %mul3A_80, %add3A_81 : i32
      %dma_wait3A_83 = arith.constant 0 : i32
      %dma_wait3A_84 = tpu.memref_slice %arg6[%add3A_82, %dma_wait3A_83] : memref<159x128xi32, #tpu.memory_space<vmem>> -> memref<1x128xi32, #tpu.memory_space<vmem>>
      %dma_wait3A_85 = tpu.memref_squeeze %dma_wait3A_84 : memref<1x128xi32, #tpu.memory_space<vmem>> -> memref<128xi32, #tpu.memory_space<vmem>>
      %dma_wait3A_86 = arith.constant 0 : i32
      %dma_wait3A_87 = arith.constant 0 : i32
      %dma_wait3A_88 = tpu.memref_slice %arg2[%add3A_40, %dma_wait3A_86, %dma_wait3A_87] : memref<4x10240x64xf32, #tpu.memory_space<hbm>> -> memref<1x10240x64xf32, #tpu.memory_space<hbm>>
      %dma_wait3A_89 = tpu.memref_squeeze %dma_wait3A_88 : memref<1x10240x64xf32, #tpu.memory_space<hbm>> -> memref<10240x64xf32, #tpu.memory_space<hbm>>
      %dma_wait3A_90 = arith.constant 0 : i32
      %dma_wait3A_91 = arith.constant 0 : i32
      %dma_wait3A_92 = tpu.memref_slice %dma_wait3A_89[%dma_wait3A_90, %dma_wait3A_91] : memref<10240x64xf32, #tpu.memory_space<hbm>> -> memref<10240x64xf32, #tpu.memory_space<hbm>>
      tpu.wait_indirect_dma semaphore(%arg12 : memref<!tpu.dma_semaphore, #tpu.memory_space<semaphore_mem>>) src(%dma_wait3A_92 : memref<10240x64xf32, #tpu.memory_space<hbm>>) dst(%arg8 : memref<128x64xf32, #tpu.memory_space<vmem>>)
      %dma_start3A_93 = arith.constant 0 : i32
      %dma_start3A_94 = tpu.memref_slice %arg7[%add3A_82, %dma_start3A_93] : memref<159x128xi32, #tpu.memory_space<vmem>> -> memref<1x128xi32, #tpu.memory_space<vmem>>
      %dma_start3A_95 = tpu.memref_squeeze %dma_start3A_94 : memref<1x128xi32, #tpu.memory_space<vmem>> -> memref<128xi32, #tpu.memory_space<vmem>>
      %dma_start3A_96 = arith.constant 0 : i32
      %dma_start3A_97 = arith.constant 0 : i32
      %dma_start3A_98 = tpu.memref_slice %arg11[%dma_start3A_96, %dma_start3A_97] : memref<10240x64xf32, #tpu.memory_space<vmem_shared>> -> memref<10240x64xf32, #tpu.memory_space<vmem_shared>>
      tpu.enqueue_indirect_dma source(%arg8 : memref<128x64xf32, #tpu.memory_space<vmem>>) target(%dma_start3A_98 : memref<10240x64xf32, #tpu.memory_space<vmem_shared>>) offsets(%dma_start3A_95 : memref<128xi32, #tpu.memory_space<vmem>>) semaphore(%arg15 : memref<!tpu.dma_semaphore, #tpu.memory_space<semaphore_mem>>) {add = true}
      %gt3A = arith.constant 0 : i32
      %gt3A_99 = arith.cmpi sgt, %scan3A_78, %gt3A : i32
      %convert_element_type3A = arith.extui %gt3A_99 : i1 to i32
      %cond3A = arith.constant 0 : i32
      %cond3A_100 = arith.cmpi ne, %convert_element_type3A, %cond3A : i32
      scf.if %cond3A_100 {
        %sub3A_182 = arith.constant 1 : i32
        %sub3A_183 = arith.subi %add3A_82, %sub3A_182 : i32
        %dma_wait3A_184 = arith.constant 0 : i32
        %dma_wait3A_185 = tpu.memref_slice %arg7[%sub3A_183, %dma_wait3A_184] : memref<159x128xi32, #tpu.memory_space<vmem>> -> memref<1x128xi32, #tpu.memory_space<vmem>>
        %dma_wait3A_186 = tpu.memref_squeeze %dma_wait3A_185 : memref<1x128xi32, #tpu.memory_space<vmem>> -> memref<128xi32, #tpu.memory_space<vmem>>
        %dma_wait3A_187 = arith.constant 0 : i32
        %dma_wait3A_188 = arith.constant 0 : i32
        %dma_wait3A_189 = tpu.memref_slice %arg11[%dma_wait3A_187, %dma_wait3A_188] : memref<10240x64xf32, #tpu.memory_space<vmem_shared>> -> memref<10240x64xf32, #tpu.memory_space<vmem_shared>>
        tpu.wait_indirect_dma semaphore(%arg17 : memref<!tpu.dma_semaphore, #tpu.memory_space<semaphore_mem>>) src(%arg10 : memref<128x64xf32, #tpu.memory_space<vmem>>) dst(%dma_wait3A_189 : memref<10240x64xf32, #tpu.memory_space<vmem_shared>>)
      } else {
      }
      %add3A_101 = arith.constant 3 : i32
      %add3A_102 = arith.addi %add3A_82, %add3A_101 : i32
      %sub3A = arith.constant 1 : i32
      %sub3A_103 = arith.subi %add3A_102, %sub3A : i32
      %lt3A = arith.constant 159 : i32
      %lt3A_104 = arith.cmpi slt, %sub3A_103, %lt3A : i32
      %convert_element_type3A_105 = arith.extui %lt3A_104 : i1 to i32
      %cond3A_106 = arith.constant 0 : i32
      %cond3A_107 = arith.cmpi ne, %convert_element_type3A_105, %cond3A_106 : i32
      scf.if %cond3A_107 {
        %add3A_182 = arith.constant 3 : i32
        %add3A_183 = arith.addi %add3A_82, %add3A_182 : i32
        %sub3A_184 = arith.constant 1 : i32
        %sub3A_185 = arith.subi %add3A_183, %sub3A_184 : i32
        %dma_start3A_186 = arith.constant 0 : i32
        %dma_start3A_187 = tpu.memref_slice %arg6[%sub3A_185, %dma_start3A_186] : memref<159x128xi32, #tpu.memory_space<vmem>> -> memref<1x128xi32, #tpu.memory_space<vmem>>
        %dma_start3A_188 = tpu.memref_squeeze %dma_start3A_187 : memref<1x128xi32, #tpu.memory_space<vmem>> -> memref<128xi32, #tpu.memory_space<vmem>>
        %dma_start3A_189 = arith.constant 0 : i32
        %dma_start3A_190 = arith.constant 0 : i32
        %dma_start3A_191 = tpu.memref_slice %arg2[%add3A_40, %dma_start3A_189, %dma_start3A_190] : memref<4x10240x64xf32, #tpu.memory_space<hbm>> -> memref<1x10240x64xf32, #tpu.memory_space<hbm>>
        %dma_start3A_192 = tpu.memref_squeeze %dma_start3A_191 : memref<1x10240x64xf32, #tpu.memory_space<hbm>> -> memref<10240x64xf32, #tpu.memory_space<hbm>>
        %dma_start3A_193 = arith.constant 0 : i32
        %dma_start3A_194 = arith.constant 0 : i32
        %dma_start3A_195 = tpu.memref_slice %dma_start3A_192[%dma_start3A_193, %dma_start3A_194] : memref<10240x64xf32, #tpu.memory_space<hbm>> -> memref<10240x64xf32, #tpu.memory_space<hbm>>
        tpu.enqueue_indirect_dma source(%dma_start3A_195 : memref<10240x64xf32, #tpu.memory_space<hbm>>) target(%arg10 : memref<128x64xf32, #tpu.memory_space<vmem>>) offsets(%dma_start3A_188 : memref<128xi32, #tpu.memory_space<vmem>>) semaphore(%arg14 : memref<!tpu.dma_semaphore, #tpu.memory_space<semaphore_mem>>)
      } else {
      }
      %mul3A_108 = arith.constant 3 : i32
      %mul3A_109 = arith.muli %mul3A_108, %scan3A_78 : i32
      %add3A_110 = arith.constant 1 : i32
      %add3A_111 = arith.addi %mul3A_109, %add3A_110 : i32
      %dma_wait3A_112 = arith.constant 0 : i32
      %dma_wait3A_113 = tpu.memref_slice %arg6[%add3A_111, %dma_wait3A_112] : memref<159x128xi32, #tpu.memory_space<vmem>> -> memref<1x128xi32, #tpu.memory_space<vmem>>
      %dma_wait3A_114 = tpu.memref_squeeze %dma_wait3A_113 : memref<1x128xi32, #tpu.memory_space<vmem>> -> memref<128xi32, #tpu.memory_space<vmem>>
      %dma_wait3A_115 = arith.constant 0 : i32
      %dma_wait3A_116 = arith.constant 0 : i32
      %dma_wait3A_117 = tpu.memref_slice %arg2[%add3A_40, %dma_wait3A_115, %dma_wait3A_116] : memref<4x10240x64xf32, #tpu.memory_space<hbm>> -> memref<1x10240x64xf32, #tpu.memory_space<hbm>>
      %dma_wait3A_118 = tpu.memref_squeeze %dma_wait3A_117 : memref<1x10240x64xf32, #tpu.memory_space<hbm>> -> memref<10240x64xf32, #tpu.memory_space<hbm>>
      %dma_wait3A_119 = arith.constant 0 : i32
      %dma_wait3A_120 = arith.constant 0 : i32
      %dma_wait3A_121 = tpu.memref_slice %dma_wait3A_118[%dma_wait3A_119, %dma_wait3A_120] : memref<10240x64xf32, #tpu.memory_space<hbm>> -> memref<10240x64xf32, #tpu.memory_space<hbm>>
      tpu.wait_indirect_dma semaphore(%arg13 : memref<!tpu.dma_semaphore, #tpu.memory_space<semaphore_mem>>) src(%dma_wait3A_121 : memref<10240x64xf32, #tpu.memory_space<hbm>>) dst(%arg9 : memref<128x64xf32, #tpu.memory_space<vmem>>)
      %dma_start3A_122 = arith.constant 0 : i32
      %dma_start3A_123 = tpu.memref_slice %arg7[%add3A_111, %dma_start3A_122] : memref<159x128xi32, #tpu.memory_space<vmem>> -> memref<1x128xi32, #tpu.memory_space<vmem>>
      %dma_start3A_124 = tpu.memref_squeeze %dma_start3A_123 : memref<1x128xi32, #tpu.memory_space<vmem>> -> memref<128xi32, #tpu.memory_space<vmem>>
      %dma_start3A_125 = arith.constant 0 : i32
      %dma_start3A_126 = arith.constant 0 : i32
      %dma_start3A_127 = tpu.memref_slice %arg11[%dma_start3A_125, %dma_start3A_126] : memref<10240x64xf32, #tpu.memory_space<vmem_shared>> -> memref<10240x64xf32, #tpu.memory_space<vmem_shared>>
      tpu.enqueue_indirect_dma source(%arg9 : memref<128x64xf32, #tpu.memory_space<vmem>>) target(%dma_start3A_127 : memref<10240x64xf32, #tpu.memory_space<vmem_shared>>) offsets(%dma_start3A_124 : memref<128xi32, #tpu.memory_space<vmem>>) semaphore(%arg16 : memref<!tpu.dma_semaphore, #tpu.memory_space<semaphore_mem>>) {add = true}
      %sub3A_128 = arith.constant 1 : i32
      %sub3A_129 = arith.subi %add3A_111, %sub3A_128 : i32
      %dma_wait3A_130 = arith.constant 0 : i32
      %dma_wait3A_131 = tpu.memref_slice %arg7[%sub3A_129, %dma_wait3A_130] : memref<159x128xi32, #tpu.memory_space<vmem>> -> memref<1x128xi32, #tpu.memory_space<vmem>>
      %dma_wait3A_132 = tpu.memref_squeeze %dma_wait3A_131 : memref<1x128xi32, #tpu.memory_space<vmem>> -> memref<128xi32, #tpu.memory_space<vmem>>
      %dma_wait3A_133 = arith.constant 0 : i32
      %dma_wait3A_134 = arith.constant 0 : i32
      %dma_wait3A_135 = tpu.memref_slice %arg11[%dma_wait3A_133, %dma_wait3A_134] : memref<10240x64xf32, #tpu.memory_space<vmem_shared>> -> memref<10240x64xf32, #tpu.memory_space<vmem_shared>>
      tpu.wait_indirect_dma semaphore(%arg15 : memref<!tpu.dma_semaphore, #tpu.memory_space<semaphore_mem>>) src(%arg8 : memref<128x64xf32, #tpu.memory_space<vmem>>) dst(%dma_wait3A_135 : memref<10240x64xf32, #tpu.memory_space<vmem_shared>>)
      %add3A_136 = arith.constant 3 : i32
      %add3A_137 = arith.addi %add3A_111, %add3A_136 : i32
      %sub3A_138 = arith.constant 1 : i32
      %sub3A_139 = arith.subi %add3A_137, %sub3A_138 : i32
      %lt3A_140 = arith.constant 159 : i32
      %lt3A_141 = arith.cmpi slt, %sub3A_139, %lt3A_140 : i32
      %convert_element_type3A_142 = arith.extui %lt3A_141 : i1 to i32
      %cond3A_143 = arith.constant 0 : i32
      %cond3A_144 = arith.cmpi ne, %convert_element_type3A_142, %cond3A_143 : i32
      scf.if %cond3A_144 {
        %add3A_182 = arith.constant 3 : i32
        %add3A_183 = arith.addi %add3A_111, %add3A_182 : i32
        %sub3A_184 = arith.constant 1 : i32
        %sub3A_185 = arith.subi %add3A_183, %sub3A_184 : i32
        %dma_start3A_186 = arith.constant 0 : i32
        %dma_start3A_187 = tpu.memref_slice %arg6[%sub3A_185, %dma_start3A_186] : memref<159x128xi32, #tpu.memory_space<vmem>> -> memref<1x128xi32, #tpu.memory_space<vmem>>
        %dma_start3A_188 = tpu.memref_squeeze %dma_start3A_187 : memref<1x128xi32, #tpu.memory_space<vmem>> -> memref<128xi32, #tpu.memory_space<vmem>>
        %dma_start3A_189 = arith.constant 0 : i32
        %dma_start3A_190 = arith.constant 0 : i32
        %dma_start3A_191 = tpu.memref_slice %arg2[%add3A_40, %dma_start3A_189, %dma_start3A_190] : memref<4x10240x64xf32, #tpu.memory_space<hbm>> -> memref<1x10240x64xf32, #tpu.memory_space<hbm>>
        %dma_start3A_192 = tpu.memref_squeeze %dma_start3A_191 : memref<1x10240x64xf32, #tpu.memory_space<hbm>> -> memref<10240x64xf32, #tpu.memory_space<hbm>>
        %dma_start3A_193 = arith.constant 0 : i32
        %dma_start3A_194 = arith.constant 0 : i32
        %dma_start3A_195 = tpu.memref_slice %dma_start3A_192[%dma_start3A_193, %dma_start3A_194] : memref<10240x64xf32, #tpu.memory_space<hbm>> -> memref<10240x64xf32, #tpu.memory_space<hbm>>
        tpu.enqueue_indirect_dma source(%dma_start3A_195 : memref<10240x64xf32, #tpu.memory_space<hbm>>) target(%arg8 : memref<128x64xf32, #tpu.memory_space<vmem>>) offsets(%dma_start3A_188 : memref<128xi32, #tpu.memory_space<vmem>>) semaphore(%arg12 : memref<!tpu.dma_semaphore, #tpu.memory_space<semaphore_mem>>)
      } else {
      }
      %mul3A_145 = arith.constant 3 : i32
      %mul3A_146 = arith.muli %mul3A_145, %scan3A_78 : i32
      %add3A_147 = arith.constant 2 : i32
      %add3A_148 = arith.addi %mul3A_146, %add3A_147 : i32
      %dma_wait3A_149 = arith.constant 0 : i32
      %dma_wait3A_150 = tpu.memref_slice %arg6[%add3A_148, %dma_wait3A_149] : memref<159x128xi32, #tpu.memory_space<vmem>> -> memref<1x128xi32, #tpu.memory_space<vmem>>
      %dma_wait3A_151 = tpu.memref_squeeze %dma_wait3A_150 : memref<1x128xi32, #tpu.memory_space<vmem>> -> memref<128xi32, #tpu.memory_space<vmem>>
      %dma_wait3A_152 = arith.constant 0 : i32
      %dma_wait3A_153 = arith.constant 0 : i32
      %dma_wait3A_154 = tpu.memref_slice %arg2[%add3A_40, %dma_wait3A_152, %dma_wait3A_153] : memref<4x10240x64xf32, #tpu.memory_space<hbm>> -> memref<1x10240x64xf32, #tpu.memory_space<hbm>>
      %dma_wait3A_155 = tpu.memref_squeeze %dma_wait3A_154 : memref<1x10240x64xf32, #tpu.memory_space<hbm>> -> memref<10240x64xf32, #tpu.memory_space<hbm>>
      %dma_wait3A_156 = arith.constant 0 : i32
      %dma_wait3A_157 = arith.constant 0 : i32
      %dma_wait3A_158 = tpu.memref_slice %dma_wait3A_155[%dma_wait3A_156, %dma_wait3A_157] : memref<10240x64xf32, #tpu.memory_space<hbm>> -> memref<10240x64xf32, #tpu.memory_space<hbm>>
      tpu.wait_indirect_dma semaphore(%arg14 : memref<!tpu.dma_semaphore, #tpu.memory_space<semaphore_mem>>) src(%dma_wait3A_158 : memref<10240x64xf32, #tpu.memory_space<hbm>>) dst(%arg10 : memref<128x64xf32, #tpu.memory_space<vmem>>)
      %dma_start3A_159 = arith.constant 0 : i32
      %dma_start3A_160 = tpu.memref_slice %arg7[%add3A_148, %dma_start3A_159] : memref<159x128xi32, #tpu.memory_space<vmem>> -> memref<1x128xi32, #tpu.memory_space<vmem>>
      %dma_start3A_161 = tpu.memref_squeeze %dma_start3A_160 : memref<1x128xi32, #tpu.memory_space<vmem>> -> memref<128xi32, #tpu.memory_space<vmem>>
      %dma_start3A_162 = arith.constant 0 : i32
      %dma_start3A_163 = arith.constant 0 : i32
      %dma_start3A_164 = tpu.memref_slice %arg11[%dma_start3A_162, %dma_start3A_163] : memref<10240x64xf32, #tpu.memory_space<vmem_shared>> -> memref<10240x64xf32, #tpu.memory_space<vmem_shared>>
      tpu.enqueue_indirect_dma source(%arg10 : memref<128x64xf32, #tpu.memory_space<vmem>>) target(%dma_start3A_164 : memref<10240x64xf32, #tpu.memory_space<vmem_shared>>) offsets(%dma_start3A_161 : memref<128xi32, #tpu.memory_space<vmem>>) semaphore(%arg17 : memref<!tpu.dma_semaphore, #tpu.memory_space<semaphore_mem>>) {add = true}
      %sub3A_165 = arith.constant 1 : i32
      %sub3A_166 = arith.subi %add3A_148, %sub3A_165 : i32
      %dma_wait3A_167 = arith.constant 0 : i32
      %dma_wait3A_168 = tpu.memref_slice %arg7[%sub3A_166, %dma_wait3A_167] : memref<159x128xi32, #tpu.memory_space<vmem>> -> memref<1x128xi32, #tpu.memory_space<vmem>>
      %dma_wait3A_169 = tpu.memref_squeeze %dma_wait3A_168 : memref<1x128xi32, #tpu.memory_space<vmem>> -> memref<128xi32, #tpu.memory_space<vmem>>
      %dma_wait3A_170 = arith.constant 0 : i32
      %dma_wait3A_171 = arith.constant 0 : i32
      %dma_wait3A_172 = tpu.memref_slice %arg11[%dma_wait3A_170, %dma_wait3A_171] : memref<10240x64xf32, #tpu.memory_space<vmem_shared>> -> memref<10240x64xf32, #tpu.memory_space<vmem_shared>>
      tpu.wait_indirect_dma semaphore(%arg16 : memref<!tpu.dma_semaphore, #tpu.memory_space<semaphore_mem>>) src(%arg9 : memref<128x64xf32, #tpu.memory_space<vmem>>) dst(%dma_wait3A_172 : memref<10240x64xf32, #tpu.memory_space<vmem_shared>>)
      %add3A_173 = arith.constant 3 : i32
      %add3A_174 = arith.addi %add3A_148, %add3A_173 : i32
      %sub3A_175 = arith.constant 1 : i32
      %sub3A_176 = arith.subi %add3A_174, %sub3A_175 : i32
      %lt3A_177 = arith.constant 159 : i32
      %lt3A_178 = arith.cmpi slt, %sub3A_176, %lt3A_177 : i32
      %convert_element_type3A_179 = arith.extui %lt3A_178 : i1 to i32
      %cond3A_180 = arith.constant 0 : i32
      %cond3A_181 = arith.cmpi ne, %convert_element_type3A_179, %cond3A_180 : i32
      scf.if %cond3A_181 {
        %add3A_182 = arith.constant 3 : i32
        %add3A_183 = arith.addi %add3A_148, %add3A_182 : i32
        %sub3A_184 = arith.constant 1 : i32
        %sub3A_185 = arith.subi %add3A_183, %sub3A_184 : i32
        %dma_start3A_186 = arith.constant 0 : i32
        %dma_start3A_187 = tpu.memref_slice %arg6[%sub3A_185, %dma_start3A_186] : memref<159x128xi32, #tpu.memory_space<vmem>> -> memref<1x128xi32, #tpu.memory_space<vmem>>
        %dma_start3A_188 = tpu.memref_squeeze %dma_start3A_187 : memref<1x128xi32, #tpu.memory_space<vmem>> -> memref<128xi32, #tpu.memory_space<vmem>>
        %dma_start3A_189 = arith.constant 0 : i32
        %dma_start3A_190 = arith.constant 0 : i32
        %dma_start3A_191 = tpu.memref_slice %arg2[%add3A_40, %dma_start3A_189, %dma_start3A_190] : memref<4x10240x64xf32, #tpu.memory_space<hbm>> -> memref<1x10240x64xf32, #tpu.memory_space<hbm>>
        %dma_start3A_192 = tpu.memref_squeeze %dma_start3A_191 : memref<1x10240x64xf32, #tpu.memory_space<hbm>> -> memref<10240x64xf32, #tpu.memory_space<hbm>>
        %dma_start3A_193 = arith.constant 0 : i32
        %dma_start3A_194 = arith.constant 0 : i32
        %dma_start3A_195 = tpu.memref_slice %dma_start3A_192[%dma_start3A_193, %dma_start3A_194] : memref<10240x64xf32, #tpu.memory_space<hbm>> -> memref<10240x64xf32, #tpu.memory_space<hbm>>
        tpu.enqueue_indirect_dma source(%dma_start3A_195 : memref<10240x64xf32, #tpu.memory_space<hbm>>) target(%arg9 : memref<128x64xf32, #tpu.memory_space<vmem>>) offsets(%dma_start3A_188 : memref<128xi32, #tpu.memory_space<vmem>>) semaphore(%arg13 : memref<!tpu.dma_semaphore, #tpu.memory_space<semaphore_mem>>)
      } else {
      }
    }
    %scan3A_69 = arith.constant 53 : i32
    %dma_wait3A_70 = arith.constant 158 : i32
    %dma_wait3A_71 = arith.constant 0 : i32
    %dma_wait3A_72 = tpu.memref_slice %arg7[%dma_wait3A_70, %dma_wait3A_71] : memref<159x128xi32, #tpu.memory_space<vmem>> -> memref<1x128xi32, #tpu.memory_space<vmem>>
    %dma_wait3A_73 = tpu.memref_squeeze %dma_wait3A_72 : memref<1x128xi32, #tpu.memory_space<vmem>> -> memref<128xi32, #tpu.memory_space<vmem>>
    %dma_wait3A_74 = arith.constant 0 : i32
    %dma_wait3A_75 = arith.constant 0 : i32
    %dma_wait3A_76 = tpu.memref_slice %arg11[%dma_wait3A_74, %dma_wait3A_75] : memref<10240x64xf32, #tpu.memory_space<vmem_shared>> -> memref<10240x64xf32, #tpu.memory_space<vmem_shared>>
    tpu.wait_indirect_dma semaphore(%arg17 : memref<!tpu.dma_semaphore, #tpu.memory_space<semaphore_mem>>) src(%arg10 : memref<128x64xf32, #tpu.memory_space<vmem>>) dst(%dma_wait3A_76 : memref<10240x64xf32, #tpu.memory_space<vmem_shared>>)
    %barrier3A_77 = arith.constant 0 : index
    tpu.barrier barrier_id(%barrier3A_77)
    "tpu.region"() ({
      %run_scoped3A = tpu.sem_alloc : memref<!tpu.dma_semaphore, #tpu.memory_space<semaphore_mem>>
      %dma_start3A_78 = arith.constant 0 : i32
      %dma_start3A_79 = tpu.memref_slice %arg5[%add3A_40, %mul3A_0, %dma_start3A_78] : memref<4x10240x64xf32, #tpu.memory_space<hbm>> -> memref<1x640x64xf32, #tpu.memory_space<hbm>>
      %dma_start3A_80 = tpu.memref_squeeze %dma_start3A_79 : memref<1x640x64xf32, #tpu.memory_space<hbm>> -> memref<640x64xf32, #tpu.memory_space<hbm>>
      %dma_start3A_81 = arith.constant 0 : i32
      %dma_start3A_82 = tpu.memref_slice %arg11[%mul3A_0, %dma_start3A_81] : memref<10240x64xf32, #tpu.memory_space<vmem_shared>> -> memref<640x64xf32, #tpu.memory_space<vmem_shared>>
      tpu.enqueue_dma source(%dma_start3A_82 : memref<640x64xf32, #tpu.memory_space<vmem_shared>>) target(%dma_start3A_80 : memref<640x64xf32, #tpu.memory_space<hbm>>) target_semaphore(%run_scoped3A : memref<!tpu.dma_semaphore, #tpu.memory_space<semaphore_mem>>)
      %dma_wait3A_83 = arith.constant 0 : i32
      %dma_wait3A_84 = tpu.memref_slice %arg5[%add3A_40, %mul3A_0, %dma_wait3A_83] : memref<4x10240x64xf32, #tpu.memory_space<hbm>> -> memref<1x640x64xf32, #tpu.memory_space<hbm>>
      %dma_wait3A_85 = tpu.memref_squeeze %dma_wait3A_84 : memref<1x640x64xf32, #tpu.memory_space<hbm>> -> memref<640x64xf32, #tpu.memory_space<hbm>>
      %dma_wait3A_86 = arith.constant 0 : i32
      %dma_wait3A_87 = tpu.memref_slice %arg11[%mul3A_0, %dma_wait3A_86] : memref<10240x64xf32, #tpu.memory_space<vmem_shared>> -> memref<640x64xf32, #tpu.memory_space<vmem_shared>>
      tpu.wait_dma2 semaphore(%run_scoped3A : memref<!tpu.dma_semaphore, #tpu.memory_space<semaphore_mem>>) src(%dma_wait3A_87 : memref<640x64xf32, #tpu.memory_space<vmem_shared>>) dst(%dma_wait3A_85 : memref<640x64xf32, #tpu.memory_space<hbm>>)
      tpu.yield
    }) : () -> ()
    return
  }
}

#map = affine_map<(d0, d1) -> (0, 0, 0)>
module attributes {stable_mosaic.version = 14 : i64} {
  func.func @_agg_kernel(%arg0: i32, %arg1: i32, %arg2: memref<4x10240x64xf32, #tpu.memory_space<hbm>>, %arg3: memref<16x159x128xi32, #tpu.memory_space<hbm>>, %arg4: memref<16x159x128xi32, #tpu.memory_space<hbm>>, %arg5: memref<4x10240x64xf32, #tpu.memory_space<hbm>>, %arg6: memref<159x128xi32, #tpu.memory_space<vmem>>, %arg7: memref<159x128xi32, #tpu.memory_space<vmem>>, %arg8: memref<128x64xf32, #tpu.memory_space<vmem>>, %arg9: memref<128x64xf32, #tpu.memory_space<vmem>>, %arg10: memref<128x64xf32, #tpu.memory_space<vmem>>, %arg11: memref<10240x64xf32, #tpu.memory_space<vmem_shared>>, %arg12: memref<!tpu.dma_semaphore, #tpu.memory_space<semaphore_mem>>, %arg13: memref<!tpu.dma_semaphore, #tpu.memory_space<semaphore_mem>>, %arg14: memref<!tpu.dma_semaphore, #tpu.memory_space<semaphore_mem>>, %arg15: memref<!tpu.dma_semaphore, #tpu.memory_space<semaphore_mem>>, %arg16: memref<!tpu.dma_semaphore, #tpu.memory_space<semaphore_mem>>, %arg17: memref<!tpu.dma_semaphore, #tpu.memory_space<semaphore_mem>>) attributes {dimension_semantics = [#tpu.dimension_semantics<core_parallel>, #tpu.dimension_semantics<subcore_parallel>], iteration_bounds = array<i64: 2, 16>, scalar_prefetch = 0 : i64, scratch_operands = 12 : i64, tpu.core_type = #tpu.core_type<sc_vector_subcore>, window_params = [{transform_indices = #map}, {transform_indices = #map}, {transform_indices = #map}, {transform_indices = #map}]} {
    "tpu.region"() ({
      %run_scoped3A = tpu.sem_alloc : memref<!tpu.dma_semaphore, #tpu.memory_space<semaphore_mem>>
      %dma_start3A_78 = arith.constant 0 : i32
      %dma_start3A_79 = arith.constant 0 : i32
      %dma_start3A_80 = tpu.memref_slice %arg3[%arg1, %dma_start3A_78, %dma_start3A_79] : memref<16x159x128xi32, #tpu.memory_space<hbm>> -> memref<1x159x128xi32, #tpu.memory_space<hbm>>
      %dma_start3A_81 = tpu.memref_squeeze %dma_start3A_80 : memref<1x159x128xi32, #tpu.memory_space<hbm>> -> memref<159x128xi32, #tpu.memory_space<hbm>>
      %dma_start3A_82 = arith.constant 0 : i32
      %dma_start3A_83 = arith.constant 0 : i32
      %dma_start3A_84 = tpu.memref_slice %arg3[%arg1, %dma_start3A_82, %dma_start3A_83] : memref<16x159x128xi32, #tpu.memory_space<hbm>> -> memref<1x159x128xi32, #tpu.memory_space<hbm>>
      %dma_start3A_85 = tpu.memref_squeeze %dma_start3A_84 : memref<1x159x128xi32, #tpu.memory_space<hbm>> -> memref<159x128xi32, #tpu.memory_space<hbm>>
      tpu.enqueue_dma source(%dma_start3A_85 : memref<159x128xi32, #tpu.memory_space<hbm>>) target(%arg6 : memref<159x128xi32, #tpu.memory_space<vmem>>) target_semaphore(%run_scoped3A : memref<!tpu.dma_semaphore, #tpu.memory_space<semaphore_mem>>)
      %dma_wait3A_86 = arith.constant 0 : i32
      %dma_wait3A_87 = arith.constant 0 : i32
      %dma_wait3A_88 = tpu.memref_slice %arg3[%arg1, %dma_wait3A_86, %dma_wait3A_87] : memref<16x159x128xi32, #tpu.memory_space<hbm>> -> memref<1x159x128xi32, #tpu.memory_space<hbm>>
      %dma_wait3A_89 = tpu.memref_squeeze %dma_wait3A_88 : memref<1x159x128xi32, #tpu.memory_space<hbm>> -> memref<159x128xi32, #tpu.memory_space<hbm>>
      %dma_wait3A_90 = arith.constant 0 : i32
      %dma_wait3A_91 = arith.constant 0 : i32
      %dma_wait3A_92 = tpu.memref_slice %arg3[%arg1, %dma_wait3A_90, %dma_wait3A_91] : memref<16x159x128xi32, #tpu.memory_space<hbm>> -> memref<1x159x128xi32, #tpu.memory_space<hbm>>
      %dma_wait3A_93 = tpu.memref_squeeze %dma_wait3A_92 : memref<1x159x128xi32, #tpu.memory_space<hbm>> -> memref<159x128xi32, #tpu.memory_space<hbm>>
      tpu.wait_dma2 semaphore(%run_scoped3A : memref<!tpu.dma_semaphore, #tpu.memory_space<semaphore_mem>>) src(%dma_wait3A_93 : memref<159x128xi32, #tpu.memory_space<hbm>>) dst(%arg6 : memref<159x128xi32, #tpu.memory_space<vmem>>)
      tpu.yield
    }) : () -> ()
    "tpu.region"() ({
      %run_scoped3A = tpu.sem_alloc : memref<!tpu.dma_semaphore, #tpu.memory_space<semaphore_mem>>
      %dma_start3A_78 = arith.constant 0 : i32
      %dma_start3A_79 = arith.constant 0 : i32
      %dma_start3A_80 = tpu.memref_slice %arg4[%arg1, %dma_start3A_78, %dma_start3A_79] : memref<16x159x128xi32, #tpu.memory_space<hbm>> -> memref<1x159x128xi32, #tpu.memory_space<hbm>>
      %dma_start3A_81 = tpu.memref_squeeze %dma_start3A_80 : memref<1x159x128xi32, #tpu.memory_space<hbm>> -> memref<159x128xi32, #tpu.memory_space<hbm>>
      %dma_start3A_82 = arith.constant 0 : i32
      %dma_start3A_83 = arith.constant 0 : i32
      %dma_start3A_84 = tpu.memref_slice %arg4[%arg1, %dma_start3A_82, %dma_start3A_83] : memref<16x159x128xi32, #tpu.memory_space<hbm>> -> memref<1x159x128xi32, #tpu.memory_space<hbm>>
      %dma_start3A_85 = tpu.memref_squeeze %dma_start3A_84 : memref<1x159x128xi32, #tpu.memory_space<hbm>> -> memref<159x128xi32, #tpu.memory_space<hbm>>
      tpu.enqueue_dma source(%dma_start3A_85 : memref<159x128xi32, #tpu.memory_space<hbm>>) target(%arg7 : memref<159x128xi32, #tpu.memory_space<vmem>>) target_semaphore(%run_scoped3A : memref<!tpu.dma_semaphore, #tpu.memory_space<semaphore_mem>>)
      %dma_wait3A_86 = arith.constant 0 : i32
      %dma_wait3A_87 = arith.constant 0 : i32
      %dma_wait3A_88 = tpu.memref_slice %arg4[%arg1, %dma_wait3A_86, %dma_wait3A_87] : memref<16x159x128xi32, #tpu.memory_space<hbm>> -> memref<1x159x128xi32, #tpu.memory_space<hbm>>
      %dma_wait3A_89 = tpu.memref_squeeze %dma_wait3A_88 : memref<1x159x128xi32, #tpu.memory_space<hbm>> -> memref<159x128xi32, #tpu.memory_space<hbm>>
      %dma_wait3A_90 = arith.constant 0 : i32
      %dma_wait3A_91 = arith.constant 0 : i32
      %dma_wait3A_92 = tpu.memref_slice %arg4[%arg1, %dma_wait3A_90, %dma_wait3A_91] : memref<16x159x128xi32, #tpu.memory_space<hbm>> -> memref<1x159x128xi32, #tpu.memory_space<hbm>>
      %dma_wait3A_93 = tpu.memref_squeeze %dma_wait3A_92 : memref<1x159x128xi32, #tpu.memory_space<hbm>> -> memref<159x128xi32, #tpu.memory_space<hbm>>
      tpu.wait_dma2 semaphore(%run_scoped3A : memref<!tpu.dma_semaphore, #tpu.memory_space<semaphore_mem>>) src(%dma_wait3A_93 : memref<159x128xi32, #tpu.memory_space<hbm>>) dst(%arg7 : memref<159x128xi32, #tpu.memory_space<vmem>>)
      tpu.yield
    }) : () -> ()
    %mul3A = arith.constant 640 : i32
    %mul3A_0 = arith.muli %arg1, %mul3A : i32
    %mul3A_1 = arith.constant 2 : i32
    %mul3A_2 = arith.muli %mul3A_1, %arg0 : i32
    %add3A = arith.constant 0 : i32
    %add3A_3 = arith.addi %mul3A_2, %add3A : i32
    "tpu.region"() ({
      %run_scoped3A = tpu.sem_alloc : memref<!tpu.dma_semaphore, #tpu.memory_space<semaphore_mem>>
      %dma_start3A_78 = arith.constant 0 : i32
      %dma_start3A_79 = tpu.memref_slice %arg11[%mul3A_0, %dma_start3A_78] : memref<10240x64xf32, #tpu.memory_space<vmem_shared>> -> memref<640x64xf32, #tpu.memory_space<vmem_shared>>
      %dma_start3A_80 = arith.constant 0 : i32
      %dma_start3A_81 = tpu.memref_slice %arg2[%add3A_3, %mul3A_0, %dma_start3A_80] : memref<4x10240x64xf32, #tpu.memory_space<hbm>> -> memref<1x640x64xf32, #tpu.memory_space<hbm>>
      %dma_start3A_82 = tpu.memref_squeeze %dma_start3A_81 : memref<1x640x64xf32, #tpu.memory_space<hbm>> -> memref<640x64xf32, #tpu.memory_space<hbm>>
      tpu.enqueue_dma source(%dma_start3A_82 : memref<640x64xf32, #tpu.memory_space<hbm>>) target(%dma_start3A_79 : memref<640x64xf32, #tpu.memory_space<vmem_shared>>) target_semaphore(%run_scoped3A : memref<!tpu.dma_semaphore, #tpu.memory_space<semaphore_mem>>)
      %dma_wait3A_83 = arith.constant 0 : i32
      %dma_wait3A_84 = tpu.memref_slice %arg11[%mul3A_0, %dma_wait3A_83] : memref<10240x64xf32, #tpu.memory_space<vmem_shared>> -> memref<640x64xf32, #tpu.memory_space<vmem_shared>>
      %dma_wait3A_85 = arith.constant 0 : i32
      %dma_wait3A_86 = tpu.memref_slice %arg2[%add3A_3, %mul3A_0, %dma_wait3A_85] : memref<4x10240x64xf32, #tpu.memory_space<hbm>> -> memref<1x640x64xf32, #tpu.memory_space<hbm>>
      %dma_wait3A_87 = tpu.memref_squeeze %dma_wait3A_86 : memref<1x640x64xf32, #tpu.memory_space<hbm>> -> memref<640x64xf32, #tpu.memory_space<hbm>>
      tpu.wait_dma2 semaphore(%run_scoped3A : memref<!tpu.dma_semaphore, #tpu.memory_space<semaphore_mem>>) src(%dma_wait3A_87 : memref<640x64xf32, #tpu.memory_space<hbm>>) dst(%dma_wait3A_84 : memref<640x64xf32, #tpu.memory_space<vmem_shared>>)
      tpu.yield
    }) : () -> ()
    %barrier3A = arith.constant 0 : index
    tpu.barrier barrier_id(%barrier3A)
    %dma_start3A = arith.constant 0 : i32
    %dma_start3A_4 = arith.constant 0 : i32
    %dma_start3A_5 = tpu.memref_slice %arg6[%dma_start3A, %dma_start3A_4] : memref<159x128xi32, #tpu.memory_space<vmem>> -> memref<1x128xi32, #tpu.memory_space<vmem>>
    %dma_start3A_6 = tpu.memref_squeeze %dma_start3A_5 : memref<1x128xi32, #tpu.memory_space<vmem>> -> memref<128xi32, #tpu.memory_space<vmem>>
    %dma_start3A_7 = arith.constant 0 : i32
    %dma_start3A_8 = arith.constant 0 : i32
    %dma_start3A_9 = tpu.memref_slice %arg2[%add3A_3, %dma_start3A_7, %dma_start3A_8] : memref<4x10240x64xf32, #tpu.memory_space<hbm>> -> memref<1x10240x64xf32, #tpu.memory_space<hbm>>
    %dma_start3A_10 = tpu.memref_squeeze %dma_start3A_9 : memref<1x10240x64xf32, #tpu.memory_space<hbm>> -> memref<10240x64xf32, #tpu.memory_space<hbm>>
    %dma_start3A_11 = arith.constant 0 : i32
    %dma_start3A_12 = arith.constant 0 : i32
    %dma_start3A_13 = tpu.memref_slice %dma_start3A_10[%dma_start3A_11, %dma_start3A_12] : memref<10240x64xf32, #tpu.memory_space<hbm>> -> memref<10240x64xf32, #tpu.memory_space<hbm>>
    tpu.enqueue_indirect_dma source(%dma_start3A_13 : memref<10240x64xf32, #tpu.memory_space<hbm>>) target(%arg8 : memref<128x64xf32, #tpu.memory_space<vmem>>) offsets(%dma_start3A_6 : memref<128xi32, #tpu.memory_space<vmem>>) semaphore(%arg12 : memref<!tpu.dma_semaphore, #tpu.memory_space<semaphore_mem>>)
    %dma_start3A_14 = arith.constant 1 : i32
    %dma_start3A_15 = arith.constant 0 : i32
    %dma_start3A_16 = tpu.memref_slice %arg6[%dma_start3A_14, %dma_start3A_15] : memref<159x128xi32, #tpu.memory_space<vmem>> -> memref<1x128xi32, #tpu.memory_space<vmem>>
    %dma_start3A_17 = tpu.memref_squeeze %dma_start3A_16 : memref<1x128xi32, #tpu.memory_space<vmem>> -> memref<128xi32, #tpu.memory_space<vmem>>
    %dma_start3A_18 = arith.constant 0 : i32
    %dma_start3A_19 = arith.constant 0 : i32
    %dma_start3A_20 = tpu.memref_slice %arg2[%add3A_3, %dma_start3A_18, %dma_start3A_19] : memref<4x10240x64xf32, #tpu.memory_space<hbm>> -> memref<1x10240x64xf32, #tpu.memory_space<hbm>>
    %dma_start3A_21 = tpu.memref_squeeze %dma_start3A_20 : memref<1x10240x64xf32, #tpu.memory_space<hbm>> -> memref<10240x64xf32, #tpu.memory_space<hbm>>
    %dma_start3A_22 = arith.constant 0 : i32
    %dma_start3A_23 = arith.constant 0 : i32
    %dma_start3A_24 = tpu.memref_slice %dma_start3A_21[%dma_start3A_22, %dma_start3A_23] : memref<10240x64xf32, #tpu.memory_space<hbm>> -> memref<10240x64xf32, #tpu.memory_space<hbm>>
    tpu.enqueue_indirect_dma source(%dma_start3A_24 : memref<10240x64xf32, #tpu.memory_space<hbm>>) target(%arg9 : memref<128x64xf32, #tpu.memory_space<vmem>>) offsets(%dma_start3A_17 : memref<128xi32, #tpu.memory_space<vmem>>) semaphore(%arg13 : memref<!tpu.dma_semaphore, #tpu.memory_space<semaphore_mem>>)
    %scan3A = arith.constant 0 : i32
    %scan3A_25 = arith.constant 0 : i32
    %scan3A_26 = arith.constant 53 : i32
    %scan3A_27 = arith.addi %scan3A_25, %scan3A_26 : i32
    %scan3A_28 = arith.constant 1 : i32
    scf.for %scan3A_78 = %scan3A_25 to %scan3A_27 step %scan3A_28  : i32 {
      %mul3A_79 = arith.constant 3 : i32
      %mul3A_80 = arith.muli %mul3A_79, %scan3A_78 : i32
      %add3A_81 = arith.constant 0 : i32
      %add3A_82 = arith.addi %mul3A_80, %add3A_81 : i32
      %dma_wait3A_83 = arith.constant 0 : i32
      %dma_wait3A_84 = tpu.memref_slice %arg6[%add3A_82, %dma_wait3A_83] : memref<159x128xi32, #tpu.memory_space<vmem>> -> memref<1x128xi32, #tpu.memory_space<vmem>>
      %dma_wait3A_85 = tpu.memref_squeeze %dma_wait3A_84 : memref<1x128xi32, #tpu.memory_space<vmem>> -> memref<128xi32, #tpu.memory_space<vmem>>
      %dma_wait3A_86 = arith.constant 0 : i32
      %dma_wait3A_87 = arith.constant 0 : i32
      %dma_wait3A_88 = tpu.memref_slice %arg2[%add3A_3, %dma_wait3A_86, %dma_wait3A_87] : memref<4x10240x64xf32, #tpu.memory_space<hbm>> -> memref<1x10240x64xf32, #tpu.memory_space<hbm>>
      %dma_wait3A_89 = tpu.memref_squeeze %dma_wait3A_88 : memref<1x10240x64xf32, #tpu.memory_space<hbm>> -> memref<10240x64xf32, #tpu.memory_space<hbm>>
      %dma_wait3A_90 = arith.constant 0 : i32
      %dma_wait3A_91 = arith.constant 0 : i32
      %dma_wait3A_92 = tpu.memref_slice %dma_wait3A_89[%dma_wait3A_90, %dma_wait3A_91] : memref<10240x64xf32, #tpu.memory_space<hbm>> -> memref<10240x64xf32, #tpu.memory_space<hbm>>
      tpu.wait_indirect_dma semaphore(%arg12 : memref<!tpu.dma_semaphore, #tpu.memory_space<semaphore_mem>>) src(%dma_wait3A_92 : memref<10240x64xf32, #tpu.memory_space<hbm>>) dst(%arg8 : memref<128x64xf32, #tpu.memory_space<vmem>>)
      %dma_start3A_93 = arith.constant 0 : i32
      %dma_start3A_94 = tpu.memref_slice %arg7[%add3A_82, %dma_start3A_93] : memref<159x128xi32, #tpu.memory_space<vmem>> -> memref<1x128xi32, #tpu.memory_space<vmem>>
      %dma_start3A_95 = tpu.memref_squeeze %dma_start3A_94 : memref<1x128xi32, #tpu.memory_space<vmem>> -> memref<128xi32, #tpu.memory_space<vmem>>
      %dma_start3A_96 = arith.constant 0 : i32
      %dma_start3A_97 = arith.constant 0 : i32
      %dma_start3A_98 = tpu.memref_slice %arg11[%dma_start3A_96, %dma_start3A_97] : memref<10240x64xf32, #tpu.memory_space<vmem_shared>> -> memref<10240x64xf32, #tpu.memory_space<vmem_shared>>
      tpu.enqueue_indirect_dma source(%arg8 : memref<128x64xf32, #tpu.memory_space<vmem>>) target(%dma_start3A_98 : memref<10240x64xf32, #tpu.memory_space<vmem_shared>>) offsets(%dma_start3A_95 : memref<128xi32, #tpu.memory_space<vmem>>) semaphore(%arg15 : memref<!tpu.dma_semaphore, #tpu.memory_space<semaphore_mem>>) {add = true}
      %gt3A = arith.constant 0 : i32
      %gt3A_99 = arith.cmpi sgt, %scan3A_78, %gt3A : i32
      %convert_element_type3A = arith.extui %gt3A_99 : i1 to i32
      %cond3A = arith.constant 0 : i32
      %cond3A_100 = arith.cmpi ne, %convert_element_type3A, %cond3A : i32
      scf.if %cond3A_100 {
        %sub3A_182 = arith.constant 1 : i32
        %sub3A_183 = arith.subi %add3A_82, %sub3A_182 : i32
        %dma_wait3A_184 = arith.constant 0 : i32
        %dma_wait3A_185 = tpu.memref_slice %arg7[%sub3A_183, %dma_wait3A_184] : memref<159x128xi32, #tpu.memory_space<vmem>> -> memref<1x128xi32, #tpu.memory_space<vmem>>
        %dma_wait3A_186 = tpu.memref_squeeze %dma_wait3A_185 : memref<1x128xi32, #tpu.memory_space<vmem>> -> memref<128xi32, #tpu.memory_space<vmem>>
        %dma_wait3A_187 = arith.constant 0 : i32
        %dma_wait3A_188 = arith.constant 0 : i32
        %dma_wait3A_189 = tpu.memref_slice %arg11[%dma_wait3A_187, %dma_wait3A_188] : memref<10240x64xf32, #tpu.memory_space<vmem_shared>> -> memref<10240x64xf32, #tpu.memory_space<vmem_shared>>
        tpu.wait_indirect_dma semaphore(%arg17 : memref<!tpu.dma_semaphore, #tpu.memory_space<semaphore_mem>>) src(%arg10 : memref<128x64xf32, #tpu.memory_space<vmem>>) dst(%dma_wait3A_189 : memref<10240x64xf32, #tpu.memory_space<vmem_shared>>)
      } else {
      }
      %add3A_101 = arith.constant 3 : i32
      %add3A_102 = arith.addi %add3A_82, %add3A_101 : i32
      %sub3A = arith.constant 1 : i32
      %sub3A_103 = arith.subi %add3A_102, %sub3A : i32
      %lt3A = arith.constant 159 : i32
      %lt3A_104 = arith.cmpi slt, %sub3A_103, %lt3A : i32
      %convert_element_type3A_105 = arith.extui %lt3A_104 : i1 to i32
      %cond3A_106 = arith.constant 0 : i32
      %cond3A_107 = arith.cmpi ne, %convert_element_type3A_105, %cond3A_106 : i32
      scf.if %cond3A_107 {
        %add3A_182 = arith.constant 3 : i32
        %add3A_183 = arith.addi %add3A_82, %add3A_182 : i32
        %sub3A_184 = arith.constant 1 : i32
        %sub3A_185 = arith.subi %add3A_183, %sub3A_184 : i32
        %dma_start3A_186 = arith.constant 0 : i32
        %dma_start3A_187 = tpu.memref_slice %arg6[%sub3A_185, %dma_start3A_186] : memref<159x128xi32, #tpu.memory_space<vmem>> -> memref<1x128xi32, #tpu.memory_space<vmem>>
        %dma_start3A_188 = tpu.memref_squeeze %dma_start3A_187 : memref<1x128xi32, #tpu.memory_space<vmem>> -> memref<128xi32, #tpu.memory_space<vmem>>
        %dma_start3A_189 = arith.constant 0 : i32
        %dma_start3A_190 = arith.constant 0 : i32
        %dma_start3A_191 = tpu.memref_slice %arg2[%add3A_3, %dma_start3A_189, %dma_start3A_190] : memref<4x10240x64xf32, #tpu.memory_space<hbm>> -> memref<1x10240x64xf32, #tpu.memory_space<hbm>>
        %dma_start3A_192 = tpu.memref_squeeze %dma_start3A_191 : memref<1x10240x64xf32, #tpu.memory_space<hbm>> -> memref<10240x64xf32, #tpu.memory_space<hbm>>
        %dma_start3A_193 = arith.constant 0 : i32
        %dma_start3A_194 = arith.constant 0 : i32
        %dma_start3A_195 = tpu.memref_slice %dma_start3A_192[%dma_start3A_193, %dma_start3A_194] : memref<10240x64xf32, #tpu.memory_space<hbm>> -> memref<10240x64xf32, #tpu.memory_space<hbm>>
        tpu.enqueue_indirect_dma source(%dma_start3A_195 : memref<10240x64xf32, #tpu.memory_space<hbm>>) target(%arg10 : memref<128x64xf32, #tpu.memory_space<vmem>>) offsets(%dma_start3A_188 : memref<128xi32, #tpu.memory_space<vmem>>) semaphore(%arg14 : memref<!tpu.dma_semaphore, #tpu.memory_space<semaphore_mem>>)
      } else {
      }
      %mul3A_108 = arith.constant 3 : i32
      %mul3A_109 = arith.muli %mul3A_108, %scan3A_78 : i32
      %add3A_110 = arith.constant 1 : i32
      %add3A_111 = arith.addi %mul3A_109, %add3A_110 : i32
      %dma_wait3A_112 = arith.constant 0 : i32
      %dma_wait3A_113 = tpu.memref_slice %arg6[%add3A_111, %dma_wait3A_112] : memref<159x128xi32, #tpu.memory_space<vmem>> -> memref<1x128xi32, #tpu.memory_space<vmem>>
      %dma_wait3A_114 = tpu.memref_squeeze %dma_wait3A_113 : memref<1x128xi32, #tpu.memory_space<vmem>> -> memref<128xi32, #tpu.memory_space<vmem>>
      %dma_wait3A_115 = arith.constant 0 : i32
      %dma_wait3A_116 = arith.constant 0 : i32
      %dma_wait3A_117 = tpu.memref_slice %arg2[%add3A_3, %dma_wait3A_115, %dma_wait3A_116] : memref<4x10240x64xf32, #tpu.memory_space<hbm>> -> memref<1x10240x64xf32, #tpu.memory_space<hbm>>
      %dma_wait3A_118 = tpu.memref_squeeze %dma_wait3A_117 : memref<1x10240x64xf32, #tpu.memory_space<hbm>> -> memref<10240x64xf32, #tpu.memory_space<hbm>>
      %dma_wait3A_119 = arith.constant 0 : i32
      %dma_wait3A_120 = arith.constant 0 : i32
      %dma_wait3A_121 = tpu.memref_slice %dma_wait3A_118[%dma_wait3A_119, %dma_wait3A_120] : memref<10240x64xf32, #tpu.memory_space<hbm>> -> memref<10240x64xf32, #tpu.memory_space<hbm>>
      tpu.wait_indirect_dma semaphore(%arg13 : memref<!tpu.dma_semaphore, #tpu.memory_space<semaphore_mem>>) src(%dma_wait3A_121 : memref<10240x64xf32, #tpu.memory_space<hbm>>) dst(%arg9 : memref<128x64xf32, #tpu.memory_space<vmem>>)
      %dma_start3A_122 = arith.constant 0 : i32
      %dma_start3A_123 = tpu.memref_slice %arg7[%add3A_111, %dma_start3A_122] : memref<159x128xi32, #tpu.memory_space<vmem>> -> memref<1x128xi32, #tpu.memory_space<vmem>>
      %dma_start3A_124 = tpu.memref_squeeze %dma_start3A_123 : memref<1x128xi32, #tpu.memory_space<vmem>> -> memref<128xi32, #tpu.memory_space<vmem>>
      %dma_start3A_125 = arith.constant 0 : i32
      %dma_start3A_126 = arith.constant 0 : i32
      %dma_start3A_127 = tpu.memref_slice %arg11[%dma_start3A_125, %dma_start3A_126] : memref<10240x64xf32, #tpu.memory_space<vmem_shared>> -> memref<10240x64xf32, #tpu.memory_space<vmem_shared>>
      tpu.enqueue_indirect_dma source(%arg9 : memref<128x64xf32, #tpu.memory_space<vmem>>) target(%dma_start3A_127 : memref<10240x64xf32, #tpu.memory_space<vmem_shared>>) offsets(%dma_start3A_124 : memref<128xi32, #tpu.memory_space<vmem>>) semaphore(%arg16 : memref<!tpu.dma_semaphore, #tpu.memory_space<semaphore_mem>>) {add = true}
      %sub3A_128 = arith.constant 1 : i32
      %sub3A_129 = arith.subi %add3A_111, %sub3A_128 : i32
      %dma_wait3A_130 = arith.constant 0 : i32
      %dma_wait3A_131 = tpu.memref_slice %arg7[%sub3A_129, %dma_wait3A_130] : memref<159x128xi32, #tpu.memory_space<vmem>> -> memref<1x128xi32, #tpu.memory_space<vmem>>
      %dma_wait3A_132 = tpu.memref_squeeze %dma_wait3A_131 : memref<1x128xi32, #tpu.memory_space<vmem>> -> memref<128xi32, #tpu.memory_space<vmem>>
      %dma_wait3A_133 = arith.constant 0 : i32
      %dma_wait3A_134 = arith.constant 0 : i32
      %dma_wait3A_135 = tpu.memref_slice %arg11[%dma_wait3A_133, %dma_wait3A_134] : memref<10240x64xf32, #tpu.memory_space<vmem_shared>> -> memref<10240x64xf32, #tpu.memory_space<vmem_shared>>
      tpu.wait_indirect_dma semaphore(%arg15 : memref<!tpu.dma_semaphore, #tpu.memory_space<semaphore_mem>>) src(%arg8 : memref<128x64xf32, #tpu.memory_space<vmem>>) dst(%dma_wait3A_135 : memref<10240x64xf32, #tpu.memory_space<vmem_shared>>)
      %add3A_136 = arith.constant 3 : i32
      %add3A_137 = arith.addi %add3A_111, %add3A_136 : i32
      %sub3A_138 = arith.constant 1 : i32
      %sub3A_139 = arith.subi %add3A_137, %sub3A_138 : i32
      %lt3A_140 = arith.constant 159 : i32
      %lt3A_141 = arith.cmpi slt, %sub3A_139, %lt3A_140 : i32
      %convert_element_type3A_142 = arith.extui %lt3A_141 : i1 to i32
      %cond3A_143 = arith.constant 0 : i32
      %cond3A_144 = arith.cmpi ne, %convert_element_type3A_142, %cond3A_143 : i32
      scf.if %cond3A_144 {
        %add3A_182 = arith.constant 3 : i32
        %add3A_183 = arith.addi %add3A_111, %add3A_182 : i32
        %sub3A_184 = arith.constant 1 : i32
        %sub3A_185 = arith.subi %add3A_183, %sub3A_184 : i32
        %dma_start3A_186 = arith.constant 0 : i32
        %dma_start3A_187 = tpu.memref_slice %arg6[%sub3A_185, %dma_start3A_186] : memref<159x128xi32, #tpu.memory_space<vmem>> -> memref<1x128xi32, #tpu.memory_space<vmem>>
        %dma_start3A_188 = tpu.memref_squeeze %dma_start3A_187 : memref<1x128xi32, #tpu.memory_space<vmem>> -> memref<128xi32, #tpu.memory_space<vmem>>
        %dma_start3A_189 = arith.constant 0 : i32
        %dma_start3A_190 = arith.constant 0 : i32
        %dma_start3A_191 = tpu.memref_slice %arg2[%add3A_3, %dma_start3A_189, %dma_start3A_190] : memref<4x10240x64xf32, #tpu.memory_space<hbm>> -> memref<1x10240x64xf32, #tpu.memory_space<hbm>>
        %dma_start3A_192 = tpu.memref_squeeze %dma_start3A_191 : memref<1x10240x64xf32, #tpu.memory_space<hbm>> -> memref<10240x64xf32, #tpu.memory_space<hbm>>
        %dma_start3A_193 = arith.constant 0 : i32
        %dma_start3A_194 = arith.constant 0 : i32
        %dma_start3A_195 = tpu.memref_slice %dma_start3A_192[%dma_start3A_193, %dma_start3A_194] : memref<10240x64xf32, #tpu.memory_space<hbm>> -> memref<10240x64xf32, #tpu.memory_space<hbm>>
        tpu.enqueue_indirect_dma source(%dma_start3A_195 : memref<10240x64xf32, #tpu.memory_space<hbm>>) target(%arg8 : memref<128x64xf32, #tpu.memory_space<vmem>>) offsets(%dma_start3A_188 : memref<128xi32, #tpu.memory_space<vmem>>) semaphore(%arg12 : memref<!tpu.dma_semaphore, #tpu.memory_space<semaphore_mem>>)
      } else {
      }
      %mul3A_145 = arith.constant 3 : i32
      %mul3A_146 = arith.muli %mul3A_145, %scan3A_78 : i32
      %add3A_147 = arith.constant 2 : i32
      %add3A_148 = arith.addi %mul3A_146, %add3A_147 : i32
      %dma_wait3A_149 = arith.constant 0 : i32
      %dma_wait3A_150 = tpu.memref_slice %arg6[%add3A_148, %dma_wait3A_149] : memref<159x128xi32, #tpu.memory_space<vmem>> -> memref<1x128xi32, #tpu.memory_space<vmem>>
      %dma_wait3A_151 = tpu.memref_squeeze %dma_wait3A_150 : memref<1x128xi32, #tpu.memory_space<vmem>> -> memref<128xi32, #tpu.memory_space<vmem>>
      %dma_wait3A_152 = arith.constant 0 : i32
      %dma_wait3A_153 = arith.constant 0 : i32
      %dma_wait3A_154 = tpu.memref_slice %arg2[%add3A_3, %dma_wait3A_152, %dma_wait3A_153] : memref<4x10240x64xf32, #tpu.memory_space<hbm>> -> memref<1x10240x64xf32, #tpu.memory_space<hbm>>
      %dma_wait3A_155 = tpu.memref_squeeze %dma_wait3A_154 : memref<1x10240x64xf32, #tpu.memory_space<hbm>> -> memref<10240x64xf32, #tpu.memory_space<hbm>>
      %dma_wait3A_156 = arith.constant 0 : i32
      %dma_wait3A_157 = arith.constant 0 : i32
      %dma_wait3A_158 = tpu.memref_slice %dma_wait3A_155[%dma_wait3A_156, %dma_wait3A_157] : memref<10240x64xf32, #tpu.memory_space<hbm>> -> memref<10240x64xf32, #tpu.memory_space<hbm>>
      tpu.wait_indirect_dma semaphore(%arg14 : memref<!tpu.dma_semaphore, #tpu.memory_space<semaphore_mem>>) src(%dma_wait3A_158 : memref<10240x64xf32, #tpu.memory_space<hbm>>) dst(%arg10 : memref<128x64xf32, #tpu.memory_space<vmem>>)
      %dma_start3A_159 = arith.constant 0 : i32
      %dma_start3A_160 = tpu.memref_slice %arg7[%add3A_148, %dma_start3A_159] : memref<159x128xi32, #tpu.memory_space<vmem>> -> memref<1x128xi32, #tpu.memory_space<vmem>>
      %dma_start3A_161 = tpu.memref_squeeze %dma_start3A_160 : memref<1x128xi32, #tpu.memory_space<vmem>> -> memref<128xi32, #tpu.memory_space<vmem>>
      %dma_start3A_162 = arith.constant 0 : i32
      %dma_start3A_163 = arith.constant 0 : i32
      %dma_start3A_164 = tpu.memref_slice %arg11[%dma_start3A_162, %dma_start3A_163] : memref<10240x64xf32, #tpu.memory_space<vmem_shared>> -> memref<10240x64xf32, #tpu.memory_space<vmem_shared>>
      tpu.enqueue_indirect_dma source(%arg10 : memref<128x64xf32, #tpu.memory_space<vmem>>) target(%dma_start3A_164 : memref<10240x64xf32, #tpu.memory_space<vmem_shared>>) offsets(%dma_start3A_161 : memref<128xi32, #tpu.memory_space<vmem>>) semaphore(%arg17 : memref<!tpu.dma_semaphore, #tpu.memory_space<semaphore_mem>>) {add = true}
      %sub3A_165 = arith.constant 1 : i32
      %sub3A_166 = arith.subi %add3A_148, %sub3A_165 : i32
      %dma_wait3A_167 = arith.constant 0 : i32
      %dma_wait3A_168 = tpu.memref_slice %arg7[%sub3A_166, %dma_wait3A_167] : memref<159x128xi32, #tpu.memory_space<vmem>> -> memref<1x128xi32, #tpu.memory_space<vmem>>
      %dma_wait3A_169 = tpu.memref_squeeze %dma_wait3A_168 : memref<1x128xi32, #tpu.memory_space<vmem>> -> memref<128xi32, #tpu.memory_space<vmem>>
      %dma_wait3A_170 = arith.constant 0 : i32
      %dma_wait3A_171 = arith.constant 0 : i32
      %dma_wait3A_172 = tpu.memref_slice %arg11[%dma_wait3A_170, %dma_wait3A_171] : memref<10240x64xf32, #tpu.memory_space<vmem_shared>> -> memref<10240x64xf32, #tpu.memory_space<vmem_shared>>
      tpu.wait_indirect_dma semaphore(%arg16 : memref<!tpu.dma_semaphore, #tpu.memory_space<semaphore_mem>>) src(%arg9 : memref<128x64xf32, #tpu.memory_space<vmem>>) dst(%dma_wait3A_172 : memref<10240x64xf32, #tpu.memory_space<vmem_shared>>)
      %add3A_173 = arith.constant 3 : i32
      %add3A_174 = arith.addi %add3A_148, %add3A_173 : i32
      %sub3A_175 = arith.constant 1 : i32
      %sub3A_176 = arith.subi %add3A_174, %sub3A_175 : i32
      %lt3A_177 = arith.constant 159 : i32
      %lt3A_178 = arith.cmpi slt, %sub3A_176, %lt3A_177 : i32
      %convert_element_type3A_179 = arith.extui %lt3A_178 : i1 to i32
      %cond3A_180 = arith.constant 0 : i32
      %cond3A_181 = arith.cmpi ne, %convert_element_type3A_179, %cond3A_180 : i32
      scf.if %cond3A_181 {
        %add3A_182 = arith.constant 3 : i32
        %add3A_183 = arith.addi %add3A_148, %add3A_182 : i32
        %sub3A_184 = arith.constant 1 : i32
        %sub3A_185 = arith.subi %add3A_183, %sub3A_184 : i32
        %dma_start3A_186 = arith.constant 0 : i32
        %dma_start3A_187 = tpu.memref_slice %arg6[%sub3A_185, %dma_start3A_186] : memref<159x128xi32, #tpu.memory_space<vmem>> -> memref<1x128xi32, #tpu.memory_space<vmem>>
        %dma_start3A_188 = tpu.memref_squeeze %dma_start3A_187 : memref<1x128xi32, #tpu.memory_space<vmem>> -> memref<128xi32, #tpu.memory_space<vmem>>
        %dma_start3A_189 = arith.constant 0 : i32
        %dma_start3A_190 = arith.constant 0 : i32
        %dma_start3A_191 = tpu.memref_slice %arg2[%add3A_3, %dma_start3A_189, %dma_start3A_190] : memref<4x10240x64xf32, #tpu.memory_space<hbm>> -> memref<1x10240x64xf32, #tpu.memory_space<hbm>>
        %dma_start3A_192 = tpu.memref_squeeze %dma_start3A_191 : memref<1x10240x64xf32, #tpu.memory_space<hbm>> -> memref<10240x64xf32, #tpu.memory_space<hbm>>
        %dma_start3A_193 = arith.constant 0 : i32
        %dma_start3A_194 = arith.constant 0 : i32
        %dma_start3A_195 = tpu.memref_slice %dma_start3A_192[%dma_start3A_193, %dma_start3A_194] : memref<10240x64xf32, #tpu.memory_space<hbm>> -> memref<10240x64xf32, #tpu.memory_space<hbm>>
        tpu.enqueue_indirect_dma source(%dma_start3A_195 : memref<10240x64xf32, #tpu.memory_space<hbm>>) target(%arg9 : memref<128x64xf32, #tpu.memory_space<vmem>>) offsets(%dma_start3A_188 : memref<128xi32, #tpu.memory_space<vmem>>) semaphore(%arg13 : memref<!tpu.dma_semaphore, #tpu.memory_space<semaphore_mem>>)
      } else {
      }
    }
    %scan3A_29 = arith.constant 53 : i32
    %dma_wait3A = arith.constant 158 : i32
    %dma_wait3A_30 = arith.constant 0 : i32
    %dma_wait3A_31 = tpu.memref_slice %arg7[%dma_wait3A, %dma_wait3A_30] : memref<159x128xi32, #tpu.memory_space<vmem>> -> memref<1x128xi32, #tpu.memory_space<vmem>>
    %dma_wait3A_32 = tpu.memref_squeeze %dma_wait3A_31 : memref<1x128xi32, #tpu.memory_space<vmem>> -> memref<128xi32, #tpu.memory_space<vmem>>
    %dma_wait3A_33 = arith.constant 0 : i32
    %dma_wait3A_34 = arith.constant 0 : i32
    %dma_wait3A_35 = tpu.memref_slice %arg11[%dma_wait3A_33, %dma_wait3A_34] : memref<10240x64xf32, #tpu.memory_space<vmem_shared>> -> memref<10240x64xf32, #tpu.memory_space<vmem_shared>>
    tpu.wait_indirect_dma semaphore(%arg17 : memref<!tpu.dma_semaphore, #tpu.memory_space<semaphore_mem>>) src(%arg10 : memref<128x64xf32, #tpu.memory_space<vmem>>) dst(%dma_wait3A_35 : memref<10240x64xf32, #tpu.memory_space<vmem_shared>>)
    %barrier3A_36 = arith.constant 0 : index
    tpu.barrier barrier_id(%barrier3A_36)
    "tpu.region"() ({
      %run_scoped3A = tpu.sem_alloc : memref<!tpu.dma_semaphore, #tpu.memory_space<semaphore_mem>>
      %dma_start3A_78 = arith.constant 0 : i32
      %dma_start3A_79 = tpu.memref_slice %arg5[%add3A_3, %mul3A_0, %dma_start3A_78] : memref<4x10240x64xf32, #tpu.memory_space<hbm>> -> memref<1x640x64xf32, #tpu.memory_space<hbm>>
      %dma_start3A_80 = tpu.memref_squeeze %dma_start3A_79 : memref<1x640x64xf32, #tpu.memory_space<hbm>> -> memref<640x64xf32, #tpu.memory_space<hbm>>
      %dma_start3A_81 = arith.constant 0 : i32
      %dma_start3A_82 = tpu.memref_slice %arg11[%mul3A_0, %dma_start3A_81] : memref<10240x64xf32, #tpu.memory_space<vmem_shared>> -> memref<640x64xf32, #tpu.memory_space<vmem_shared>>
      tpu.enqueue_dma source(%dma_start3A_82 : memref<640x64xf32, #tpu.memory_space<vmem_shared>>) target(%dma_start3A_80 : memref<640x64xf32, #tpu.memory_space<hbm>>) target_semaphore(%run_scoped3A : memref<!tpu.dma_semaphore, #tpu.memory_space<semaphore_mem>>)
      %dma_wait3A_83 = arith.constant 0 : i32
      %dma_wait3A_84 = tpu.memref_slice %arg5[%add3A_3, %mul3A_0, %dma_wait3A_83] : memref<4x10240x64xf32, #tpu.memory_space<hbm>> -> memref<1x640x64xf32, #tpu.memory_space<hbm>>
      %dma_wait3A_85 = tpu.memref_squeeze %dma_wait3A_84 : memref<1x640x64xf32, #tpu.memory_space<hbm>> -> memref<640x64xf32, #tpu.memory_space<hbm>>
      %dma_wait3A_86 = arith.constant 0 : i32
      %dma_wait3A_87 = tpu.memref_slice %arg11[%mul3A_0, %dma_wait3A_86] : memref<10240x64xf32, #tpu.memory_space<vmem_shared>> -> memref<640x64xf32, #tpu.memory_space<vmem_shared>>
      tpu.wait_dma2 semaphore(%run_scoped3A : memref<!tpu.dma_semaphore, #tpu.memory_space<semaphore_mem>>) src(%dma_wait3A_87 : memref<640x64xf32, #tpu.memory_space<vmem_shared>>) dst(%dma_wait3A_85 : memref<640x64xf32, #tpu.memory_space<hbm>>)
      tpu.yield
    }) : () -> ()
    %mul3A_37 = arith.constant 2 : i32
    %mul3A_38 = arith.muli %mul3A_37, %arg0 : i32
    %add3A_39 = arith.constant 1 : i32
    %add3A_40 = arith.addi %mul3A_38, %add3A_39 : i32
    "tpu.region"() ({
      %run_scoped3A = tpu.sem_alloc : memref<!tpu.dma_semaphore, #tpu.memory_space<semaphore_mem>>
      %dma_start3A_78 = arith.constant 0 : i32
      %dma_start3A_79 = tpu.memref_slice %arg11[%mul3A_0, %dma_start3A_78] : memref<10240x64xf32, #tpu.memory_space<vmem_shared>> -> memref<640x64xf32, #tpu.memory_space<vmem_shared>>
      %dma_start3A_80 = arith.constant 0 : i32
      %dma_start3A_81 = tpu.memref_slice %arg2[%add3A_40, %mul3A_0, %dma_start3A_80] : memref<4x10240x64xf32, #tpu.memory_space<hbm>> -> memref<1x640x64xf32, #tpu.memory_space<hbm>>
      %dma_start3A_82 = tpu.memref_squeeze %dma_start3A_81 : memref<1x640x64xf32, #tpu.memory_space<hbm>> -> memref<640x64xf32, #tpu.memory_space<hbm>>
      tpu.enqueue_dma source(%dma_start3A_82 : memref<640x64xf32, #tpu.memory_space<hbm>>) target(%dma_start3A_79 : memref<640x64xf32, #tpu.memory_space<vmem_shared>>) target_semaphore(%run_scoped3A : memref<!tpu.dma_semaphore, #tpu.memory_space<semaphore_mem>>)
      %dma_wait3A_83 = arith.constant 0 : i32
      %dma_wait3A_84 = tpu.memref_slice %arg11[%mul3A_0, %dma_wait3A_83] : memref<10240x64xf32, #tpu.memory_space<vmem_shared>> -> memref<640x64xf32, #tpu.memory_space<vmem_shared>>
      %dma_wait3A_85 = arith.constant 0 : i32
      %dma_wait3A_86 = tpu.memref_slice %arg2[%add3A_40, %mul3A_0, %dma_wait3A_85] : memref<4x10240x64xf32, #tpu.memory_space<hbm>> -> memref<1x640x64xf32, #tpu.memory_space<hbm>>
      %dma_wait3A_87 = tpu.memref_squeeze %dma_wait3A_86 : memref<1x640x64xf32, #tpu.memory_space<hbm>> -> memref<640x64xf32, #tpu.memory_space<hbm>>
      tpu.wait_dma2 semaphore(%run_scoped3A : memref<!tpu.dma_semaphore, #tpu.memory_space<semaphore_mem>>) src(%dma_wait3A_87 : memref<640x64xf32, #tpu.memory_space<hbm>>) dst(%dma_wait3A_84 : memref<640x64xf32, #tpu.memory_space<vmem_shared>>)
      tpu.yield
    }) : () -> ()
    %barrier3A_41 = arith.constant 0 : index
    tpu.barrier barrier_id(%barrier3A_41)
    %dma_start3A_42 = arith.constant 0 : i32
    %dma_start3A_43 = arith.constant 0 : i32
    %dma_start3A_44 = tpu.memref_slice %arg6[%dma_start3A_42, %dma_start3A_43] : memref<159x128xi32, #tpu.memory_space<vmem>> -> memref<1x128xi32, #tpu.memory_space<vmem>>
    %dma_start3A_45 = tpu.memref_squeeze %dma_start3A_44 : memref<1x128xi32, #tpu.memory_space<vmem>> -> memref<128xi32, #tpu.memory_space<vmem>>
    %dma_start3A_46 = arith.constant 0 : i32
    %dma_start3A_47 = arith.constant 0 : i32
    %dma_start3A_48 = tpu.memref_slice %arg2[%add3A_40, %dma_start3A_46, %dma_start3A_47] : memref<4x10240x64xf32, #tpu.memory_space<hbm>> -> memref<1x10240x64xf32, #tpu.memory_space<hbm>>
    %dma_start3A_49 = tpu.memref_squeeze %dma_start3A_48 : memref<1x10240x64xf32, #tpu.memory_space<hbm>> -> memref<10240x64xf32, #tpu.memory_space<hbm>>
    %dma_start3A_50 = arith.constant 0 : i32
    %dma_start3A_51 = arith.constant 0 : i32
    %dma_start3A_52 = tpu.memref_slice %dma_start3A_49[%dma_start3A_50, %dma_start3A_51] : memref<10240x64xf32, #tpu.memory_space<hbm>> -> memref<10240x64xf32, #tpu.memory_space<hbm>>
    tpu.enqueue_indirect_dma source(%dma_start3A_52 : memref<10240x64xf32, #tpu.memory_space<hbm>>) target(%arg8 : memref<128x64xf32, #tpu.memory_space<vmem>>) offsets(%dma_start3A_45 : memref<128xi32, #tpu.memory_space<vmem>>) semaphore(%arg12 : memref<!tpu.dma_semaphore, #tpu.memory_space<semaphore_mem>>)
    %dma_start3A_53 = arith.constant 1 : i32
    %dma_start3A_54 = arith.constant 0 : i32
    %dma_start3A_55 = tpu.memref_slice %arg6[%dma_start3A_53, %dma_start3A_54] : memref<159x128xi32, #tpu.memory_space<vmem>> -> memref<1x128xi32, #tpu.memory_space<vmem>>
    %dma_start3A_56 = tpu.memref_squeeze %dma_start3A_55 : memref<1x128xi32, #tpu.memory_space<vmem>> -> memref<128xi32, #tpu.memory_space<vmem>>
    %dma_start3A_57 = arith.constant 0 : i32
    %dma_start3A_58 = arith.constant 0 : i32
    %dma_start3A_59 = tpu.memref_slice %arg2[%add3A_40, %dma_start3A_57, %dma_start3A_58] : memref<4x10240x64xf32, #tpu.memory_space<hbm>> -> memref<1x10240x64xf32, #tpu.memory_space<hbm>>
    %dma_start3A_60 = tpu.memref_squeeze %dma_start3A_59 : memref<1x10240x64xf32, #tpu.memory_space<hbm>> -> memref<10240x64xf32, #tpu.memory_space<hbm>>
    %dma_start3A_61 = arith.constant 0 : i32
    %dma_start3A_62 = arith.constant 0 : i32
    %dma_start3A_63 = tpu.memref_slice %dma_start3A_60[%dma_start3A_61, %dma_start3A_62] : memref<10240x64xf32, #tpu.memory_space<hbm>> -> memref<10240x64xf32, #tpu.memory_space<hbm>>
    tpu.enqueue_indirect_dma source(%dma_start3A_63 : memref<10240x64xf32, #tpu.memory_space<hbm>>) target(%arg9 : memref<128x64xf32, #tpu.memory_space<vmem>>) offsets(%dma_start3A_56 : memref<128xi32, #tpu.memory_space<vmem>>) semaphore(%arg13 : memref<!tpu.dma_semaphore, #tpu.memory_space<semaphore_mem>>)
    %scan3A_64 = arith.constant 0 : i32
    %scan3A_65 = arith.constant 0 : i32
    %scan3A_66 = arith.constant 53 : i32
    %scan3A_67 = arith.addi %scan3A_65, %scan3A_66 : i32
    %scan3A_68 = arith.constant 1 : i32
    scf.for %scan3A_78 = %scan3A_65 to %scan3A_67 step %scan3A_68  : i32 {
      %mul3A_79 = arith.constant 3 : i32
      %mul3A_80 = arith.muli %mul3A_79, %scan3A_78 : i32
      %add3A_81 = arith.constant 0 : i32
      %add3A_82 = arith.addi %mul3A_80, %add3A_81 : i32
      %dma_wait3A_83 = arith.constant 0 : i32
      %dma_wait3A_84 = tpu.memref_slice %arg6[%add3A_82, %dma_wait3A_83] : memref<159x128xi32, #tpu.memory_space<vmem>> -> memref<1x128xi32, #tpu.memory_space<vmem>>
      %dma_wait3A_85 = tpu.memref_squeeze %dma_wait3A_84 : memref<1x128xi32, #tpu.memory_space<vmem>> -> memref<128xi32, #tpu.memory_space<vmem>>
      %dma_wait3A_86 = arith.constant 0 : i32
      %dma_wait3A_87 = arith.constant 0 : i32
      %dma_wait3A_88 = tpu.memref_slice %arg2[%add3A_40, %dma_wait3A_86, %dma_wait3A_87] : memref<4x10240x64xf32, #tpu.memory_space<hbm>> -> memref<1x10240x64xf32, #tpu.memory_space<hbm>>
      %dma_wait3A_89 = tpu.memref_squeeze %dma_wait3A_88 : memref<1x10240x64xf32, #tpu.memory_space<hbm>> -> memref<10240x64xf32, #tpu.memory_space<hbm>>
      %dma_wait3A_90 = arith.constant 0 : i32
      %dma_wait3A_91 = arith.constant 0 : i32
      %dma_wait3A_92 = tpu.memref_slice %dma_wait3A_89[%dma_wait3A_90, %dma_wait3A_91] : memref<10240x64xf32, #tpu.memory_space<hbm>> -> memref<10240x64xf32, #tpu.memory_space<hbm>>
      tpu.wait_indirect_dma semaphore(%arg12 : memref<!tpu.dma_semaphore, #tpu.memory_space<semaphore_mem>>) src(%dma_wait3A_92 : memref<10240x64xf32, #tpu.memory_space<hbm>>) dst(%arg8 : memref<128x64xf32, #tpu.memory_space<vmem>>)
      %dma_start3A_93 = arith.constant 0 : i32
      %dma_start3A_94 = tpu.memref_slice %arg7[%add3A_82, %dma_start3A_93] : memref<159x128xi32, #tpu.memory_space<vmem>> -> memref<1x128xi32, #tpu.memory_space<vmem>>
      %dma_start3A_95 = tpu.memref_squeeze %dma_start3A_94 : memref<1x128xi32, #tpu.memory_space<vmem>> -> memref<128xi32, #tpu.memory_space<vmem>>
      %dma_start3A_96 = arith.constant 0 : i32
      %dma_start3A_97 = arith.constant 0 : i32
      %dma_start3A_98 = tpu.memref_slice %arg11[%dma_start3A_96, %dma_start3A_97] : memref<10240x64xf32, #tpu.memory_space<vmem_shared>> -> memref<10240x64xf32, #tpu.memory_space<vmem_shared>>
      tpu.enqueue_indirect_dma source(%arg8 : memref<128x64xf32, #tpu.memory_space<vmem>>) target(%dma_start3A_98 : memref<10240x64xf32, #tpu.memory_space<vmem_shared>>) offsets(%dma_start3A_95 : memref<128xi32, #tpu.memory_space<vmem>>) semaphore(%arg15 : memref<!tpu.dma_semaphore, #tpu.memory_space<semaphore_mem>>) {add = true}
      %gt3A = arith.constant 0 : i32
      %gt3A_99 = arith.cmpi sgt, %scan3A_78, %gt3A : i32
      %convert_element_type3A = arith.extui %gt3A_99 : i1 to i32
      %cond3A = arith.constant 0 : i32
      %cond3A_100 = arith.cmpi ne, %convert_element_type3A, %cond3A : i32
      scf.if %cond3A_100 {
        %sub3A_182 = arith.constant 1 : i32
        %sub3A_183 = arith.subi %add3A_82, %sub3A_182 : i32
        %dma_wait3A_184 = arith.constant 0 : i32
        %dma_wait3A_185 = tpu.memref_slice %arg7[%sub3A_183, %dma_wait3A_184] : memref<159x128xi32, #tpu.memory_space<vmem>> -> memref<1x128xi32, #tpu.memory_space<vmem>>
        %dma_wait3A_186 = tpu.memref_squeeze %dma_wait3A_185 : memref<1x128xi32, #tpu.memory_space<vmem>> -> memref<128xi32, #tpu.memory_space<vmem>>
        %dma_wait3A_187 = arith.constant 0 : i32
        %dma_wait3A_188 = arith.constant 0 : i32
        %dma_wait3A_189 = tpu.memref_slice %arg11[%dma_wait3A_187, %dma_wait3A_188] : memref<10240x64xf32, #tpu.memory_space<vmem_shared>> -> memref<10240x64xf32, #tpu.memory_space<vmem_shared>>
        tpu.wait_indirect_dma semaphore(%arg17 : memref<!tpu.dma_semaphore, #tpu.memory_space<semaphore_mem>>) src(%arg10 : memref<128x64xf32, #tpu.memory_space<vmem>>) dst(%dma_wait3A_189 : memref<10240x64xf32, #tpu.memory_space<vmem_shared>>)
      } else {
      }
      %add3A_101 = arith.constant 3 : i32
      %add3A_102 = arith.addi %add3A_82, %add3A_101 : i32
      %sub3A = arith.constant 1 : i32
      %sub3A_103 = arith.subi %add3A_102, %sub3A : i32
      %lt3A = arith.constant 159 : i32
      %lt3A_104 = arith.cmpi slt, %sub3A_103, %lt3A : i32
      %convert_element_type3A_105 = arith.extui %lt3A_104 : i1 to i32
      %cond3A_106 = arith.constant 0 : i32
      %cond3A_107 = arith.cmpi ne, %convert_element_type3A_105, %cond3A_106 : i32
      scf.if %cond3A_107 {
        %add3A_182 = arith.constant 3 : i32
        %add3A_183 = arith.addi %add3A_82, %add3A_182 : i32
        %sub3A_184 = arith.constant 1 : i32
        %sub3A_185 = arith.subi %add3A_183, %sub3A_184 : i32
        %dma_start3A_186 = arith.constant 0 : i32
        %dma_start3A_187 = tpu.memref_slice %arg6[%sub3A_185, %dma_start3A_186] : memref<159x128xi32, #tpu.memory_space<vmem>> -> memref<1x128xi32, #tpu.memory_space<vmem>>
        %dma_start3A_188 = tpu.memref_squeeze %dma_start3A_187 : memref<1x128xi32, #tpu.memory_space<vmem>> -> memref<128xi32, #tpu.memory_space<vmem>>
        %dma_start3A_189 = arith.constant 0 : i32
        %dma_start3A_190 = arith.constant 0 : i32
        %dma_start3A_191 = tpu.memref_slice %arg2[%add3A_40, %dma_start3A_189, %dma_start3A_190] : memref<4x10240x64xf32, #tpu.memory_space<hbm>> -> memref<1x10240x64xf32, #tpu.memory_space<hbm>>
        %dma_start3A_192 = tpu.memref_squeeze %dma_start3A_191 : memref<1x10240x64xf32, #tpu.memory_space<hbm>> -> memref<10240x64xf32, #tpu.memory_space<hbm>>
        %dma_start3A_193 = arith.constant 0 : i32
        %dma_start3A_194 = arith.constant 0 : i32
        %dma_start3A_195 = tpu.memref_slice %dma_start3A_192[%dma_start3A_193, %dma_start3A_194] : memref<10240x64xf32, #tpu.memory_space<hbm>> -> memref<10240x64xf32, #tpu.memory_space<hbm>>
        tpu.enqueue_indirect_dma source(%dma_start3A_195 : memref<10240x64xf32, #tpu.memory_space<hbm>>) target(%arg10 : memref<128x64xf32, #tpu.memory_space<vmem>>) offsets(%dma_start3A_188 : memref<128xi32, #tpu.memory_space<vmem>>) semaphore(%arg14 : memref<!tpu.dma_semaphore, #tpu.memory_space<semaphore_mem>>)
      } else {
      }
      %mul3A_108 = arith.constant 3 : i32
      %mul3A_109 = arith.muli %mul3A_108, %scan3A_78 : i32
      %add3A_110 = arith.constant 1 : i32
      %add3A_111 = arith.addi %mul3A_109, %add3A_110 : i32
      %dma_wait3A_112 = arith.constant 0 : i32
      %dma_wait3A_113 = tpu.memref_slice %arg6[%add3A_111, %dma_wait3A_112] : memref<159x128xi32, #tpu.memory_space<vmem>> -> memref<1x128xi32, #tpu.memory_space<vmem>>
      %dma_wait3A_114 = tpu.memref_squeeze %dma_wait3A_113 : memref<1x128xi32, #tpu.memory_space<vmem>> -> memref<128xi32, #tpu.memory_space<vmem>>
      %dma_wait3A_115 = arith.constant 0 : i32
      %dma_wait3A_116 = arith.constant 0 : i32
      %dma_wait3A_117 = tpu.memref_slice %arg2[%add3A_40, %dma_wait3A_115, %dma_wait3A_116] : memref<4x10240x64xf32, #tpu.memory_space<hbm>> -> memref<1x10240x64xf32, #tpu.memory_space<hbm>>
      %dma_wait3A_118 = tpu.memref_squeeze %dma_wait3A_117 : memref<1x10240x64xf32, #tpu.memory_space<hbm>> -> memref<10240x64xf32, #tpu.memory_space<hbm>>
      %dma_wait3A_119 = arith.constant 0 : i32
      %dma_wait3A_120 = arith.constant 0 : i32
      %dma_wait3A_121 = tpu.memref_slice %dma_wait3A_118[%dma_wait3A_119, %dma_wait3A_120] : memref<10240x64xf32, #tpu.memory_space<hbm>> -> memref<10240x64xf32, #tpu.memory_space<hbm>>
      tpu.wait_indirect_dma semaphore(%arg13 : memref<!tpu.dma_semaphore, #tpu.memory_space<semaphore_mem>>) src(%dma_wait3A_121 : memref<10240x64xf32, #tpu.memory_space<hbm>>) dst(%arg9 : memref<128x64xf32, #tpu.memory_space<vmem>>)
      %dma_start3A_122 = arith.constant 0 : i32
      %dma_start3A_123 = tpu.memref_slice %arg7[%add3A_111, %dma_start3A_122] : memref<159x128xi32, #tpu.memory_space<vmem>> -> memref<1x128xi32, #tpu.memory_space<vmem>>
      %dma_start3A_124 = tpu.memref_squeeze %dma_start3A_123 : memref<1x128xi32, #tpu.memory_space<vmem>> -> memref<128xi32, #tpu.memory_space<vmem>>
      %dma_start3A_125 = arith.constant 0 : i32
      %dma_start3A_126 = arith.constant 0 : i32
      %dma_start3A_127 = tpu.memref_slice %arg11[%dma_start3A_125, %dma_start3A_126] : memref<10240x64xf32, #tpu.memory_space<vmem_shared>> -> memref<10240x64xf32, #tpu.memory_space<vmem_shared>>
      tpu.enqueue_indirect_dma source(%arg9 : memref<128x64xf32, #tpu.memory_space<vmem>>) target(%dma_start3A_127 : memref<10240x64xf32, #tpu.memory_space<vmem_shared>>) offsets(%dma_start3A_124 : memref<128xi32, #tpu.memory_space<vmem>>) semaphore(%arg16 : memref<!tpu.dma_semaphore, #tpu.memory_space<semaphore_mem>>) {add = true}
      %sub3A_128 = arith.constant 1 : i32
      %sub3A_129 = arith.subi %add3A_111, %sub3A_128 : i32
      %dma_wait3A_130 = arith.constant 0 : i32
      %dma_wait3A_131 = tpu.memref_slice %arg7[%sub3A_129, %dma_wait3A_130] : memref<159x128xi32, #tpu.memory_space<vmem>> -> memref<1x128xi32, #tpu.memory_space<vmem>>
      %dma_wait3A_132 = tpu.memref_squeeze %dma_wait3A_131 : memref<1x128xi32, #tpu.memory_space<vmem>> -> memref<128xi32, #tpu.memory_space<vmem>>
      %dma_wait3A_133 = arith.constant 0 : i32
      %dma_wait3A_134 = arith.constant 0 : i32
      %dma_wait3A_135 = tpu.memref_slice %arg11[%dma_wait3A_133, %dma_wait3A_134] : memref<10240x64xf32, #tpu.memory_space<vmem_shared>> -> memref<10240x64xf32, #tpu.memory_space<vmem_shared>>
      tpu.wait_indirect_dma semaphore(%arg15 : memref<!tpu.dma_semaphore, #tpu.memory_space<semaphore_mem>>) src(%arg8 : memref<128x64xf32, #tpu.memory_space<vmem>>) dst(%dma_wait3A_135 : memref<10240x64xf32, #tpu.memory_space<vmem_shared>>)
      %add3A_136 = arith.constant 3 : i32
      %add3A_137 = arith.addi %add3A_111, %add3A_136 : i32
      %sub3A_138 = arith.constant 1 : i32
      %sub3A_139 = arith.subi %add3A_137, %sub3A_138 : i32
      %lt3A_140 = arith.constant 159 : i32
      %lt3A_141 = arith.cmpi slt, %sub3A_139, %lt3A_140 : i32
      %convert_element_type3A_142 = arith.extui %lt3A_141 : i1 to i32
      %cond3A_143 = arith.constant 0 : i32
      %cond3A_144 = arith.cmpi ne, %convert_element_type3A_142, %cond3A_143 : i32
      scf.if %cond3A_144 {
        %add3A_182 = arith.constant 3 : i32
        %add3A_183 = arith.addi %add3A_111, %add3A_182 : i32
        %sub3A_184 = arith.constant 1 : i32
        %sub3A_185 = arith.subi %add3A_183, %sub3A_184 : i32
        %dma_start3A_186 = arith.constant 0 : i32
        %dma_start3A_187 = tpu.memref_slice %arg6[%sub3A_185, %dma_start3A_186] : memref<159x128xi32, #tpu.memory_space<vmem>> -> memref<1x128xi32, #tpu.memory_space<vmem>>
        %dma_start3A_188 = tpu.memref_squeeze %dma_start3A_187 : memref<1x128xi32, #tpu.memory_space<vmem>> -> memref<128xi32, #tpu.memory_space<vmem>>
        %dma_start3A_189 = arith.constant 0 : i32
        %dma_start3A_190 = arith.constant 0 : i32
        %dma_start3A_191 = tpu.memref_slice %arg2[%add3A_40, %dma_start3A_189, %dma_start3A_190] : memref<4x10240x64xf32, #tpu.memory_space<hbm>> -> memref<1x10240x64xf32, #tpu.memory_space<hbm>>
        %dma_start3A_192 = tpu.memref_squeeze %dma_start3A_191 : memref<1x10240x64xf32, #tpu.memory_space<hbm>> -> memref<10240x64xf32, #tpu.memory_space<hbm>>
        %dma_start3A_193 = arith.constant 0 : i32
        %dma_start3A_194 = arith.constant 0 : i32
        %dma_start3A_195 = tpu.memref_slice %dma_start3A_192[%dma_start3A_193, %dma_start3A_194] : memref<10240x64xf32, #tpu.memory_space<hbm>> -> memref<10240x64xf32, #tpu.memory_space<hbm>>
        tpu.enqueue_indirect_dma source(%dma_start3A_195 : memref<10240x64xf32, #tpu.memory_space<hbm>>) target(%arg8 : memref<128x64xf32, #tpu.memory_space<vmem>>) offsets(%dma_start3A_188 : memref<128xi32, #tpu.memory_space<vmem>>) semaphore(%arg12 : memref<!tpu.dma_semaphore, #tpu.memory_space<semaphore_mem>>)
      } else {
      }
      %mul3A_145 = arith.constant 3 : i32
      %mul3A_146 = arith.muli %mul3A_145, %scan3A_78 : i32
      %add3A_147 = arith.constant 2 : i32
      %add3A_148 = arith.addi %mul3A_146, %add3A_147 : i32
      %dma_wait3A_149 = arith.constant 0 : i32
      %dma_wait3A_150 = tpu.memref_slice %arg6[%add3A_148, %dma_wait3A_149] : memref<159x128xi32, #tpu.memory_space<vmem>> -> memref<1x128xi32, #tpu.memory_space<vmem>>
      %dma_wait3A_151 = tpu.memref_squeeze %dma_wait3A_150 : memref<1x128xi32, #tpu.memory_space<vmem>> -> memref<128xi32, #tpu.memory_space<vmem>>
      %dma_wait3A_152 = arith.constant 0 : i32
      %dma_wait3A_153 = arith.constant 0 : i32
      %dma_wait3A_154 = tpu.memref_slice %arg2[%add3A_40, %dma_wait3A_152, %dma_wait3A_153] : memref<4x10240x64xf32, #tpu.memory_space<hbm>> -> memref<1x10240x64xf32, #tpu.memory_space<hbm>>
      %dma_wait3A_155 = tpu.memref_squeeze %dma_wait3A_154 : memref<1x10240x64xf32, #tpu.memory_space<hbm>> -> memref<10240x64xf32, #tpu.memory_space<hbm>>
      %dma_wait3A_156 = arith.constant 0 : i32
      %dma_wait3A_157 = arith.constant 0 : i32
      %dma_wait3A_158 = tpu.memref_slice %dma_wait3A_155[%dma_wait3A_156, %dma_wait3A_157] : memref<10240x64xf32, #tpu.memory_space<hbm>> -> memref<10240x64xf32, #tpu.memory_space<hbm>>
      tpu.wait_indirect_dma semaphore(%arg14 : memref<!tpu.dma_semaphore, #tpu.memory_space<semaphore_mem>>) src(%dma_wait3A_158 : memref<10240x64xf32, #tpu.memory_space<hbm>>) dst(%arg10 : memref<128x64xf32, #tpu.memory_space<vmem>>)
      %dma_start3A_159 = arith.constant 0 : i32
      %dma_start3A_160 = tpu.memref_slice %arg7[%add3A_148, %dma_start3A_159] : memref<159x128xi32, #tpu.memory_space<vmem>> -> memref<1x128xi32, #tpu.memory_space<vmem>>
      %dma_start3A_161 = tpu.memref_squeeze %dma_start3A_160 : memref<1x128xi32, #tpu.memory_space<vmem>> -> memref<128xi32, #tpu.memory_space<vmem>>
      %dma_start3A_162 = arith.constant 0 : i32
      %dma_start3A_163 = arith.constant 0 : i32
      %dma_start3A_164 = tpu.memref_slice %arg11[%dma_start3A_162, %dma_start3A_163] : memref<10240x64xf32, #tpu.memory_space<vmem_shared>> -> memref<10240x64xf32, #tpu.memory_space<vmem_shared>>
      tpu.enqueue_indirect_dma source(%arg10 : memref<128x64xf32, #tpu.memory_space<vmem>>) target(%dma_start3A_164 : memref<10240x64xf32, #tpu.memory_space<vmem_shared>>) offsets(%dma_start3A_161 : memref<128xi32, #tpu.memory_space<vmem>>) semaphore(%arg17 : memref<!tpu.dma_semaphore, #tpu.memory_space<semaphore_mem>>) {add = true}
      %sub3A_165 = arith.constant 1 : i32
      %sub3A_166 = arith.subi %add3A_148, %sub3A_165 : i32
      %dma_wait3A_167 = arith.constant 0 : i32
      %dma_wait3A_168 = tpu.memref_slice %arg7[%sub3A_166, %dma_wait3A_167] : memref<159x128xi32, #tpu.memory_space<vmem>> -> memref<1x128xi32, #tpu.memory_space<vmem>>
      %dma_wait3A_169 = tpu.memref_squeeze %dma_wait3A_168 : memref<1x128xi32, #tpu.memory_space<vmem>> -> memref<128xi32, #tpu.memory_space<vmem>>
      %dma_wait3A_170 = arith.constant 0 : i32
      %dma_wait3A_171 = arith.constant 0 : i32
      %dma_wait3A_172 = tpu.memref_slice %arg11[%dma_wait3A_170, %dma_wait3A_171] : memref<10240x64xf32, #tpu.memory_space<vmem_shared>> -> memref<10240x64xf32, #tpu.memory_space<vmem_shared>>
      tpu.wait_indirect_dma semaphore(%arg16 : memref<!tpu.dma_semaphore, #tpu.memory_space<semaphore_mem>>) src(%arg9 : memref<128x64xf32, #tpu.memory_space<vmem>>) dst(%dma_wait3A_172 : memref<10240x64xf32, #tpu.memory_space<vmem_shared>>)
      %add3A_173 = arith.constant 3 : i32
      %add3A_174 = arith.addi %add3A_148, %add3A_173 : i32
      %sub3A_175 = arith.constant 1 : i32
      %sub3A_176 = arith.subi %add3A_174, %sub3A_175 : i32
      %lt3A_177 = arith.constant 159 : i32
      %lt3A_178 = arith.cmpi slt, %sub3A_176, %lt3A_177 : i32
      %convert_element_type3A_179 = arith.extui %lt3A_178 : i1 to i32
      %cond3A_180 = arith.constant 0 : i32
      %cond3A_181 = arith.cmpi ne, %convert_element_type3A_179, %cond3A_180 : i32
      scf.if %cond3A_181 {
        %add3A_182 = arith.constant 3 : i32
        %add3A_183 = arith.addi %add3A_148, %add3A_182 : i32
        %sub3A_184 = arith.constant 1 : i32
        %sub3A_185 = arith.subi %add3A_183, %sub3A_184 : i32
        %dma_start3A_186 = arith.constant 0 : i32
        %dma_start3A_187 = tpu.memref_slice %arg6[%sub3A_185, %dma_start3A_186] : memref<159x128xi32, #tpu.memory_space<vmem>> -> memref<1x128xi32, #tpu.memory_space<vmem>>
        %dma_start3A_188 = tpu.memref_squeeze %dma_start3A_187 : memref<1x128xi32, #tpu.memory_space<vmem>> -> memref<128xi32, #tpu.memory_space<vmem>>
        %dma_start3A_189 = arith.constant 0 : i32
        %dma_start3A_190 = arith.constant 0 : i32
        %dma_start3A_191 = tpu.memref_slice %arg2[%add3A_40, %dma_start3A_189, %dma_start3A_190] : memref<4x10240x64xf32, #tpu.memory_space<hbm>> -> memref<1x10240x64xf32, #tpu.memory_space<hbm>>
        %dma_start3A_192 = tpu.memref_squeeze %dma_start3A_191 : memref<1x10240x64xf32, #tpu.memory_space<hbm>> -> memref<10240x64xf32, #tpu.memory_space<hbm>>
        %dma_start3A_193 = arith.constant 0 : i32
        %dma_start3A_194 = arith.constant 0 : i32
        %dma_start3A_195 = tpu.memref_slice %dma_start3A_192[%dma_start3A_193, %dma_start3A_194] : memref<10240x64xf32, #tpu.memory_space<hbm>> -> memref<10240x64xf32, #tpu.memory_space<hbm>>
        tpu.enqueue_indirect_dma source(%dma_start3A_195 : memref<10240x64xf32, #tpu.memory_space<hbm>>) target(%arg9 : memref<128x64xf32, #tpu.memory_space<vmem>>) offsets(%dma_start3A_188 : memref<128xi32, #tpu.memory_space<vmem>>) semaphore(%arg13 : memref<!tpu.dma_semaphore, #tpu.memory_space<semaphore_mem>>)
      } else {
      }
    }
    %scan3A_69 = arith.constant 53 : i32
    %dma_wait3A_70 = arith.constant 158 : i32
    %dma_wait3A_71 = arith.constant 0 : i32
    %dma_wait3A_72 = tpu.memref_slice %arg7[%dma_wait3A_70, %dma_wait3A_71] : memref<159x128xi32, #tpu.memory_space<vmem>> -> memref<1x128xi32, #tpu.memory_space<vmem>>
    %dma_wait3A_73 = tpu.memref_squeeze %dma_wait3A_72 : memref<1x128xi32, #tpu.memory_space<vmem>> -> memref<128xi32, #tpu.memory_space<vmem>>
    %dma_wait3A_74 = arith.constant 0 : i32
    %dma_wait3A_75 = arith.constant 0 : i32
    %dma_wait3A_76 = tpu.memref_slice %arg11[%dma_wait3A_74, %dma_wait3A_75] : memref<10240x64xf32, #tpu.memory_space<vmem_shared>> -> memref<10240x64xf32, #tpu.memory_space<vmem_shared>>
    tpu.wait_indirect_dma semaphore(%arg17 : memref<!tpu.dma_semaphore, #tpu.memory_space<semaphore_mem>>) src(%arg10 : memref<128x64xf32, #tpu.memory_space<vmem>>) dst(%dma_wait3A_76 : memref<10240x64xf32, #tpu.memory_space<vmem_shared>>)
    %barrier3A_77 = arith.constant 0 : index
    tpu.barrier barrier_id(%barrier3A_77)
    "tpu.region"() ({
      %run_scoped3A = tpu.sem_alloc : memref<!tpu.dma_semaphore, #tpu.memory_space<semaphore_mem>>
      %dma_start3A_78 = arith.constant 0 : i32
      %dma_start3A_79 = tpu.memref_slice %arg5[%add3A_40, %mul3A_0, %dma_start3A_78] : memref<4x10240x64xf32, #tpu.memory_space<hbm>> -> memref<1x640x64xf32, #tpu.memory_space<hbm>>
      %dma_start3A_80 = tpu.memref_squeeze %dma_start3A_79 : memref<1x640x64xf32, #tpu.memory_space<hbm>> -> memref<640x64xf32, #tpu.memory_space<hbm>>
      %dma_start3A_81 = arith.constant 0 : i32
      %dma_start3A_82 = tpu.memref_slice %arg11[%mul3A_0, %dma_start3A_81] : memref<10240x64xf32, #tpu.memory_space<vmem_shared>> -> memref<640x64xf32, #tpu.memory_space<vmem_shared>>
      tpu.enqueue_dma source(%dma_start3A_82 : memref<640x64xf32, #tpu.memory_space<vmem_shared>>) target(%dma_start3A_80 : memref<640x64xf32, #tpu.memory_space<hbm>>) target_semaphore(%run_scoped3A : memref<!tpu.dma_semaphore, #tpu.memory_space<semaphore_mem>>)
      %dma_wait3A_83 = arith.constant 0 : i32
      %dma_wait3A_84 = tpu.memref_slice %arg5[%add3A_40, %mul3A_0, %dma_wait3A_83] : memref<4x10240x64xf32, #tpu.memory_space<hbm>> -> memref<1x640x64xf32, #tpu.memory_space<hbm>>
      %dma_wait3A_85 = tpu.memref_squeeze %dma_wait3A_84 : memref<1x640x64xf32, #tpu.memory_space<hbm>> -> memref<640x64xf32, #tpu.memory_space<hbm>>
      %dma_wait3A_86 = arith.constant 0 : i32
      %dma_wait3A_87 = tpu.memref_slice %arg11[%mul3A_0, %dma_wait3A_86] : memref<10240x64xf32, #tpu.memory_space<vmem_shared>> -> memref<640x64xf32, #tpu.memory_space<vmem_shared>>
      tpu.wait_dma2 semaphore(%run_scoped3A : memref<!tpu.dma_semaphore, #tpu.memory_space<semaphore_mem>>) src(%dma_wait3A_87 : memref<640x64xf32, #tpu.memory_space<vmem_shared>>) dst(%dma_wait3A_85 : memref<640x64xf32, #tpu.memory_space<hbm>>)
      tpu.yield
    }) : () -> ()
    return
  }
}

module attributes {stable_mosaic.version = 14 : i64} {
  func.func @_tc_enc_body(%arg0: i32, %arg1: memref<512x128xf32, #tpu.memory_space<vmem>>, %arg2: memref<128x256xf32, #tpu.memory_space<vmem>>, %arg3: memref<1x256xf32, #tpu.memory_space<vmem>>, %arg4: memref<256x256xf32, #tpu.memory_space<vmem>>, %arg5: memref<1x256xf32, #tpu.memory_space<vmem>>, %arg6: memref<512x16xf32, #tpu.memory_space<vmem>>, %arg7: memref<512x256xf32, #tpu.memory_space<vmem>>, %arg8: memref<4x512x64xf32, #tpu.memory_space<vmem>>) attributes {dimension_semantics = [#tpu.dimension_semantics<arbitrary>], iteration_bounds = array<i64: 20>, scalar_prefetch = 0 : i64, scratch_operands = 0 : i64, tpu.core_type = #tpu.core_type<tc>, window_params = [{transform_indices = @transform_0, window_bounds = array<i64: 512, 128>}, {pipeline_mode = #tpu.pipeline_mode<synchronous>, transform_indices = @transform_1, window_bounds = array<i64: 128, 256>}, {pipeline_mode = #tpu.pipeline_mode<synchronous>, transform_indices = @transform_2, window_bounds = array<i64: 1, 256>}, {pipeline_mode = #tpu.pipeline_mode<synchronous>, transform_indices = @transform_3, window_bounds = array<i64: 256, 256>}, {pipeline_mode = #tpu.pipeline_mode<synchronous>, transform_indices = @transform_4, window_bounds = array<i64: 1, 256>}, {transform_indices = @transform_5, window_bounds = array<i64: 512, 16>}, {transform_indices = @transform_6, window_bounds = array<i64: 512, 256>}, {transform_indices = @transform_7, window_bounds = array<i64: 4, 512, 64>}]} {
    %get3A = arith.constant 0 : index
    %get3A_0 = arith.constant 0 : index
    %get3A_1 = vector.load %arg1[%get3A, %get3A_0] : memref<512x128xf32, #tpu.memory_space<vmem>>, vector<512x128xf32>
    %get3A_2 = arith.constant 0 : index
    %get3A_3 = arith.constant 0 : index
    %get3A_4 = vector.load %arg2[%get3A_2, %get3A_3] : memref<128x256xf32, #tpu.memory_space<vmem>>, vector<128x256xf32>
    %dot_general3A = arith.constant dense<0.000000e+00> : vector<512x256xf32>
    %dot_general3A_5 = tpu.matmul %get3A_1, %get3A_4, %dot_general3A {dimension_numbers = #tpu.dot_dimension_numbers<[1], [0], [0], [1], [0, 0, 1, 1], [], []>, transpose_lhs_hint = false} : vector<512x128xf32>, vector<128x256xf32>, vector<512x256xf32> -> vector<512x256xf32>
    %get3A_6 = arith.constant 0 : index
    %get3A_7 = arith.constant 0 : index
    %get3A_8 = vector.load %arg3[%get3A_6, %get3A_7] : memref<1x256xf32, #tpu.memory_space<vmem>>, vector<1x256xf32>
    %add3A = vector.broadcast %get3A_8 : vector<1x256xf32> to vector<512x256xf32>
    %add3A_9 = arith.addf %dot_general3A_5, %add3A : vector<512x256xf32>
    %max3A = arith.constant 0.000000e+00 : f32
    %max3A_10 = vector.broadcast %max3A : f32 to vector<512x256xf32>
    %max3A_11 = arith.maximumf %add3A_9, %max3A_10 : vector<512x256xf32>
    %swap3A = arith.constant 0 : index
    %swap3A_12 = arith.constant 0 : index
    %swap3A_13 = vector.load %arg7[%swap3A, %swap3A_12] : memref<512x256xf32, #tpu.memory_space<vmem>>, vector<512x256xf32>
    tpu.vector_store %arg7[%swap3A, %swap3A_12], %max3A_11 {strides = array<i32>} : memref<512x256xf32, #tpu.memory_space<vmem>>, vector<512x256xf32>,
    %get3A_14 = arith.constant 0 : index
    %get3A_15 = arith.constant 0 : index
    %get3A_16 = vector.load %arg6[%get3A_14, %get3A_15] : memref<512x16xf32, #tpu.memory_space<vmem>>, vector<512x16xf32>
    %reduce_sum3A = arith.constant dense<0.000000e+00> : vector<512xf32>
    %reduce_sum3A_17 = vector.multi_reduction <add>, %get3A_16, %reduce_sum3A [1] : vector<512x16xf32> to vector<512xf32>
    %broadcast_in_dim3A = vector.shape_cast %reduce_sum3A_17 : vector<512xf32> to vector<512x1xf32>
    %mul3A = arith.constant 6.250000e-02 : f32
    %mul3A_18 = vector.broadcast %mul3A : f32 to vector<512x1xf32>
    %mul3A_19 = arith.mulf %broadcast_in_dim3A, %mul3A_18 : vector<512x1xf32>
    %add3A_20 = arith.constant 1.000000e+00 : f32
    %add3A_21 = vector.broadcast %add3A_20 : f32 to vector<512x1xf32>
    %add3A_22 = arith.addf %mul3A_19, %add3A_21 : vector<512x1xf32>
    %iota3A = tpu.iota {dimensions = array<i32: 0>} : vector<512x1xi32>
    %mul3A_23 = arith.constant 512 : i32
    %mul3A_24 = arith.muli %arg0, %mul3A_23 : i32
    %add3A_25 = vector.broadcast %mul3A_24 : i32 to vector<512x1xi32>
    %add3A_26 = arith.addi %iota3A, %add3A_25 : vector<512x1xi32>
    %lt3A = arith.constant 10000 : i32
    %lt3A_27 = vector.broadcast %lt3A : i32 to vector<512x1xi32>
    %lt3A_28 = arith.cmpi slt, %add3A_26, %lt3A_27 : vector<512x1xi32>
    %rsqrt3A = math.rsqrt %add3A_22 : vector<512x1xf32>
    %jit3A = arith.constant 0.000000e+00 : f32
    %broadcast_in_dim3A_29 = vector.broadcast %jit3A : f32 to vector<512x1xf32>
    %select_n3A = arith.select %lt3A_28, %rsqrt3A, %broadcast_in_dim3A_29 : vector<512x1xi1>, vector<512x1xf32>
    %get3A_30 = arith.constant 0 : index
    %get3A_31 = arith.constant 0 : index
    %get3A_32 = vector.load %arg4[%get3A_30, %get3A_31] : memref<256x256xf32, #tpu.memory_space<vmem>>, vector<256x256xf32>
    %dot_general3A_33 = arith.constant dense<0.000000e+00> : vector<512x256xf32>
    %dot_general3A_34 = tpu.matmul %max3A_11, %get3A_32, %dot_general3A_33 {dimension_numbers = #tpu.dot_dimension_numbers<[1], [0], [0], [1], [0, 0, 1, 1], [], []>, transpose_lhs_hint = false} : vector<512x256xf32>, vector<256x256xf32>, vector<512x256xf32> -> vector<512x256xf32>
    %get3A_35 = arith.constant 0 : index
    %get3A_36 = arith.constant 0 : index
    %get3A_37 = vector.load %arg5[%get3A_35, %get3A_36] : memref<1x256xf32, #tpu.memory_space<vmem>>, vector<1x256xf32>
    %mul3A_38 = arith.constant 2.500000e-01 : f32
    %mul3A_39 = vector.broadcast %mul3A_38 : f32 to vector<1x256xf32>
    %mul3A_40 = arith.mulf %mul3A_39, %get3A_37 : vector<1x256xf32>
    %add3A_41 = vector.broadcast %mul3A_40 : vector<1x256xf32> to vector<512x256xf32>
    %add3A_42 = arith.addf %dot_general3A_34, %add3A_41 : vector<512x256xf32>
    %mul3A_43 = vector.broadcast %select_n3A : vector<512x1xf32> to vector<512x256xf32>
    %mul3A_44 = arith.mulf %add3A_42, %mul3A_43 : vector<512x256xf32>
    %slice3A = vector.extract_strided_slice %mul3A_44 {offsets = [0, 0], sizes = [512, 64], strides = [1, 1]} : vector<512x256xf32> to vector<512x64xf32>
    %swap3A_45 = arith.constant 0 : index
    %swap3A_46 = arith.constant 0 : index
    %swap3A_47 = arith.constant 0 : index
    %swap3A_48 = vector.load %arg8[%swap3A_45, %swap3A_46, %swap3A_47] : memref<4x512x64xf32, #tpu.memory_space<vmem>>, vector<1x512x64xf32>
    %swap3A_49 = vector.shape_cast %swap3A_48 : vector<1x512x64xf32> to vector<512x64xf32>
    %swap3A_50 = vector.shape_cast %slice3A : vector<512x64xf32> to vector<1x512x64xf32>
    tpu.vector_store %arg8[%swap3A_45, %swap3A_46, %swap3A_47], %swap3A_50 {strides = array<i32>} : memref<4x512x64xf32, #tpu.memory_space<vmem>>, vector<1x512x64xf32>,
    %slice3A_51 = vector.extract_strided_slice %mul3A_44 {offsets = [0, 64], sizes = [512, 64], strides = [1, 1]} : vector<512x256xf32> to vector<512x64xf32>
    %swap3A_52 = arith.constant 1 : index
    %swap3A_53 = arith.constant 0 : index
    %swap3A_54 = arith.constant 0 : index
    %swap3A_55 = vector.load %arg8[%swap3A_52, %swap3A_53, %swap3A_54] : memref<4x512x64xf32, #tpu.memory_space<vmem>>, vector<1x512x64xf32>
    %swap3A_56 = vector.shape_cast %swap3A_55 : vector<1x512x64xf32> to vector<512x64xf32>
    %swap3A_57 = vector.shape_cast %slice3A_51 : vector<512x64xf32> to vector<1x512x64xf32>
    tpu.vector_store %arg8[%swap3A_52, %swap3A_53, %swap3A_54], %swap3A_57 {strides = array<i32>} : memref<4x512x64xf32, #tpu.memory_space<vmem>>, vector<1x512x64xf32>,
    %slice3A_58 = vector.extract_strided_slice %mul3A_44 {offsets = [0, 128], sizes = [512, 64], strides = [1, 1]} : vector<512x256xf32> to vector<512x64xf32>
    %swap3A_59 = arith.constant 2 : index
    %swap3A_60 = arith.constant 0 : index
    %swap3A_61 = arith.constant 0 : index
    %swap3A_62 = vector.load %arg8[%swap3A_59, %swap3A_60, %swap3A_61] : memref<4x512x64xf32, #tpu.memory_space<vmem>>, vector<1x512x64xf32>
    %swap3A_63 = vector.shape_cast %swap3A_62 : vector<1x512x64xf32> to vector<512x64xf32>
    %swap3A_64 = vector.shape_cast %slice3A_58 : vector<512x64xf32> to vector<1x512x64xf32>
    tpu.vector_store %arg8[%swap3A_59, %swap3A_60, %swap3A_61], %swap3A_64 {strides = array<i32>} : memref<4x512x64xf32, #tpu.memory_space<vmem>>, vector<1x512x64xf32>,
    %slice3A_65 = vector.extract_strided_slice %mul3A_44 {offsets = [0, 192], sizes = [512, 64], strides = [1, 1]} : vector<512x256xf32> to vector<512x64xf32>
    %swap3A_66 = arith.constant 3 : index
    %swap3A_67 = arith.constant 0 : index
    %swap3A_68 = arith.constant 0 : index
    %swap3A_69 = vector.load %arg8[%swap3A_66, %swap3A_67, %swap3A_68] : memref<4x512x64xf32, #tpu.memory_space<vmem>>, vector<1x512x64xf32>
    %swap3A_70 = vector.shape_cast %swap3A_69 : vector<1x512x64xf32> to vector<512x64xf32>
    %swap3A_71 = vector.shape_cast %slice3A_65 : vector<512x64xf32> to vector<1x512x64xf32>
    tpu.vector_store %arg8[%swap3A_66, %swap3A_67, %swap3A_68], %swap3A_71 {strides = array<i32>} : memref<4x512x64xf32, #tpu.memory_space<vmem>>, vector<1x512x64xf32>,
    return
  }
  func.func @transform_0(%arg0: i32) -> (i32, i32) {
    %c0_i32 = arith.constant 0 : i32
    %c0_i32_0 = arith.constant 0 : i32
    return %arg0, %c0_i32 : i32, i32
  }
  func.func @transform_1(%arg0: i32) -> (i32, i32) {
    %c0_i32 = arith.constant 0 : i32
    %c0_i32_0 = arith.constant 0 : i32
    %c0_i32_1 = arith.constant 0 : i32
    return %c0_i32, %c0_i32_0 : i32, i32
  }
  func.func @transform_2(%arg0: i32) -> (i32, i32) {
    %c0_i32 = arith.constant 0 : i32
    %c0_i32_0 = arith.constant 0 : i32
    %c0_i32_1 = arith.constant 0 : i32
    return %c0_i32, %c0_i32_0 : i32, i32
  }
  func.func @transform_3(%arg0: i32) -> (i32, i32) {
    %c0_i32 = arith.constant 0 : i32
    %c0_i32_0 = arith.constant 0 : i32
    %c0_i32_1 = arith.constant 0 : i32
    return %c0_i32, %c0_i32_0 : i32, i32
  }
  func.func @transform_4(%arg0: i32) -> (i32, i32) {
    %c0_i32 = arith.constant 0 : i32
    %c0_i32_0 = arith.constant 0 : i32
    %c0_i32_1 = arith.constant 0 : i32
    return %c0_i32, %c0_i32_0 : i32, i32
  }
  func.func @transform_5(%arg0: i32) -> (i32, i32) {
    %c0_i32 = arith.constant 0 : i32
    %c0_i32_0 = arith.constant 0 : i32
    return %arg0, %c0_i32 : i32, i32
  }
  func.func @transform_6(%arg0: i32) -> (i32, i32) {
    %c0_i32 = arith.constant 0 : i32
    %c0_i32_0 = arith.constant 0 : i32
    return %arg0, %c0_i32 : i32, i32
  }
  func.func @transform_7(%arg0: i32) -> (i32, i32, i32) {
    %c0_i32 = arith.constant 0 : i32
    %c0_i32_0 = arith.constant 0 : i32
    %c0_i32_1 = arith.constant 0 : i32
    return %c0_i32, %arg0, %c0_i32_0 : i32, i32, i32
  }
}

module attributes {stable_mosaic.version = 14 : i64} {
  func.func @_tc_mid_body(%arg0: i32, %arg1: memref<512x256xf32, #tpu.memory_space<vmem>>, %arg2: memref<4x512x64xf32, #tpu.memory_space<vmem>>, %arg3: memref<512x16xf32, #tpu.memory_space<vmem>>, %arg4: memref<1x256xf32, #tpu.memory_space<vmem>>, %arg5: memref<256x256xf32, #tpu.memory_space<vmem>>, %arg6: memref<1x256xf32, #tpu.memory_space<vmem>>, %arg7: memref<512x256xf32, #tpu.memory_space<vmem>>, %arg8: memref<4x512x64xf32, #tpu.memory_space<vmem>>) attributes {dimension_semantics = [#tpu.dimension_semantics<arbitrary>], iteration_bounds = array<i64: 20>, scalar_prefetch = 0 : i64, scratch_operands = 0 : i64, tpu.core_type = #tpu.core_type<tc>, window_params = [{transform_indices = @transform_0, window_bounds = array<i64: 512, 256>}, {transform_indices = @transform_1, window_bounds = array<i64: 4, 512, 64>}, {transform_indices = @transform_2, window_bounds = array<i64: 512, 16>}, {pipeline_mode = #tpu.pipeline_mode<synchronous>, transform_indices = @transform_3, window_bounds = array<i64: 1, 256>}, {pipeline_mode = #tpu.pipeline_mode<synchronous>, transform_indices = @transform_4, window_bounds = array<i64: 256, 256>}, {pipeline_mode = #tpu.pipeline_mode<synchronous>, transform_indices = @transform_5, window_bounds = array<i64: 1, 256>}, {transform_indices = @transform_6, window_bounds = array<i64: 512, 256>}, {transform_indices = @transform_7, window_bounds = array<i64: 4, 512, 64>}]} {
    %get3A = arith.constant 0 : index
    %get3A_0 = arith.constant 0 : index
    %get3A_1 = vector.load %arg3[%get3A, %get3A_0] : memref<512x16xf32, #tpu.memory_space<vmem>>, vector<512x16xf32>
    %reduce_sum3A = arith.constant dense<0.000000e+00> : vector<512xf32>
    %reduce_sum3A_2 = vector.multi_reduction <add>, %get3A_1, %reduce_sum3A [1] : vector<512x16xf32> to vector<512xf32>
    %broadcast_in_dim3A = vector.shape_cast %reduce_sum3A_2 : vector<512xf32> to vector<512x1xf32>
    %mul3A = arith.constant 6.250000e-02 : f32
    %mul3A_3 = vector.broadcast %mul3A : f32 to vector<512x1xf32>
    %mul3A_4 = arith.mulf %broadcast_in_dim3A, %mul3A_3 : vector<512x1xf32>
    %add3A = arith.constant 1.000000e+00 : f32
    %add3A_5 = vector.broadcast %add3A : f32 to vector<512x1xf32>
    %add3A_6 = arith.addf %mul3A_4, %add3A_5 : vector<512x1xf32>
    %iota3A = tpu.iota {dimensions = array<i32: 0>} : vector<512x1xi32>
    %mul3A_7 = arith.constant 512 : i32
    %mul3A_8 = arith.muli %arg0, %mul3A_7 : i32
    %add3A_9 = vector.broadcast %mul3A_8 : i32 to vector<512x1xi32>
    %add3A_10 = arith.addi %iota3A, %add3A_9 : vector<512x1xi32>
    %lt3A = arith.constant 10000 : i32
    %lt3A_11 = vector.broadcast %lt3A : i32 to vector<512x1xi32>
    %lt3A_12 = arith.cmpi slt, %add3A_10, %lt3A_11 : vector<512x1xi32>
    %rsqrt3A = math.rsqrt %add3A_6 : vector<512x1xf32>
    %jit3A = arith.constant 0.000000e+00 : f32
    %broadcast_in_dim3A_13 = vector.broadcast %jit3A : f32 to vector<512x1xf32>
    %select_n3A = arith.select %lt3A_12, %rsqrt3A, %broadcast_in_dim3A_13 : vector<512x1xi1>, vector<512x1xf32>
    %get3A_14 = arith.constant 0 : index
    %get3A_15 = arith.constant 0 : index
    %get3A_16 = arith.constant 0 : index
    %get3A_17 = vector.load %arg2[%get3A_14, %get3A_15, %get3A_16] : memref<4x512x64xf32, #tpu.memory_space<vmem>>, vector<1x512x64xf32>
    %get3A_18 = vector.shape_cast %get3A_17 : vector<1x512x64xf32> to vector<512x64xf32>
    %get3A_19 = arith.constant 1 : index
    %get3A_20 = arith.constant 0 : index
    %get3A_21 = arith.constant 0 : index
    %get3A_22 = vector.load %arg2[%get3A_19, %get3A_20, %get3A_21] : memref<4x512x64xf32, #tpu.memory_space<vmem>>, vector<1x512x64xf32>
    %get3A_23 = vector.shape_cast %get3A_22 : vector<1x512x64xf32> to vector<512x64xf32>
    %get3A_24 = arith.constant 2 : index
    %get3A_25 = arith.constant 0 : index
    %get3A_26 = arith.constant 0 : index
    %get3A_27 = vector.load %arg2[%get3A_24, %get3A_25, %get3A_26] : memref<4x512x64xf32, #tpu.memory_space<vmem>>, vector<1x512x64xf32>
    %get3A_28 = vector.shape_cast %get3A_27 : vector<1x512x64xf32> to vector<512x64xf32>
    %get3A_29 = arith.constant 3 : index
    %get3A_30 = arith.constant 0 : index
    %get3A_31 = arith.constant 0 : index
    %get3A_32 = vector.load %arg2[%get3A_29, %get3A_30, %get3A_31] : memref<4x512x64xf32, #tpu.memory_space<vmem>>, vector<1x512x64xf32>
    %get3A_33 = vector.shape_cast %get3A_32 : vector<1x512x64xf32> to vector<512x64xf32>
    %concatenate3A = tpu.concatenate %get3A_18, %get3A_23, %get3A_28, %get3A_33 in 1 : vector<512x64xf32>, vector<512x64xf32>, vector<512x64xf32>, vector<512x64xf32> -> vector<512x256xf32>
    %mul3A_34 = vector.broadcast %select_n3A : vector<512x1xf32> to vector<512x256xf32>
    %mul3A_35 = arith.mulf %mul3A_34, %concatenate3A : vector<512x256xf32>
    %get3A_36 = arith.constant 0 : index
    %get3A_37 = arith.constant 0 : index
    %get3A_38 = vector.load %arg4[%get3A_36, %get3A_37] : memref<1x256xf32, #tpu.memory_space<vmem>>, vector<1x256xf32>
    %add3A_39 = vector.broadcast %get3A_38 : vector<1x256xf32> to vector<512x256xf32>
    %add3A_40 = arith.addf %mul3A_35, %add3A_39 : vector<512x256xf32>
    %get3A_41 = arith.constant 0 : index
    %get3A_42 = arith.constant 0 : index
    %get3A_43 = vector.load %arg1[%get3A_41, %get3A_42] : memref<512x256xf32, #tpu.memory_space<vmem>>, vector<512x256xf32>
    %mul3A_44 = arith.constant 5.000000e-01 : f32
    %mul3A_45 = vector.broadcast %mul3A_44 : f32 to vector<512x256xf32>
    %mul3A_46 = arith.mulf %mul3A_45, %get3A_43 : vector<512x256xf32>
    %max3A = arith.constant 0.000000e+00 : f32
    %max3A_47 = vector.broadcast %max3A : f32 to vector<512x256xf32>
    %max3A_48 = arith.maximumf %add3A_40, %max3A_47 : vector<512x256xf32>
    %mul3A_49 = arith.constant 5.000000e-01 : f32
    %mul3A_50 = vector.broadcast %mul3A_49 : f32 to vector<512x256xf32>
    %mul3A_51 = arith.mulf %mul3A_50, %max3A_48 : vector<512x256xf32>
    %add3A_52 = arith.addf %mul3A_46, %mul3A_51 : vector<512x256xf32>
    %swap3A = arith.constant 0 : index
    %swap3A_53 = arith.constant 0 : index
    %swap3A_54 = vector.load %arg7[%swap3A, %swap3A_53] : memref<512x256xf32, #tpu.memory_space<vmem>>, vector<512x256xf32>
    tpu.vector_store %arg7[%swap3A, %swap3A_53], %add3A_52 {strides = array<i32>} : memref<512x256xf32, #tpu.memory_space<vmem>>, vector<512x256xf32>,
    %get3A_55 = arith.constant 0 : index
    %get3A_56 = arith.constant 0 : index
    %get3A_57 = vector.load %arg5[%get3A_55, %get3A_56] : memref<256x256xf32, #tpu.memory_space<vmem>>, vector<256x256xf32>
    %dot_general3A = arith.constant dense<0.000000e+00> : vector<512x256xf32>
    %dot_general3A_58 = tpu.matmul %add3A_52, %get3A_57, %dot_general3A {dimension_numbers = #tpu.dot_dimension_numbers<[1], [0], [0], [1], [0, 0, 1, 1], [], []>, transpose_lhs_hint = false} : vector<512x256xf32>, vector<256x256xf32>, vector<512x256xf32> -> vector<512x256xf32>
    %get3A_59 = arith.constant 0 : index
    %get3A_60 = arith.constant 0 : index
    %get3A_61 = vector.load %arg6[%get3A_59, %get3A_60] : memref<1x256xf32, #tpu.memory_space<vmem>>, vector<1x256xf32>
    %mul3A_62 = arith.constant 5.000000e-01 : f32
    %mul3A_63 = vector.broadcast %mul3A_62 : f32 to vector<1x256xf32>
    %mul3A_64 = arith.mulf %mul3A_63, %get3A_61 : vector<1x256xf32>
    %add3A_65 = vector.broadcast %mul3A_64 : vector<1x256xf32> to vector<512x256xf32>
    %add3A_66 = arith.addf %dot_general3A_58, %add3A_65 : vector<512x256xf32>
    %mul3A_67 = vector.broadcast %select_n3A : vector<512x1xf32> to vector<512x256xf32>
    %mul3A_68 = arith.mulf %add3A_66, %mul3A_67 : vector<512x256xf32>
    %slice3A = vector.extract_strided_slice %mul3A_68 {offsets = [0, 0], sizes = [512, 64], strides = [1, 1]} : vector<512x256xf32> to vector<512x64xf32>
    %swap3A_69 = arith.constant 0 : index
    %swap3A_70 = arith.constant 0 : index
    %swap3A_71 = arith.constant 0 : index
    %swap3A_72 = vector.load %arg8[%swap3A_69, %swap3A_70, %swap3A_71] : memref<4x512x64xf32, #tpu.memory_space<vmem>>, vector<1x512x64xf32>
    %swap3A_73 = vector.shape_cast %swap3A_72 : vector<1x512x64xf32> to vector<512x64xf32>
    %swap3A_74 = vector.shape_cast %slice3A : vector<512x64xf32> to vector<1x512x64xf32>
    tpu.vector_store %arg8[%swap3A_69, %swap3A_70, %swap3A_71], %swap3A_74 {strides = array<i32>} : memref<4x512x64xf32, #tpu.memory_space<vmem>>, vector<1x512x64xf32>,
    %slice3A_75 = vector.extract_strided_slice %mul3A_68 {offsets = [0, 64], sizes = [512, 64], strides = [1, 1]} : vector<512x256xf32> to vector<512x64xf32>
    %swap3A_76 = arith.constant 1 : index
    %swap3A_77 = arith.constant 0 : index
    %swap3A_78 = arith.constant 0 : index
    %swap3A_79 = vector.load %arg8[%swap3A_76, %swap3A_77, %swap3A_78] : memref<4x512x64xf32, #tpu.memory_space<vmem>>, vector<1x512x64xf32>
    %swap3A_80 = vector.shape_cast %swap3A_79 : vector<1x512x64xf32> to vector<512x64xf32>
    %swap3A_81 = vector.shape_cast %slice3A_75 : vector<512x64xf32> to vector<1x512x64xf32>
    tpu.vector_store %arg8[%swap3A_76, %swap3A_77, %swap3A_78], %swap3A_81 {strides = array<i32>} : memref<4x512x64xf32, #tpu.memory_space<vmem>>, vector<1x512x64xf32>,
    %slice3A_82 = vector.extract_strided_slice %mul3A_68 {offsets = [0, 128], sizes = [512, 64], strides = [1, 1]} : vector<512x256xf32> to vector<512x64xf32>
    %swap3A_83 = arith.constant 2 : index
    %swap3A_84 = arith.constant 0 : index
    %swap3A_85 = arith.constant 0 : index
    %swap3A_86 = vector.load %arg8[%swap3A_83, %swap3A_84, %swap3A_85] : memref<4x512x64xf32, #tpu.memory_space<vmem>>, vector<1x512x64xf32>
    %swap3A_87 = vector.shape_cast %swap3A_86 : vector<1x512x64xf32> to vector<512x64xf32>
    %swap3A_88 = vector.shape_cast %slice3A_82 : vector<512x64xf32> to vector<1x512x64xf32>
    tpu.vector_store %arg8[%swap3A_83, %swap3A_84, %swap3A_85], %swap3A_88 {strides = array<i32>} : memref<4x512x64xf32, #tpu.memory_space<vmem>>, vector<1x512x64xf32>,
    %slice3A_89 = vector.extract_strided_slice %mul3A_68 {offsets = [0, 192], sizes = [512, 64], strides = [1, 1]} : vector<512x256xf32> to vector<512x64xf32>
    %swap3A_90 = arith.constant 3 : index
    %swap3A_91 = arith.constant 0 : index
    %swap3A_92 = arith.constant 0 : index
    %swap3A_93 = vector.load %arg8[%swap3A_90, %swap3A_91, %swap3A_92] : memref<4x512x64xf32, #tpu.memory_space<vmem>>, vector<1x512x64xf32>
    %swap3A_94 = vector.shape_cast %swap3A_93 : vector<1x512x64xf32> to vector<512x64xf32>
    %swap3A_95 = vector.shape_cast %slice3A_89 : vector<512x64xf32> to vector<1x512x64xf32>
    tpu.vector_store %arg8[%swap3A_90, %swap3A_91, %swap3A_92], %swap3A_95 {strides = array<i32>} : memref<4x512x64xf32, #tpu.memory_space<vmem>>, vector<1x512x64xf32>,
    return
  }
  func.func @transform_0(%arg0: i32) -> (i32, i32) {
    %c0_i32 = arith.constant 0 : i32
    %c0_i32_0 = arith.constant 0 : i32
    return %arg0, %c0_i32 : i32, i32
  }
  func.func @transform_1(%arg0: i32) -> (i32, i32, i32) {
    %c0_i32 = arith.constant 0 : i32
    %c0_i32_0 = arith.constant 0 : i32
    %c0_i32_1 = arith.constant 0 : i32
    return %c0_i32, %arg0, %c0_i32_0 : i32, i32, i32
  }
  func.func @transform_2(%arg0: i32) -> (i32, i32) {
    %c0_i32 = arith.constant 0 : i32
    %c0_i32_0 = arith.constant 0 : i32
    return %arg0, %c0_i32 : i32, i32
  }
  func.func @transform_3(%arg0: i32) -> (i32, i32) {
    %c0_i32 = arith.constant 0 : i32
    %c0_i32_0 = arith.constant 0 : i32
    %c0_i32_1 = arith.constant 0 : i32
    return %c0_i32, %c0_i32_0 : i32, i32
  }
  func.func @transform_4(%arg0: i32) -> (i32, i32) {
    %c0_i32 = arith.constant 0 : i32
    %c0_i32_0 = arith.constant 0 : i32
    %c0_i32_1 = arith.constant 0 : i32
    return %c0_i32, %c0_i32_0 : i32, i32
  }
  func.func @transform_5(%arg0: i32) -> (i32, i32) {
    %c0_i32 = arith.constant 0 : i32
    %c0_i32_0 = arith.constant 0 : i32
    %c0_i32_1 = arith.constant 0 : i32
    return %c0_i32, %c0_i32_0 : i32, i32
  }
  func.func @transform_6(%arg0: i32) -> (i32, i32) {
    %c0_i32 = arith.constant 0 : i32
    %c0_i32_0 = arith.constant 0 : i32
    return %arg0, %c0_i32 : i32, i32
  }
  func.func @transform_7(%arg0: i32) -> (i32, i32, i32) {
    %c0_i32 = arith.constant 0 : i32
    %c0_i32_0 = arith.constant 0 : i32
    %c0_i32_1 = arith.constant 0 : i32
    return %c0_i32, %arg0, %c0_i32_0 : i32, i32, i32
  }
}

module attributes {stable_mosaic.version = 14 : i64} {
  func.func @_tc_mid_body(%arg0: i32, %arg1: memref<512x256xf32, #tpu.memory_space<vmem>>, %arg2: memref<4x512x64xf32, #tpu.memory_space<vmem>>, %arg3: memref<512x16xf32, #tpu.memory_space<vmem>>, %arg4: memref<1x256xf32, #tpu.memory_space<vmem>>, %arg5: memref<256x256xf32, #tpu.memory_space<vmem>>, %arg6: memref<1x256xf32, #tpu.memory_space<vmem>>, %arg7: memref<512x256xf32, #tpu.memory_space<vmem>>, %arg8: memref<4x512x64xf32, #tpu.memory_space<vmem>>) attributes {dimension_semantics = [#tpu.dimension_semantics<arbitrary>], iteration_bounds = array<i64: 20>, scalar_prefetch = 0 : i64, scratch_operands = 0 : i64, tpu.core_type = #tpu.core_type<tc>, window_params = [{transform_indices = @transform_0, window_bounds = array<i64: 512, 256>}, {transform_indices = @transform_1, window_bounds = array<i64: 4, 512, 64>}, {transform_indices = @transform_2, window_bounds = array<i64: 512, 16>}, {pipeline_mode = #tpu.pipeline_mode<synchronous>, transform_indices = @transform_3, window_bounds = array<i64: 1, 256>}, {pipeline_mode = #tpu.pipeline_mode<synchronous>, transform_indices = @transform_4, window_bounds = array<i64: 256, 256>}, {pipeline_mode = #tpu.pipeline_mode<synchronous>, transform_indices = @transform_5, window_bounds = array<i64: 1, 256>}, {transform_indices = @transform_6, window_bounds = array<i64: 512, 256>}, {transform_indices = @transform_7, window_bounds = array<i64: 4, 512, 64>}]} {
    %get3A = arith.constant 0 : index
    %get3A_0 = arith.constant 0 : index
    %get3A_1 = vector.load %arg3[%get3A, %get3A_0] : memref<512x16xf32, #tpu.memory_space<vmem>>, vector<512x16xf32>
    %reduce_sum3A = arith.constant dense<0.000000e+00> : vector<512xf32>
    %reduce_sum3A_2 = vector.multi_reduction <add>, %get3A_1, %reduce_sum3A [1] : vector<512x16xf32> to vector<512xf32>
    %broadcast_in_dim3A = vector.shape_cast %reduce_sum3A_2 : vector<512xf32> to vector<512x1xf32>
    %mul3A = arith.constant 6.250000e-02 : f32
    %mul3A_3 = vector.broadcast %mul3A : f32 to vector<512x1xf32>
    %mul3A_4 = arith.mulf %broadcast_in_dim3A, %mul3A_3 : vector<512x1xf32>
    %add3A = arith.constant 1.000000e+00 : f32
    %add3A_5 = vector.broadcast %add3A : f32 to vector<512x1xf32>
    %add3A_6 = arith.addf %mul3A_4, %add3A_5 : vector<512x1xf32>
    %iota3A = tpu.iota {dimensions = array<i32: 0>} : vector<512x1xi32>
    %mul3A_7 = arith.constant 512 : i32
    %mul3A_8 = arith.muli %arg0, %mul3A_7 : i32
    %add3A_9 = vector.broadcast %mul3A_8 : i32 to vector<512x1xi32>
    %add3A_10 = arith.addi %iota3A, %add3A_9 : vector<512x1xi32>
    %lt3A = arith.constant 10000 : i32
    %lt3A_11 = vector.broadcast %lt3A : i32 to vector<512x1xi32>
    %lt3A_12 = arith.cmpi slt, %add3A_10, %lt3A_11 : vector<512x1xi32>
    %rsqrt3A = math.rsqrt %add3A_6 : vector<512x1xf32>
    %jit3A = arith.constant 0.000000e+00 : f32
    %broadcast_in_dim3A_13 = vector.broadcast %jit3A : f32 to vector<512x1xf32>
    %select_n3A = arith.select %lt3A_12, %rsqrt3A, %broadcast_in_dim3A_13 : vector<512x1xi1>, vector<512x1xf32>
    %get3A_14 = arith.constant 0 : index
    %get3A_15 = arith.constant 0 : index
    %get3A_16 = arith.constant 0 : index
    %get3A_17 = vector.load %arg2[%get3A_14, %get3A_15, %get3A_16] : memref<4x512x64xf32, #tpu.memory_space<vmem>>, vector<1x512x64xf32>
    %get3A_18 = vector.shape_cast %get3A_17 : vector<1x512x64xf32> to vector<512x64xf32>
    %get3A_19 = arith.constant 1 : index
    %get3A_20 = arith.constant 0 : index
    %get3A_21 = arith.constant 0 : index
    %get3A_22 = vector.load %arg2[%get3A_19, %get3A_20, %get3A_21] : memref<4x512x64xf32, #tpu.memory_space<vmem>>, vector<1x512x64xf32>
    %get3A_23 = vector.shape_cast %get3A_22 : vector<1x512x64xf32> to vector<512x64xf32>
    %get3A_24 = arith.constant 2 : index
    %get3A_25 = arith.constant 0 : index
    %get3A_26 = arith.constant 0 : index
    %get3A_27 = vector.load %arg2[%get3A_24, %get3A_25, %get3A_26] : memref<4x512x64xf32, #tpu.memory_space<vmem>>, vector<1x512x64xf32>
    %get3A_28 = vector.shape_cast %get3A_27 : vector<1x512x64xf32> to vector<512x64xf32>
    %get3A_29 = arith.constant 3 : index
    %get3A_30 = arith.constant 0 : index
    %get3A_31 = arith.constant 0 : index
    %get3A_32 = vector.load %arg2[%get3A_29, %get3A_30, %get3A_31] : memref<4x512x64xf32, #tpu.memory_space<vmem>>, vector<1x512x64xf32>
    %get3A_33 = vector.shape_cast %get3A_32 : vector<1x512x64xf32> to vector<512x64xf32>
    %concatenate3A = tpu.concatenate %get3A_18, %get3A_23, %get3A_28, %get3A_33 in 1 : vector<512x64xf32>, vector<512x64xf32>, vector<512x64xf32>, vector<512x64xf32> -> vector<512x256xf32>
    %mul3A_34 = vector.broadcast %select_n3A : vector<512x1xf32> to vector<512x256xf32>
    %mul3A_35 = arith.mulf %mul3A_34, %concatenate3A : vector<512x256xf32>
    %get3A_36 = arith.constant 0 : index
    %get3A_37 = arith.constant 0 : index
    %get3A_38 = vector.load %arg4[%get3A_36, %get3A_37] : memref<1x256xf32, #tpu.memory_space<vmem>>, vector<1x256xf32>
    %add3A_39 = vector.broadcast %get3A_38 : vector<1x256xf32> to vector<512x256xf32>
    %add3A_40 = arith.addf %mul3A_35, %add3A_39 : vector<512x256xf32>
    %get3A_41 = arith.constant 0 : index
    %get3A_42 = arith.constant 0 : index
    %get3A_43 = vector.load %arg1[%get3A_41, %get3A_42] : memref<512x256xf32, #tpu.memory_space<vmem>>, vector<512x256xf32>
    %mul3A_44 = arith.constant 5.000000e-01 : f32
    %mul3A_45 = vector.broadcast %mul3A_44 : f32 to vector<512x256xf32>
    %mul3A_46 = arith.mulf %mul3A_45, %get3A_43 : vector<512x256xf32>
    %max3A = arith.constant 0.000000e+00 : f32
    %max3A_47 = vector.broadcast %max3A : f32 to vector<512x256xf32>
    %max3A_48 = arith.maximumf %add3A_40, %max3A_47 : vector<512x256xf32>
    %mul3A_49 = arith.constant 5.000000e-01 : f32
    %mul3A_50 = vector.broadcast %mul3A_49 : f32 to vector<512x256xf32>
    %mul3A_51 = arith.mulf %mul3A_50, %max3A_48 : vector<512x256xf32>
    %add3A_52 = arith.addf %mul3A_46, %mul3A_51 : vector<512x256xf32>
    %swap3A = arith.constant 0 : index
    %swap3A_53 = arith.constant 0 : index
    %swap3A_54 = vector.load %arg7[%swap3A, %swap3A_53] : memref<512x256xf32, #tpu.memory_space<vmem>>, vector<512x256xf32>
    tpu.vector_store %arg7[%swap3A, %swap3A_53], %add3A_52 {strides = array<i32>} : memref<512x256xf32, #tpu.memory_space<vmem>>, vector<512x256xf32>,
    %get3A_55 = arith.constant 0 : index
    %get3A_56 = arith.constant 0 : index
    %get3A_57 = vector.load %arg5[%get3A_55, %get3A_56] : memref<256x256xf32, #tpu.memory_space<vmem>>, vector<256x256xf32>
    %dot_general3A = arith.constant dense<0.000000e+00> : vector<512x256xf32>
    %dot_general3A_58 = tpu.matmul %add3A_52, %get3A_57, %dot_general3A {dimension_numbers = #tpu.dot_dimension_numbers<[1], [0], [0], [1], [0, 0, 1, 1], [], []>, transpose_lhs_hint = false} : vector<512x256xf32>, vector<256x256xf32>, vector<512x256xf32> -> vector<512x256xf32>
    %get3A_59 = arith.constant 0 : index
    %get3A_60 = arith.constant 0 : index
    %get3A_61 = vector.load %arg6[%get3A_59, %get3A_60] : memref<1x256xf32, #tpu.memory_space<vmem>>, vector<1x256xf32>
    %mul3A_62 = arith.constant 7.500000e-01 : f32
    %mul3A_63 = vector.broadcast %mul3A_62 : f32 to vector<1x256xf32>
    %mul3A_64 = arith.mulf %mul3A_63, %get3A_61 : vector<1x256xf32>
    %add3A_65 = vector.broadcast %mul3A_64 : vector<1x256xf32> to vector<512x256xf32>
    %add3A_66 = arith.addf %dot_general3A_58, %add3A_65 : vector<512x256xf32>
    %mul3A_67 = vector.broadcast %select_n3A : vector<512x1xf32> to vector<512x256xf32>
    %mul3A_68 = arith.mulf %add3A_66, %mul3A_67 : vector<512x256xf32>
    %slice3A = vector.extract_strided_slice %mul3A_68 {offsets = [0, 0], sizes = [512, 64], strides = [1, 1]} : vector<512x256xf32> to vector<512x64xf32>
    %swap3A_69 = arith.constant 0 : index
    %swap3A_70 = arith.constant 0 : index
    %swap3A_71 = arith.constant 0 : index
    %swap3A_72 = vector.load %arg8[%swap3A_69, %swap3A_70, %swap3A_71] : memref<4x512x64xf32, #tpu.memory_space<vmem>>, vector<1x512x64xf32>
    %swap3A_73 = vector.shape_cast %swap3A_72 : vector<1x512x64xf32> to vector<512x64xf32>
    %swap3A_74 = vector.shape_cast %slice3A : vector<512x64xf32> to vector<1x512x64xf32>
    tpu.vector_store %arg8[%swap3A_69, %swap3A_70, %swap3A_71], %swap3A_74 {strides = array<i32>} : memref<4x512x64xf32, #tpu.memory_space<vmem>>, vector<1x512x64xf32>,
    %slice3A_75 = vector.extract_strided_slice %mul3A_68 {offsets = [0, 64], sizes = [512, 64], strides = [1, 1]} : vector<512x256xf32> to vector<512x64xf32>
    %swap3A_76 = arith.constant 1 : index
    %swap3A_77 = arith.constant 0 : index
    %swap3A_78 = arith.constant 0 : index
    %swap3A_79 = vector.load %arg8[%swap3A_76, %swap3A_77, %swap3A_78] : memref<4x512x64xf32, #tpu.memory_space<vmem>>, vector<1x512x64xf32>
    %swap3A_80 = vector.shape_cast %swap3A_79 : vector<1x512x64xf32> to vector<512x64xf32>
    %swap3A_81 = vector.shape_cast %slice3A_75 : vector<512x64xf32> to vector<1x512x64xf32>
    tpu.vector_store %arg8[%swap3A_76, %swap3A_77, %swap3A_78], %swap3A_81 {strides = array<i32>} : memref<4x512x64xf32, #tpu.memory_space<vmem>>, vector<1x512x64xf32>,
    %slice3A_82 = vector.extract_strided_slice %mul3A_68 {offsets = [0, 128], sizes = [512, 64], strides = [1, 1]} : vector<512x256xf32> to vector<512x64xf32>
    %swap3A_83 = arith.constant 2 : index
    %swap3A_84 = arith.constant 0 : index
    %swap3A_85 = arith.constant 0 : index
    %swap3A_86 = vector.load %arg8[%swap3A_83, %swap3A_84, %swap3A_85] : memref<4x512x64xf32, #tpu.memory_space<vmem>>, vector<1x512x64xf32>
    %swap3A_87 = vector.shape_cast %swap3A_86 : vector<1x512x64xf32> to vector<512x64xf32>
    %swap3A_88 = vector.shape_cast %slice3A_82 : vector<512x64xf32> to vector<1x512x64xf32>
    tpu.vector_store %arg8[%swap3A_83, %swap3A_84, %swap3A_85], %swap3A_88 {strides = array<i32>} : memref<4x512x64xf32, #tpu.memory_space<vmem>>, vector<1x512x64xf32>,
    %slice3A_89 = vector.extract_strided_slice %mul3A_68 {offsets = [0, 192], sizes = [512, 64], strides = [1, 1]} : vector<512x256xf32> to vector<512x64xf32>
    %swap3A_90 = arith.constant 3 : index
    %swap3A_91 = arith.constant 0 : index
    %swap3A_92 = arith.constant 0 : index
    %swap3A_93 = vector.load %arg8[%swap3A_90, %swap3A_91, %swap3A_92] : memref<4x512x64xf32, #tpu.memory_space<vmem>>, vector<1x512x64xf32>
    %swap3A_94 = vector.shape_cast %swap3A_93 : vector<1x512x64xf32> to vector<512x64xf32>
    %swap3A_95 = vector.shape_cast %slice3A_89 : vector<512x64xf32> to vector<1x512x64xf32>
    tpu.vector_store %arg8[%swap3A_90, %swap3A_91, %swap3A_92], %swap3A_95 {strides = array<i32>} : memref<4x512x64xf32, #tpu.memory_space<vmem>>, vector<1x512x64xf32>,
    return
  }
  func.func @transform_0(%arg0: i32) -> (i32, i32) {
    %c0_i32 = arith.constant 0 : i32
    %c0_i32_0 = arith.constant 0 : i32
    return %arg0, %c0_i32 : i32, i32
  }
  func.func @transform_1(%arg0: i32) -> (i32, i32, i32) {
    %c0_i32 = arith.constant 0 : i32
    %c0_i32_0 = arith.constant 0 : i32
    %c0_i32_1 = arith.constant 0 : i32
    return %c0_i32, %arg0, %c0_i32_0 : i32, i32, i32
  }
  func.func @transform_2(%arg0: i32) -> (i32, i32) {
    %c0_i32 = arith.constant 0 : i32
    %c0_i32_0 = arith.constant 0 : i32
    return %arg0, %c0_i32 : i32, i32
  }
  func.func @transform_3(%arg0: i32) -> (i32, i32) {
    %c0_i32 = arith.constant 0 : i32
    %c0_i32_0 = arith.constant 0 : i32
    %c0_i32_1 = arith.constant 0 : i32
    return %c0_i32, %c0_i32_0 : i32, i32
  }
  func.func @transform_4(%arg0: i32) -> (i32, i32) {
    %c0_i32 = arith.constant 0 : i32
    %c0_i32_0 = arith.constant 0 : i32
    %c0_i32_1 = arith.constant 0 : i32
    return %c0_i32, %c0_i32_0 : i32, i32
  }
  func.func @transform_5(%arg0: i32) -> (i32, i32) {
    %c0_i32 = arith.constant 0 : i32
    %c0_i32_0 = arith.constant 0 : i32
    %c0_i32_1 = arith.constant 0 : i32
    return %c0_i32, %c0_i32_0 : i32, i32
  }
  func.func @transform_6(%arg0: i32) -> (i32, i32) {
    %c0_i32 = arith.constant 0 : i32
    %c0_i32_0 = arith.constant 0 : i32
    return %arg0, %c0_i32 : i32, i32
  }
  func.func @transform_7(%arg0: i32) -> (i32, i32, i32) {
    %c0_i32 = arith.constant 0 : i32
    %c0_i32_0 = arith.constant 0 : i32
    %c0_i32_1 = arith.constant 0 : i32
    return %c0_i32, %arg0, %c0_i32_0 : i32, i32, i32
  }
}

module attributes {stable_mosaic.version = 14 : i64} {
  func.func @_tc_mid_body(%arg0: i32, %arg1: memref<512x256xf32, #tpu.memory_space<vmem>>, %arg2: memref<4x512x64xf32, #tpu.memory_space<vmem>>, %arg3: memref<512x16xf32, #tpu.memory_space<vmem>>, %arg4: memref<1x256xf32, #tpu.memory_space<vmem>>, %arg5: memref<256x256xf32, #tpu.memory_space<vmem>>, %arg6: memref<1x256xf32, #tpu.memory_space<vmem>>, %arg7: memref<512x256xf32, #tpu.memory_space<vmem>>, %arg8: memref<4x512x64xf32, #tpu.memory_space<vmem>>) attributes {dimension_semantics = [#tpu.dimension_semantics<arbitrary>], iteration_bounds = array<i64: 20>, scalar_prefetch = 0 : i64, scratch_operands = 0 : i64, tpu.core_type = #tpu.core_type<tc>, window_params = [{transform_indices = @transform_0, window_bounds = array<i64: 512, 256>}, {transform_indices = @transform_1, window_bounds = array<i64: 4, 512, 64>}, {transform_indices = @transform_2, window_bounds = array<i64: 512, 16>}, {pipeline_mode = #tpu.pipeline_mode<synchronous>, transform_indices = @transform_3, window_bounds = array<i64: 1, 256>}, {pipeline_mode = #tpu.pipeline_mode<synchronous>, transform_indices = @transform_4, window_bounds = array<i64: 256, 256>}, {pipeline_mode = #tpu.pipeline_mode<synchronous>, transform_indices = @transform_5, window_bounds = array<i64: 1, 256>}, {transform_indices = @transform_6, window_bounds = array<i64: 512, 256>}, {transform_indices = @transform_7, window_bounds = array<i64: 4, 512, 64>}]} {
    %get3A = arith.constant 0 : index
    %get3A_0 = arith.constant 0 : index
    %get3A_1 = vector.load %arg3[%get3A, %get3A_0] : memref<512x16xf32, #tpu.memory_space<vmem>>, vector<512x16xf32>
    %reduce_sum3A = arith.constant dense<0.000000e+00> : vector<512xf32>
    %reduce_sum3A_2 = vector.multi_reduction <add>, %get3A_1, %reduce_sum3A [1] : vector<512x16xf32> to vector<512xf32>
    %broadcast_in_dim3A = vector.shape_cast %reduce_sum3A_2 : vector<512xf32> to vector<512x1xf32>
    %mul3A = arith.constant 6.250000e-02 : f32
    %mul3A_3 = vector.broadcast %mul3A : f32 to vector<512x1xf32>
    %mul3A_4 = arith.mulf %broadcast_in_dim3A, %mul3A_3 : vector<512x1xf32>
    %add3A = arith.constant 1.000000e+00 : f32
    %add3A_5 = vector.broadcast %add3A : f32 to vector<512x1xf32>
    %add3A_6 = arith.addf %mul3A_4, %add3A_5 : vector<512x1xf32>
    %iota3A = tpu.iota {dimensions = array<i32: 0>} : vector<512x1xi32>
    %mul3A_7 = arith.constant 512 : i32
    %mul3A_8 = arith.muli %arg0, %mul3A_7 : i32
    %add3A_9 = vector.broadcast %mul3A_8 : i32 to vector<512x1xi32>
    %add3A_10 = arith.addi %iota3A, %add3A_9 : vector<512x1xi32>
    %lt3A = arith.constant 10000 : i32
    %lt3A_11 = vector.broadcast %lt3A : i32 to vector<512x1xi32>
    %lt3A_12 = arith.cmpi slt, %add3A_10, %lt3A_11 : vector<512x1xi32>
    %rsqrt3A = math.rsqrt %add3A_6 : vector<512x1xf32>
    %jit3A = arith.constant 0.000000e+00 : f32
    %broadcast_in_dim3A_13 = vector.broadcast %jit3A : f32 to vector<512x1xf32>
    %select_n3A = arith.select %lt3A_12, %rsqrt3A, %broadcast_in_dim3A_13 : vector<512x1xi1>, vector<512x1xf32>
    %get3A_14 = arith.constant 0 : index
    %get3A_15 = arith.constant 0 : index
    %get3A_16 = arith.constant 0 : index
    %get3A_17 = vector.load %arg2[%get3A_14, %get3A_15, %get3A_16] : memref<4x512x64xf32, #tpu.memory_space<vmem>>, vector<1x512x64xf32>
    %get3A_18 = vector.shape_cast %get3A_17 : vector<1x512x64xf32> to vector<512x64xf32>
    %get3A_19 = arith.constant 1 : index
    %get3A_20 = arith.constant 0 : index
    %get3A_21 = arith.constant 0 : index
    %get3A_22 = vector.load %arg2[%get3A_19, %get3A_20, %get3A_21] : memref<4x512x64xf32, #tpu.memory_space<vmem>>, vector<1x512x64xf32>
    %get3A_23 = vector.shape_cast %get3A_22 : vector<1x512x64xf32> to vector<512x64xf32>
    %get3A_24 = arith.constant 2 : index
    %get3A_25 = arith.constant 0 : index
    %get3A_26 = arith.constant 0 : index
    %get3A_27 = vector.load %arg2[%get3A_24, %get3A_25, %get3A_26] : memref<4x512x64xf32, #tpu.memory_space<vmem>>, vector<1x512x64xf32>
    %get3A_28 = vector.shape_cast %get3A_27 : vector<1x512x64xf32> to vector<512x64xf32>
    %get3A_29 = arith.constant 3 : index
    %get3A_30 = arith.constant 0 : index
    %get3A_31 = arith.constant 0 : index
    %get3A_32 = vector.load %arg2[%get3A_29, %get3A_30, %get3A_31] : memref<4x512x64xf32, #tpu.memory_space<vmem>>, vector<1x512x64xf32>
    %get3A_33 = vector.shape_cast %get3A_32 : vector<1x512x64xf32> to vector<512x64xf32>
    %concatenate3A = tpu.concatenate %get3A_18, %get3A_23, %get3A_28, %get3A_33 in 1 : vector<512x64xf32>, vector<512x64xf32>, vector<512x64xf32>, vector<512x64xf32> -> vector<512x256xf32>
    %mul3A_34 = vector.broadcast %select_n3A : vector<512x1xf32> to vector<512x256xf32>
    %mul3A_35 = arith.mulf %mul3A_34, %concatenate3A : vector<512x256xf32>
    %get3A_36 = arith.constant 0 : index
    %get3A_37 = arith.constant 0 : index
    %get3A_38 = vector.load %arg4[%get3A_36, %get3A_37] : memref<1x256xf32, #tpu.memory_space<vmem>>, vector<1x256xf32>
    %add3A_39 = vector.broadcast %get3A_38 : vector<1x256xf32> to vector<512x256xf32>
    %add3A_40 = arith.addf %mul3A_35, %add3A_39 : vector<512x256xf32>
    %get3A_41 = arith.constant 0 : index
    %get3A_42 = arith.constant 0 : index
    %get3A_43 = vector.load %arg1[%get3A_41, %get3A_42] : memref<512x256xf32, #tpu.memory_space<vmem>>, vector<512x256xf32>
    %mul3A_44 = arith.constant 5.000000e-01 : f32
    %mul3A_45 = vector.broadcast %mul3A_44 : f32 to vector<512x256xf32>
    %mul3A_46 = arith.mulf %mul3A_45, %get3A_43 : vector<512x256xf32>
    %max3A = arith.constant 0.000000e+00 : f32
    %max3A_47 = vector.broadcast %max3A : f32 to vector<512x256xf32>
    %max3A_48 = arith.maximumf %add3A_40, %max3A_47 : vector<512x256xf32>
    %mul3A_49 = arith.constant 5.000000e-01 : f32
    %mul3A_50 = vector.broadcast %mul3A_49 : f32 to vector<512x256xf32>
    %mul3A_51 = arith.mulf %mul3A_50, %max3A_48 : vector<512x256xf32>
    %add3A_52 = arith.addf %mul3A_46, %mul3A_51 : vector<512x256xf32>
    %swap3A = arith.constant 0 : index
    %swap3A_53 = arith.constant 0 : index
    %swap3A_54 = vector.load %arg7[%swap3A, %swap3A_53] : memref<512x256xf32, #tpu.memory_space<vmem>>, vector<512x256xf32>
    tpu.vector_store %arg7[%swap3A, %swap3A_53], %add3A_52 {strides = array<i32>} : memref<512x256xf32, #tpu.memory_space<vmem>>, vector<512x256xf32>,
    %get3A_55 = arith.constant 0 : index
    %get3A_56 = arith.constant 0 : index
    %get3A_57 = vector.load %arg5[%get3A_55, %get3A_56] : memref<256x256xf32, #tpu.memory_space<vmem>>, vector<256x256xf32>
    %dot_general3A = arith.constant dense<0.000000e+00> : vector<512x256xf32>
    %dot_general3A_58 = tpu.matmul %add3A_52, %get3A_57, %dot_general3A {dimension_numbers = #tpu.dot_dimension_numbers<[1], [0], [0], [1], [0, 0, 1, 1], [], []>, transpose_lhs_hint = false} : vector<512x256xf32>, vector<256x256xf32>, vector<512x256xf32> -> vector<512x256xf32>
    %get3A_59 = arith.constant 0 : index
    %get3A_60 = arith.constant 0 : index
    %get3A_61 = vector.load %arg6[%get3A_59, %get3A_60] : memref<1x256xf32, #tpu.memory_space<vmem>>, vector<1x256xf32>
    %mul3A_62 = arith.constant 1.000000e+00 : f32
    %mul3A_63 = vector.broadcast %mul3A_62 : f32 to vector<1x256xf32>
    %mul3A_64 = arith.mulf %mul3A_63, %get3A_61 : vector<1x256xf32>
    %add3A_65 = vector.broadcast %mul3A_64 : vector<1x256xf32> to vector<512x256xf32>
    %add3A_66 = arith.addf %dot_general3A_58, %add3A_65 : vector<512x256xf32>
    %mul3A_67 = vector.broadcast %select_n3A : vector<512x1xf32> to vector<512x256xf32>
    %mul3A_68 = arith.mulf %add3A_66, %mul3A_67 : vector<512x256xf32>
    %slice3A = vector.extract_strided_slice %mul3A_68 {offsets = [0, 0], sizes = [512, 64], strides = [1, 1]} : vector<512x256xf32> to vector<512x64xf32>
    %swap3A_69 = arith.constant 0 : index
    %swap3A_70 = arith.constant 0 : index
    %swap3A_71 = arith.constant 0 : index
    %swap3A_72 = vector.load %arg8[%swap3A_69, %swap3A_70, %swap3A_71] : memref<4x512x64xf32, #tpu.memory_space<vmem>>, vector<1x512x64xf32>
    %swap3A_73 = vector.shape_cast %swap3A_72 : vector<1x512x64xf32> to vector<512x64xf32>
    %swap3A_74 = vector.shape_cast %slice3A : vector<512x64xf32> to vector<1x512x64xf32>
    tpu.vector_store %arg8[%swap3A_69, %swap3A_70, %swap3A_71], %swap3A_74 {strides = array<i32>} : memref<4x512x64xf32, #tpu.memory_space<vmem>>, vector<1x512x64xf32>,
    %slice3A_75 = vector.extract_strided_slice %mul3A_68 {offsets = [0, 64], sizes = [512, 64], strides = [1, 1]} : vector<512x256xf32> to vector<512x64xf32>
    %swap3A_76 = arith.constant 1 : index
    %swap3A_77 = arith.constant 0 : index
    %swap3A_78 = arith.constant 0 : index
    %swap3A_79 = vector.load %arg8[%swap3A_76, %swap3A_77, %swap3A_78] : memref<4x512x64xf32, #tpu.memory_space<vmem>>, vector<1x512x64xf32>
    %swap3A_80 = vector.shape_cast %swap3A_79 : vector<1x512x64xf32> to vector<512x64xf32>
    %swap3A_81 = vector.shape_cast %slice3A_75 : vector<512x64xf32> to vector<1x512x64xf32>
    tpu.vector_store %arg8[%swap3A_76, %swap3A_77, %swap3A_78], %swap3A_81 {strides = array<i32>} : memref<4x512x64xf32, #tpu.memory_space<vmem>>, vector<1x512x64xf32>,
    %slice3A_82 = vector.extract_strided_slice %mul3A_68 {offsets = [0, 128], sizes = [512, 64], strides = [1, 1]} : vector<512x256xf32> to vector<512x64xf32>
    %swap3A_83 = arith.constant 2 : index
    %swap3A_84 = arith.constant 0 : index
    %swap3A_85 = arith.constant 0 : index
    %swap3A_86 = vector.load %arg8[%swap3A_83, %swap3A_84, %swap3A_85] : memref<4x512x64xf32, #tpu.memory_space<vmem>>, vector<1x512x64xf32>
    %swap3A_87 = vector.shape_cast %swap3A_86 : vector<1x512x64xf32> to vector<512x64xf32>
    %swap3A_88 = vector.shape_cast %slice3A_82 : vector<512x64xf32> to vector<1x512x64xf32>
    tpu.vector_store %arg8[%swap3A_83, %swap3A_84, %swap3A_85], %swap3A_88 {strides = array<i32>} : memref<4x512x64xf32, #tpu.memory_space<vmem>>, vector<1x512x64xf32>,
    %slice3A_89 = vector.extract_strided_slice %mul3A_68 {offsets = [0, 192], sizes = [512, 64], strides = [1, 1]} : vector<512x256xf32> to vector<512x64xf32>
    %swap3A_90 = arith.constant 3 : index
    %swap3A_91 = arith.constant 0 : index
    %swap3A_92 = arith.constant 0 : index
    %swap3A_93 = vector.load %arg8[%swap3A_90, %swap3A_91, %swap3A_92] : memref<4x512x64xf32, #tpu.memory_space<vmem>>, vector<1x512x64xf32>
    %swap3A_94 = vector.shape_cast %swap3A_93 : vector<1x512x64xf32> to vector<512x64xf32>
    %swap3A_95 = vector.shape_cast %slice3A_89 : vector<512x64xf32> to vector<1x512x64xf32>
    tpu.vector_store %arg8[%swap3A_90, %swap3A_91, %swap3A_92], %swap3A_95 {strides = array<i32>} : memref<4x512x64xf32, #tpu.memory_space<vmem>>, vector<1x512x64xf32>,
    return
  }
  func.func @transform_0(%arg0: i32) -> (i32, i32) {
    %c0_i32 = arith.constant 0 : i32
    %c0_i32_0 = arith.constant 0 : i32
    return %arg0, %c0_i32 : i32, i32
  }
  func.func @transform_1(%arg0: i32) -> (i32, i32, i32) {
    %c0_i32 = arith.constant 0 : i32
    %c0_i32_0 = arith.constant 0 : i32
    %c0_i32_1 = arith.constant 0 : i32
    return %c0_i32, %arg0, %c0_i32_0 : i32, i32, i32
  }
  func.func @transform_2(%arg0: i32) -> (i32, i32) {
    %c0_i32 = arith.constant 0 : i32
    %c0_i32_0 = arith.constant 0 : i32
    return %arg0, %c0_i32 : i32, i32
  }
  func.func @transform_3(%arg0: i32) -> (i32, i32) {
    %c0_i32 = arith.constant 0 : i32
    %c0_i32_0 = arith.constant 0 : i32
    %c0_i32_1 = arith.constant 0 : i32
    return %c0_i32, %c0_i32_0 : i32, i32
  }
  func.func @transform_4(%arg0: i32) -> (i32, i32) {
    %c0_i32 = arith.constant 0 : i32
    %c0_i32_0 = arith.constant 0 : i32
    %c0_i32_1 = arith.constant 0 : i32
    return %c0_i32, %c0_i32_0 : i32, i32
  }
  func.func @transform_5(%arg0: i32) -> (i32, i32) {
    %c0_i32 = arith.constant 0 : i32
    %c0_i32_0 = arith.constant 0 : i32
    %c0_i32_1 = arith.constant 0 : i32
    return %c0_i32, %c0_i32_0 : i32, i32
  }
  func.func @transform_6(%arg0: i32) -> (i32, i32) {
    %c0_i32 = arith.constant 0 : i32
    %c0_i32_0 = arith.constant 0 : i32
    return %arg0, %c0_i32 : i32, i32
  }
  func.func @transform_7(%arg0: i32) -> (i32, i32, i32) {
    %c0_i32 = arith.constant 0 : i32
    %c0_i32_0 = arith.constant 0 : i32
    %c0_i32_1 = arith.constant 0 : i32
    return %c0_i32, %arg0, %c0_i32_0 : i32, i32, i32
  }
}

module attributes {stable_mosaic.version = 14 : i64} {
  func.func @_tc_last_body(%arg0: i32, %arg1: memref<512x256xf32, #tpu.memory_space<vmem>>, %arg2: memref<4x512x64xf32, #tpu.memory_space<vmem>>, %arg3: memref<512x16xf32, #tpu.memory_space<vmem>>, %arg4: memref<1x256xf32, #tpu.memory_space<vmem>>, %arg5: memref<256x128xf32, #tpu.memory_space<vmem>>, %arg6: memref<1x128xf32, #tpu.memory_space<vmem>>, %arg7: memref<512x128xf32, #tpu.memory_space<vmem>>) attributes {dimension_semantics = [#tpu.dimension_semantics<arbitrary>], iteration_bounds = array<i64: 20>, scalar_prefetch = 0 : i64, scratch_operands = 0 : i64, tpu.core_type = #tpu.core_type<tc>, window_params = [{transform_indices = @transform_0, window_bounds = array<i64: 512, 256>}, {transform_indices = @transform_1, window_bounds = array<i64: 4, 512, 64>}, {transform_indices = @transform_2, window_bounds = array<i64: 512, 16>}, {pipeline_mode = #tpu.pipeline_mode<synchronous>, transform_indices = @transform_3, window_bounds = array<i64: 1, 256>}, {pipeline_mode = #tpu.pipeline_mode<synchronous>, transform_indices = @transform_4, window_bounds = array<i64: 256, 128>}, {pipeline_mode = #tpu.pipeline_mode<synchronous>, transform_indices = @transform_5, window_bounds = array<i64: 1, 128>}, {transform_indices = @transform_6, window_bounds = array<i64: 512, 128>}]} {
    %get3A = arith.constant 0 : index
    %get3A_0 = arith.constant 0 : index
    %get3A_1 = vector.load %arg3[%get3A, %get3A_0] : memref<512x16xf32, #tpu.memory_space<vmem>>, vector<512x16xf32>
    %reduce_sum3A = arith.constant dense<0.000000e+00> : vector<512xf32>
    %reduce_sum3A_2 = vector.multi_reduction <add>, %get3A_1, %reduce_sum3A [1] : vector<512x16xf32> to vector<512xf32>
    %broadcast_in_dim3A = vector.shape_cast %reduce_sum3A_2 : vector<512xf32> to vector<512x1xf32>
    %mul3A = arith.constant 6.250000e-02 : f32
    %mul3A_3 = vector.broadcast %mul3A : f32 to vector<512x1xf32>
    %mul3A_4 = arith.mulf %broadcast_in_dim3A, %mul3A_3 : vector<512x1xf32>
    %add3A = arith.constant 1.000000e+00 : f32
    %add3A_5 = vector.broadcast %add3A : f32 to vector<512x1xf32>
    %add3A_6 = arith.addf %mul3A_4, %add3A_5 : vector<512x1xf32>
    %iota3A = tpu.iota {dimensions = array<i32: 0>} : vector<512x1xi32>
    %mul3A_7 = arith.constant 512 : i32
    %mul3A_8 = arith.muli %arg0, %mul3A_7 : i32
    %add3A_9 = vector.broadcast %mul3A_8 : i32 to vector<512x1xi32>
    %add3A_10 = arith.addi %iota3A, %add3A_9 : vector<512x1xi32>
    %lt3A = arith.constant 10000 : i32
    %lt3A_11 = vector.broadcast %lt3A : i32 to vector<512x1xi32>
    %lt3A_12 = arith.cmpi slt, %add3A_10, %lt3A_11 : vector<512x1xi32>
    %rsqrt3A = math.rsqrt %add3A_6 : vector<512x1xf32>
    %jit3A = arith.constant 0.000000e+00 : f32
    %broadcast_in_dim3A_13 = vector.broadcast %jit3A : f32 to vector<512x1xf32>
    %select_n3A = arith.select %lt3A_12, %rsqrt3A, %broadcast_in_dim3A_13 : vector<512x1xi1>, vector<512x1xf32>
    %get3A_14 = arith.constant 0 : index
    %get3A_15 = arith.constant 0 : index
    %get3A_16 = arith.constant 0 : index
    %get3A_17 = vector.load %arg2[%get3A_14, %get3A_15, %get3A_16] : memref<4x512x64xf32, #tpu.memory_space<vmem>>, vector<1x512x64xf32>
    %get3A_18 = vector.shape_cast %get3A_17 : vector<1x512x64xf32> to vector<512x64xf32>
    %get3A_19 = arith.constant 1 : index
    %get3A_20 = arith.constant 0 : index
    %get3A_21 = arith.constant 0 : index
    %get3A_22 = vector.load %arg2[%get3A_19, %get3A_20, %get3A_21] : memref<4x512x64xf32, #tpu.memory_space<vmem>>, vector<1x512x64xf32>
    %get3A_23 = vector.shape_cast %get3A_22 : vector<1x512x64xf32> to vector<512x64xf32>
    %get3A_24 = arith.constant 2 : index
    %get3A_25 = arith.constant 0 : index
    %get3A_26 = arith.constant 0 : index
    %get3A_27 = vector.load %arg2[%get3A_24, %get3A_25, %get3A_26] : memref<4x512x64xf32, #tpu.memory_space<vmem>>, vector<1x512x64xf32>
    %get3A_28 = vector.shape_cast %get3A_27 : vector<1x512x64xf32> to vector<512x64xf32>
    %get3A_29 = arith.constant 3 : index
    %get3A_30 = arith.constant 0 : index
    %get3A_31 = arith.constant 0 : index
    %get3A_32 = vector.load %arg2[%get3A_29, %get3A_30, %get3A_31] : memref<4x512x64xf32, #tpu.memory_space<vmem>>, vector<1x512x64xf32>
    %get3A_33 = vector.shape_cast %get3A_32 : vector<1x512x64xf32> to vector<512x64xf32>
    %concatenate3A = tpu.concatenate %get3A_18, %get3A_23, %get3A_28, %get3A_33 in 1 : vector<512x64xf32>, vector<512x64xf32>, vector<512x64xf32>, vector<512x64xf32> -> vector<512x256xf32>
    %mul3A_34 = vector.broadcast %select_n3A : vector<512x1xf32> to vector<512x256xf32>
    %mul3A_35 = arith.mulf %mul3A_34, %concatenate3A : vector<512x256xf32>
    %get3A_36 = arith.constant 0 : index
    %get3A_37 = arith.constant 0 : index
    %get3A_38 = vector.load %arg4[%get3A_36, %get3A_37] : memref<1x256xf32, #tpu.memory_space<vmem>>, vector<1x256xf32>
    %add3A_39 = vector.broadcast %get3A_38 : vector<1x256xf32> to vector<512x256xf32>
    %add3A_40 = arith.addf %mul3A_35, %add3A_39 : vector<512x256xf32>
    %get3A_41 = arith.constant 0 : index
    %get3A_42 = arith.constant 0 : index
    %get3A_43 = vector.load %arg1[%get3A_41, %get3A_42] : memref<512x256xf32, #tpu.memory_space<vmem>>, vector<512x256xf32>
    %mul3A_44 = arith.constant 5.000000e-01 : f32
    %mul3A_45 = vector.broadcast %mul3A_44 : f32 to vector<512x256xf32>
    %mul3A_46 = arith.mulf %mul3A_45, %get3A_43 : vector<512x256xf32>
    %max3A = arith.constant 0.000000e+00 : f32
    %max3A_47 = vector.broadcast %max3A : f32 to vector<512x256xf32>
    %max3A_48 = arith.maximumf %add3A_40, %max3A_47 : vector<512x256xf32>
    %mul3A_49 = arith.constant 5.000000e-01 : f32
    %mul3A_50 = vector.broadcast %mul3A_49 : f32 to vector<512x256xf32>
    %mul3A_51 = arith.mulf %mul3A_50, %max3A_48 : vector<512x256xf32>
    %add3A_52 = arith.addf %mul3A_46, %mul3A_51 : vector<512x256xf32>
    %get3A_53 = arith.constant 0 : index
    %get3A_54 = arith.constant 0 : index
    %get3A_55 = vector.load %arg5[%get3A_53, %get3A_54] : memref<256x128xf32, #tpu.memory_space<vmem>>, vector<256x128xf32>
    %dot_general3A = arith.constant dense<0.000000e+00> : vector<512x128xf32>
    %dot_general3A_56 = tpu.matmul %add3A_52, %get3A_55, %dot_general3A {dimension_numbers = #tpu.dot_dimension_numbers<[1], [0], [0], [1], [0, 0, 1, 1], [], []>, transpose_lhs_hint = false} : vector<512x256xf32>, vector<256x128xf32>, vector<512x128xf32> -> vector<512x128xf32>
    %get3A_57 = arith.constant 0 : index
    %get3A_58 = arith.constant 0 : index
    %get3A_59 = vector.load %arg6[%get3A_57, %get3A_58] : memref<1x128xf32, #tpu.memory_space<vmem>>, vector<1x128xf32>
    %add3A_60 = vector.broadcast %get3A_59 : vector<1x128xf32> to vector<512x128xf32>
    %add3A_61 = arith.addf %dot_general3A_56, %add3A_60 : vector<512x128xf32>
    %swap3A = arith.constant 0 : index
    %swap3A_62 = arith.constant 0 : index
    %swap3A_63 = vector.load %arg7[%swap3A, %swap3A_62] : memref<512x128xf32, #tpu.memory_space<vmem>>, vector<512x128xf32>
    tpu.vector_store %arg7[%swap3A, %swap3A_62], %add3A_61 {strides = array<i32>} : memref<512x128xf32, #tpu.memory_space<vmem>>, vector<512x128xf32>,
    return
  }
  func.func @transform_0(%arg0: i32) -> (i32, i32) {
    %c0_i32 = arith.constant 0 : i32
    %c0_i32_0 = arith.constant 0 : i32
    return %arg0, %c0_i32 : i32, i32
  }
  func.func @transform_1(%arg0: i32) -> (i32, i32, i32) {
    %c0_i32 = arith.constant 0 : i32
    %c0_i32_0 = arith.constant 0 : i32
    %c0_i32_1 = arith.constant 0 : i32
    return %c0_i32, %arg0, %c0_i32_0 : i32, i32, i32
  }
  func.func @transform_2(%arg0: i32) -> (i32, i32) {
    %c0_i32 = arith.constant 0 : i32
    %c0_i32_0 = arith.constant 0 : i32
    return %arg0, %c0_i32 : i32, i32
  }
  func.func @transform_3(%arg0: i32) -> (i32, i32) {
    %c0_i32 = arith.constant 0 : i32
    %c0_i32_0 = arith.constant 0 : i32
    %c0_i32_1 = arith.constant 0 : i32
    return %c0_i32, %c0_i32_0 : i32, i32
  }
  func.func @transform_4(%arg0: i32) -> (i32, i32) {
    %c0_i32 = arith.constant 0 : i32
    %c0_i32_0 = arith.constant 0 : i32
    %c0_i32_1 = arith.constant 0 : i32
    return %c0_i32, %c0_i32_0 : i32, i32
  }
  func.func @transform_5(%arg0: i32) -> (i32, i32) {
    %c0_i32 = arith.constant 0 : i32
    %c0_i32_0 = arith.constant 0 : i32
    %c0_i32_1 = arith.constant 0 : i32
    return %c0_i32, %c0_i32_0 : i32, i32
  }
  func.func @transform_6(%arg0: i32) -> (i32, i32) {
    %c0_i32 = arith.constant 0 : i32
    %c0_i32_0 = arith.constant 0 : i32
    return %arg0, %c0_i32 : i32, i32
  }
}

</mosaic_0001>

<sc_bundles>
// kernel: kernel.12.cloned.1.call-start
scs
__scs_entry_jumppad:
0x0: {  	(pc) =	sbr.rel $0x88, $3  }
0x1: {  	(tag) =	ssettag $0x0;
	lr =	simm.s32 $0x1  }
0x2: {  	[smem:$0x3F99] =	sst lr;
	_ =	strace $0xD0000000  }
0x3: {  	_ = 	snop  }
0x4: {  	_ = 	snop  }
0x5: {  	_ = 	snop  }
0x6: {  	_ = 	snop  }
0x7: {  	_ = 	snop  }
__scs_overlays_trampoline_lowered:
0x8: {  	[smem:$0x3FA8] =	sst s0  }
0x9: {  	[smem:$0x3FA9] =	sst s1  }
0xa: {  	[smem:$0x3FAA] =	sst s2  }
0xb: {  	[smem:$0x3FAB] =	sst s3  }
0xc: {  	[smem:$0x3FAC] =	sst s4  }
0xd: {  	[smem:$0x3FAD] =	sst s5  }
0xe: {  	[smem:$0x3FAE] =	sst s6  }
0xf: {  	[smem:$0x3FAF] =	sst s7  }
0x10: {  	[smem:$0x3FB0] =	sst s8  }
0x11: {  	[smem:$0x3FB1] =	sst s9;
	s0 =	simm.s32 @!p0 $0x0  }
0x12: {  	s1 =	sld [smem:$0x3F97];
	s0 =	simm.s32 @p0 $0x1  }
0x13: {  	[smem:$0x3FB2] =	sst s0;
	s0 =	simm.s32 @!p1 $0x0  }
0x14: {  	s2 =	sld [smem:$0x3F96];
	s0 =	simm.s32 @p1 $0x1  }
0x15: {  	[smem:$0x3FB3] =	sst s0;
	s0 =	simm.s32 @!p2 $0x0  }
0x16: {  	s3 =	sld [smem:$0x3FDB];
	s0 =	simm.s32 @p2 $0x1  }
0x17: {  	s4 =	simm.s32 $0x1BF5;
	[smem:$0x3FB5] =	sst s0  }
0x18: {  	s0 =	sld [smem:$0x3F98];
	_ =	swait.ge [sflag:s4], $0x0  }
0x19: {  	s7 =	sld [smem:$0x3F99]  }
0x1a: {  	s8 =	sadd.s32 $0xFFFFE003, lr  }
0x1b: {  	s9 =	sadd.s32 $0xFFFFFEF7, lr;
	s5 =	simm.s32 $0xFFFFFFFF;
	p2 =	slt.u32 s8, $0xFFFFF086  }
0x1c: {  	p1 =	slt.u32 s9, $0xF7A;
	s5 =	simm.s32 @!p2 $0x0  }
0x1d: {  	s5 =	simm.s32 @p1 $0x1;
	p0 =	seq.s32 s7, s2  }
0x1e: {  	s7 =	smul.u32 @!p0 $0xF7A, s2;
	p2 =	seq.s32 @!p0 s5, $0x0  }
0x1f: {  	s9 =	smul.u32 $0xF7A, s1;
	s8 =	simm.s32 @!p0 $0x1BF5;
	p2 =	por !p2, p0  }
0x20: {  	[sflag:s8] =	ssyncset.s32 @!p0 $0xFFFFF086;
	s6 =	sadd.s32 @!p0 s3, s7;
	s7 =	simm.s32 @!p0 $0x108  }
0x21: {  	s3 =	sadd.s32 s3, s9;
	s6 =	sadd.s32 @!p0 $0x88, s6;
	s7 =	simm.s32 @p2 $0x1082  }
0x22: {  	[simem:s7], [sflag:s8] =	dma.local @!p0 [hbm:s6], $0xF7A  }
0x23: {  	s9 =	sor.u32 $0xD0000000, s2;
	s6 =	simm.s32 $0x108;
	_ =	swait.ge @!p0 [sflag:s8], $0x0  }
0x24: {  	s3 =	sadd.s32 $0x88, s3;
	s6 =	simm.s32 @!p1 $0x1082;
	[sflag:s4] =	ssyncset.s32 $0xFFFFF086  }
0x25: {  	[simem:s6], [sflag:s4] =	dma.local [hbm:s3], $0xF7A  }
0x26: {  	[smem:$0x3F99] =	sst s1;
	(tag) =	ssettag s2;
	_ =	strace s9  }
0x27: {  	s1 =	sld [smem:$0x3FA9]  }
0x28: {  	s2 =	sld [smem:$0x3FAA]  }
0x29: {  	s4 =	sld [smem:$0x3FAC]  }
0x2a: {  	p0 =	seq.s32 s5, $0x0;
	s5 =	sld [smem:$0x3FAD]  }
0x2b: {  	s6 =	sld [smem:$0x3FAE]  }
0x2c: {  	s7 =	sld [smem:$0x3FAF]  }
0x2d: {  	s3 =	simm.s32 $0x108;
	s8 =	sld [smem:$0x3FB0]  }
0x2e: {  	s3 =	simm.s32 @!p0 $0x1082;
	s9 =	sld [smem:$0x3FB1]  }
0x2f: {  	lr =	sadd.s32 s0, s3;
	s0 =	sld [smem:$0x3FA8]  }
0x30: {  	s3 =	sld [smem:$0x3FAB]  }
0x31: {  	[smem:$0x3FB4] =	sst s10  }
0x32: {  	s10 =	sld [smem:$0x3FB2];
	_ =	sdelay $0x3  }
0x33: {  	p0 =	seq.s32 s10, $0x1;
	s10 =	sld [smem:$0x3FB4];
	_ =	sdelay $0x3  }
0x34: {  	[smem:$0x3FB4] =	sst s10  }
0x35: {  	s10 =	sld [smem:$0x3FB3];
	_ =	sdelay $0x3  }
0x36: {  	p1 =	seq.s32 s10, $0x1;
	s10 =	sld [smem:$0x3FB4];
	_ =	sdelay $0x3  }
0x37: {  	[smem:$0x3FB4] =	sst s10  }
0x38: {  	s10 =	sld [smem:$0x3FB5]  }
0x39: {  	_ = 	snop;
	(pc) =	sbr.ind lr, $3  }
0x3a: {  	_ = 	snop  }
0x3b: {  	_ = 	snop  }
0x3c: {  	p2 =	seq.s32 s10, $0x1;
	s10 =	sld [smem:$0x3FB4]  }
0x3d: {  	_ =	shalt  }
0x3e: {  	_ =	shalt  }
0x3f: {  	_ =	shalt  }
0x40: {  	_ =	shalt  }
0x41: {  	_ =	shalt  }
0x42: {  	_ =	shalt  }
0x43: {  	_ =	shalt  }
0x44: {  	_ =	shalt  }
0x45: {  	_ =	shalt  }
0x46: {  	_ =	shalt  }
0x47: {  	_ =	shalt  }
0x48: {  	_ =	shalt  }
0x49: {  	_ =	shalt  }
0x4a: {  	_ =	shalt  }
0x4b: {  	_ =	shalt  }
0x4c: {  	_ =	shalt  }
0x4d: {  	_ =	shalt  }
0x4e: {  	_ =	shalt  }
0x4f: {  	_ =	shalt  }
0x50: {  	_ =	shalt  }
0x51: {  	_ =	shalt  }
0x52: {  	_ =	shalt  }
0x53: {  	_ =	shalt  }
0x54: {  	_ =	shalt  }
0x55: {  	_ =	shalt  }
0x56: {  	_ =	shalt  }
0x57: {  	_ =	shalt  }
0x58: {  	_ =	shalt  }
0x59: {  	_ =	shalt  }
0x5a: {  	_ =	shalt  }
0x5b: {  	_ =	shalt  }
0x5c: {  	_ =	shalt  }
0x5d: {  	_ =	shalt  }
0x5e: {  	_ =	shalt  }
0x5f: {  	_ =	shalt  }
0x60: {  	_ =	shalt  }
0x61: {  	_ =	shalt  }
0x62: {  	_ =	shalt  }
0x63: {  	_ =	shalt  }
0x64: {  	_ =	shalt  }
0x65: {  	_ =	shalt  }
0x66: {  	_ =	shalt  }
0x67: {  	_ =	shalt  }
0x68: {  	_ =	shalt  }
0x69: {  	_ =	shalt  }
0x6a: {  	_ =	shalt  }
0x6b: {  	_ =	shalt  }
0x6c: {  	_ =	shalt  }
0x6d: {  	_ =	shalt  }
0x6e: {  	_ =	shalt  }
0x6f: {  	_ =	shalt  }
0x70: {  	_ =	shalt  }
0x71: {  	_ =	shalt  }
0x72: {  	_ =	shalt  }
0x73: {  	_ =	shalt  }
0x74: {  	_ =	shalt  }
0x75: {  	_ =	shalt  }
0x76: {  	_ =	shalt  }
0x77: {  	_ =	shalt  }
0x78: {  	_ =	shalt  }
0x79: {  	_ =	shalt  }
0x7a: {  	_ =	shalt  }
0x7b: {  	_ =	shalt  }
0x7c: {  	_ =	shalt  }
0x7d: {  	_ =	shalt  }
0x7e: {  	_ =	shalt  }
0x7f: {  	_ =	shalt  }
0x80: {  	_ =	shalt  }
0x81: {  	_ =	shalt  }
0x82: {  	_ =	shalt  }
0x83: {  	_ =	shalt  }
0x84: {  	_ =	shalt  }
0x85: {  	_ =	shalt  }
0x86: {  	_ =	shalt  }
0x87: {  	_ =	shalt  }
.Lfunc_end0:
.L_simem_size_0:
called_computation_lowered:
.L_overlay_start_0:
0x88: {  	s2 =	sld [smem:$0x3FD9]  }
0x89: {  	s3 =	sld [smem:$0x3FFE];
	_ =	sdelay $0x1  }
0x8a: {  	s1 =	srdreg.scid  }
0x8b: {  	s0 =	sand.u32 $0x1, s1  }
0x8c: {  	s16 =	sshll.u32 s0, $0xA;
	s2 =	sadd.s32 s3, s2  }
0x8d: {  	s2 =	sadd.s32 s2, s16  }
0x8e: {  	[smem:$0x3FC0] =	sst s2  }
0x8f: {  	_ = 	snop  }
0x90: {  	(tm) =	ssettm $0x1  }
0x91: {  	s17 =	sld [smem:$0x3FFB];
	_ =	sdelay $0x3  }
0x92: {  	_ =	strace s17  }
0x93: {  	s2 =	sld [smem:$0x3FFC];
	_ =	sdelay $0x3  }
0x94: {  	_ =	strace s2  }
0x95: {  	s2 =	sld [smem:$0x3FFD];
	_ =	sdelay $0x3  }
0x96: {  	_ =	strace s2  }
0x97: {  	_ =	strace $0x8FFFFFFF  }
0x98: {  	s18 =	sld [smem:$0x3FDB];
	_ =	sdelay $0x1  }
0x99: {  	s19 =	simm.s32 $_scs_section_size  }
0x9a: {  	s4 =	simm.s32 $_size__tile_overlayer_lowered;
	s5 =	simm.s32 $_tile_overlayer_lowered  }
0x9b: {  	s22 =	simm.s32 $0x1BFF;
	s21 =	sshll.u32 s5, $0x1;
	s2 =	sadd.s32 s19, s18  }
0x9c: {  	s6 =	simm.s32 $0x0;
	s20 =	sshll.u32 s4, $0x1;
	s4 =	sadd.s32 s21, s2  }
0x9d: {  	[timem:s6], [sflag:s22] =	dma.local [hbm:s4], s20  }
0x9e: {  	_ =	swait.ge [sflag:s22], s20  }
0x9f: {  	s3 =	ssub.s32 $0x0, s20;
	[sflag:s22] =	ssyncset.done $0x0  }
0xa0: {  	[sflag:s22] =	ssyncadd.s32 s3;
	_ =	sdelay $0x1  }
0xa1: {  	s23 =	simm.s32 $0x1B8B  }
0xa2: {  	_ =	swait.ge [sflag:s23], $0x1  }
0xa3: {  	[sflag:s23] =	ssyncset.done $0x0  }
0xa4: {  	s25 =	simm.s32 $0x1B8E;
	s24 =	sld [smem:$0x3FFE];
	[sflag:s23] =	ssyncadd.s32 $0xFFFFFFFF  }
0xa5: {  	s26 =	simm.s32 $execute0_lowered;
	[smem:$0x3FD2] =	sst s25  }
0xa6: {  	s4 =	sshll.u32 s26, $0x1;
	_ =	strace $0x80000046;
	[dreg:$0x1] =	wrdreg $0xFFFFFFFF  }
0xa7: {  	s28 =	simm.s32 $_size_execute0_lowered;
	s2 =	sadd.s32 s2, s4;
	[dreg:$0x0] =	wrdreg $0x0  }
0xa8: {  	s4 =	sshll.u32 s28, $0x1;
	[dreg:$0x2] =	wrdreg s2  }
0xa9: {  	[dreg:$0x3] =	wrdreg s4  }
0xaa: {  	[dreg:$0x4] =	wrdreg $0xC0  }
0xab: {  	_ =	task [dreg:s6], $0x5FFFF  }
0xac: {  	[dreg:$0x1] =	wrdreg $0xFFFFFFFF  }
0xad: {  	[dreg:$0x0] =	wrdreg $0x60  }
0xae: {  	[dreg:$0x2] =	wrdreg s24  }
0xaf: {  	[dreg:$0x3] =	wrdreg $0x7F800  }
0xb0: {  	[dreg:$0x4] =	wrdreg $0x9  }
0xb1: {  	_ =	task.clear_ibuf [dreg:s6], $0x5FFFF;
	_ =	strace $0x90000046  }
0xb2: {  	s29 =	simm.s32 $0x9;
	_ =	strace $0x80000048  }
0xb3: {  	_ =	swait.ge [sflag:s29], $0x1  }
0xb4: {  	[sflag:s29] =	ssyncadd.s32 $0xFFFFFFFF  }
0xb5: {  	_ =	strace $0x90000048  }
0xb6: {  	_ =	sfence  }
0xb7: {  	s30 =	sld [smem:$0x0];
	_ =	sdelay $0x2  }
0xb8: {  	s31 =	sshll.u32 s1, $0xD;
	s1 =	sshrl.u32 s1, $0x2  }
0xb9: {  	s3 =	sand.u32 $0x4000, s31;
	s1 =	sadd.s32 s1, s30  }
0xba: {  	s0 =	sor.u32 s3, s0;
	s1 =	sshll.u32 s1, $0x11  }
0xbb: {  	s0 =	sor.u32 s1, s0  }
0xbc: {  	s0 =	sadd.s32 $0x8F2B, s0  }
0xbd: {  	[sflag:s0] =	ssyncadd.remote.s32 $0x1  }
0xbe: {  	_ =	sfence.sel $0xFFFF  }
0xbf: {  	[dreg:$0x0] =	wrdreg $0xFFFFFFFF;
	(pc) =	sbr.abs _section_cstart, $3  }
0xc0: {  	[dreg:$0x1] =	wrdreg $0xFFFFFFFF  }
0xc1: {  	_ =	task.clear_ibuf [dreg:s6], $0x2FFFF;
	_ =	strace $0x9FFFFFFF  }
0xc2: {  	(tm) =	ssettm $0x7FFFFFFF  }
0xc3: {  	_ =	shalt  }
tec
execute0_lowered:
.L_overlay_start_1:
0x0: {  	(tag) =	ssettag $0x1  }
0x1: {  	s4 =	rddreg [dreg:$0x0]  }
0x2: {  	s1 =	rddreg [dreg:$0x1];
	s2 =	srdreg.scid  }
0x3: {  	s0 =	rddreg [dreg:$0x2];
	s5 =	sand.u32 $0x1, s2  }
0x4: {  	s3 =	simm.s32 $0x0;
	s2 =	stileid.u32;
	s6 =	smul.u32 $0x1400, s5  }
0x5: {  	s11 =	simm.s32 $0x4F80;
	[smem:$0x7FF] =	sst s3;
	s7 =	smul.u32 $0x140, s2  }
0x6: {  	s14 =	simm.s32 $0x0;
	_ =	strace $0x80000047;
	s8 =	smul.u32 $0x9F0, s2  }
0x7: {  	s5 =	ssub.s32 $0x2, s5;
	s10 =	smul.u32 $0xA000, s2;
	s12 =	sshll.u32 s2, $0x6  }
0x8: {  	s9 =	sshrl.u32 s5, $0x1;
	s12 =	sor.u32 $0x1C01, s12;
	s6 =	sadd.s32 s7, s6  }
0x9: {  	s8 =	sadd.s32 s8, s4;
	s9 =	ssub.s32 s5, s9;
	s30 =	sshrl.u32 s10, $0x2  }
0xa: {  	s10 =	simm.s32 $0x80;
	s7 =	sshll.u32 s6, $0x1;
	s31 =	sshll.u32 s6, $0x4  }
0xb: {  	s5 =	sadd.s32 s30, s1;
	s7 =	sadd.s32 s7, s4;
	s4 =	sadd.s32 $0x3400, s8  }
0xc: {  	s13 =	sadd.s32 s31, s1;
	s8 =	simm.s32 $0x1;
	s6 =	sadd.s32 $0xD400, s7  }
0xd: {  	v0 =	vimm.f32 $1.000000000e+00;
	v1 =	vimm.f32 $0.0e+00;
	s7 =	smax.u32 s9, $0x1;
	s9 =	simm.s32 $0x5780;
	s13 =	sshrl.u32 s13, $0x3  }
.LBB2_1:
0xe: {  	[tilespmem:s3], [sflag:$0x1] =	stream.linear.gather [hbm4b:s4+s3], $0x4F80, $0x38;
	[tilespmem:$0xA780] =	vst v63  }
0xf: {  	_ =	swait.ge [sflag:s8], $0x4F80  }
0x10: {  	[sflag:s8] =	ssyncset.done $0x0  }
0x11: {  	s15 =	simm.s32 $0x0;
	[sflag:s8] =	ssyncadd.s32 $0xFFFFB080  }
.LBB2_2:
0x12: {  	p0 =	sne.s32 s15, $0x1FC0  }
.Ltmp0:
0x13: {  	_ = 	snop;
	(pc) =	sbr.rel @p0 .LBB2_2-.Ltmp0, $3  }
0x14: {  	_ =	sdelay $0x1  }
0x15: {  	s16 =	sshra.s32 s15, $0x2  }
0x16: {  	s15 =	sadd.s32 $0x40, s15;
	[tilespmem:s16+$0x4F80] =	vst v0  }
0x17: {  	s15 =	simm.s32 $0x40;
	s16 =	simm.s32 $0x0  }
.LBB2_4:
0x18: {  	p0 =	sne.s32 s15, $0x9FC0;
	[tilespmem:s16+$0x5780] =	vst v1;
	s16 =	smov.u32 s15;
	s15 =	sadd.s32 $0x40, s15  }
.Ltmp1:
0x19: {  	(pc) =	sbr.rel @p0 .LBB2_4-.Ltmp1, $2  }
0x1a: {  	_ =	sdelay $0x2  }
0x1b: {  	s16 =	sshra.s32 s16, $0x2  }
0x1c: {  	[tilespmem:s16+$0x5780] =	vst v1  }
0x1d: {  	[spmem:s5] =	stream.linear.scatter [tilespmem:s9], [sflag:$0x1], $0x2800, $0x38;
	[tilespmem:$0xA780] =	vst v63  }
0x1e: {  	_ =	swait.ge [sflag:s8], $0x2800  }
0x1f: {  	[sflag:s8] =	ssyncset.done $0x0  }
0x20: {  	[sflag:s8] =	ssyncadd.s32 $0xFFFFD800  }
0x21: {  	s15 =	simm.s32 $0x0;
	[bflag:$0x0] =	sbarrier.arrive $0xFFFF  }
0x22: {  	[spmem:s1] =	stream.indirect.scatter.add.f32 [tilespmem:s11], [sflag:$0x1], $0x10, s15, s10, $0xb8;
	[tilespmem:$0xA780] =	vst v63  }
0x23: {  	_ =	swait.ge [sflag:s8], $0x800  }
0x24: {  	s15 =	simm.s32 $0x200;
	[sflag:s8] =	ssyncset.done $0x0  }
.LBB2_6:
0x25: {  	s16 =	sshra.s32 s15, $0x2;
	[sflag:s8] =	ssyncadd.s32 $0xFFFFF800;
	p0 =	sne.s32 s15, $0x13C00  }
0x26: {  	[spmem:s1] =	stream.indirect.scatter.add.f32 [tilespmem:s11], [sflag:$0x1], $0x10, s16, s10, $0xb8;
	[tilespmem:$0xA780] =	vst v63  }
.Ltmp2:
0x27: {  	_ = 	snop;
	(pc) =	sbr.rel @p0 .LBB2_6-.Ltmp2, $4  }
0x28: {  	_ = 	snop  }
0x29: {  	s15 =	sadd.s32 $0x200, s15  }
0x2a: {  	_ =	swait.ge [sflag:s8], $0x800  }
0x2b: {  	[sflag:s8] =	ssyncset.done $0x0  }
0x2c: {  	s14 =	sadd.s32 $0x1, s14  }
0x2d: {  	[sflag:s8] =	ssyncadd.s32 $0xFFFFF800;
	p0 =	sne.s32 s14, s7  }
.Ltmp3:
0x2e: {  	[bflag:$0x0] =	sbarrier.arrive $0xFFFF;
	(pc) =	sbr.rel @p0 .LBB2_1-.Ltmp3, $4  }
0x2f: {  	[hbm:s6], [sflag:s12] =	dma.local [spmem:s13], $0x280  }
0x30: {  	_ =	swait.ge [sflag:s8], $0x280  }
0x31: {  	[sflag:s8] =	ssyncset.done $0x0  }
0x32: {  	[sflag:s8] =	ssyncadd.s32 $0xFFFFFD80  }
0x33: {  	_ =	sfence.sel $0x180000  }
0x34: {  	[bflag:$0x0] =	sbarrier.arrive $0xFFFF  }
0x35: {  	p0 =	sne.s32 s2, $0x0;
	_ =	strace $0x90000047  }
0x36: {  	s0 =	sadd.s32 @!p0 $0x100000, s0;
	[bflag:$0x2] =	sbarrier.arrive $0xFFFF  }
0x37: {  	[sflag:s0] =	ssyncadd.tile.s32 @!p0 $0x1;
	_ =	shalt  }
.Lfunc_end2:
_tile_overlayer_lowered:
.L_overlay_start_2:
0x38: {  	(tag) =	ssettag $0x2  }
0x39: {  	s0 =	rddreg [dreg:$0x0];
	s2 =	stileid.u32  }
0x3a: {  	s1 =	rddreg [dreg:$0x1];
	p0 =	sne.s32 s2, $0x0  }
0x3b: {  	s3 =	rddreg [dreg:$0x2];
	[bflag:$0x3] =	sbarrier.arrive $0xFFFF;
	s2 =	simm.s32 @!p0 $0x1C01  }
0x3c: {  	[timem:s3], [sflag:s2] =	dma.local @!p0 [hbm:s0], s1  }
0x3d: {  	s0 =	simm.s32 @!p0 $0x1  }
0x3e: {  	_ =	swait.ge @!p0 [sflag:s0], s1  }
0x3f: {  	s1 =	ssub.s32 @!p0 $0x0, s1;
	[sflag:s0] =	ssyncset.done @!p0 $0x0  }
0x40: {  	[sflag:s0] =	ssyncadd.s32 @!p0 s1  }
0x41: {  	[bflag:$0x3] =	sbarrier.arrive $0xFFFF  }
0x42: {  	_ =	shalt  }

// kernel: kernel.15.cloned.1.call-start
scs
__scs_entry_jumppad:
0x0: {  	(pc) =	sbr.rel $0x88, $3  }
0x1: {  	(tag) =	ssettag $0x0;
	lr =	simm.s32 $0x1  }
0x2: {  	[smem:$0x3F99] =	sst lr;
	_ =	strace $0xD0000000  }
0x3: {  	_ = 	snop  }
0x4: {  	_ = 	snop  }
0x5: {  	_ = 	snop  }
0x6: {  	_ = 	snop  }
0x7: {  	_ = 	snop  }
__scs_overlays_trampoline_lowered:
0x8: {  	[smem:$0x3FA8] =	sst s0  }
0x9: {  	[smem:$0x3FA9] =	sst s1  }
0xa: {  	[smem:$0x3FAA] =	sst s2  }
0xb: {  	[smem:$0x3FAB] =	sst s3  }
0xc: {  	[smem:$0x3FAC] =	sst s4  }
0xd: {  	[smem:$0x3FAD] =	sst s5  }
0xe: {  	[smem:$0x3FAE] =	sst s6  }
0xf: {  	[smem:$0x3FAF] =	sst s7  }
0x10: {  	[smem:$0x3FB0] =	sst s8  }
0x11: {  	[smem:$0x3FB1] =	sst s9;
	s0 =	simm.s32 @!p0 $0x0  }
0x12: {  	s1 =	sld [smem:$0x3F97];
	s0 =	simm.s32 @p0 $0x1  }
0x13: {  	[smem:$0x3FB2] =	sst s0;
	s0 =	simm.s32 @!p1 $0x0  }
0x14: {  	s2 =	sld [smem:$0x3F96];
	s0 =	simm.s32 @p1 $0x1  }
0x15: {  	[smem:$0x3FB3] =	sst s0;
	s0 =	simm.s32 @!p2 $0x0  }
0x16: {  	s3 =	sld [smem:$0x3FDB];
	s0 =	simm.s32 @p2 $0x1  }
0x17: {  	s4 =	simm.s32 $0x1BF5;
	[smem:$0x3FB5] =	sst s0  }
0x18: {  	s0 =	sld [smem:$0x3F98];
	_ =	swait.ge [sflag:s4], $0x0  }
0x19: {  	s7 =	sld [smem:$0x3F99]  }
0x1a: {  	s8 =	sadd.s32 $0xFFFFE003, lr  }
0x1b: {  	s9 =	sadd.s32 $0xFFFFFEF7, lr;
	s5 =	simm.s32 $0xFFFFFFFF;
	p2 =	slt.u32 s8, $0xFFFFF086  }
0x1c: {  	p1 =	slt.u32 s9, $0xF7A;
	s5 =	simm.s32 @!p2 $0x0  }
0x1d: {  	s5 =	simm.s32 @p1 $0x1;
	p0 =	seq.s32 s7, s2  }
0x1e: {  	s7 =	smul.u32 @!p0 $0xF7A, s2;
	p2 =	seq.s32 @!p0 s5, $0x0  }
0x1f: {  	s9 =	smul.u32 $0xF7A, s1;
	s8 =	simm.s32 @!p0 $0x1BF5;
	p2 =	por !p2, p0  }
0x20: {  	[sflag:s8] =	ssyncset.s32 @!p0 $0xFFFFF086;
	s6 =	sadd.s32 @!p0 s3, s7;
	s7 =	simm.s32 @!p0 $0x108  }
0x21: {  	s3 =	sadd.s32 s3, s9;
	s6 =	sadd.s32 @!p0 $0x88, s6;
	s7 =	simm.s32 @p2 $0x1082  }
0x22: {  	[simem:s7], [sflag:s8] =	dma.local @!p0 [hbm:s6], $0xF7A  }
0x23: {  	s9 =	sor.u32 $0xD0000000, s2;
	s6 =	simm.s32 $0x108;
	_ =	swait.ge @!p0 [sflag:s8], $0x0  }
0x24: {  	s3 =	sadd.s32 $0x88, s3;
	s6 =	simm.s32 @!p1 $0x1082;
	[sflag:s4] =	ssyncset.s32 $0xFFFFF086  }
0x25: {  	[simem:s6], [sflag:s4] =	dma.local [hbm:s3], $0xF7A  }
0x26: {  	[smem:$0x3F99] =	sst s1;
	(tag) =	ssettag s2;
	_ =	strace s9  }
0x27: {  	s1 =	sld [smem:$0x3FA9]  }
0x28: {  	s2 =	sld [smem:$0x3FAA]  }
0x29: {  	s4 =	sld [smem:$0x3FAC]  }
0x2a: {  	p0 =	seq.s32 s5, $0x0;
	s5 =	sld [smem:$0x3FAD]  }
0x2b: {  	s6 =	sld [smem:$0x3FAE]  }
0x2c: {  	s7 =	sld [smem:$0x3FAF]  }
0x2d: {  	s3 =	simm.s32 $0x108;
	s8 =	sld [smem:$0x3FB0]  }
0x2e: {  	s3 =	simm.s32 @!p0 $0x1082;
	s9 =	sld [smem:$0x3FB1]  }
0x2f: {  	lr =	sadd.s32 s0, s3;
	s0 =	sld [smem:$0x3FA8]  }
0x30: {  	s3 =	sld [smem:$0x3FAB]  }
0x31: {  	[smem:$0x3FB4] =	sst s10  }
0x32: {  	s10 =	sld [smem:$0x3FB2];
	_ =	sdelay $0x3  }
0x33: {  	p0 =	seq.s32 s10, $0x1;
	s10 =	sld [smem:$0x3FB4];
	_ =	sdelay $0x3  }
0x34: {  	[smem:$0x3FB4] =	sst s10  }
0x35: {  	s10 =	sld [smem:$0x3FB3];
	_ =	sdelay $0x3  }
0x36: {  	p1 =	seq.s32 s10, $0x1;
	s10 =	sld [smem:$0x3FB4];
	_ =	sdelay $0x3  }
0x37: {  	[smem:$0x3FB4] =	sst s10  }
0x38: {  	s10 =	sld [smem:$0x3FB5]  }
0x39: {  	_ = 	snop;
	(pc) =	sbr.ind lr, $3  }
0x3a: {  	_ = 	snop  }
0x3b: {  	_ = 	snop  }
0x3c: {  	p2 =	seq.s32 s10, $0x1;
	s10 =	sld [smem:$0x3FB4]  }
0x3d: {  	_ =	shalt  }
0x3e: {  	_ =	shalt  }
0x3f: {  	_ =	shalt  }
0x40: {  	_ =	shalt  }
0x41: {  	_ =	shalt  }
0x42: {  	_ =	shalt  }
0x43: {  	_ =	shalt  }
0x44: {  	_ =	shalt  }
0x45: {  	_ =	shalt  }
0x46: {  	_ =	shalt  }
0x47: {  	_ =	shalt  }
0x48: {  	_ =	shalt  }
0x49: {  	_ =	shalt  }
0x4a: {  	_ =	shalt  }
0x4b: {  	_ =	shalt  }
0x4c: {  	_ =	shalt  }
0x4d: {  	_ =	shalt  }
0x4e: {  	_ =	shalt  }
0x4f: {  	_ =	shalt  }
0x50: {  	_ =	shalt  }
0x51: {  	_ =	shalt  }
0x52: {  	_ =	shalt  }
0x53: {  	_ =	shalt  }
0x54: {  	_ =	shalt  }
0x55: {  	_ =	shalt  }
0x56: {  	_ =	shalt  }
0x57: {  	_ =	shalt  }
0x58: {  	_ =	shalt  }
0x59: {  	_ =	shalt  }
0x5a: {  	_ =	shalt  }
0x5b: {  	_ =	shalt  }
0x5c: {  	_ =	shalt  }
0x5d: {  	_ =	shalt  }
0x5e: {  	_ =	shalt  }
0x5f: {  	_ =	shalt  }
0x60: {  	_ =	shalt  }
0x61: {  	_ =	shalt  }
0x62: {  	_ =	shalt  }
0x63: {  	_ =	shalt  }
0x64: {  	_ =	shalt  }
0x65: {  	_ =	shalt  }
0x66: {  	_ =	shalt  }
0x67: {  	_ =	shalt  }
0x68: {  	_ =	shalt  }
0x69: {  	_ =	shalt  }
0x6a: {  	_ =	shalt  }
0x6b: {  	_ =	shalt  }
0x6c: {  	_ =	shalt  }
0x6d: {  	_ =	shalt  }
0x6e: {  	_ =	shalt  }
0x6f: {  	_ =	shalt  }
0x70: {  	_ =	shalt  }
0x71: {  	_ =	shalt  }
0x72: {  	_ =	shalt  }
0x73: {  	_ =	shalt  }
0x74: {  	_ =	shalt  }
0x75: {  	_ =	shalt  }
0x76: {  	_ =	shalt  }
0x77: {  	_ =	shalt  }
0x78: {  	_ =	shalt  }
0x79: {  	_ =	shalt  }
0x7a: {  	_ =	shalt  }
0x7b: {  	_ =	shalt  }
0x7c: {  	_ =	shalt  }
0x7d: {  	_ =	shalt  }
0x7e: {  	_ =	shalt  }
0x7f: {  	_ =	shalt  }
0x80: {  	_ =	shalt  }
0x81: {  	_ =	shalt  }
0x82: {  	_ =	shalt  }
0x83: {  	_ =	shalt  }
0x84: {  	_ =	shalt  }
0x85: {  	_ =	shalt  }
0x86: {  	_ =	shalt  }
0x87: {  	_ =	shalt  }
.Lfunc_end0:
.L_simem_size_0:
called_computation.1_lowered:
.L_overlay_start_0:
0x88: {  	s2 =	sld [smem:$0x3FD9]  }
0x89: {  	s3 =	sld [smem:$0x3FFE];
	_ =	sdelay $0x1  }
0x8a: {  	s1 =	srdreg.scid  }
0x8b: {  	s0 =	sand.u32 $0x1, s1  }
0x8c: {  	s17 =	sshll.u32 s0, $0xA;
	s2 =	sadd.s32 s3, s2  }
0x8d: {  	s2 =	sadd.s32 s2, s17  }
0x8e: {  	[smem:$0x3FC0] =	sst s2  }
0x8f: {  	_ = 	snop  }
0x90: {  	s2 =	sld [smem:$0x3FD0];
	(tm) =	ssettm $0x1  }
0x91: {  	s18 =	sld [smem:$0x3FFB];
	_ =	sdelay $0x3  }
0x92: {  	_ =	strace s18  }
0x93: {  	s3 =	sld [smem:$0x3FFC];
	_ =	sdelay $0x3  }
0x94: {  	_ =	strace s3  }
0x95: {  	s3 =	sld [smem:$0x3FFD];
	_ =	sdelay $0x3  }
0x96: {  	_ =	strace s3  }
0x97: {  	_ =	strace $0x8FFFFFFF  }
0x98: {  	s19 =	sld [smem:$0x3FDB];
	_ =	sdelay $0x1  }
0x99: {  	s4 =	simm.s32 $_scs_section_size  }
0x9a: {  	s5 =	simm.s32 $_size__tile_overlayer_lowered;
	s6 =	simm.s32 $_tile_overlayer_lowered  }
0x9b: {  	s22 =	simm.s32 $0x1BFF;
	s21 =	sshll.u32 s6, $0x1;
	s3 =	sadd.s32 s4, s19  }
0x9c: {  	s7 =	simm.s32 $0x0;
	s20 =	sshll.u32 s5, $0x1;
	s5 =	sadd.s32 s21, s3  }
0x9d: {  	[timem:s7], [sflag:s22] =	dma.local [hbm:s5], s20  }
0x9e: {  	_ =	swait.ge [sflag:s22], s20  }
0x9f: {  	s4 =	ssub.s32 $0x0, s20;
	[sflag:s22] =	ssyncset.done $0x0  }
0xa0: {  	[sflag:s22] =	ssyncadd.s32 s4;
	_ =	sdelay $0x1  }
0xa1: {  	s23 =	simm.s32 $0x1B8B  }
0xa2: {  	_ =	swait.ge [sflag:s23], $0x1  }
0xa3: {  	[sflag:s23] =	ssyncset.done $0x0  }
0xa4: {  	s25 =	simm.s32 $0x1B8E;
	s24 =	sld [smem:$0x3FFE];
	[sflag:s23] =	ssyncadd.s32 $0xFFFFFFFF  }
0xa5: {  	s26 =	simm.s32 $execute0_lowered;
	[smem:$0x3FD2] =	sst s25  }
0xa6: {  	s5 =	sshll.u32 s26, $0x1;
	_ =	strace $0x80000049;
	[dreg:$0x1] =	wrdreg $0xFFFFFFFF  }
0xa7: {  	s28 =	simm.s32 $_size_execute0_lowered;
	s3 =	sadd.s32 s3, s5;
	[dreg:$0x0] =	wrdreg $0x0  }
0xa8: {  	s5 =	sshll.u32 s28, $0x1;
	[dreg:$0x2] =	wrdreg s3  }
0xa9: {  	[dreg:$0x3] =	wrdreg s5  }
0xaa: {  	[dreg:$0x4] =	wrdreg $0xC0  }
0xab: {  	_ =	task [dreg:s7], $0x5FFFF  }
0xac: {  	[dreg:$0x1] =	wrdreg $0xFFFFFFFF  }
0xad: {  	[dreg:$0x0] =	wrdreg $0x60  }
0xae: {  	[dreg:$0x2] =	wrdreg s24  }
0xaf: {  	[dreg:$0x3] =	wrdreg s2  }
0xb0: {  	[dreg:$0x4] =	wrdreg $0xFF000  }
0xb1: {  	[dreg:$0x5] =	wrdreg $0x9  }
0xb2: {  	_ =	task.clear_ibuf [dreg:s7], $0x6FFFF;
	_ =	strace $0x90000049  }
0xb3: {  	s29 =	simm.s32 $0x9;
	_ =	strace $0x8000004B  }
0xb4: {  	_ =	swait.ge [sflag:s29], $0x1  }
0xb5: {  	[sflag:s29] =	ssyncadd.s32 $0xFFFFFFFF  }
0xb6: {  	_ =	strace $0x9000004B  }
0xb7: {  	_ =	sfence  }
0xb8: {  	s30 =	sld [smem:$0x0];
	_ =	sdelay $0x2  }
0xb9: {  	s31 =	sshll.u32 s1, $0xD;
	s1 =	sshrl.u32 s1, $0x2  }
0xba: {  	s3 =	sand.u32 $0x4000, s31;
	s1 =	sadd.s32 s1, s30  }
0xbb: {  	s0 =	sor.u32 s3, s0;
	s1 =	sshll.u32 s1, $0x11  }
0xbc: {  	s0 =	sor.u32 s1, s0  }
0xbd: {  	s0 =	sadd.s32 $0x8F2B, s0  }
0xbe: {  	[sflag:s0] =	ssyncadd.remote.s32 $0x1  }
0xbf: {  	_ =	sfence.sel $0xFFFF  }
0xc0: {  	[dreg:$0x0] =	wrdreg $0xFFFFFFFF;
	(pc) =	sbr.abs _section_cstart, $3  }
0xc1: {  	[dreg:$0x1] =	wrdreg $0xFFFFFFFF  }
0xc2: {  	_ =	task.clear_ibuf [dreg:s7], $0x2FFFF;
	_ =	strace $0x9FFFFFFF  }
0xc3: {  	(tm) =	ssettm $0x7FFFFFFF  }
tec
execute0_lowered:
.L_overlay_start_1:
0x0: {  	(tag) =	ssettag $0x1  }
0x1: {  	s0 =	rddreg [dreg:$0x0]  }
0x2: {  	s1 =	rddreg [dreg:$0x1]  }
0x3: {  	s2 =	rddreg [dreg:$0x2];
	s3 =	simm.s32 $0x0  }
0x4: {  	s15 =	stileid.u32;
	s5 =	srdreg.scid;
	s13 =	simm.s32 $0x7  }
0x5: {  	s14 =	simm.s32 $0x4F80;
	s17 =	simm.s32 $0x80;
	s28 =	simm.s32 $0x3  }
0x6: {  	s29 =	simm.s32 $0x5080;
	s30 =	simm.s32 $0x5;
	s31 =	simm.s32 $0x200  }
0x7: {  	[smem:$0x7FF] =	sst s3;
	s4 =	smul.u32 $0x9F0, s15;
	s6 =	sadd.s32 $0xFB600, s0  }
0x8: {  	s5 =	sand.u32 $0x1, s5;
	s9 =	smul.u32 $0xA000, s15;
	s26 =	sshll.u32 s15, $0x6  }
0x9: {  	_ =	strace $0x8000004A;
	s8 =	ssub.s32 $0x2, s5;
	s5 =	smul.u32 $0x140000, s5  }
0xa: {  	s15 =	sor.u32 $0x1C07, s26;
	s26 =	simm.s32 $0x180;
	s7 =	sadd.s32 s4, s0  }
0xb: {  	s0 =	sadd.s32 $0xD400, s0;
	s10 =	sshrl.u32 s8, $0x1;
	s1 =	sadd.s32 s1, s4  }
0xc: {  	s19 =	sadd.s32 s9, s2;
	s12 =	ssub.s32 s8, s10;
	[dreg:$0x4] =	wrdreg s1  }
0xd: {  	s18 =	sadd.s32 $0x3400, s7;
	s20 =	sadd.s32 s9, s5;
	s21 =	sadd.s32 $0xA0000, s5  }
0xe: {  	s5 =	sshrl.u32 s5, $0x3;
	s16 =	sshrl.u32 s19, $0x3;
	s19 =	simm.s32 $0xBF00  }
0xf: {  	s1 =	simm.s32 $0x0;
	[dreg:$0x5] =	wrdreg s18;
	s4 =	sshrl.u32 s20, $0x3  }
0x10: {  	s22 =	sadd.s32 s9, s21;
	s7 =	sadd.s32 s6, s5;
	s25 =	sshrl.u32 s21, $0x3  }
0x11: {  	s12 =	smax.u32 s12, $0x1;
	s18 =	simm.s32 $0x9F00;
	s20 =	simm.s32 $0x1  }
.Ltmp0:
0x12: {  	s21 =	simm.s32 $0x100;
	s23 =	sadd.s32 s6, s4;
	(pc) =	sbr.rel .LBB2_1-.Ltmp0, $4  }
0x13: {  	s24 =	sshrl.u32 s22, $0x3;
	s4 =	sadd.s32 s0, s4;
	s10 =	sadd.s32 s6, s25  }
0x14: {  	s22 =	simm.s32 $0xDF00;
	s25 =	simm.s32 $0x4;
	[dreg:$0x6] =	wrdreg s23  }
0x15: {  	[dreg:$0x7] =	wrdreg s4;
	s9 =	sadd.s32 s6, s24;
	s11 =	sadd.s32 s0, s24  }
0x16: {  	s23 =	simm.s32 $0x2;
	s24 =	simm.s32 $0x5000;
	s0 =	simm.s32 $0x6  }
.LBB2_7:
0x17: {  	_ =	swait.ge [sflag:s28], $0x2000  }
0x18: {  	[sflag:s28] =	ssyncset.done $0x0  }
0x19: {  	[sflag:s28] =	ssyncadd.s32 $0xFFFFE000  }
0x1a: {  	[spmem:s2] =	stream.indirect.scatter.add.f32 [tilespmem:s22], [sflag:$0x6], $0x40, s6, s17, $0xb8;
	[tilespmem:$0x19F00] =	vst v63  }
0x1b: {  	_ =	swait.ge [sflag:s30], $0x2000  }
0x1c: {  	[sflag:s30] =	ssyncset.done $0x0  }
0x1d: {  	[sflag:s30] =	ssyncadd.s32 $0xFFFFE000  }
0x1e: {  	_ =	swait.ge [sflag:s0], $0x2000  }
0x1f: {  	s1 =	sadd.s32 $0x1, s1;
	[sflag:s0] =	ssyncset.done $0x0  }
0x20: {  	p0 =	sne.s32 s1, s12;
	[sflag:s0] =	ssyncadd.s32 $0xFFFFE000  }
.Ltmp1:
0x21: {  	[bflag:$0x0] =	sbarrier.arrive $0xFFFF;
	(pc) =	sbr.rel @!p0 .LBB2_8-.Ltmp1, $4  }
0x22: {  	[hbm:s11], [sflag:s15] =	dma.local [spmem:s16], $0x1400  }
0x23: {  	_ =	swait.ge [sflag:s13], $0x1400  }
0x24: {  	[sflag:s13] =	ssyncset.done $0x0  }
0x25: {  	[sflag:s13] =	ssyncadd.s32 $0xFFFFEC00  }
.LBB2_1:
0x26: {  	s4 =	rddreg [dreg:$0x4]  }
0x27: {  	[tilespmem:s3], [sflag:$0x7] =	stream.linear.gather [hbm4b:s4+s3], $0x4F80, $0x38;
	[tilespmem:$0x19F00] =	vst v63  }
0x28: {  	_ =	swait.ge [sflag:s13], $0x4F80  }
0x29: {  	[sflag:s13] =	ssyncset.done $0x0  }
0x2a: {  	s6 =	rddreg [dreg:$0x5];
	[sflag:s13] =	ssyncadd.s32 $0xFFFFB080  }
0x2b: {  	[tilespmem:s14], [sflag:$0x7] =	stream.linear.gather [hbm4b:s6+s3], $0x4F80, $0x38;
	[tilespmem:$0x19F00] =	vst v63  }
0x2c: {  	_ =	swait.ge [sflag:s13], $0x4F80  }
0x2d: {  	[sflag:s13] =	ssyncset.done $0x0  }
0x2e: {  	s8 =	rddreg [dreg:$0x6];
	[sflag:s13] =	ssyncadd.s32 $0xFFFFB080  }
0x2f: {  	[spmem:s16], [sflag:s15] =	dma.local [hbm:s8], $0x1400  }
0x30: {  	_ =	swait.ge [sflag:s13], $0x1400  }
0x31: {  	[sflag:s13] =	ssyncset.done $0x0  }
0x32: {  	[sflag:s13] =	ssyncadd.s32 $0xFFFFEC00  }
0x33: {  	[bflag:$0x0] =	sbarrier.arrive $0xFFFF  }
0x34: {  	[tilespmem:s18], [sflag:$0x1] =	stream.indirect.gather [hbm4b:s7+s17], $0x40, s3, s17, $0xb8;
	[tilespmem:$0x19F00] =	vst v63  }
0x35: {  	_ = 	snop  }
0x36: {  	[tilespmem:s19], [sflag:$0x2] =	stream.indirect.gather [hbm4b:s7+s17], $0x40, s17, s17, $0xb8;
	[tilespmem:$0x19F00] =	vst v63  }
0x37: {  	_ =	swait.ge [sflag:s20], $0x2000  }
0x38: {  	[sflag:s20] =	ssyncset.done $0x0  }
0x39: {  	[sflag:s20] =	ssyncadd.s32 $0xFFFFE000  }
0x3a: {  	[spmem:s2] =	stream.indirect.scatter.add.f32 [tilespmem:s18], [sflag:$0x4], $0x40, s14, s17, $0xb8;
	[tilespmem:$0x19F00] =	vst v63  }
0x3b: {  	_ = 	snop  }
0x3c: {  	[tilespmem:s22], [sflag:$0x3] =	stream.indirect.gather [hbm4b:s7+s17], $0x40, s21, s17, $0xb8;
	[tilespmem:$0x19F00] =	vst v63  }
0x3d: {  	_ =	swait.ge [sflag:s23], $0x2000  }
0x3e: {  	[sflag:s23] =	ssyncset.done $0x0  }
0x3f: {  	[sflag:s23] =	ssyncadd.s32 $0xFFFFE000  }
0x40: {  	[spmem:s2] =	stream.indirect.scatter.add.f32 [tilespmem:s19], [sflag:$0x5], $0x40, s24, s17, $0xb8;
	[tilespmem:$0x19F00] =	vst v63  }
0x41: {  	_ =	swait.ge [sflag:s25], $0x2000  }
0x42: {  	[sflag:s25] =	ssyncset.done $0x0  }
0x43: {  	[sflag:s25] =	ssyncadd.s32 $0xFFFFE000  }
0x44: {  	[tilespmem:s18], [sflag:$0x1] =	stream.indirect.gather [hbm4b:s7+s17], $0x40, s26, s17, $0xb8;
	[tilespmem:$0x19F00] =	vst v63  }
0x45: {  	_ =	swait.ge [sflag:s28], $0x2000  }
0x46: {  	[sflag:s28] =	ssyncset.done $0x0  }
0x47: {  	[sflag:s28] =	ssyncadd.s32 $0xFFFFE000  }
0x48: {  	[spmem:s2] =	stream.indirect.scatter.add.f32 [tilespmem:s22], [sflag:$0x6], $0x40, s29, s17, $0xb8;
	[tilespmem:$0x19F00] =	vst v63  }
0x49: {  	_ =	swait.ge [sflag:s30], $0x2000  }
0x4a: {  	[sflag:s30] =	ssyncset.done $0x0  }
0x4b: {  	s4 =	simm.s32 $0x0;
	[sflag:s30] =	ssyncadd.s32 $0xFFFFE000  }
0x4c: {  	[tilespmem:s19], [sflag:$0x2] =	stream.indirect.gather [hbm4b:s7+s17], $0x40, s31, s17, $0xb8;
	[tilespmem:$0x19F00] =	vst v63  }
.LBB2_2:
0x4d: {  	_ =	swait.ge [sflag:s20], $0x2000  }
0x4e: {  	s5 =	sshra.s32 s4, $0x2;
	[sflag:s20] =	ssyncset.done $0x0  }
0x4f: {  	s6 =	sadd.s32 $0x5100, s5;
	[sflag:s20] =	ssyncadd.s32 $0xFFFFE000  }
0x50: {  	[spmem:s2] =	stream.indirect.scatter.add.f32 [tilespmem:s18], [sflag:$0x4], $0x40, s6, s17, $0xb8;
	[tilespmem:$0x19F00] =	vst v63  }
0x51: {  	_ =	swait.ge [sflag:s0], $0x2000  }
0x52: {  	[sflag:s0] =	ssyncset.done $0x0  }
0x53: {  	s8 =	sadd.s32 $0x280, s5;
	[sflag:s0] =	ssyncadd.s32 $0xFFFFE000  }
0x54: {  	[tilespmem:s22], [sflag:$0x3] =	stream.indirect.gather [hbm4b:s7+s17], $0x40, s8, s17, $0xb8;
	[tilespmem:$0x19F00] =	vst v63  }
0x55: {  	_ =	swait.ge [sflag:s23], $0x2000  }
0x56: {  	p0 =	seq.s32 s4, $0x13200;
	[sflag:s23] =	ssyncset.done $0x0  }
.Ltmp2:
0x57: {  	s8 =	sadd.s32 $0x5180, s5;
	[sflag:s23] =	ssyncadd.s32 $0xFFFFE000;
	(pc) =	sbr.rel @p0 .LBB2_4-.Ltmp2, $4  }
0x58: {  	[spmem:s2] =	stream.indirect.scatter.add.f32 [tilespmem:s19], [sflag:$0x5], $0x40, s8, s17, $0xb8;
	[tilespmem:$0x19F00] =	vst v63  }
0x59: {  	_ =	swait.ge [sflag:s25], $0x2000  }
0x5a: {  	[sflag:s25] =	ssyncset.done $0x0  }
0x5b: {  	s6 =	sadd.s32 $0x5200, s5;
	[sflag:s25] =	ssyncadd.s32 $0xFFFFE000  }
0x5c: {  	s8 =	sadd.s32 $0x300, s5  }
0x5d: {  	[tilespmem:s18], [sflag:$0x1] =	stream.indirect.gather [hbm4b:s7+s17], $0x40, s8, s17, $0xb8;
	[tilespmem:$0x19F00] =	vst v63  }
0x5e: {  	_ =	swait.ge [sflag:s28], $0x2000  }
0x5f: {  	[sflag:s28] =	ssyncset.done $0x0  }
0x60: {  	[sflag:s28] =	ssyncadd.s32 $0xFFFFE000  }
0x61: {  	[spmem:s2] =	stream.indirect.scatter.add.f32 [tilespmem:s22], [sflag:$0x6], $0x40, s6, s17, $0xb8;
	[tilespmem:$0x19F00] =	vst v63  }
.Ltmp3:
0x62: {  	_ = 	snop;
	(pc) =	sbr.rel .LBB2_2-.Ltmp3, $4  }
0x63: {  	_ =	swait.ge [sflag:s30], $0x2000  }
0x64: {  	[sflag:s30] =	ssyncset.done $0x0  }
0x65: {  	s4 =	sadd.s32 $0x600, s4;
	s8 =	sadd.s32 $0x380, s5;
	[sflag:s30] =	ssyncadd.s32 $0xFFFFE000  }
0x66: {  	[tilespmem:s19], [sflag:$0x2] =	stream.indirect.gather [hbm4b:s7+s17], $0x40, s8, s17, $0xb8;
	[tilespmem:$0x19F00] =	vst v63  }
.LBB2_4:
0x67: {  	_ =	swait.ge [sflag:s28], $0x2000  }
0x68: {  	[sflag:s28] =	ssyncset.done $0x0  }
0x69: {  	[sflag:s28] =	ssyncadd.s32 $0xFFFFE000  }
0x6a: {  	[spmem:s2] =	stream.indirect.scatter.add.f32 [tilespmem:s22], [sflag:$0x6], $0x40, s6, s17, $0xb8;
	[tilespmem:$0x19F00] =	vst v63  }
0x6b: {  	_ =	swait.ge [sflag:s30], $0x2000  }
0x6c: {  	[sflag:s30] =	ssyncset.done $0x0  }
0x6d: {  	[sflag:s30] =	ssyncadd.s32 $0xFFFFE000  }
0x6e: {  	_ =	swait.ge [sflag:s0], $0x2000  }
0x6f: {  	[sflag:s0] =	ssyncset.done $0x0  }
0x70: {  	[sflag:s0] =	ssyncadd.s32 $0xFFFFE000  }
0x71: {  	[bflag:$0x0] =	sbarrier.arrive $0xFFFF  }
0x72: {  	s4 =	rddreg [dreg:$0x7]  }
0x73: {  	[hbm:s4], [sflag:s15] =	dma.local [spmem:s16], $0x1400  }
0x74: {  	_ =	swait.ge [sflag:s13], $0x1400  }
0x75: {  	[sflag:s13] =	ssyncset.done $0x0  }
0x76: {  	[sflag:s13] =	ssyncadd.s32 $0xFFFFEC00  }
0x77: {  	[spmem:s16], [sflag:s15] =	dma.local [hbm:s9], $0x1400  }
0x78: {  	_ =	swait.ge [sflag:s13], $0x1400  }
0x79: {  	[sflag:s13] =	ssyncset.done $0x0  }
0x7a: {  	[sflag:s13] =	ssyncadd.s32 $0xFFFFEC00  }
0x7b: {  	s4 =	simm.s32 $0x0;
	[bflag:$0x0] =	sbarrier.arrive $0xFFFF  }
0x7c: {  	[tilespmem:s18], [sflag:$0x1] =	stream.indirect.gather [hbm4b:s10+s17], $0x40, s4, s17, $0xb8;
	[tilespmem:$0x19F00] =	vst v63  }
0x7d: {  	_ = 	snop  }
0x7e: {  	[tilespmem:s19], [sflag:$0x2] =	stream.indirect.gather [hbm4b:s10+s17], $0x40, s17, s17, $0xb8;
	[tilespmem:$0x19F00] =	vst v63  }
0x7f: {  	_ =	swait.ge [sflag:s20], $0x2000  }
0x80: {  	[sflag:s20] =	ssyncset.done $0x0  }
0x81: {  	[sflag:s20] =	ssyncadd.s32 $0xFFFFE000  }
0x82: {  	[spmem:s2] =	stream.indirect.scatter.add.f32 [tilespmem:s18], [sflag:$0x4], $0x40, s14, s17, $0xb8;
	[tilespmem:$0x19F00] =	vst v63  }
0x83: {  	_ = 	snop  }
0x84: {  	[tilespmem:s22], [sflag:$0x3] =	stream.indirect.gather [hbm4b:s10+s17], $0x40, s21, s17, $0xb8;
	[tilespmem:$0x19F00] =	vst v63  }
0x85: {  	_ =	swait.ge [sflag:s23], $0x2000  }
0x86: {  	[sflag:s23] =	ssyncset.done $0x0  }
0x87: {  	[sflag:s23] =	ssyncadd.s32 $0xFFFFE000  }
0x88: {  	[spmem:s2] =	stream.indirect.scatter.add.f32 [tilespmem:s19], [sflag:$0x5], $0x40, s24, s17, $0xb8;
	[tilespmem:$0x19F00] =	vst v63  }
0x89: {  	_ =	swait.ge [sflag:s25], $0x2000  }
0x8a: {  	[sflag:s25] =	ssyncset.done $0x0  }
0x8b: {  	[sflag:s25] =	ssyncadd.s32 $0xFFFFE000  }
0x8c: {  	[tilespmem:s18], [sflag:$0x1] =	stream.indirect.gather [hbm4b:s10+s17], $0x40, s26, s17, $0xb8;
	[tilespmem:$0x19F00] =	vst v63  }
0x8d: {  	_ =	swait.ge [sflag:s28], $0x2000  }
0x8e: {  	[sflag:s28] =	ssyncset.done $0x0  }
0x8f: {  	[sflag:s28] =	ssyncadd.s32 $0xFFFFE000  }
0x90: {  	[spmem:s2] =	stream.indirect.scatter.add.f32 [tilespmem:s22], [sflag:$0x6], $0x40, s29, s17, $0xb8;
	[tilespmem:$0x19F00] =	vst v63  }
0x91: {  	_ =	swait.ge [sflag:s30], $0x2000  }
0x92: {  	[sflag:s30] =	ssyncset.done $0x0  }
0x93: {  	[sflag:s30] =	ssyncadd.s32 $0xFFFFE000  }
0x94: {  	[tilespmem:s19], [sflag:$0x2] =	stream.indirect.gather [hbm4b:s10+s17], $0x40, s31, s17, $0xb8;
	[tilespmem:$0x19F00] =	vst v63  }
.LBB2_5:
0x95: {  	_ =	swait.ge [sflag:s20], $0x2000  }
0x96: {  	s5 =	sshra.s32 s4, $0x2;
	[sflag:s20] =	ssyncset.done $0x0  }
0x97: {  	s6 =	sadd.s32 $0x5100, s5;
	[sflag:s20] =	ssyncadd.s32 $0xFFFFE000  }
0x98: {  	[spmem:s2] =	stream.indirect.scatter.add.f32 [tilespmem:s18], [sflag:$0x4], $0x40, s6, s17, $0xb8;
	[tilespmem:$0x19F00] =	vst v63  }
0x99: {  	_ =	swait.ge [sflag:s0], $0x2000  }
0x9a: {  	[sflag:s0] =	ssyncset.done $0x0  }
0x9b: {  	s8 =	sadd.s32 $0x280, s5;
	[sflag:s0] =	ssyncadd.s32 $0xFFFFE000  }
0x9c: {  	[tilespmem:s22], [sflag:$0x3] =	stream.indirect.gather [hbm4b:s10+s17], $0x40, s8, s17, $0xb8;
	[tilespmem:$0x19F00] =	vst v63  }
0x9d: {  	_ =	swait.ge [sflag:s23], $0x2000  }
0x9e: {  	p0 =	seq.s32 s4, $0x13200;
	[sflag:s23] =	ssyncset.done $0x0  }
.Ltmp4:
0x9f: {  	s8 =	sadd.s32 $0x5180, s5;
	[sflag:s23] =	ssyncadd.s32 $0xFFFFE000;
	(pc) =	sbr.rel @p0 .LBB2_7-.Ltmp4, $4  }
0xa0: {  	[spmem:s2] =	stream.indirect.scatter.add.f32 [tilespmem:s19], [sflag:$0x5], $0x40, s8, s17, $0xb8;
	[tilespmem:$0x19F00] =	vst v63  }
0xa1: {  	_ =	swait.ge [sflag:s25], $0x2000  }
0xa2: {  	[sflag:s25] =	ssyncset.done $0x0  }
0xa3: {  	s6 =	sadd.s32 $0x5200, s5;
	[sflag:s25] =	ssyncadd.s32 $0xFFFFE000  }
0xa4: {  	s8 =	sadd.s32 $0x300, s5  }
0xa5: {  	[tilespmem:s18], [sflag:$0x1] =	stream.indirect.gather [hbm4b:s10+s17], $0x40, s8, s17, $0xb8;
	[tilespmem:$0x19F00] =	vst v63  }
0xa6: {  	_ =	swait.ge [sflag:s28], $0x2000  }
0xa7: {  	[sflag:s28] =	ssyncset.done $0x0  }
0xa8: {  	[sflag:s28] =	ssyncadd.s32 $0xFFFFE000  }
0xa9: {  	[spmem:s2] =	stream.indirect.scatter.add.f32 [tilespmem:s22], [sflag:$0x6], $0x40, s6, s17, $0xb8;
	[tilespmem:$0x19F00] =	vst v63  }
.Ltmp5:
0xaa: {  	_ = 	snop;
	(pc) =	sbr.rel .LBB2_5-.Ltmp5, $4  }
0xab: {  	_ =	swait.ge [sflag:s30], $0x2000  }
0xac: {  	[sflag:s30] =	ssyncset.done $0x0  }
0xad: {  	s4 =	sadd.s32 $0x600, s4;
	s8 =	sadd.s32 $0x380, s5;
	[sflag:s30] =	ssyncadd.s32 $0xFFFFE000  }
0xae: {  	[tilespmem:s19], [sflag:$0x2] =	stream.indirect.gather [hbm4b:s10+s17], $0x40, s8, s17, $0xb8;
	[tilespmem:$0x19F00] =	vst v63  }
.LBB2_8:
0xaf: {  	_ =	sfence.sel $0x180000  }
0xb0: {  	[bflag:$0x0] =	sbarrier.arrive $0xFFFF  }
0xb1: {  	_ =	strace $0x9000004A  }
0xb2: {  	s0 =	stileid.u32;
	[bflag:$0x2] =	sbarrier.arrive $0xFFFF  }
0xb3: {  	p0 =	sne.s32 s0, $0x0;
	s0 =	rddreg [dreg:$0x3]  }
0xb4: {  	s0 =	sadd.s32 @!p0 $0x100000, s0  }
0xb5: {  	[sflag:s0] =	ssyncadd.tile.s32 @!p0 $0x1;
	_ =	shalt  }
.Lfunc_end2:
_tile_overlayer_lowered:
.L_overlay_start_2:
0xb6: {  	(tag) =	ssettag $0x2  }
0xb7: {  	s0 =	rddreg [dreg:$0x0];
	s2 =	stileid.u32  }
0xb8: {  	s1 =	rddreg [dreg:$0x1];
	p0 =	sne.s32 s2, $0x0  }
0xb9: {  	s3 =	rddreg [dreg:$0x2];
	[bflag:$0x3] =	sbarrier.arrive $0xFFFF;
	s2 =	simm.s32 @!p0 $0x1C07  }
0xba: {  	[timem:s3], [sflag:s2] =	dma.local @!p0 [hbm:s0], s1  }
0xbb: {  	s0 =	simm.s32 @!p0 $0x7  }
0xbc: {  	_ =	swait.ge @!p0 [sflag:s0], s1  }
0xbd: {  	s1 =	ssub.s32 @!p0 $0x0, s1;
	[sflag:s0] =	ssyncset.done @!p0 $0x0  }
0xbe: {  	[sflag:s0] =	ssyncadd.s32 @!p0 s1  }
0xbf: {  	[bflag:$0x3] =	sbarrier.arrive $0xFFFF  }
0xc0: {  	_ =	shalt  }

// kernel: kernel.18.cloned.1.call-start
scs
__scs_entry_jumppad:
0x0: {  	(pc) =	sbr.rel $0x88, $3  }
0x1: {  	(tag) =	ssettag $0x0;
	lr =	simm.s32 $0x1  }
0x2: {  	[smem:$0x3F99] =	sst lr;
	_ =	strace $0xD0000000  }
0x3: {  	_ = 	snop  }
0x4: {  	_ = 	snop  }
0x5: {  	_ = 	snop  }
0x6: {  	_ = 	snop  }
0x7: {  	_ = 	snop  }
__scs_overlays_trampoline_lowered:
0x8: {  	[smem:$0x3FA8] =	sst s0  }
0x9: {  	[smem:$0x3FA9] =	sst s1  }
0xa: {  	[smem:$0x3FAA] =	sst s2  }
0xb: {  	[smem:$0x3FAB] =	sst s3  }
0xc: {  	[smem:$0x3FAC] =	sst s4  }
0xd: {  	[smem:$0x3FAD] =	sst s5  }
0xe: {  	[smem:$0x3FAE] =	sst s6  }
0xf: {  	[smem:$0x3FAF] =	sst s7  }
0x10: {  	[smem:$0x3FB0] =	sst s8  }
0x11: {  	[smem:$0x3FB1] =	sst s9;
	s0 =	simm.s32 @!p0 $0x0  }
0x12: {  	s1 =	sld [smem:$0x3F97];
	s0 =	simm.s32 @p0 $0x1  }
0x13: {  	[smem:$0x3FB2] =	sst s0;
	s0 =	simm.s32 @!p1 $0x0  }
0x14: {  	s2 =	sld [smem:$0x3F96];
	s0 =	simm.s32 @p1 $0x1  }
0x15: {  	[smem:$0x3FB3] =	sst s0;
	s0 =	simm.s32 @!p2 $0x0  }
0x16: {  	s3 =	sld [smem:$0x3FDB];
	s0 =	simm.s32 @p2 $0x1  }
0x17: {  	s4 =	simm.s32 $0x1BF5;
	[smem:$0x3FB5] =	sst s0  }
0x18: {  	s0 =	sld [smem:$0x3F98];
	_ =	swait.ge [sflag:s4], $0x0  }
0x19: {  	s7 =	sld [smem:$0x3F99]  }
0x1a: {  	s8 =	sadd.s32 $0xFFFFE003, lr  }
0x1b: {  	s9 =	sadd.s32 $0xFFFFFEF7, lr;
	s5 =	simm.s32 $0xFFFFFFFF;
	p2 =	slt.u32 s8, $0xFFFFF086  }
0x1c: {  	p1 =	slt.u32 s9, $0xF7A;
	s5 =	simm.s32 @!p2 $0x0  }
0x1d: {  	s5 =	simm.s32 @p1 $0x1;
	p0 =	seq.s32 s7, s2  }
0x1e: {  	s7 =	smul.u32 @!p0 $0xF7A, s2;
	p2 =	seq.s32 @!p0 s5, $0x0  }
0x1f: {  	s9 =	smul.u32 $0xF7A, s1;
	s8 =	simm.s32 @!p0 $0x1BF5;
	p2 =	por !p2, p0  }
0x20: {  	[sflag:s8] =	ssyncset.s32 @!p0 $0xFFFFF086;
	s6 =	sadd.s32 @!p0 s3, s7;
	s7 =	simm.s32 @!p0 $0x108  }
0x21: {  	s3 =	sadd.s32 s3, s9;
	s6 =	sadd.s32 @!p0 $0x88, s6;
	s7 =	simm.s32 @p2 $0x1082  }
0x22: {  	[simem:s7], [sflag:s8] =	dma.local @!p0 [hbm:s6], $0xF7A  }
0x23: {  	s9 =	sor.u32 $0xD0000000, s2;
	s6 =	simm.s32 $0x108;
	_ =	swait.ge @!p0 [sflag:s8], $0x0  }
0x24: {  	s3 =	sadd.s32 $0x88, s3;
	s6 =	simm.s32 @!p1 $0x1082;
	[sflag:s4] =	ssyncset.s32 $0xFFFFF086  }
0x25: {  	[simem:s6], [sflag:s4] =	dma.local [hbm:s3], $0xF7A  }
0x26: {  	[smem:$0x3F99] =	sst s1;
	(tag) =	ssettag s2;
	_ =	strace s9  }
0x27: {  	s1 =	sld [smem:$0x3FA9]  }
0x28: {  	s2 =	sld [smem:$0x3FAA]  }
0x29: {  	s4 =	sld [smem:$0x3FAC]  }
0x2a: {  	p0 =	seq.s32 s5, $0x0;
	s5 =	sld [smem:$0x3FAD]  }
0x2b: {  	s6 =	sld [smem:$0x3FAE]  }
0x2c: {  	s7 =	sld [smem:$0x3FAF]  }
0x2d: {  	s3 =	simm.s32 $0x108;
	s8 =	sld [smem:$0x3FB0]  }
0x2e: {  	s3 =	simm.s32 @!p0 $0x1082;
	s9 =	sld [smem:$0x3FB1]  }
0x2f: {  	lr =	sadd.s32 s0, s3;
	s0 =	sld [smem:$0x3FA8]  }
0x30: {  	s3 =	sld [smem:$0x3FAB]  }
0x31: {  	[smem:$0x3FB4] =	sst s10  }
0x32: {  	s10 =	sld [smem:$0x3FB2];
	_ =	sdelay $0x3  }
0x33: {  	p0 =	seq.s32 s10, $0x1;
	s10 =	sld [smem:$0x3FB4];
	_ =	sdelay $0x3  }
0x34: {  	[smem:$0x3FB4] =	sst s10  }
0x35: {  	s10 =	sld [smem:$0x3FB3];
	_ =	sdelay $0x3  }
0x36: {  	p1 =	seq.s32 s10, $0x1;
	s10 =	sld [smem:$0x3FB4];
	_ =	sdelay $0x3  }
0x37: {  	[smem:$0x3FB4] =	sst s10  }
0x38: {  	s10 =	sld [smem:$0x3FB5]  }
0x39: {  	_ = 	snop;
	(pc) =	sbr.ind lr, $3  }
0x3a: {  	_ = 	snop  }
0x3b: {  	_ = 	snop  }
0x3c: {  	p2 =	seq.s32 s10, $0x1;
	s10 =	sld [smem:$0x3FB4]  }
0x3d: {  	_ =	shalt  }
0x3e: {  	_ =	shalt  }
0x3f: {  	_ =	shalt  }
0x40: {  	_ =	shalt  }
0x41: {  	_ =	shalt  }
0x42: {  	_ =	shalt  }
0x43: {  	_ =	shalt  }
0x44: {  	_ =	shalt  }
0x45: {  	_ =	shalt  }
0x46: {  	_ =	shalt  }
0x47: {  	_ =	shalt  }
0x48: {  	_ =	shalt  }
0x49: {  	_ =	shalt  }
0x4a: {  	_ =	shalt  }
0x4b: {  	_ =	shalt  }
0x4c: {  	_ =	shalt  }
0x4d: {  	_ =	shalt  }
0x4e: {  	_ =	shalt  }
0x4f: {  	_ =	shalt  }
0x50: {  	_ =	shalt  }
0x51: {  	_ =	shalt  }
0x52: {  	_ =	shalt  }
0x53: {  	_ =	shalt  }
0x54: {  	_ =	shalt  }
0x55: {  	_ =	shalt  }
0x56: {  	_ =	shalt  }
0x57: {  	_ =	shalt  }
0x58: {  	_ =	shalt  }
0x59: {  	_ =	shalt  }
0x5a: {  	_ =	shalt  }
0x5b: {  	_ =	shalt  }
0x5c: {  	_ =	shalt  }
0x5d: {  	_ =	shalt  }
0x5e: {  	_ =	shalt  }
0x5f: {  	_ =	shalt  }
0x60: {  	_ =	shalt  }
0x61: {  	_ =	shalt  }
0x62: {  	_ =	shalt  }
0x63: {  	_ =	shalt  }
0x64: {  	_ =	shalt  }
0x65: {  	_ =	shalt  }
0x66: {  	_ =	shalt  }
0x67: {  	_ =	shalt  }
0x68: {  	_ =	shalt  }
0x69: {  	_ =	shalt  }
0x6a: {  	_ =	shalt  }
0x6b: {  	_ =	shalt  }
0x6c: {  	_ =	shalt  }
0x6d: {  	_ =	shalt  }
0x6e: {  	_ =	shalt  }
0x6f: {  	_ =	shalt  }
0x70: {  	_ =	shalt  }
0x71: {  	_ =	shalt  }
0x72: {  	_ =	shalt  }
0x73: {  	_ =	shalt  }
0x74: {  	_ =	shalt  }
0x75: {  	_ =	shalt  }
0x76: {  	_ =	shalt  }
0x77: {  	_ =	shalt  }
0x78: {  	_ =	shalt  }
0x79: {  	_ =	shalt  }
0x7a: {  	_ =	shalt  }
0x7b: {  	_ =	shalt  }
0x7c: {  	_ =	shalt  }
0x7d: {  	_ =	shalt  }
0x7e: {  	_ =	shalt  }
0x7f: {  	_ =	shalt  }
0x80: {  	_ =	shalt  }
0x81: {  	_ =	shalt  }
0x82: {  	_ =	shalt  }
0x83: {  	_ =	shalt  }
0x84: {  	_ =	shalt  }
0x85: {  	_ =	shalt  }
0x86: {  	_ =	shalt  }
0x87: {  	_ =	shalt  }
.Lfunc_end0:
.L_simem_size_0:
called_computation.2_lowered:
.L_overlay_start_0:
0x88: {  	s2 =	sld [smem:$0x3FD9]  }
0x89: {  	s3 =	sld [smem:$0x3FFE];
	_ =	sdelay $0x1  }
0x8a: {  	s1 =	srdreg.scid  }
0x8b: {  	s0 =	sand.u32 $0x1, s1  }
0x8c: {  	s17 =	sshll.u32 s0, $0xA;
	s2 =	sadd.s32 s3, s2  }
0x8d: {  	s2 =	sadd.s32 s2, s17  }
0x8e: {  	[smem:$0x3FC0] =	sst s2  }
0x8f: {  	_ = 	snop  }
0x90: {  	s2 =	sld [smem:$0x3FD0];
	(tm) =	ssettm $0x1  }
0x91: {  	s18 =	sld [smem:$0x3FFB];
	_ =	sdelay $0x3  }
0x92: {  	_ =	strace s18  }
0x93: {  	s3 =	sld [smem:$0x3FFC];
	_ =	sdelay $0x3  }
0x94: {  	_ =	strace s3  }
0x95: {  	s3 =	sld [smem:$0x3FFD];
	_ =	sdelay $0x3  }
0x96: {  	_ =	strace s3  }
0x97: {  	_ =	strace $0x8FFFFFFF  }
0x98: {  	s19 =	sld [smem:$0x3FDB];
	_ =	sdelay $0x1  }
0x99: {  	s4 =	simm.s32 $_scs_section_size  }
0x9a: {  	s5 =	simm.s32 $_size__tile_overlayer_lowered;
	s6 =	simm.s32 $_tile_overlayer_lowered  }
0x9b: {  	s22 =	simm.s32 $0x1BFF;
	s21 =	sshll.u32 s6, $0x1;
	s3 =	sadd.s32 s4, s19  }
0x9c: {  	s7 =	simm.s32 $0x0;
	s20 =	sshll.u32 s5, $0x1;
	s5 =	sadd.s32 s21, s3  }
0x9d: {  	[timem:s7], [sflag:s22] =	dma.local [hbm:s5], s20  }
0x9e: {  	_ =	swait.ge [sflag:s22], s20  }
0x9f: {  	s4 =	ssub.s32 $0x0, s20;
	[sflag:s22] =	ssyncset.done $0x0  }
0xa0: {  	[sflag:s22] =	ssyncadd.s32 s4;
	_ =	sdelay $0x1  }
0xa1: {  	s23 =	simm.s32 $0x1B8B  }
0xa2: {  	_ =	swait.ge [sflag:s23], $0x1  }
0xa3: {  	[sflag:s23] =	ssyncset.done $0x0  }
0xa4: {  	s25 =	simm.s32 $0x1B8E;
	s24 =	sld [smem:$0x3FFE];
	[sflag:s23] =	ssyncadd.s32 $0xFFFFFFFF  }
0xa5: {  	s26 =	simm.s32 $execute0_lowered;
	[smem:$0x3FD2] =	sst s25  }
0xa6: {  	s5 =	sshll.u32 s26, $0x1;
	_ =	strace $0x8000004C;
	[dreg:$0x1] =	wrdreg $0xFFFFFFFF  }
0xa7: {  	s28 =	simm.s32 $_size_execute0_lowered;
	s3 =	sadd.s32 s3, s5;
	[dreg:$0x0] =	wrdreg $0x0  }
0xa8: {  	s5 =	sshll.u32 s28, $0x1;
	[dreg:$0x2] =	wrdreg s3  }
0xa9: {  	[dreg:$0x3] =	wrdreg s5  }
0xaa: {  	[dreg:$0x4] =	wrdreg $0xC0  }
0xab: {  	_ =	task [dreg:s7], $0x5FFFF  }
0xac: {  	[dreg:$0x1] =	wrdreg $0xFFFFFFFF  }
0xad: {  	[dreg:$0x0] =	wrdreg $0x60  }
0xae: {  	[dreg:$0x2] =	wrdreg s24  }
0xaf: {  	[dreg:$0x3] =	wrdreg s2  }
0xb0: {  	[dreg:$0x4] =	wrdreg $0xFF000  }
0xb1: {  	[dreg:$0x5] =	wrdreg $0x9  }
0xb2: {  	_ =	task.clear_ibuf [dreg:s7], $0x6FFFF;
	_ =	strace $0x9000004C  }
0xb3: {  	s29 =	simm.s32 $0x9;
	_ =	strace $0x8000004E  }
0xb4: {  	_ =	swait.ge [sflag:s29], $0x1  }
0xb5: {  	[sflag:s29] =	ssyncadd.s32 $0xFFFFFFFF  }
0xb6: {  	_ =	strace $0x9000004E  }
0xb7: {  	_ =	sfence  }
0xb8: {  	s30 =	sld [smem:$0x0];
	_ =	sdelay $0x2  }
0xb9: {  	s31 =	sshll.u32 s1, $0xD;
	s1 =	sshrl.u32 s1, $0x2  }
0xba: {  	s3 =	sand.u32 $0x4000, s31;
	s1 =	sadd.s32 s1, s30  }
0xbb: {  	s0 =	sor.u32 s3, s0;
	s1 =	sshll.u32 s1, $0x11  }
0xbc: {  	s0 =	sor.u32 s1, s0  }
0xbd: {  	s0 =	sadd.s32 $0x8F2B, s0  }
0xbe: {  	[sflag:s0] =	ssyncadd.remote.s32 $0x1  }
0xbf: {  	_ =	sfence.sel $0xFFFF  }
0xc0: {  	[dreg:$0x0] =	wrdreg $0xFFFFFFFF;
	(pc) =	sbr.abs _section_cstart, $3  }
0xc1: {  	[dreg:$0x1] =	wrdreg $0xFFFFFFFF  }
0xc2: {  	_ =	task.clear_ibuf [dreg:s7], $0x2FFFF;
	_ =	strace $0x9FFFFFFF  }
0xc3: {  	(tm) =	ssettm $0x7FFFFFFF  }
tec
execute0_lowered:
.L_overlay_start_1:
0x0: {  	(tag) =	ssettag $0x1  }
0x1: {  	s0 =	rddreg [dreg:$0x0]  }
0x2: {  	s1 =	rddreg [dreg:$0x1]  }
0x3: {  	s2 =	rddreg [dreg:$0x2];
	s3 =	simm.s32 $0x0  }
0x4: {  	s15 =	stileid.u32;
	s5 =	srdreg.scid;
	s13 =	simm.s32 $0x7  }
0x5: {  	s14 =	simm.s32 $0x4F80;
	s17 =	simm.s32 $0x80;
	s28 =	simm.s32 $0x3  }
0x6: {  	s29 =	simm.s32 $0x5080;
	s30 =	simm.s32 $0x5;
	s31 =	simm.s32 $0x200  }
0x7: {  	[smem:$0x7FF] =	sst s3;
	s4 =	smul.u32 $0x9F0, s15;
	s6 =	sadd.s32 $0xFB600, s0  }
0x8: {  	s5 =	sand.u32 $0x1, s5;
	s9 =	smul.u32 $0xA000, s15;
	s26 =	sshll.u32 s15, $0x6  }
0x9: {  	_ =	strace $0x8000004D;
	s8 =	ssub.s32 $0x2, s5;
	s5 =	smul.u32 $0x140000, s5  }
0xa: {  	s15 =	sor.u32 $0x1C07, s26;
	s26 =	simm.s32 $0x180;
	s7 =	sadd.s32 s4, s0  }
0xb: {  	s0 =	sadd.s32 $0xD400, s0;
	s10 =	sshrl.u32 s8, $0x1;
	s1 =	sadd.s32 s1, s4  }
0xc: {  	s19 =	sadd.s32 s9, s2;
	s12 =	ssub.s32 s8, s10;
	[dreg:$0x4] =	wrdreg s1  }
0xd: {  	s18 =	sadd.s32 $0x3400, s7;
	s20 =	sadd.s32 s9, s5;
	s21 =	sadd.s32 $0xA0000, s5  }
0xe: {  	s5 =	sshrl.u32 s5, $0x3;
	s16 =	sshrl.u32 s19, $0x3;
	s19 =	simm.s32 $0xBF00  }
0xf: {  	s1 =	simm.s32 $0x0;
	[dreg:$0x5] =	wrdreg s18;
	s4 =	sshrl.u32 s20, $0x3  }
0x10: {  	s22 =	sadd.s32 s9, s21;
	s7 =	sadd.s32 s6, s5;
	s25 =	sshrl.u32 s21, $0x3  }
0x11: {  	s12 =	smax.u32 s12, $0x1;
	s18 =	simm.s32 $0x9F00;
	s20 =	simm.s32 $0x1  }
.Ltmp0:
0x12: {  	s21 =	simm.s32 $0x100;
	s23 =	sadd.s32 s6, s4;
	(pc) =	sbr.rel .LBB2_1-.Ltmp0, $4  }
0x13: {  	s24 =	sshrl.u32 s22, $0x3;
	s4 =	sadd.s32 s0, s4;
	s10 =	sadd.s32 s6, s25  }
0x14: {  	s22 =	simm.s32 $0xDF00;
	s25 =	simm.s32 $0x4;
	[dreg:$0x6] =	wrdreg s23  }
0x15: {  	[dreg:$0x7] =	wrdreg s4;
	s9 =	sadd.s32 s6, s24;
	s11 =	sadd.s32 s0, s24  }
0x16: {  	s23 =	simm.s32 $0x2;
	s24 =	simm.s32 $0x5000;
	s0 =	simm.s32 $0x6  }
.LBB2_7:
0x17: {  	_ =	swait.ge [sflag:s28], $0x2000  }
0x18: {  	[sflag:s28] =	ssyncset.done $0x0  }
0x19: {  	[sflag:s28] =	ssyncadd.s32 $0xFFFFE000  }
0x1a: {  	[spmem:s2] =	stream.indirect.scatter.add.f32 [tilespmem:s22], [sflag:$0x6], $0x40, s6, s17, $0xb8;
	[tilespmem:$0x19F00] =	vst v63  }
0x1b: {  	_ =	swait.ge [sflag:s30], $0x2000  }
0x1c: {  	[sflag:s30] =	ssyncset.done $0x0  }
0x1d: {  	[sflag:s30] =	ssyncadd.s32 $0xFFFFE000  }
0x1e: {  	_ =	swait.ge [sflag:s0], $0x2000  }
0x1f: {  	s1 =	sadd.s32 $0x1, s1;
	[sflag:s0] =	ssyncset.done $0x0  }
0x20: {  	p0 =	sne.s32 s1, s12;
	[sflag:s0] =	ssyncadd.s32 $0xFFFFE000  }
.Ltmp1:
0x21: {  	[bflag:$0x0] =	sbarrier.arrive $0xFFFF;
	(pc) =	sbr.rel @!p0 .LBB2_8-.Ltmp1, $4  }
0x22: {  	[hbm:s11], [sflag:s15] =	dma.local [spmem:s16], $0x1400  }
0x23: {  	_ =	swait.ge [sflag:s13], $0x1400  }
0x24: {  	[sflag:s13] =	ssyncset.done $0x0  }
0x25: {  	[sflag:s13] =	ssyncadd.s32 $0xFFFFEC00  }
.LBB2_1:
0x26: {  	s4 =	rddreg [dreg:$0x4]  }
0x27: {  	[tilespmem:s3], [sflag:$0x7] =	stream.linear.gather [hbm4b:s4+s3], $0x4F80, $0x38;
	[tilespmem:$0x19F00] =	vst v63  }
0x28: {  	_ =	swait.ge [sflag:s13], $0x4F80  }
0x29: {  	[sflag:s13] =	ssyncset.done $0x0  }
0x2a: {  	s6 =	rddreg [dreg:$0x5];
	[sflag:s13] =	ssyncadd.s32 $0xFFFFB080  }
0x2b: {  	[tilespmem:s14], [sflag:$0x7] =	stream.linear.gather [hbm4b:s6+s3], $0x4F80, $0x38;
	[tilespmem:$0x19F00] =	vst v63  }
0x2c: {  	_ =	swait.ge [sflag:s13], $0x4F80  }
0x2d: {  	[sflag:s13] =	ssyncset.done $0x0  }
0x2e: {  	s8 =	rddreg [dreg:$0x6];
	[sflag:s13] =	ssyncadd.s32 $0xFFFFB080  }
0x2f: {  	[spmem:s16], [sflag:s15] =	dma.local [hbm:s8], $0x1400  }
0x30: {  	_ =	swait.ge [sflag:s13], $0x1400  }
0x31: {  	[sflag:s13] =	ssyncset.done $0x0  }
0x32: {  	[sflag:s13] =	ssyncadd.s32 $0xFFFFEC00  }
0x33: {  	[bflag:$0x0] =	sbarrier.arrive $0xFFFF  }
0x34: {  	[tilespmem:s18], [sflag:$0x1] =	stream.indirect.gather [hbm4b:s7+s17], $0x40, s3, s17, $0xb8;
	[tilespmem:$0x19F00] =	vst v63  }
0x35: {  	_ = 	snop  }
0x36: {  	[tilespmem:s19], [sflag:$0x2] =	stream.indirect.gather [hbm4b:s7+s17], $0x40, s17, s17, $0xb8;
	[tilespmem:$0x19F00] =	vst v63  }
0x37: {  	_ =	swait.ge [sflag:s20], $0x2000  }
0x38: {  	[sflag:s20] =	ssyncset.done $0x0  }
0x39: {  	[sflag:s20] =	ssyncadd.s32 $0xFFFFE000  }
0x3a: {  	[spmem:s2] =	stream.indirect.scatter.add.f32 [tilespmem:s18], [sflag:$0x4], $0x40, s14, s17, $0xb8;
	[tilespmem:$0x19F00] =	vst v63  }
0x3b: {  	_ = 	snop  }
0x3c: {  	[tilespmem:s22], [sflag:$0x3] =	stream.indirect.gather [hbm4b:s7+s17], $0x40, s21, s17, $0xb8;
	[tilespmem:$0x19F00] =	vst v63  }
0x3d: {  	_ =	swait.ge [sflag:s23], $0x2000  }
0x3e: {  	[sflag:s23] =	ssyncset.done $0x0  }
0x3f: {  	[sflag:s23] =	ssyncadd.s32 $0xFFFFE000  }
0x40: {  	[spmem:s2] =	stream.indirect.scatter.add.f32 [tilespmem:s19], [sflag:$0x5], $0x40, s24, s17, $0xb8;
	[tilespmem:$0x19F00] =	vst v63  }
0x41: {  	_ =	swait.ge [sflag:s25], $0x2000  }
0x42: {  	[sflag:s25] =	ssyncset.done $0x0  }
0x43: {  	[sflag:s25] =	ssyncadd.s32 $0xFFFFE000  }
0x44: {  	[tilespmem:s18], [sflag:$0x1] =	stream.indirect.gather [hbm4b:s7+s17], $0x40, s26, s17, $0xb8;
	[tilespmem:$0x19F00] =	vst v63  }
0x45: {  	_ =	swait.ge [sflag:s28], $0x2000  }
0x46: {  	[sflag:s28] =	ssyncset.done $0x0  }
0x47: {  	[sflag:s28] =	ssyncadd.s32 $0xFFFFE000  }
0x48: {  	[spmem:s2] =	stream.indirect.scatter.add.f32 [tilespmem:s22], [sflag:$0x6], $0x40, s29, s17, $0xb8;
	[tilespmem:$0x19F00] =	vst v63  }
0x49: {  	_ =	swait.ge [sflag:s30], $0x2000  }
0x4a: {  	[sflag:s30] =	ssyncset.done $0x0  }
0x4b: {  	s4 =	simm.s32 $0x0;
	[sflag:s30] =	ssyncadd.s32 $0xFFFFE000  }
0x4c: {  	[tilespmem:s19], [sflag:$0x2] =	stream.indirect.gather [hbm4b:s7+s17], $0x40, s31, s17, $0xb8;
	[tilespmem:$0x19F00] =	vst v63  }
.LBB2_2:
0x4d: {  	_ =	swait.ge [sflag:s20], $0x2000  }
0x4e: {  	s5 =	sshra.s32 s4, $0x2;
	[sflag:s20] =	ssyncset.done $0x0  }
0x4f: {  	s6 =	sadd.s32 $0x5100, s5;
	[sflag:s20] =	ssyncadd.s32 $0xFFFFE000  }
0x50: {  	[spmem:s2] =	stream.indirect.scatter.add.f32 [tilespmem:s18], [sflag:$0x4], $0x40, s6, s17, $0xb8;
	[tilespmem:$0x19F00] =	vst v63  }
0x51: {  	_ =	swait.ge [sflag:s0], $0x2000  }
0x52: {  	[sflag:s0] =	ssyncset.done $0x0  }
0x53: {  	s8 =	sadd.s32 $0x280, s5;
	[sflag:s0] =	ssyncadd.s32 $0xFFFFE000  }
0x54: {  	[tilespmem:s22], [sflag:$0x3] =	stream.indirect.gather [hbm4b:s7+s17], $0x40, s8, s17, $0xb8;
	[tilespmem:$0x19F00] =	vst v63  }
0x55: {  	_ =	swait.ge [sflag:s23], $0x2000  }
0x56: {  	p0 =	seq.s32 s4, $0x13200;
	[sflag:s23] =	ssyncset.done $0x0  }
.Ltmp2:
0x57: {  	s8 =	sadd.s32 $0x5180, s5;
	[sflag:s23] =	ssyncadd.s32 $0xFFFFE000;
	(pc) =	sbr.rel @p0 .LBB2_4-.Ltmp2, $4  }
0x58: {  	[spmem:s2] =	stream.indirect.scatter.add.f32 [tilespmem:s19], [sflag:$0x5], $0x40, s8, s17, $0xb8;
	[tilespmem:$0x19F00] =	vst v63  }
0x59: {  	_ =	swait.ge [sflag:s25], $0x2000  }
0x5a: {  	[sflag:s25] =	ssyncset.done $0x0  }
0x5b: {  	s6 =	sadd.s32 $0x5200, s5;
	[sflag:s25] =	ssyncadd.s32 $0xFFFFE000  }
0x5c: {  	s8 =	sadd.s32 $0x300, s5  }
0x5d: {  	[tilespmem:s18], [sflag:$0x1] =	stream.indirect.gather [hbm4b:s7+s17], $0x40, s8, s17, $0xb8;
	[tilespmem:$0x19F00] =	vst v63  }
0x5e: {  	_ =	swait.ge [sflag:s28], $0x2000  }
0x5f: {  	[sflag:s28] =	ssyncset.done $0x0  }
0x60: {  	[sflag:s28] =	ssyncadd.s32 $0xFFFFE000  }
0x61: {  	[spmem:s2] =	stream.indirect.scatter.add.f32 [tilespmem:s22], [sflag:$0x6], $0x40, s6, s17, $0xb8;
	[tilespmem:$0x19F00] =	vst v63  }
.Ltmp3:
0x62: {  	_ = 	snop;
	(pc) =	sbr.rel .LBB2_2-.Ltmp3, $4  }
0x63: {  	_ =	swait.ge [sflag:s30], $0x2000  }
0x64: {  	[sflag:s30] =	ssyncset.done $0x0  }
0x65: {  	s4 =	sadd.s32 $0x600, s4;
	s8 =	sadd.s32 $0x380, s5;
	[sflag:s30] =	ssyncadd.s32 $0xFFFFE000  }
0x66: {  	[tilespmem:s19], [sflag:$0x2] =	stream.indirect.gather [hbm4b:s7+s17], $0x40, s8, s17, $0xb8;
	[tilespmem:$0x19F00] =	vst v63  }
.LBB2_4:
0x67: {  	_ =	swait.ge [sflag:s28], $0x2000  }
0x68: {  	[sflag:s28] =	ssyncset.done $0x0  }
0x69: {  	[sflag:s28] =	ssyncadd.s32 $0xFFFFE000  }
0x6a: {  	[spmem:s2] =	stream.indirect.scatter.add.f32 [tilespmem:s22], [sflag:$0x6], $0x40, s6, s17, $0xb8;
	[tilespmem:$0x19F00] =	vst v63  }
0x6b: {  	_ =	swait.ge [sflag:s30], $0x2000  }
0x6c: {  	[sflag:s30] =	ssyncset.done $0x0  }
0x6d: {  	[sflag:s30] =	ssyncadd.s32 $0xFFFFE000  }
0x6e: {  	_ =	swait.ge [sflag:s0], $0x2000  }
0x6f: {  	[sflag:s0] =	ssyncset.done $0x0  }
0x70: {  	[sflag:s0] =	ssyncadd.s32 $0xFFFFE000  }
0x71: {  	[bflag:$0x0] =	sbarrier.arrive $0xFFFF  }
0x72: {  	s4 =	rddreg [dreg:$0x7]  }
0x73: {  	[hbm:s4], [sflag:s15] =	dma.local [spmem:s16], $0x1400  }
0x74: {  	_ =	swait.ge [sflag:s13], $0x1400  }
0x75: {  	[sflag:s13] =	ssyncset.done $0x0  }
0x76: {  	[sflag:s13] =	ssyncadd.s32 $0xFFFFEC00  }
0x77: {  	[spmem:s16], [sflag:s15] =	dma.local [hbm:s9], $0x1400  }
0x78: {  	_ =	swait.ge [sflag:s13], $0x1400  }
0x79: {  	[sflag:s13] =	ssyncset.done $0x0  }
0x7a: {  	[sflag:s13] =	ssyncadd.s32 $0xFFFFEC00  }
0x7b: {  	s4 =	simm.s32 $0x0;
	[bflag:$0x0] =	sbarrier.arrive $0xFFFF  }
0x7c: {  	[tilespmem:s18], [sflag:$0x1] =	stream.indirect.gather [hbm4b:s10+s17], $0x40, s4, s17, $0xb8;
	[tilespmem:$0x19F00] =	vst v63  }
0x7d: {  	_ = 	snop  }
0x7e: {  	[tilespmem:s19], [sflag:$0x2] =	stream.indirect.gather [hbm4b:s10+s17], $0x40, s17, s17, $0xb8;
	[tilespmem:$0x19F00] =	vst v63  }
0x7f: {  	_ =	swait.ge [sflag:s20], $0x2000  }
0x80: {  	[sflag:s20] =	ssyncset.done $0x0  }
0x81: {  	[sflag:s20] =	ssyncadd.s32 $0xFFFFE000  }
0x82: {  	[spmem:s2] =	stream.indirect.scatter.add.f32 [tilespmem:s18], [sflag:$0x4], $0x40, s14, s17, $0xb8;
	[tilespmem:$0x19F00] =	vst v63  }
0x83: {  	_ = 	snop  }
0x84: {  	[tilespmem:s22], [sflag:$0x3] =	stream.indirect.gather [hbm4b:s10+s17], $0x40, s21, s17, $0xb8;
	[tilespmem:$0x19F00] =	vst v63  }
0x85: {  	_ =	swait.ge [sflag:s23], $0x2000  }
0x86: {  	[sflag:s23] =	ssyncset.done $0x0  }
0x87: {  	[sflag:s23] =	ssyncadd.s32 $0xFFFFE000  }
0x88: {  	[spmem:s2] =	stream.indirect.scatter.add.f32 [tilespmem:s19], [sflag:$0x5], $0x40, s24, s17, $0xb8;
	[tilespmem:$0x19F00] =	vst v63  }
0x89: {  	_ =	swait.ge [sflag:s25], $0x2000  }
0x8a: {  	[sflag:s25] =	ssyncset.done $0x0  }
0x8b: {  	[sflag:s25] =	ssyncadd.s32 $0xFFFFE000  }
0x8c: {  	[tilespmem:s18], [sflag:$0x1] =	stream.indirect.gather [hbm4b:s10+s17], $0x40, s26, s17, $0xb8;
	[tilespmem:$0x19F00] =	vst v63  }
0x8d: {  	_ =	swait.ge [sflag:s28], $0x2000  }
0x8e: {  	[sflag:s28] =	ssyncset.done $0x0  }
0x8f: {  	[sflag:s28] =	ssyncadd.s32 $0xFFFFE000  }
0x90: {  	[spmem:s2] =	stream.indirect.scatter.add.f32 [tilespmem:s22], [sflag:$0x6], $0x40, s29, s17, $0xb8;
	[tilespmem:$0x19F00] =	vst v63  }
0x91: {  	_ =	swait.ge [sflag:s30], $0x2000  }
0x92: {  	[sflag:s30] =	ssyncset.done $0x0  }
0x93: {  	[sflag:s30] =	ssyncadd.s32 $0xFFFFE000  }
0x94: {  	[tilespmem:s19], [sflag:$0x2] =	stream.indirect.gather [hbm4b:s10+s17], $0x40, s31, s17, $0xb8;
	[tilespmem:$0x19F00] =	vst v63  }
.LBB2_5:
0x95: {  	_ =	swait.ge [sflag:s20], $0x2000  }
0x96: {  	s5 =	sshra.s32 s4, $0x2;
	[sflag:s20] =	ssyncset.done $0x0  }
0x97: {  	s6 =	sadd.s32 $0x5100, s5;
	[sflag:s20] =	ssyncadd.s32 $0xFFFFE000  }
0x98: {  	[spmem:s2] =	stream.indirect.scatter.add.f32 [tilespmem:s18], [sflag:$0x4], $0x40, s6, s17, $0xb8;
	[tilespmem:$0x19F00] =	vst v63  }
0x99: {  	_ =	swait.ge [sflag:s0], $0x2000  }
0x9a: {  	[sflag:s0] =	ssyncset.done $0x0  }
0x9b: {  	s8 =	sadd.s32 $0x280, s5;
	[sflag:s0] =	ssyncadd.s32 $0xFFFFE000  }
0x9c: {  	[tilespmem:s22], [sflag:$0x3] =	stream.indirect.gather [hbm4b:s10+s17], $0x40, s8, s17, $0xb8;
	[tilespmem:$0x19F00] =	vst v63  }
0x9d: {  	_ =	swait.ge [sflag:s23], $0x2000  }
0x9e: {  	p0 =	seq.s32 s4, $0x13200;
	[sflag:s23] =	ssyncset.done $0x0  }
.Ltmp4:
0x9f: {  	s8 =	sadd.s32 $0x5180, s5;
	[sflag:s23] =	ssyncadd.s32 $0xFFFFE000;
	(pc) =	sbr.rel @p0 .LBB2_7-.Ltmp4, $4  }
0xa0: {  	[spmem:s2] =	stream.indirect.scatter.add.f32 [tilespmem:s19], [sflag:$0x5], $0x40, s8, s17, $0xb8;
	[tilespmem:$0x19F00] =	vst v63  }
0xa1: {  	_ =	swait.ge [sflag:s25], $0x2000  }
0xa2: {  	[sflag:s25] =	ssyncset.done $0x0  }
0xa3: {  	s6 =	sadd.s32 $0x5200, s5;
	[sflag:s25] =	ssyncadd.s32 $0xFFFFE000  }
0xa4: {  	s8 =	sadd.s32 $0x300, s5  }
0xa5: {  	[tilespmem:s18], [sflag:$0x1] =	stream.indirect.gather [hbm4b:s10+s17], $0x40, s8, s17, $0xb8;
	[tilespmem:$0x19F00] =	vst v63  }
0xa6: {  	_ =	swait.ge [sflag:s28], $0x2000  }
0xa7: {  	[sflag:s28] =	ssyncset.done $0x0  }
0xa8: {  	[sflag:s28] =	ssyncadd.s32 $0xFFFFE000  }
0xa9: {  	[spmem:s2] =	stream.indirect.scatter.add.f32 [tilespmem:s22], [sflag:$0x6], $0x40, s6, s17, $0xb8;
	[tilespmem:$0x19F00] =	vst v63  }
.Ltmp5:
0xaa: {  	_ = 	snop;
	(pc) =	sbr.rel .LBB2_5-.Ltmp5, $4  }
0xab: {  	_ =	swait.ge [sflag:s30], $0x2000  }
0xac: {  	[sflag:s30] =	ssyncset.done $0x0  }
0xad: {  	s4 =	sadd.s32 $0x600, s4;
	s8 =	sadd.s32 $0x380, s5;
	[sflag:s30] =	ssyncadd.s32 $0xFFFFE000  }
0xae: {  	[tilespmem:s19], [sflag:$0x2] =	stream.indirect.gather [hbm4b:s10+s17], $0x40, s8, s17, $0xb8;
	[tilespmem:$0x19F00] =	vst v63  }
.LBB2_8:
0xaf: {  	_ =	sfence.sel $0x180000  }
0xb0: {  	[bflag:$0x0] =	sbarrier.arrive $0xFFFF  }
0xb1: {  	_ =	strace $0x9000004D  }
0xb2: {  	s0 =	stileid.u32;
	[bflag:$0x2] =	sbarrier.arrive $0xFFFF  }
0xb3: {  	p0 =	sne.s32 s0, $0x0;
	s0 =	rddreg [dreg:$0x3]  }
0xb4: {  	s0 =	sadd.s32 @!p0 $0x100000, s0  }
0xb5: {  	[sflag:s0] =	ssyncadd.tile.s32 @!p0 $0x1;
	_ =	shalt  }
.Lfunc_end2:
_tile_overlayer_lowered:
.L_overlay_start_2:
0xb6: {  	(tag) =	ssettag $0x2  }
0xb7: {  	s0 =	rddreg [dreg:$0x0];
	s2 =	stileid.u32  }
0xb8: {  	s1 =	rddreg [dreg:$0x1];
	p0 =	sne.s32 s2, $0x0  }
0xb9: {  	s3 =	rddreg [dreg:$0x2];
	[bflag:$0x3] =	sbarrier.arrive $0xFFFF;
	s2 =	simm.s32 @!p0 $0x1C07  }
0xba: {  	[timem:s3], [sflag:s2] =	dma.local @!p0 [hbm:s0], s1  }
0xbb: {  	s0 =	simm.s32 @!p0 $0x7  }
0xbc: {  	_ =	swait.ge @!p0 [sflag:s0], s1  }
0xbd: {  	s1 =	ssub.s32 @!p0 $0x0, s1;
	[sflag:s0] =	ssyncset.done @!p0 $0x0  }
0xbe: {  	[sflag:s0] =	ssyncadd.s32 @!p0 s1  }
0xbf: {  	[bflag:$0x3] =	sbarrier.arrive $0xFFFF  }
0xc0: {  	_ =	shalt  }

// kernel: kernel.21.cloned.1.call-start
scs
__scs_entry_jumppad:
0x0: {  	(pc) =	sbr.rel $0x88, $3  }
0x1: {  	(tag) =	ssettag $0x0;
	lr =	simm.s32 $0x1  }
0x2: {  	[smem:$0x3F99] =	sst lr;
	_ =	strace $0xD0000000  }
0x3: {  	_ = 	snop  }
0x4: {  	_ = 	snop  }
0x5: {  	_ = 	snop  }
0x6: {  	_ = 	snop  }
0x7: {  	_ = 	snop  }
__scs_overlays_trampoline_lowered:
0x8: {  	[smem:$0x3FA8] =	sst s0  }
0x9: {  	[smem:$0x3FA9] =	sst s1  }
0xa: {  	[smem:$0x3FAA] =	sst s2  }
0xb: {  	[smem:$0x3FAB] =	sst s3  }
0xc: {  	[smem:$0x3FAC] =	sst s4  }
0xd: {  	[smem:$0x3FAD] =	sst s5  }
0xe: {  	[smem:$0x3FAE] =	sst s6  }
0xf: {  	[smem:$0x3FAF] =	sst s7  }
0x10: {  	[smem:$0x3FB0] =	sst s8  }
0x11: {  	[smem:$0x3FB1] =	sst s9;
	s0 =	simm.s32 @!p0 $0x0  }
0x12: {  	s1 =	sld [smem:$0x3F97];
	s0 =	simm.s32 @p0 $0x1  }
0x13: {  	[smem:$0x3FB2] =	sst s0;
	s0 =	simm.s32 @!p1 $0x0  }
0x14: {  	s2 =	sld [smem:$0x3F96];
	s0 =	simm.s32 @p1 $0x1  }
0x15: {  	[smem:$0x3FB3] =	sst s0;
	s0 =	simm.s32 @!p2 $0x0  }
0x16: {  	s3 =	sld [smem:$0x3FDB];
	s0 =	simm.s32 @p2 $0x1  }
0x17: {  	s4 =	simm.s32 $0x1BF5;
	[smem:$0x3FB5] =	sst s0  }
0x18: {  	s0 =	sld [smem:$0x3F98];
	_ =	swait.ge [sflag:s4], $0x0  }
0x19: {  	s7 =	sld [smem:$0x3F99]  }
0x1a: {  	s8 =	sadd.s32 $0xFFFFE003, lr  }
0x1b: {  	s9 =	sadd.s32 $0xFFFFFEF7, lr;
	s5 =	simm.s32 $0xFFFFFFFF;
	p2 =	slt.u32 s8, $0xFFFFF086  }
0x1c: {  	p1 =	slt.u32 s9, $0xF7A;
	s5 =	simm.s32 @!p2 $0x0  }
0x1d: {  	s5 =	simm.s32 @p1 $0x1;
	p0 =	seq.s32 s7, s2  }
0x1e: {  	s7 =	smul.u32 @!p0 $0xF7A, s2;
	p2 =	seq.s32 @!p0 s5, $0x0  }
0x1f: {  	s9 =	smul.u32 $0xF7A, s1;
	s8 =	simm.s32 @!p0 $0x1BF5;
	p2 =	por !p2, p0  }
0x20: {  	[sflag:s8] =	ssyncset.s32 @!p0 $0xFFFFF086;
	s6 =	sadd.s32 @!p0 s3, s7;
	s7 =	simm.s32 @!p0 $0x108  }
0x21: {  	s3 =	sadd.s32 s3, s9;
	s6 =	sadd.s32 @!p0 $0x88, s6;
	s7 =	simm.s32 @p2 $0x1082  }
0x22: {  	[simem:s7], [sflag:s8] =	dma.local @!p0 [hbm:s6], $0xF7A  }
0x23: {  	s9 =	sor.u32 $0xD0000000, s2;
	s6 =	simm.s32 $0x108;
	_ =	swait.ge @!p0 [sflag:s8], $0x0  }
0x24: {  	s3 =	sadd.s32 $0x88, s3;
	s6 =	simm.s32 @!p1 $0x1082;
	[sflag:s4] =	ssyncset.s32 $0xFFFFF086  }
0x25: {  	[simem:s6], [sflag:s4] =	dma.local [hbm:s3], $0xF7A  }
0x26: {  	[smem:$0x3F99] =	sst s1;
	(tag) =	ssettag s2;
	_ =	strace s9  }
0x27: {  	s1 =	sld [smem:$0x3FA9]  }
0x28: {  	s2 =	sld [smem:$0x3FAA]  }
0x29: {  	s4 =	sld [smem:$0x3FAC]  }
0x2a: {  	p0 =	seq.s32 s5, $0x0;
	s5 =	sld [smem:$0x3FAD]  }
0x2b: {  	s6 =	sld [smem:$0x3FAE]  }
0x2c: {  	s7 =	sld [smem:$0x3FAF]  }
0x2d: {  	s3 =	simm.s32 $0x108;
	s8 =	sld [smem:$0x3FB0]  }
0x2e: {  	s3 =	simm.s32 @!p0 $0x1082;
	s9 =	sld [smem:$0x3FB1]  }
0x2f: {  	lr =	sadd.s32 s0, s3;
	s0 =	sld [smem:$0x3FA8]  }
0x30: {  	s3 =	sld [smem:$0x3FAB]  }
0x31: {  	[smem:$0x3FB4] =	sst s10  }
0x32: {  	s10 =	sld [smem:$0x3FB2];
	_ =	sdelay $0x3  }
0x33: {  	p0 =	seq.s32 s10, $0x1;
	s10 =	sld [smem:$0x3FB4];
	_ =	sdelay $0x3  }
0x34: {  	[smem:$0x3FB4] =	sst s10  }
0x35: {  	s10 =	sld [smem:$0x3FB3];
	_ =	sdelay $0x3  }
0x36: {  	p1 =	seq.s32 s10, $0x1;
	s10 =	sld [smem:$0x3FB4];
	_ =	sdelay $0x3  }
0x37: {  	[smem:$0x3FB4] =	sst s10  }
0x38: {  	s10 =	sld [smem:$0x3FB5]  }
0x39: {  	_ = 	snop;
	(pc) =	sbr.ind lr, $3  }
0x3a: {  	_ = 	snop  }
0x3b: {  	_ = 	snop  }
0x3c: {  	p2 =	seq.s32 s10, $0x1;
	s10 =	sld [smem:$0x3FB4]  }
0x3d: {  	_ =	shalt  }
0x3e: {  	_ =	shalt  }
0x3f: {  	_ =	shalt  }
0x40: {  	_ =	shalt  }
0x41: {  	_ =	shalt  }
0x42: {  	_ =	shalt  }
0x43: {  	_ =	shalt  }
0x44: {  	_ =	shalt  }
0x45: {  	_ =	shalt  }
0x46: {  	_ =	shalt  }
0x47: {  	_ =	shalt  }
0x48: {  	_ =	shalt  }
0x49: {  	_ =	shalt  }
0x4a: {  	_ =	shalt  }
0x4b: {  	_ =	shalt  }
0x4c: {  	_ =	shalt  }
0x4d: {  	_ =	shalt  }
0x4e: {  	_ =	shalt  }
0x4f: {  	_ =	shalt  }
0x50: {  	_ =	shalt  }
0x51: {  	_ =	shalt  }
0x52: {  	_ =	shalt  }
0x53: {  	_ =	shalt  }
0x54: {  	_ =	shalt  }
0x55: {  	_ =	shalt  }
0x56: {  	_ =	shalt  }
0x57: {  	_ =	shalt  }
0x58: {  	_ =	shalt  }
0x59: {  	_ =	shalt  }
0x5a: {  	_ =	shalt  }
0x5b: {  	_ =	shalt  }
0x5c: {  	_ =	shalt  }
0x5d: {  	_ =	shalt  }
0x5e: {  	_ =	shalt  }
0x5f: {  	_ =	shalt  }
0x60: {  	_ =	shalt  }
0x61: {  	_ =	shalt  }
0x62: {  	_ =	shalt  }
0x63: {  	_ =	shalt  }
0x64: {  	_ =	shalt  }
0x65: {  	_ =	shalt  }
0x66: {  	_ =	shalt  }
0x67: {  	_ =	shalt  }
0x68: {  	_ =	shalt  }
0x69: {  	_ =	shalt  }
0x6a: {  	_ =	shalt  }
0x6b: {  	_ =	shalt  }
0x6c: {  	_ =	shalt  }
0x6d: {  	_ =	shalt  }
0x6e: {  	_ =	shalt  }
0x6f: {  	_ =	shalt  }
0x70: {  	_ =	shalt  }
0x71: {  	_ =	shalt  }
0x72: {  	_ =	shalt  }
0x73: {  	_ =	shalt  }
0x74: {  	_ =	shalt  }
0x75: {  	_ =	shalt  }
0x76: {  	_ =	shalt  }
0x77: {  	_ =	shalt  }
0x78: {  	_ =	shalt  }
0x79: {  	_ =	shalt  }
0x7a: {  	_ =	shalt  }
0x7b: {  	_ =	shalt  }
0x7c: {  	_ =	shalt  }
0x7d: {  	_ =	shalt  }
0x7e: {  	_ =	shalt  }
0x7f: {  	_ =	shalt  }
0x80: {  	_ =	shalt  }
0x81: {  	_ =	shalt  }
0x82: {  	_ =	shalt  }
0x83: {  	_ =	shalt  }
0x84: {  	_ =	shalt  }
0x85: {  	_ =	shalt  }
0x86: {  	_ =	shalt  }
0x87: {  	_ =	shalt  }
.Lfunc_end0:
.L_simem_size_0:
called_computation.3_lowered:
.L_overlay_start_0:
0x88: {  	s2 =	sld [smem:$0x3FD9]  }
0x89: {  	s3 =	sld [smem:$0x3FFE];
	_ =	sdelay $0x1  }
0x8a: {  	s1 =	srdreg.scid  }
0x8b: {  	s0 =	sand.u32 $0x1, s1  }
0x8c: {  	s17 =	sshll.u32 s0, $0xA;
	s2 =	sadd.s32 s3, s2  }
0x8d: {  	s2 =	sadd.s32 s2, s17  }
0x8e: {  	[smem:$0x3FC0] =	sst s2  }
0x8f: {  	_ = 	snop  }
0x90: {  	s2 =	sld [smem:$0x3FD0];
	(tm) =	ssettm $0x1  }
0x91: {  	s18 =	sld [smem:$0x3FFB];
	_ =	sdelay $0x3  }
0x92: {  	_ =	strace s18  }
0x93: {  	s3 =	sld [smem:$0x3FFC];
	_ =	sdelay $0x3  }
0x94: {  	_ =	strace s3  }
0x95: {  	s3 =	sld [smem:$0x3FFD];
	_ =	sdelay $0x3  }
0x96: {  	_ =	strace s3  }
0x97: {  	_ =	strace $0x8FFFFFFF  }
0x98: {  	s19 =	sld [smem:$0x3FDB];
	_ =	sdelay $0x1  }
0x99: {  	s4 =	simm.s32 $_scs_section_size  }
0x9a: {  	s5 =	simm.s32 $_size__tile_overlayer_lowered;
	s6 =	simm.s32 $_tile_overlayer_lowered  }
0x9b: {  	s22 =	simm.s32 $0x1BFF;
	s21 =	sshll.u32 s6, $0x1;
	s3 =	sadd.s32 s4, s19  }
0x9c: {  	s7 =	simm.s32 $0x0;
	s20 =	sshll.u32 s5, $0x1;
	s5 =	sadd.s32 s21, s3  }
0x9d: {  	[timem:s7], [sflag:s22] =	dma.local [hbm:s5], s20  }
0x9e: {  	_ =	swait.ge [sflag:s22], s20  }
0x9f: {  	s4 =	ssub.s32 $0x0, s20;
	[sflag:s22] =	ssyncset.done $0x0  }
0xa0: {  	[sflag:s22] =	ssyncadd.s32 s4;
	_ =	sdelay $0x1  }
0xa1: {  	s23 =	simm.s32 $0x1B8B  }
0xa2: {  	_ =	swait.ge [sflag:s23], $0x1  }
0xa3: {  	[sflag:s23] =	ssyncset.done $0x0  }
0xa4: {  	s25 =	simm.s32 $0x1B8E;
	s24 =	sld [smem:$0x3FFE];
	[sflag:s23] =	ssyncadd.s32 $0xFFFFFFFF  }
0xa5: {  	s26 =	simm.s32 $execute0_lowered;
	[smem:$0x3FD2] =	sst s25  }
0xa6: {  	s5 =	sshll.u32 s26, $0x1;
	_ =	strace $0x8000004F;
	[dreg:$0x1] =	wrdreg $0xFFFFFFFF  }
0xa7: {  	s28 =	simm.s32 $_size_execute0_lowered;
	s3 =	sadd.s32 s3, s5;
	[dreg:$0x0] =	wrdreg $0x0  }
0xa8: {  	s5 =	sshll.u32 s28, $0x1;
	[dreg:$0x2] =	wrdreg s3  }
0xa9: {  	[dreg:$0x3] =	wrdreg s5  }
0xaa: {  	[dreg:$0x4] =	wrdreg $0xC0  }
0xab: {  	_ =	task [dreg:s7], $0x5FFFF  }
0xac: {  	[dreg:$0x1] =	wrdreg $0xFFFFFFFF  }
0xad: {  	[dreg:$0x0] =	wrdreg $0x60  }
0xae: {  	[dreg:$0x2] =	wrdreg s24  }
0xaf: {  	[dreg:$0x3] =	wrdreg s2  }
0xb0: {  	[dreg:$0x4] =	wrdreg $0xFF000  }
0xb1: {  	[dreg:$0x5] =	wrdreg $0x9  }
0xb2: {  	_ =	task.clear_ibuf [dreg:s7], $0x6FFFF;
	_ =	strace $0x9000004F  }
0xb3: {  	s29 =	simm.s32 $0x9;
	_ =	strace $0x80000051  }
0xb4: {  	_ =	swait.ge [sflag:s29], $0x1  }
0xb5: {  	[sflag:s29] =	ssyncadd.s32 $0xFFFFFFFF  }
0xb6: {  	_ =	strace $0x90000051  }
0xb7: {  	_ =	sfence  }
0xb8: {  	s30 =	sld [smem:$0x0];
	_ =	sdelay $0x2  }
0xb9: {  	s31 =	sshll.u32 s1, $0xD;
	s1 =	sshrl.u32 s1, $0x2  }
0xba: {  	s3 =	sand.u32 $0x4000, s31;
	s1 =	sadd.s32 s1, s30  }
0xbb: {  	s0 =	sor.u32 s3, s0;
	s1 =	sshll.u32 s1, $0x11  }
0xbc: {  	s0 =	sor.u32 s1, s0  }
0xbd: {  	s0 =	sadd.s32 $0x8F2B, s0  }
0xbe: {  	[sflag:s0] =	ssyncadd.remote.s32 $0x1  }
0xbf: {  	_ =	sfence.sel $0xFFFF  }
0xc0: {  	[dreg:$0x0] =	wrdreg $0xFFFFFFFF;
	(pc) =	sbr.abs _section_cstart, $3  }
0xc1: {  	[dreg:$0x1] =	wrdreg $0xFFFFFFFF  }
0xc2: {  	_ =	task.clear_ibuf [dreg:s7], $0x2FFFF;
	_ =	strace $0x9FFFFFFF  }
0xc3: {  	(tm) =	ssettm $0x7FFFFFFF  }
tec
execute0_lowered:
.L_overlay_start_1:
0x0: {  	(tag) =	ssettag $0x1  }
0x1: {  	s0 =	rddreg [dreg:$0x0]  }
0x2: {  	s1 =	rddreg [dreg:$0x1]  }
0x3: {  	s2 =	rddreg [dreg:$0x2];
	s3 =	simm.s32 $0x0  }
0x4: {  	s15 =	stileid.u32;
	s5 =	srdreg.scid;
	s13 =	simm.s32 $0x7  }
0x5: {  	s14 =	simm.s32 $0x4F80;
	s17 =	simm.s32 $0x80;
	s28 =	simm.s32 $0x3  }
0x6: {  	s29 =	simm.s32 $0x5080;
	s30 =	simm.s32 $0x5;
	s31 =	simm.s32 $0x200  }
0x7: {  	[smem:$0x7FF] =	sst s3;
	s4 =	smul.u32 $0x9F0, s15;
	s6 =	sadd.s32 $0xFB600, s0  }
0x8: {  	s5 =	sand.u32 $0x1, s5;
	s9 =	smul.u32 $0xA000, s15;
	s26 =	sshll.u32 s15, $0x6  }
0x9: {  	_ =	strace $0x80000050;
	s8 =	ssub.s32 $0x2, s5;
	s5 =	smul.u32 $0x140000, s5  }
0xa: {  	s15 =	sor.u32 $0x1C07, s26;
	s26 =	simm.s32 $0x180;
	s7 =	sadd.s32 s4, s0  }
0xb: {  	s0 =	sadd.s32 $0xD400, s0;
	s10 =	sshrl.u32 s8, $0x1;
	s1 =	sadd.s32 s1, s4  }
0xc: {  	s19 =	sadd.s32 s9, s2;
	s12 =	ssub.s32 s8, s10;
	[dreg:$0x4] =	wrdreg s1  }
0xd: {  	s18 =	sadd.s32 $0x3400, s7;
	s20 =	sadd.s32 s9, s5;
	s21 =	sadd.s32 $0xA0000, s5  }
0xe: {  	s5 =	sshrl.u32 s5, $0x3;
	s16 =	sshrl.u32 s19, $0x3;
	s19 =	simm.s32 $0xBF00  }
0xf: {  	s1 =	simm.s32 $0x0;
	[dreg:$0x5] =	wrdreg s18;
	s4 =	sshrl.u32 s20, $0x3  }
0x10: {  	s22 =	sadd.s32 s9, s21;
	s7 =	sadd.s32 s6, s5;
	s25 =	sshrl.u32 s21, $0x3  }
0x11: {  	s12 =	smax.u32 s12, $0x1;
	s18 =	simm.s32 $0x9F00;
	s20 =	simm.s32 $0x1  }
.Ltmp0:
0x12: {  	s21 =	simm.s32 $0x100;
	s23 =	sadd.s32 s6, s4;
	(pc) =	sbr.rel .LBB2_1-.Ltmp0, $4  }
0x13: {  	s24 =	sshrl.u32 s22, $0x3;
	s4 =	sadd.s32 s0, s4;
	s10 =	sadd.s32 s6, s25  }
0x14: {  	s22 =	simm.s32 $0xDF00;
	s25 =	simm.s32 $0x4;
	[dreg:$0x6] =	wrdreg s23  }
0x15: {  	[dreg:$0x7] =	wrdreg s4;
	s9 =	sadd.s32 s6, s24;
	s11 =	sadd.s32 s0, s24  }
0x16: {  	s23 =	simm.s32 $0x2;
	s24 =	simm.s32 $0x5000;
	s0 =	simm.s32 $0x6  }
.LBB2_7:
0x17: {  	_ =	swait.ge [sflag:s28], $0x2000  }
0x18: {  	[sflag:s28] =	ssyncset.done $0x0  }
0x19: {  	[sflag:s28] =	ssyncadd.s32 $0xFFFFE000  }
0x1a: {  	[spmem:s2] =	stream.indirect.scatter.add.f32 [tilespmem:s22], [sflag:$0x6], $0x40, s6, s17, $0xb8;
	[tilespmem:$0x19F00] =	vst v63  }
0x1b: {  	_ =	swait.ge [sflag:s30], $0x2000  }
0x1c: {  	[sflag:s30] =	ssyncset.done $0x0  }
0x1d: {  	[sflag:s30] =	ssyncadd.s32 $0xFFFFE000  }
0x1e: {  	_ =	swait.ge [sflag:s0], $0x2000  }
0x1f: {  	s1 =	sadd.s32 $0x1, s1;
	[sflag:s0] =	ssyncset.done $0x0  }
0x20: {  	p0 =	sne.s32 s1, s12;
	[sflag:s0] =	ssyncadd.s32 $0xFFFFE000  }
.Ltmp1:
0x21: {  	[bflag:$0x0] =	sbarrier.arrive $0xFFFF;
	(pc) =	sbr.rel @!p0 .LBB2_8-.Ltmp1, $4  }
0x22: {  	[hbm:s11], [sflag:s15] =	dma.local [spmem:s16], $0x1400  }
0x23: {  	_ =	swait.ge [sflag:s13], $0x1400  }
0x24: {  	[sflag:s13] =	ssyncset.done $0x0  }
0x25: {  	[sflag:s13] =	ssyncadd.s32 $0xFFFFEC00  }
.LBB2_1:
0x26: {  	s4 =	rddreg [dreg:$0x4]  }
0x27: {  	[tilespmem:s3], [sflag:$0x7] =	stream.linear.gather [hbm4b:s4+s3], $0x4F80, $0x38;
	[tilespmem:$0x19F00] =	vst v63  }
0x28: {  	_ =	swait.ge [sflag:s13], $0x4F80  }
0x29: {  	[sflag:s13] =	ssyncset.done $0x0  }
0x2a: {  	s6 =	rddreg [dreg:$0x5];
	[sflag:s13] =	ssyncadd.s32 $0xFFFFB080  }
0x2b: {  	[tilespmem:s14], [sflag:$0x7] =	stream.linear.gather [hbm4b:s6+s3], $0x4F80, $0x38;
	[tilespmem:$0x19F00] =	vst v63  }
0x2c: {  	_ =	swait.ge [sflag:s13], $0x4F80  }
0x2d: {  	[sflag:s13] =	ssyncset.done $0x0  }
0x2e: {  	s8 =	rddreg [dreg:$0x6];
	[sflag:s13] =	ssyncadd.s32 $0xFFFFB080  }
0x2f: {  	[spmem:s16], [sflag:s15] =	dma.local [hbm:s8], $0x1400  }
0x30: {  	_ =	swait.ge [sflag:s13], $0x1400  }
0x31: {  	[sflag:s13] =	ssyncset.done $0x0  }
0x32: {  	[sflag:s13] =	ssyncadd.s32 $0xFFFFEC00  }
0x33: {  	[bflag:$0x0] =	sbarrier.arrive $0xFFFF  }
0x34: {  	[tilespmem:s18], [sflag:$0x1] =	stream.indirect.gather [hbm4b:s7+s17], $0x40, s3, s17, $0xb8;
	[tilespmem:$0x19F00] =	vst v63  }
0x35: {  	_ = 	snop  }
0x36: {  	[tilespmem:s19], [sflag:$0x2] =	stream.indirect.gather [hbm4b:s7+s17], $0x40, s17, s17, $0xb8;
	[tilespmem:$0x19F00] =	vst v63  }
0x37: {  	_ =	swait.ge [sflag:s20], $0x2000  }
0x38: {  	[sflag:s20] =	ssyncset.done $0x0  }
0x39: {  	[sflag:s20] =	ssyncadd.s32 $0xFFFFE000  }
0x3a: {  	[spmem:s2] =	stream.indirect.scatter.add.f32 [tilespmem:s18], [sflag:$0x4], $0x40, s14, s17, $0xb8;
	[tilespmem:$0x19F00] =	vst v63  }
0x3b: {  	_ = 	snop  }
0x3c: {  	[tilespmem:s22], [sflag:$0x3] =	stream.indirect.gather [hbm4b:s7+s17], $0x40, s21, s17, $0xb8;
	[tilespmem:$0x19F00] =	vst v63  }
0x3d: {  	_ =	swait.ge [sflag:s23], $0x2000  }
0x3e: {  	[sflag:s23] =	ssyncset.done $0x0  }
0x3f: {  	[sflag:s23] =	ssyncadd.s32 $0xFFFFE000  }
0x40: {  	[spmem:s2] =	stream.indirect.scatter.add.f32 [tilespmem:s19], [sflag:$0x5], $0x40, s24, s17, $0xb8;
	[tilespmem:$0x19F00] =	vst v63  }
0x41: {  	_ =	swait.ge [sflag:s25], $0x2000  }
0x42: {  	[sflag:s25] =	ssyncset.done $0x0  }
0x43: {  	[sflag:s25] =	ssyncadd.s32 $0xFFFFE000  }
0x44: {  	[tilespmem:s18], [sflag:$0x1] =	stream.indirect.gather [hbm4b:s7+s17], $0x40, s26, s17, $0xb8;
	[tilespmem:$0x19F00] =	vst v63  }
0x45: {  	_ =	swait.ge [sflag:s28], $0x2000  }
0x46: {  	[sflag:s28] =	ssyncset.done $0x0  }
0x47: {  	[sflag:s28] =	ssyncadd.s32 $0xFFFFE000  }
0x48: {  	[spmem:s2] =	stream.indirect.scatter.add.f32 [tilespmem:s22], [sflag:$0x6], $0x40, s29, s17, $0xb8;
	[tilespmem:$0x19F00] =	vst v63  }
0x49: {  	_ =	swait.ge [sflag:s30], $0x2000  }
0x4a: {  	[sflag:s30] =	ssyncset.done $0x0  }
0x4b: {  	s4 =	simm.s32 $0x0;
	[sflag:s30] =	ssyncadd.s32 $0xFFFFE000  }
0x4c: {  	[tilespmem:s19], [sflag:$0x2] =	stream.indirect.gather [hbm4b:s7+s17], $0x40, s31, s17, $0xb8;
	[tilespmem:$0x19F00] =	vst v63  }
.LBB2_2:
0x4d: {  	_ =	swait.ge [sflag:s20], $0x2000  }
0x4e: {  	s5 =	sshra.s32 s4, $0x2;
	[sflag:s20] =	ssyncset.done $0x0  }
0x4f: {  	s6 =	sadd.s32 $0x5100, s5;
	[sflag:s20] =	ssyncadd.s32 $0xFFFFE000  }
0x50: {  	[spmem:s2] =	stream.indirect.scatter.add.f32 [tilespmem:s18], [sflag:$0x4], $0x40, s6, s17, $0xb8;
	[tilespmem:$0x19F00] =	vst v63  }
0x51: {  	_ =	swait.ge [sflag:s0], $0x2000  }
0x52: {  	[sflag:s0] =	ssyncset.done $0x0  }
0x53: {  	s8 =	sadd.s32 $0x280, s5;
	[sflag:s0] =	ssyncadd.s32 $0xFFFFE000  }
0x54: {  	[tilespmem:s22], [sflag:$0x3] =	stream.indirect.gather [hbm4b:s7+s17], $0x40, s8, s17, $0xb8;
	[tilespmem:$0x19F00] =	vst v63  }
0x55: {  	_ =	swait.ge [sflag:s23], $0x2000  }
0x56: {  	p0 =	seq.s32 s4, $0x13200;
	[sflag:s23] =	ssyncset.done $0x0  }
.Ltmp2:
0x57: {  	s8 =	sadd.s32 $0x5180, s5;
	[sflag:s23] =	ssyncadd.s32 $0xFFFFE000;
	(pc) =	sbr.rel @p0 .LBB2_4-.Ltmp2, $4  }
0x58: {  	[spmem:s2] =	stream.indirect.scatter.add.f32 [tilespmem:s19], [sflag:$0x5], $0x40, s8, s17, $0xb8;
	[tilespmem:$0x19F00] =	vst v63  }
0x59: {  	_ =	swait.ge [sflag:s25], $0x2000  }
0x5a: {  	[sflag:s25] =	ssyncset.done $0x0  }
0x5b: {  	s6 =	sadd.s32 $0x5200, s5;
	[sflag:s25] =	ssyncadd.s32 $0xFFFFE000  }
0x5c: {  	s8 =	sadd.s32 $0x300, s5  }
0x5d: {  	[tilespmem:s18], [sflag:$0x1] =	stream.indirect.gather [hbm4b:s7+s17], $0x40, s8, s17, $0xb8;
	[tilespmem:$0x19F00] =	vst v63  }
0x5e: {  	_ =	swait.ge [sflag:s28], $0x2000  }
0x5f: {  	[sflag:s28] =	ssyncset.done $0x0  }
0x60: {  	[sflag:s28] =	ssyncadd.s32 $0xFFFFE000  }
0x61: {  	[spmem:s2] =	stream.indirect.scatter.add.f32 [tilespmem:s22], [sflag:$0x6], $0x40, s6, s17, $0xb8;
	[tilespmem:$0x19F00] =	vst v63  }
.Ltmp3:
0x62: {  	_ = 	snop;
	(pc) =	sbr.rel .LBB2_2-.Ltmp3, $4  }
0x63: {  	_ =	swait.ge [sflag:s30], $0x2000  }
0x64: {  	[sflag:s30] =	ssyncset.done $0x0  }
0x65: {  	s4 =	sadd.s32 $0x600, s4;
	s8 =	sadd.s32 $0x380, s5;
	[sflag:s30] =	ssyncadd.s32 $0xFFFFE000  }
0x66: {  	[tilespmem:s19], [sflag:$0x2] =	stream.indirect.gather [hbm4b:s7+s17], $0x40, s8, s17, $0xb8;
	[tilespmem:$0x19F00] =	vst v63  }
.LBB2_4:
0x67: {  	_ =	swait.ge [sflag:s28], $0x2000  }
0x68: {  	[sflag:s28] =	ssyncset.done $0x0  }
0x69: {  	[sflag:s28] =	ssyncadd.s32 $0xFFFFE000  }
0x6a: {  	[spmem:s2] =	stream.indirect.scatter.add.f32 [tilespmem:s22], [sflag:$0x6], $0x40, s6, s17, $0xb8;
	[tilespmem:$0x19F00] =	vst v63  }
0x6b: {  	_ =	swait.ge [sflag:s30], $0x2000  }
0x6c: {  	[sflag:s30] =	ssyncset.done $0x0  }
0x6d: {  	[sflag:s30] =	ssyncadd.s32 $0xFFFFE000  }
0x6e: {  	_ =	swait.ge [sflag:s0], $0x2000  }
0x6f: {  	[sflag:s0] =	ssyncset.done $0x0  }
0x70: {  	[sflag:s0] =	ssyncadd.s32 $0xFFFFE000  }
0x71: {  	[bflag:$0x0] =	sbarrier.arrive $0xFFFF  }
0x72: {  	s4 =	rddreg [dreg:$0x7]  }
0x73: {  	[hbm:s4], [sflag:s15] =	dma.local [spmem:s16], $0x1400  }
0x74: {  	_ =	swait.ge [sflag:s13], $0x1400  }
0x75: {  	[sflag:s13] =	ssyncset.done $0x0  }
0x76: {  	[sflag:s13] =	ssyncadd.s32 $0xFFFFEC00  }
0x77: {  	[spmem:s16], [sflag:s15] =	dma.local [hbm:s9], $0x1400  }
0x78: {  	_ =	swait.ge [sflag:s13], $0x1400  }
0x79: {  	[sflag:s13] =	ssyncset.done $0x0  }
0x7a: {  	[sflag:s13] =	ssyncadd.s32 $0xFFFFEC00  }
0x7b: {  	s4 =	simm.s32 $0x0;
	[bflag:$0x0] =	sbarrier.arrive $0xFFFF  }
0x7c: {  	[tilespmem:s18], [sflag:$0x1] =	stream.indirect.gather [hbm4b:s10+s17], $0x40, s4, s17, $0xb8;
	[tilespmem:$0x19F00] =	vst v63  }
0x7d: {  	_ = 	snop  }
0x7e: {  	[tilespmem:s19], [sflag:$0x2] =	stream.indirect.gather [hbm4b:s10+s17], $0x40, s17, s17, $0xb8;
	[tilespmem:$0x19F00] =	vst v63  }
0x7f: {  	_ =	swait.ge [sflag:s20], $0x2000  }
0x80: {  	[sflag:s20] =	ssyncset.done $0x0  }
0x81: {  	[sflag:s20] =	ssyncadd.s32 $0xFFFFE000  }
0x82: {  	[spmem:s2] =	stream.indirect.scatter.add.f32 [tilespmem:s18], [sflag:$0x4], $0x40, s14, s17, $0xb8;
	[tilespmem:$0x19F00] =	vst v63  }
0x83: {  	_ = 	snop  }
0x84: {  	[tilespmem:s22], [sflag:$0x3] =	stream.indirect.gather [hbm4b:s10+s17], $0x40, s21, s17, $0xb8;
	[tilespmem:$0x19F00] =	vst v63  }
0x85: {  	_ =	swait.ge [sflag:s23], $0x2000  }
0x86: {  	[sflag:s23] =	ssyncset.done $0x0  }
0x87: {  	[sflag:s23] =	ssyncadd.s32 $0xFFFFE000  }
0x88: {  	[spmem:s2] =	stream.indirect.scatter.add.f32 [tilespmem:s19], [sflag:$0x5], $0x40, s24, s17, $0xb8;
	[tilespmem:$0x19F00] =	vst v63  }
0x89: {  	_ =	swait.ge [sflag:s25], $0x2000  }
0x8a: {  	[sflag:s25] =	ssyncset.done $0x0  }
0x8b: {  	[sflag:s25] =	ssyncadd.s32 $0xFFFFE000  }
0x8c: {  	[tilespmem:s18], [sflag:$0x1] =	stream.indirect.gather [hbm4b:s10+s17], $0x40, s26, s17, $0xb8;
	[tilespmem:$0x19F00] =	vst v63  }
0x8d: {  	_ =	swait.ge [sflag:s28], $0x2000  }
0x8e: {  	[sflag:s28] =	ssyncset.done $0x0  }
0x8f: {  	[sflag:s28] =	ssyncadd.s32 $0xFFFFE000  }
0x90: {  	[spmem:s2] =	stream.indirect.scatter.add.f32 [tilespmem:s22], [sflag:$0x6], $0x40, s29, s17, $0xb8;
	[tilespmem:$0x19F00] =	vst v63  }
0x91: {  	_ =	swait.ge [sflag:s30], $0x2000  }
0x92: {  	[sflag:s30] =	ssyncset.done $0x0  }
0x93: {  	[sflag:s30] =	ssyncadd.s32 $0xFFFFE000  }
0x94: {  	[tilespmem:s19], [sflag:$0x2] =	stream.indirect.gather [hbm4b:s10+s17], $0x40, s31, s17, $0xb8;
	[tilespmem:$0x19F00] =	vst v63  }
.LBB2_5:
0x95: {  	_ =	swait.ge [sflag:s20], $0x2000  }
0x96: {  	s5 =	sshra.s32 s4, $0x2;
	[sflag:s20] =	ssyncset.done $0x0  }
0x97: {  	s6 =	sadd.s32 $0x5100, s5;
	[sflag:s20] =	ssyncadd.s32 $0xFFFFE000  }
0x98: {  	[spmem:s2] =	stream.indirect.scatter.add.f32 [tilespmem:s18], [sflag:$0x4], $0x40, s6, s17, $0xb8;
	[tilespmem:$0x19F00] =	vst v63  }
0x99: {  	_ =	swait.ge [sflag:s0], $0x2000  }
0x9a: {  	[sflag:s0] =	ssyncset.done $0x0  }
0x9b: {  	s8 =	sadd.s32 $0x280, s5;
	[sflag:s0] =	ssyncadd.s32 $0xFFFFE000  }
0x9c: {  	[tilespmem:s22], [sflag:$0x3] =	stream.indirect.gather [hbm4b:s10+s17], $0x40, s8, s17, $0xb8;
	[tilespmem:$0x19F00] =	vst v63  }
0x9d: {  	_ =	swait.ge [sflag:s23], $0x2000  }
0x9e: {  	p0 =	seq.s32 s4, $0x13200;
	[sflag:s23] =	ssyncset.done $0x0  }
.Ltmp4:
0x9f: {  	s8 =	sadd.s32 $0x5180, s5;
	[sflag:s23] =	ssyncadd.s32 $0xFFFFE000;
	(pc) =	sbr.rel @p0 .LBB2_7-.Ltmp4, $4  }
0xa0: {  	[spmem:s2] =	stream.indirect.scatter.add.f32 [tilespmem:s19], [sflag:$0x5], $0x40, s8, s17, $0xb8;
	[tilespmem:$0x19F00] =	vst v63  }
0xa1: {  	_ =	swait.ge [sflag:s25], $0x2000  }
0xa2: {  	[sflag:s25] =	ssyncset.done $0x0  }
0xa3: {  	s6 =	sadd.s32 $0x5200, s5;
	[sflag:s25] =	ssyncadd.s32 $0xFFFFE000  }
0xa4: {  	s8 =	sadd.s32 $0x300, s5  }
0xa5: {  	[tilespmem:s18], [sflag:$0x1] =	stream.indirect.gather [hbm4b:s10+s17], $0x40, s8, s17, $0xb8;
	[tilespmem:$0x19F00] =	vst v63  }
0xa6: {  	_ =	swait.ge [sflag:s28], $0x2000  }
0xa7: {  	[sflag:s28] =	ssyncset.done $0x0  }
0xa8: {  	[sflag:s28] =	ssyncadd.s32 $0xFFFFE000  }
0xa9: {  	[spmem:s2] =	stream.indirect.scatter.add.f32 [tilespmem:s22], [sflag:$0x6], $0x40, s6, s17, $0xb8;
	[tilespmem:$0x19F00] =	vst v63  }
.Ltmp5:
0xaa: {  	_ = 	snop;
	(pc) =	sbr.rel .LBB2_5-.Ltmp5, $4  }
0xab: {  	_ =	swait.ge [sflag:s30], $0x2000  }
0xac: {  	[sflag:s30] =	ssyncset.done $0x0  }
0xad: {  	s4 =	sadd.s32 $0x600, s4;
	s8 =	sadd.s32 $0x380, s5;
	[sflag:s30] =	ssyncadd.s32 $0xFFFFE000  }
0xae: {  	[tilespmem:s19], [sflag:$0x2] =	stream.indirect.gather [hbm4b:s10+s17], $0x40, s8, s17, $0xb8;
	[tilespmem:$0x19F00] =	vst v63  }
.LBB2_8:
0xaf: {  	_ =	sfence.sel $0x180000  }
0xb0: {  	[bflag:$0x0] =	sbarrier.arrive $0xFFFF  }
0xb1: {  	_ =	strace $0x90000050  }
0xb2: {  	s0 =	stileid.u32;
	[bflag:$0x2] =	sbarrier.arrive $0xFFFF  }
0xb3: {  	p0 =	sne.s32 s0, $0x0;
	s0 =	rddreg [dreg:$0x3]  }
0xb4: {  	s0 =	sadd.s32 @!p0 $0x100000, s0  }
0xb5: {  	[sflag:s0] =	ssyncadd.tile.s32 @!p0 $0x1;
	_ =	shalt  }
.Lfunc_end2:
_tile_overlayer_lowered:
.L_overlay_start_2:
0xb6: {  	(tag) =	ssettag $0x2  }
0xb7: {  	s0 =	rddreg [dreg:$0x0];
	s2 =	stileid.u32  }
0xb8: {  	s1 =	rddreg [dreg:$0x1];
	p0 =	sne.s32 s2, $0x0  }
0xb9: {  	s3 =	rddreg [dreg:$0x2];
	[bflag:$0x3] =	sbarrier.arrive $0xFFFF;
	s2 =	simm.s32 @!p0 $0x1C07  }
0xba: {  	[timem:s3], [sflag:s2] =	dma.local @!p0 [hbm:s0], s1  }
0xbb: {  	s0 =	simm.s32 @!p0 $0x7  }
0xbc: {  	_ =	swait.ge @!p0 [sflag:s0], s1  }
0xbd: {  	s1 =	ssub.s32 @!p0 $0x0, s1;
	[sflag:s0] =	ssyncset.done @!p0 $0x0  }
0xbe: {  	[sflag:s0] =	ssyncadd.s32 @!p0 s1  }
0xbf: {  	[bflag:$0x3] =	sbarrier.arrive $0xFFFF  }
0xc0: {  	_ =	shalt  }

// kernel: kernel.24.cloned.1.call-start
scs
__scs_entry_jumppad:
0x0: {  	(pc) =	sbr.rel $0x88, $3  }
0x1: {  	(tag) =	ssettag $0x0;
	lr =	simm.s32 $0x1  }
0x2: {  	[smem:$0x3F99] =	sst lr;
	_ =	strace $0xD0000000  }
0x3: {  	_ = 	snop  }
0x4: {  	_ = 	snop  }
0x5: {  	_ = 	snop  }
0x6: {  	_ = 	snop  }
0x7: {  	_ = 	snop  }
__scs_overlays_trampoline_lowered:
0x8: {  	[smem:$0x3FA8] =	sst s0  }
0x9: {  	[smem:$0x3FA9] =	sst s1  }
0xa: {  	[smem:$0x3FAA] =	sst s2  }
0xb: {  	[smem:$0x3FAB] =	sst s3  }
0xc: {  	[smem:$0x3FAC] =	sst s4  }
0xd: {  	[smem:$0x3FAD] =	sst s5  }
0xe: {  	[smem:$0x3FAE] =	sst s6  }
0xf: {  	[smem:$0x3FAF] =	sst s7  }
0x10: {  	[smem:$0x3FB0] =	sst s8  }
0x11: {  	[smem:$0x3FB1] =	sst s9;
	s0 =	simm.s32 @!p0 $0x0  }
0x12: {  	s1 =	sld [smem:$0x3F97];
	s0 =	simm.s32 @p0 $0x1  }
0x13: {  	[smem:$0x3FB2] =	sst s0;
	s0 =	simm.s32 @!p1 $0x0  }
0x14: {  	s2 =	sld [smem:$0x3F96];
	s0 =	simm.s32 @p1 $0x1  }
0x15: {  	[smem:$0x3FB3] =	sst s0;
	s0 =	simm.s32 @!p2 $0x0  }
0x16: {  	s3 =	sld [smem:$0x3FDB];
	s0 =	simm.s32 @p2 $0x1  }
0x17: {  	s4 =	simm.s32 $0x1BF5;
	[smem:$0x3FB5] =	sst s0  }
0x18: {  	s0 =	sld [smem:$0x3F98];
	_ =	swait.ge [sflag:s4], $0x0  }
0x19: {  	s7 =	sld [smem:$0x3F99]  }
0x1a: {  	s8 =	sadd.s32 $0xFFFFE003, lr  }
0x1b: {  	s9 =	sadd.s32 $0xFFFFFEF7, lr;
	s5 =	simm.s32 $0xFFFFFFFF;
	p2 =	slt.u32 s8, $0xFFFFF086  }
0x1c: {  	p1 =	slt.u32 s9, $0xF7A;
	s5 =	simm.s32 @!p2 $0x0  }
0x1d: {  	s5 =	simm.s32 @p1 $0x1;
	p0 =	seq.s32 s7, s2  }
0x1e: {  	s7 =	smul.u32 @!p0 $0xF7A, s2;
	p2 =	seq.s32 @!p0 s5, $0x0  }
0x1f: {  	s9 =	smul.u32 $0xF7A, s1;
	s8 =	simm.s32 @!p0 $0x1BF5;
	p2 =	por !p2, p0  }
0x20: {  	[sflag:s8] =	ssyncset.s32 @!p0 $0xFFFFF086;
	s6 =	sadd.s32 @!p0 s3, s7;
	s7 =	simm.s32 @!p0 $0x108  }
0x21: {  	s3 =	sadd.s32 s3, s9;
	s6 =	sadd.s32 @!p0 $0x88, s6;
	s7 =	simm.s32 @p2 $0x1082  }
0x22: {  	[simem:s7], [sflag:s8] =	dma.local @!p0 [hbm:s6], $0xF7A  }
0x23: {  	s9 =	sor.u32 $0xD0000000, s2;
	s6 =	simm.s32 $0x108;
	_ =	swait.ge @!p0 [sflag:s8], $0x0  }
0x24: {  	s3 =	sadd.s32 $0x88, s3;
	s6 =	simm.s32 @!p1 $0x1082;
	[sflag:s4] =	ssyncset.s32 $0xFFFFF086  }
0x25: {  	[simem:s6], [sflag:s4] =	dma.local [hbm:s3], $0xF7A  }
0x26: {  	[smem:$0x3F99] =	sst s1;
	(tag) =	ssettag s2;
	_ =	strace s9  }
0x27: {  	s1 =	sld [smem:$0x3FA9]  }
0x28: {  	s2 =	sld [smem:$0x3FAA]  }
0x29: {  	s4 =	sld [smem:$0x3FAC]  }
0x2a: {  	p0 =	seq.s32 s5, $0x0;
	s5 =	sld [smem:$0x3FAD]  }
0x2b: {  	s6 =	sld [smem:$0x3FAE]  }
0x2c: {  	s7 =	sld [smem:$0x3FAF]  }
0x2d: {  	s3 =	simm.s32 $0x108;
	s8 =	sld [smem:$0x3FB0]  }
0x2e: {  	s3 =	simm.s32 @!p0 $0x1082;
	s9 =	sld [smem:$0x3FB1]  }
0x2f: {  	lr =	sadd.s32 s0, s3;
	s0 =	sld [smem:$0x3FA8]  }
0x30: {  	s3 =	sld [smem:$0x3FAB]  }
0x31: {  	[smem:$0x3FB4] =	sst s10  }
0x32: {  	s10 =	sld [smem:$0x3FB2];
	_ =	sdelay $0x3  }
0x33: {  	p0 =	seq.s32 s10, $0x1;
	s10 =	sld [smem:$0x3FB4];
	_ =	sdelay $0x3  }
0x34: {  	[smem:$0x3FB4] =	sst s10  }
0x35: {  	s10 =	sld [smem:$0x3FB3];
	_ =	sdelay $0x3  }
0x36: {  	p1 =	seq.s32 s10, $0x1;
	s10 =	sld [smem:$0x3FB4];
	_ =	sdelay $0x3  }
0x37: {  	[smem:$0x3FB4] =	sst s10  }
0x38: {  	s10 =	sld [smem:$0x3FB5]  }
0x39: {  	_ = 	snop;
	(pc) =	sbr.ind lr, $3  }
0x3a: {  	_ = 	snop  }
0x3b: {  	_ = 	snop  }
0x3c: {  	p2 =	seq.s32 s10, $0x1;
	s10 =	sld [smem:$0x3FB4]  }
0x3d: {  	_ =	shalt  }
0x3e: {  	_ =	shalt  }
0x3f: {  	_ =	shalt  }
0x40: {  	_ =	shalt  }
0x41: {  	_ =	shalt  }
0x42: {  	_ =	shalt  }
0x43: {  	_ =	shalt  }
0x44: {  	_ =	shalt  }
0x45: {  	_ =	shalt  }
0x46: {  	_ =	shalt  }
0x47: {  	_ =	shalt  }
0x48: {  	_ =	shalt  }
0x49: {  	_ =	shalt  }
0x4a: {  	_ =	shalt  }
0x4b: {  	_ =	shalt  }
0x4c: {  	_ =	shalt  }
0x4d: {  	_ =	shalt  }
0x4e: {  	_ =	shalt  }
0x4f: {  	_ =	shalt  }
0x50: {  	_ =	shalt  }
0x51: {  	_ =	shalt  }
0x52: {  	_ =	shalt  }
0x53: {  	_ =	shalt  }
0x54: {  	_ =	shalt  }
0x55: {  	_ =	shalt  }
0x56: {  	_ =	shalt  }
0x57: {  	_ =	shalt  }
0x58: {  	_ =	shalt  }
0x59: {  	_ =	shalt  }
0x5a: {  	_ =	shalt  }
0x5b: {  	_ =	shalt  }
0x5c: {  	_ =	shalt  }
0x5d: {  	_ =	shalt  }
0x5e: {  	_ =	shalt  }
0x5f: {  	_ =	shalt  }
0x60: {  	_ =	shalt  }
0x61: {  	_ =	shalt  }
0x62: {  	_ =	shalt  }
0x63: {  	_ =	shalt  }
0x64: {  	_ =	shalt  }
0x65: {  	_ =	shalt  }
0x66: {  	_ =	shalt  }
0x67: {  	_ =	shalt  }
0x68: {  	_ =	shalt  }
0x69: {  	_ =	shalt  }
0x6a: {  	_ =	shalt  }
0x6b: {  	_ =	shalt  }
0x6c: {  	_ =	shalt  }
0x6d: {  	_ =	shalt  }
0x6e: {  	_ =	shalt  }
0x6f: {  	_ =	shalt  }
0x70: {  	_ =	shalt  }
0x71: {  	_ =	shalt  }
0x72: {  	_ =	shalt  }
0x73: {  	_ =	shalt  }
0x74: {  	_ =	shalt  }
0x75: {  	_ =	shalt  }
0x76: {  	_ =	shalt  }
0x77: {  	_ =	shalt  }
0x78: {  	_ =	shalt  }
0x79: {  	_ =	shalt  }
0x7a: {  	_ =	shalt  }
0x7b: {  	_ =	shalt  }
0x7c: {  	_ =	shalt  }
0x7d: {  	_ =	shalt  }
0x7e: {  	_ =	shalt  }
0x7f: {  	_ =	shalt  }
0x80: {  	_ =	shalt  }
0x81: {  	_ =	shalt  }
0x82: {  	_ =	shalt  }
0x83: {  	_ =	shalt  }
0x84: {  	_ =	shalt  }
0x85: {  	_ =	shalt  }
0x86: {  	_ =	shalt  }
0x87: {  	_ =	shalt  }
.Lfunc_end0:
.L_simem_size_0:
called_computation.4_lowered:
.L_overlay_start_0:
0x88: {  	s2 =	sld [smem:$0x3FD9]  }
0x89: {  	s3 =	sld [smem:$0x3FFE];
	_ =	sdelay $0x1  }
0x8a: {  	s1 =	srdreg.scid  }
0x8b: {  	s0 =	sand.u32 $0x1, s1  }
0x8c: {  	s17 =	sshll.u32 s0, $0xA;
	s2 =	sadd.s32 s3, s2  }
0x8d: {  	s2 =	sadd.s32 s2, s17  }
0x8e: {  	[smem:$0x3FC0] =	sst s2  }
0x8f: {  	_ = 	snop  }
0x90: {  	s2 =	sld [smem:$0x3FD0];
	(tm) =	ssettm $0x1  }
0x91: {  	s18 =	sld [smem:$0x3FFB];
	_ =	sdelay $0x3  }
0x92: {  	_ =	strace s18  }
0x93: {  	s3 =	sld [smem:$0x3FFC];
	_ =	sdelay $0x3  }
0x94: {  	_ =	strace s3  }
0x95: {  	s3 =	sld [smem:$0x3FFD];
	_ =	sdelay $0x3  }
0x96: {  	_ =	strace s3  }
0x97: {  	_ =	strace $0x8FFFFFFF  }
0x98: {  	s19 =	sld [smem:$0x3FDB];
	_ =	sdelay $0x1  }
0x99: {  	s4 =	simm.s32 $_scs_section_size  }
0x9a: {  	s5 =	simm.s32 $_size__tile_overlayer_lowered;
	s6 =	simm.s32 $_tile_overlayer_lowered  }
0x9b: {  	s22 =	simm.s32 $0x1BFF;
	s21 =	sshll.u32 s6, $0x1;
	s3 =	sadd.s32 s4, s19  }
0x9c: {  	s7 =	simm.s32 $0x0;
	s20 =	sshll.u32 s5, $0x1;
	s5 =	sadd.s32 s21, s3  }
0x9d: {  	[timem:s7], [sflag:s22] =	dma.local [hbm:s5], s20  }
0x9e: {  	_ =	swait.ge [sflag:s22], s20  }
0x9f: {  	s4 =	ssub.s32 $0x0, s20;
	[sflag:s22] =	ssyncset.done $0x0  }
0xa0: {  	[sflag:s22] =	ssyncadd.s32 s4;
	_ =	sdelay $0x1  }
0xa1: {  	s23 =	simm.s32 $0x1B8B  }
0xa2: {  	_ =	swait.ge [sflag:s23], $0x1  }
0xa3: {  	[sflag:s23] =	ssyncset.done $0x0  }
0xa4: {  	s25 =	simm.s32 $0x1B8E;
	s24 =	sld [smem:$0x3FFE];
	[sflag:s23] =	ssyncadd.s32 $0xFFFFFFFF  }
0xa5: {  	s26 =	simm.s32 $execute0_lowered;
	[smem:$0x3FD2] =	sst s25  }
0xa6: {  	s5 =	sshll.u32 s26, $0x1;
	_ =	strace $0x80000052;
	[dreg:$0x1] =	wrdreg $0xFFFFFFFF  }
0xa7: {  	s28 =	simm.s32 $_size_execute0_lowered;
	s3 =	sadd.s32 s3, s5;
	[dreg:$0x0] =	wrdreg $0x0  }
0xa8: {  	s5 =	sshll.u32 s28, $0x1;
	[dreg:$0x2] =	wrdreg s3  }
0xa9: {  	[dreg:$0x3] =	wrdreg s5  }
0xaa: {  	[dreg:$0x4] =	wrdreg $0xC0  }
0xab: {  	_ =	task [dreg:s7], $0x5FFFF  }
0xac: {  	[dreg:$0x1] =	wrdreg $0xFFFFFFFF  }
0xad: {  	[dreg:$0x0] =	wrdreg $0x60  }
0xae: {  	[dreg:$0x2] =	wrdreg s24  }
0xaf: {  	[dreg:$0x3] =	wrdreg s2  }
0xb0: {  	[dreg:$0x4] =	wrdreg $0xFF000  }
0xb1: {  	[dreg:$0x5] =	wrdreg $0x9  }
0xb2: {  	_ =	task.clear_ibuf [dreg:s7], $0x6FFFF;
	_ =	strace $0x90000052  }
0xb3: {  	s29 =	simm.s32 $0x9;
	_ =	strace $0x80000054  }
0xb4: {  	_ =	swait.ge [sflag:s29], $0x1  }
0xb5: {  	[sflag:s29] =	ssyncadd.s32 $0xFFFFFFFF  }
0xb6: {  	_ =	strace $0x90000054  }
0xb7: {  	_ =	sfence  }
0xb8: {  	s30 =	sld [smem:$0x0];
	_ =	sdelay $0x2  }
0xb9: {  	s31 =	sshll.u32 s1, $0xD;
	s1 =	sshrl.u32 s1, $0x2  }
0xba: {  	s3 =	sand.u32 $0x4000, s31;
	s1 =	sadd.s32 s1, s30  }
0xbb: {  	s0 =	sor.u32 s3, s0;
	s1 =	sshll.u32 s1, $0x11  }
0xbc: {  	s0 =	sor.u32 s1, s0  }
0xbd: {  	s0 =	sadd.s32 $0x8F2B, s0  }
0xbe: {  	[sflag:s0] =	ssyncadd.remote.s32 $0x1  }
0xbf: {  	_ =	sfence.sel $0xFFFF  }
0xc0: {  	[dreg:$0x0] =	wrdreg $0xFFFFFFFF;
	(pc) =	sbr.abs _section_cstart, $3  }
0xc1: {  	[dreg:$0x1] =	wrdreg $0xFFFFFFFF  }
0xc2: {  	_ =	task.clear_ibuf [dreg:s7], $0x2FFFF;
	_ =	strace $0x9FFFFFFF  }
0xc3: {  	(tm) =	ssettm $0x7FFFFFFF  }
tec
execute0_lowered:
.L_overlay_start_1:
0x0: {  	(tag) =	ssettag $0x1  }
0x1: {  	s0 =	rddreg [dreg:$0x0]  }
0x2: {  	s1 =	rddreg [dreg:$0x1]  }
0x3: {  	s2 =	rddreg [dreg:$0x2];
	s3 =	simm.s32 $0x0  }
0x4: {  	s15 =	stileid.u32;
	s5 =	srdreg.scid;
	s13 =	simm.s32 $0x7  }
0x5: {  	s14 =	simm.s32 $0x4F80;
	s17 =	simm.s32 $0x80;
	s28 =	simm.s32 $0x3  }
0x6: {  	s29 =	simm.s32 $0x5080;
	s30 =	simm.s32 $0x5;
	s31 =	simm.s32 $0x200  }
0x7: {  	[smem:$0x7FF] =	sst s3;
	s4 =	smul.u32 $0x9F0, s15;
	s6 =	sadd.s32 $0xFB600, s0  }
0x8: {  	s5 =	sand.u32 $0x1, s5;
	s9 =	smul.u32 $0xA000, s15;
	s26 =	sshll.u32 s15, $0x6  }
0x9: {  	_ =	strace $0x80000053;
	s8 =	ssub.s32 $0x2, s5;
	s5 =	smul.u32 $0x140000, s5  }
0xa: {  	s15 =	sor.u32 $0x1C07, s26;
	s26 =	simm.s32 $0x180;
	s7 =	sadd.s32 s4, s0  }
0xb: {  	s0 =	sadd.s32 $0xD400, s0;
	s10 =	sshrl.u32 s8, $0x1;
	s1 =	sadd.s32 s1, s4  }
0xc: {  	s19 =	sadd.s32 s9, s2;
	s12 =	ssub.s32 s8, s10;
	[dreg:$0x4] =	wrdreg s1  }
0xd: {  	s18 =	sadd.s32 $0x3400, s7;
	s20 =	sadd.s32 s9, s5;
	s21 =	sadd.s32 $0xA0000, s5  }
0xe: {  	s5 =	sshrl.u32 s5, $0x3;
	s16 =	sshrl.u32 s19, $0x3;
	s19 =	simm.s32 $0xBF00  }
0xf: {  	s1 =	simm.s32 $0x0;
	[dreg:$0x5] =	wrdreg s18;
	s4 =	sshrl.u32 s20, $0x3  }
0x10: {  	s22 =	sadd.s32 s9, s21;
	s7 =	sadd.s32 s6, s5;
	s25 =	sshrl.u32 s21, $0x3  }
0x11: {  	s12 =	smax.u32 s12, $0x1;
	s18 =	simm.s32 $0x9F00;
	s20 =	simm.s32 $0x1  }
.Ltmp0:
0x12: {  	s21 =	simm.s32 $0x100;
	s23 =	sadd.s32 s6, s4;
	(pc) =	sbr.rel .LBB2_1-.Ltmp0, $4  }
0x13: {  	s24 =	sshrl.u32 s22, $0x3;
	s4 =	sadd.s32 s0, s4;
	s10 =	sadd.s32 s6, s25  }
0x14: {  	s22 =	simm.s32 $0xDF00;
	s25 =	simm.s32 $0x4;
	[dreg:$0x6] =	wrdreg s23  }
0x15: {  	[dreg:$0x7] =	wrdreg s4;
	s9 =	sadd.s32 s6, s24;
	s11 =	sadd.s32 s0, s24  }
0x16: {  	s23 =	simm.s32 $0x2;
	s24 =	simm.s32 $0x5000;
	s0 =	simm.s32 $0x6  }
.LBB2_7:
0x17: {  	_ =	swait.ge [sflag:s28], $0x2000  }
0x18: {  	[sflag:s28] =	ssyncset.done $0x0  }
0x19: {  	[sflag:s28] =	ssyncadd.s32 $0xFFFFE000  }
0x1a: {  	[spmem:s2] =	stream.indirect.scatter.add.f32 [tilespmem:s22], [sflag:$0x6], $0x40, s6, s17, $0xb8;
	[tilespmem:$0x19F00] =	vst v63  }
0x1b: {  	_ =	swait.ge [sflag:s30], $0x2000  }
0x1c: {  	[sflag:s30] =	ssyncset.done $0x0  }
0x1d: {  	[sflag:s30] =	ssyncadd.s32 $0xFFFFE000  }
0x1e: {  	_ =	swait.ge [sflag:s0], $0x2000  }
0x1f: {  	s1 =	sadd.s32 $0x1, s1;
	[sflag:s0] =	ssyncset.done $0x0  }
0x20: {  	p0 =	sne.s32 s1, s12;
	[sflag:s0] =	ssyncadd.s32 $0xFFFFE000  }
.Ltmp1:
0x21: {  	[bflag:$0x0] =	sbarrier.arrive $0xFFFF;
	(pc) =	sbr.rel @!p0 .LBB2_8-.Ltmp1, $4  }
0x22: {  	[hbm:s11], [sflag:s15] =	dma.local [spmem:s16], $0x1400  }
0x23: {  	_ =	swait.ge [sflag:s13], $0x1400  }
0x24: {  	[sflag:s13] =	ssyncset.done $0x0  }
0x25: {  	[sflag:s13] =	ssyncadd.s32 $0xFFFFEC00  }
.LBB2_1:
0x26: {  	s4 =	rddreg [dreg:$0x4]  }
0x27: {  	[tilespmem:s3], [sflag:$0x7] =	stream.linear.gather [hbm4b:s4+s3], $0x4F80, $0x38;
	[tilespmem:$0x19F00] =	vst v63  }
0x28: {  	_ =	swait.ge [sflag:s13], $0x4F80  }
0x29: {  	[sflag:s13] =	ssyncset.done $0x0  }
0x2a: {  	s6 =	rddreg [dreg:$0x5];
	[sflag:s13] =	ssyncadd.s32 $0xFFFFB080  }
0x2b: {  	[tilespmem:s14], [sflag:$0x7] =	stream.linear.gather [hbm4b:s6+s3], $0x4F80, $0x38;
	[tilespmem:$0x19F00] =	vst v63  }
0x2c: {  	_ =	swait.ge [sflag:s13], $0x4F80  }
0x2d: {  	[sflag:s13] =	ssyncset.done $0x0  }
0x2e: {  	s8 =	rddreg [dreg:$0x6];
	[sflag:s13] =	ssyncadd.s32 $0xFFFFB080  }
0x2f: {  	[spmem:s16], [sflag:s15] =	dma.local [hbm:s8], $0x1400  }
0x30: {  	_ =	swait.ge [sflag:s13], $0x1400  }
0x31: {  	[sflag:s13] =	ssyncset.done $0x0  }
0x32: {  	[sflag:s13] =	ssyncadd.s32 $0xFFFFEC00  }
0x33: {  	[bflag:$0x0] =	sbarrier.arrive $0xFFFF  }
0x34: {  	[tilespmem:s18], [sflag:$0x1] =	stream.indirect.gather [hbm4b:s7+s17], $0x40, s3, s17, $0xb8;
	[tilespmem:$0x19F00] =	vst v63  }
0x35: {  	_ = 	snop  }
0x36: {  	[tilespmem:s19], [sflag:$0x2] =	stream.indirect.gather [hbm4b:s7+s17], $0x40, s17, s17, $0xb8;
	[tilespmem:$0x19F00] =	vst v63  }
0x37: {  	_ =	swait.ge [sflag:s20], $0x2000  }
0x38: {  	[sflag:s20] =	ssyncset.done $0x0  }
0x39: {  	[sflag:s20] =	ssyncadd.s32 $0xFFFFE000  }
0x3a: {  	[spmem:s2] =	stream.indirect.scatter.add.f32 [tilespmem:s18], [sflag:$0x4], $0x40, s14, s17, $0xb8;
	[tilespmem:$0x19F00] =	vst v63  }
0x3b: {  	_ = 	snop  }
0x3c: {  	[tilespmem:s22], [sflag:$0x3] =	stream.indirect.gather [hbm4b:s7+s17], $0x40, s21, s17, $0xb8;
	[tilespmem:$0x19F00] =	vst v63  }
0x3d: {  	_ =	swait.ge [sflag:s23], $0x2000  }
0x3e: {  	[sflag:s23] =	ssyncset.done $0x0  }
0x3f: {  	[sflag:s23] =	ssyncadd.s32 $0xFFFFE000  }
0x40: {  	[spmem:s2] =	stream.indirect.scatter.add.f32 [tilespmem:s19], [sflag:$0x5], $0x40, s24, s17, $0xb8;
	[tilespmem:$0x19F00] =	vst v63  }
0x41: {  	_ =	swait.ge [sflag:s25], $0x2000  }
0x42: {  	[sflag:s25] =	ssyncset.done $0x0  }
0x43: {  	[sflag:s25] =	ssyncadd.s32 $0xFFFFE000  }
0x44: {  	[tilespmem:s18], [sflag:$0x1] =	stream.indirect.gather [hbm4b:s7+s17], $0x40, s26, s17, $0xb8;
	[tilespmem:$0x19F00] =	vst v63  }
0x45: {  	_ =	swait.ge [sflag:s28], $0x2000  }
0x46: {  	[sflag:s28] =	ssyncset.done $0x0  }
0x47: {  	[sflag:s28] =	ssyncadd.s32 $0xFFFFE000  }
0x48: {  	[spmem:s2] =	stream.indirect.scatter.add.f32 [tilespmem:s22], [sflag:$0x6], $0x40, s29, s17, $0xb8;
	[tilespmem:$0x19F00] =	vst v63  }
0x49: {  	_ =	swait.ge [sflag:s30], $0x2000  }
0x4a: {  	[sflag:s30] =	ssyncset.done $0x0  }
0x4b: {  	s4 =	simm.s32 $0x0;
	[sflag:s30] =	ssyncadd.s32 $0xFFFFE000  }
0x4c: {  	[tilespmem:s19], [sflag:$0x2] =	stream.indirect.gather [hbm4b:s7+s17], $0x40, s31, s17, $0xb8;
	[tilespmem:$0x19F00] =	vst v63  }
.LBB2_2:
0x4d: {  	_ =	swait.ge [sflag:s20], $0x2000  }
0x4e: {  	s5 =	sshra.s32 s4, $0x2;
	[sflag:s20] =	ssyncset.done $0x0  }
0x4f: {  	s6 =	sadd.s32 $0x5100, s5;
	[sflag:s20] =	ssyncadd.s32 $0xFFFFE000  }
0x50: {  	[spmem:s2] =	stream.indirect.scatter.add.f32 [tilespmem:s18], [sflag:$0x4], $0x40, s6, s17, $0xb8;
	[tilespmem:$0x19F00] =	vst v63  }
0x51: {  	_ =	swait.ge [sflag:s0], $0x2000  }
0x52: {  	[sflag:s0] =	ssyncset.done $0x0  }
0x53: {  	s8 =	sadd.s32 $0x280, s5;
	[sflag:s0] =	ssyncadd.s32 $0xFFFFE000  }
0x54: {  	[tilespmem:s22], [sflag:$0x3] =	stream.indirect.gather [hbm4b:s7+s17], $0x40, s8, s17, $0xb8;
	[tilespmem:$0x19F00] =	vst v63  }
0x55: {  	_ =	swait.ge [sflag:s23], $0x2000  }
0x56: {  	p0 =	seq.s32 s4, $0x13200;
	[sflag:s23] =	ssyncset.done $0x0  }
.Ltmp2:
0x57: {  	s8 =	sadd.s32 $0x5180, s5;
	[sflag:s23] =	ssyncadd.s32 $0xFFFFE000;
	(pc) =	sbr.rel @p0 .LBB2_4-.Ltmp2, $4  }
0x58: {  	[spmem:s2] =	stream.indirect.scatter.add.f32 [tilespmem:s19], [sflag:$0x5], $0x40, s8, s17, $0xb8;
	[tilespmem:$0x19F00] =	vst v63  }
0x59: {  	_ =	swait.ge [sflag:s25], $0x2000  }
0x5a: {  	[sflag:s25] =	ssyncset.done $0x0  }
0x5b: {  	s6 =	sadd.s32 $0x5200, s5;
	[sflag:s25] =	ssyncadd.s32 $0xFFFFE000  }
0x5c: {  	s8 =	sadd.s32 $0x300, s5  }
0x5d: {  	[tilespmem:s18], [sflag:$0x1] =	stream.indirect.gather [hbm4b:s7+s17], $0x40, s8, s17, $0xb8;
	[tilespmem:$0x19F00] =	vst v63  }
0x5e: {  	_ =	swait.ge [sflag:s28], $0x2000  }
0x5f: {  	[sflag:s28] =	ssyncset.done $0x0  }
0x60: {  	[sflag:s28] =	ssyncadd.s32 $0xFFFFE000  }
0x61: {  	[spmem:s2] =	stream.indirect.scatter.add.f32 [tilespmem:s22], [sflag:$0x6], $0x40, s6, s17, $0xb8;
	[tilespmem:$0x19F00] =	vst v63  }
.Ltmp3:
0x62: {  	_ = 	snop;
	(pc) =	sbr.rel .LBB2_2-.Ltmp3, $4  }
0x63: {  	_ =	swait.ge [sflag:s30], $0x2000  }
0x64: {  	[sflag:s30] =	ssyncset.done $0x0  }
0x65: {  	s4 =	sadd.s32 $0x600, s4;
	s8 =	sadd.s32 $0x380, s5;
	[sflag:s30] =	ssyncadd.s32 $0xFFFFE000  }
0x66: {  	[tilespmem:s19], [sflag:$0x2] =	stream.indirect.gather [hbm4b:s7+s17], $0x40, s8, s17, $0xb8;
	[tilespmem:$0x19F00] =	vst v63  }
.LBB2_4:
0x67: {  	_ =	swait.ge [sflag:s28], $0x2000  }
0x68: {  	[sflag:s28] =	ssyncset.done $0x0  }
0x69: {  	[sflag:s28] =	ssyncadd.s32 $0xFFFFE000  }
0x6a: {  	[spmem:s2] =	stream.indirect.scatter.add.f32 [tilespmem:s22], [sflag:$0x6], $0x40, s6, s17, $0xb8;
	[tilespmem:$0x19F00] =	vst v63  }
0x6b: {  	_ =	swait.ge [sflag:s30], $0x2000  }
0x6c: {  	[sflag:s30] =	ssyncset.done $0x0  }
0x6d: {  	[sflag:s30] =	ssyncadd.s32 $0xFFFFE000  }
0x6e: {  	_ =	swait.ge [sflag:s0], $0x2000  }
0x6f: {  	[sflag:s0] =	ssyncset.done $0x0  }
0x70: {  	[sflag:s0] =	ssyncadd.s32 $0xFFFFE000  }
0x71: {  	[bflag:$0x0] =	sbarrier.arrive $0xFFFF  }
0x72: {  	s4 =	rddreg [dreg:$0x7]  }
0x73: {  	[hbm:s4], [sflag:s15] =	dma.local [spmem:s16], $0x1400  }
0x74: {  	_ =	swait.ge [sflag:s13], $0x1400  }
0x75: {  	[sflag:s13] =	ssyncset.done $0x0  }
0x76: {  	[sflag:s13] =	ssyncadd.s32 $0xFFFFEC00  }
0x77: {  	[spmem:s16], [sflag:s15] =	dma.local [hbm:s9], $0x1400  }
0x78: {  	_ =	swait.ge [sflag:s13], $0x1400  }
0x79: {  	[sflag:s13] =	ssyncset.done $0x0  }
0x7a: {  	[sflag:s13] =	ssyncadd.s32 $0xFFFFEC00  }
0x7b: {  	s4 =	simm.s32 $0x0;
	[bflag:$0x0] =	sbarrier.arrive $0xFFFF  }
0x7c: {  	[tilespmem:s18], [sflag:$0x1] =	stream.indirect.gather [hbm4b:s10+s17], $0x40, s4, s17, $0xb8;
	[tilespmem:$0x19F00] =	vst v63  }
0x7d: {  	_ = 	snop  }
0x7e: {  	[tilespmem:s19], [sflag:$0x2] =	stream.indirect.gather [hbm4b:s10+s17], $0x40, s17, s17, $0xb8;
	[tilespmem:$0x19F00] =	vst v63  }
0x7f: {  	_ =	swait.ge [sflag:s20], $0x2000  }
0x80: {  	[sflag:s20] =	ssyncset.done $0x0  }
0x81: {  	[sflag:s20] =	ssyncadd.s32 $0xFFFFE000  }
0x82: {  	[spmem:s2] =	stream.indirect.scatter.add.f32 [tilespmem:s18], [sflag:$0x4], $0x40, s14, s17, $0xb8;
	[tilespmem:$0x19F00] =	vst v63  }
0x83: {  	_ = 	snop  }
0x84: {  	[tilespmem:s22], [sflag:$0x3] =	stream.indirect.gather [hbm4b:s10+s17], $0x40, s21, s17, $0xb8;
	[tilespmem:$0x19F00] =	vst v63  }
0x85: {  	_ =	swait.ge [sflag:s23], $0x2000  }
0x86: {  	[sflag:s23] =	ssyncset.done $0x0  }
0x87: {  	[sflag:s23] =	ssyncadd.s32 $0xFFFFE000  }
0x88: {  	[spmem:s2] =	stream.indirect.scatter.add.f32 [tilespmem:s19], [sflag:$0x5], $0x40, s24, s17, $0xb8;
	[tilespmem:$0x19F00] =	vst v63  }
0x89: {  	_ =	swait.ge [sflag:s25], $0x2000  }
0x8a: {  	[sflag:s25] =	ssyncset.done $0x0  }
0x8b: {  	[sflag:s25] =	ssyncadd.s32 $0xFFFFE000  }
0x8c: {  	[tilespmem:s18], [sflag:$0x1] =	stream.indirect.gather [hbm4b:s10+s17], $0x40, s26, s17, $0xb8;
	[tilespmem:$0x19F00] =	vst v63  }
0x8d: {  	_ =	swait.ge [sflag:s28], $0x2000  }
0x8e: {  	[sflag:s28] =	ssyncset.done $0x0  }
0x8f: {  	[sflag:s28] =	ssyncadd.s32 $0xFFFFE000  }
0x90: {  	[spmem:s2] =	stream.indirect.scatter.add.f32 [tilespmem:s22], [sflag:$0x6], $0x40, s29, s17, $0xb8;
	[tilespmem:$0x19F00] =	vst v63  }
0x91: {  	_ =	swait.ge [sflag:s30], $0x2000  }
0x92: {  	[sflag:s30] =	ssyncset.done $0x0  }
0x93: {  	[sflag:s30] =	ssyncadd.s32 $0xFFFFE000  }
0x94: {  	[tilespmem:s19], [sflag:$0x2] =	stream.indirect.gather [hbm4b:s10+s17], $0x40, s31, s17, $0xb8;
	[tilespmem:$0x19F00] =	vst v63  }
.LBB2_5:
0x95: {  	_ =	swait.ge [sflag:s20], $0x2000  }
0x96: {  	s5 =	sshra.s32 s4, $0x2;
	[sflag:s20] =	ssyncset.done $0x0  }
0x97: {  	s6 =	sadd.s32 $0x5100, s5;
	[sflag:s20] =	ssyncadd.s32 $0xFFFFE000  }
0x98: {  	[spmem:s2] =	stream.indirect.scatter.add.f32 [tilespmem:s18], [sflag:$0x4], $0x40, s6, s17, $0xb8;
	[tilespmem:$0x19F00] =	vst v63  }
0x99: {  	_ =	swait.ge [sflag:s0], $0x2000  }
0x9a: {  	[sflag:s0] =	ssyncset.done $0x0  }
0x9b: {  	s8 =	sadd.s32 $0x280, s5;
	[sflag:s0] =	ssyncadd.s32 $0xFFFFE000  }
0x9c: {  	[tilespmem:s22], [sflag:$0x3] =	stream.indirect.gather [hbm4b:s10+s17], $0x40, s8, s17, $0xb8;
	[tilespmem:$0x19F00] =	vst v63  }
0x9d: {  	_ =	swait.ge [sflag:s23], $0x2000  }
0x9e: {  	p0 =	seq.s32 s4, $0x13200;
	[sflag:s23] =	ssyncset.done $0x0  }
.Ltmp4:
0x9f: {  	s8 =	sadd.s32 $0x5180, s5;
	[sflag:s23] =	ssyncadd.s32 $0xFFFFE000;
	(pc) =	sbr.rel @p0 .LBB2_7-.Ltmp4, $4  }
0xa0: {  	[spmem:s2] =	stream.indirect.scatter.add.f32 [tilespmem:s19], [sflag:$0x5], $0x40, s8, s17, $0xb8;
	[tilespmem:$0x19F00] =	vst v63  }
0xa1: {  	_ =	swait.ge [sflag:s25], $0x2000  }
0xa2: {  	[sflag:s25] =	ssyncset.done $0x0  }
0xa3: {  	s6 =	sadd.s32 $0x5200, s5;
	[sflag:s25] =	ssyncadd.s32 $0xFFFFE000  }
0xa4: {  	s8 =	sadd.s32 $0x300, s5  }
0xa5: {  	[tilespmem:s18], [sflag:$0x1] =	stream.indirect.gather [hbm4b:s10+s17], $0x40, s8, s17, $0xb8;
	[tilespmem:$0x19F00] =	vst v63  }
0xa6: {  	_ =	swait.ge [sflag:s28], $0x2000  }
0xa7: {  	[sflag:s28] =	ssyncset.done $0x0  }
0xa8: {  	[sflag:s28] =	ssyncadd.s32 $0xFFFFE000  }
0xa9: {  	[spmem:s2] =	stream.indirect.scatter.add.f32 [tilespmem:s22], [sflag:$0x6], $0x40, s6, s17, $0xb8;
	[tilespmem:$0x19F00] =	vst v63  }
.Ltmp5:
0xaa: {  	_ = 	snop;
	(pc) =	sbr.rel .LBB2_5-.Ltmp5, $4  }
0xab: {  	_ =	swait.ge [sflag:s30], $0x2000  }
0xac: {  	[sflag:s30] =	ssyncset.done $0x0  }
0xad: {  	s4 =	sadd.s32 $0x600, s4;
	s8 =	sadd.s32 $0x380, s5;
	[sflag:s30] =	ssyncadd.s32 $0xFFFFE000  }
0xae: {  	[tilespmem:s19], [sflag:$0x2] =	stream.indirect.gather [hbm4b:s10+s17], $0x40, s8, s17, $0xb8;
	[tilespmem:$0x19F00] =	vst v63  }
.LBB2_8:
0xaf: {  	_ =	sfence.sel $0x180000  }
0xb0: {  	[bflag:$0x0] =	sbarrier.arrive $0xFFFF  }
0xb1: {  	_ =	strace $0x90000053  }
0xb2: {  	s0 =	stileid.u32;
	[bflag:$0x2] =	sbarrier.arrive $0xFFFF  }
0xb3: {  	p0 =	sne.s32 s0, $0x0;
	s0 =	rddreg [dreg:$0x3]  }
0xb4: {  	s0 =	sadd.s32 @!p0 $0x100000, s0  }
0xb5: {  	[sflag:s0] =	ssyncadd.tile.s32 @!p0 $0x1;
	_ =	shalt  }
.Lfunc_end2:
_tile_overlayer_lowered:
.L_overlay_start_2:
0xb6: {  	(tag) =	ssettag $0x2  }
0xb7: {  	s0 =	rddreg [dreg:$0x0];
	s2 =	stileid.u32  }
0xb8: {  	s1 =	rddreg [dreg:$0x1];
	p0 =	sne.s32 s2, $0x0  }
0xb9: {  	s3 =	rddreg [dreg:$0x2];
	[bflag:$0x3] =	sbarrier.arrive $0xFFFF;
	s2 =	simm.s32 @!p0 $0x1C07  }
0xba: {  	[timem:s3], [sflag:s2] =	dma.local @!p0 [hbm:s0], s1  }
0xbb: {  	s0 =	simm.s32 @!p0 $0x7  }
0xbc: {  	_ =	swait.ge @!p0 [sflag:s0], s1  }
0xbd: {  	s1 =	ssub.s32 @!p0 $0x0, s1;
	[sflag:s0] =	ssyncset.done @!p0 $0x0  }
0xbe: {  	[sflag:s0] =	ssyncadd.s32 @!p0 s1  }
0xbf: {  	[bflag:$0x3] =	sbarrier.arrive $0xFFFF  }
0xc0: {  	_ =	shalt  }

</sc_bundles>
